<compile_context>
chip_gen: v7x
topology: tpu7x:2x2x1
jax: 0.10.2.dev20260603
libtpu: 0.0.44.dev20260713+nightly
codegen_flags: <defaults>
</compile_context>

<pallas_src>
import dataclasses

import jax
import jax.numpy as jnp
from jax import lax
from jax.experimental import pallas as pl
from jax.experimental.pallas import tpu as pltpu
from jax.experimental.pallas import tpu_sc as plsc

_N = 10000
_E = 320000
_D = 128
_BE = 1280

_NW = 32
_GW = 64


def _sc_gather(ah, bh, src, dst):
    mesh = plsc.VectorSubcoreMesh(core_axis_name="c", subcore_axis_name="s")
    out = jax.ShapeDtypeStruct((_E, _D), jnp.float32)

    src2 = src.reshape(_E // _GW, 1, _GW)
    dst2 = dst.reshape(_E // _GW, 1, _GW)

    @pl.kernel(
        mesh=mesh,
        out_type=[out, out, out],
        scratch_types=[
            pltpu.VMEM_SHARED((_N, _D), jnp.float32),
        ],
    )
    def k(ah_hbm, bh_hbm, src_hbm, dst_hbm, ga_hbm, gbs_hbm, gbd_hbm,
          bh_sh):
        sid = lax.axis_index("s")

        rows = 624
        pltpu.sync_copy(bh_hbm.at[pl.ds(sid * rows, rows)],
                        bh_sh.at[pl.ds(sid * rows, rows)])

        @pl.when(sid == 0)
        def _():
            pltpu.sync_copy(bh_hbm.at[pl.ds(16 * rows, _N - 16 * rows)],
                            bh_sh.at[pl.ds(16 * rows, _N - 16 * rows)])

        plsc.subcore_barrier()

        def body(src_v, dst_v, ga_v, gbs_v, gbd_v):
            pltpu.sync_copy(ah_hbm.at[src_v.at[0, 0]], ga_v)
            pltpu.sync_copy(bh_sh.at[src_v.at[0, 0]], gbs_v)
            pltpu.sync_copy(bh_sh.at[dst_v.at[0, 0]], gbd_v)

        pltpu.emit_pipeline(
            body,
            grid=(_E // _GW,),
            in_specs=[
                pl.BlockSpec((1, 1, _GW), lambda i: (i, 0, 0)),
                pl.BlockSpec((1, 1, _GW), lambda i: (i, 0, 0)),
            ],
            out_specs=[
                pl.BlockSpec((_GW, _D), lambda i: (i, 0)),
                pl.BlockSpec((_GW, _D), lambda i: (i, 0)),
                pl.BlockSpec((_GW, _D), lambda i: (i, 0)),
            ],
            core_axis_name=("c", "s"),
            dimension_semantics=(pltpu.PARALLEL,),
        )(src_hbm, dst_hbm, ga_hbm, gbs_hbm, gbd_hbm)

    return k(ah, bh, src2, dst2)


_CHE = 640
_EH = _E // 2
_NCHE = _EH // _CHE
_RPW = 8


def _sc_segmax(msgt, dst):
    mesh = plsc.VectorSubcoreMesh(core_axis_name="c", subcore_axis_name="s")

    cp = pltpu.CompilerParams()
    if "needs_layout_passes" in pltpu.CompilerParams.__dataclass_fields__:
        cp = dataclasses.replace(cp, needs_layout_passes=False)

    @pl.kernel(
        mesh=mesh,
        compiler_params=cp,
        out_type=jax.ShapeDtypeStruct((2 * _D * _N,), jnp.float32),
        scratch_types=[
            pltpu.VMEM((_RPW * _N,), jnp.float32),
            pltpu.VMEM((_N,), jnp.int32),
            pltpu.VMEM((_CHE,), jnp.int32),
            pltpu.VMEM((_CHE,), jnp.int32),
            pltpu.VMEM((_RPW, _CHE), jnp.float32),
            pltpu.VMEM((_RPW, _CHE), jnp.float32),
            pltpu.SemaphoreType.DMA,
            pltpu.SemaphoreType.DMA,
        ],
    )
    def k(msgt_hbm, dst_hbm, ct_hbm, acc, tmpn, dv0, dv1, mv0, mv1,
          sem0, sem1):
        w = lax.axis_index("s") * 2 + lax.axis_index("c")
        half = w % 2
        g = w // 2
        r0 = g * _RPW
        e0 = half * _EH

        neg_inf = jnp.full((16,), -jnp.inf, dtype=jnp.float32)
        io = lax.iota(jnp.int32, 16)

        @pl.loop(0, _RPW * _N, step=16)
        def _(cc):
            acc[pl.ds(cc, 16)] = neg_inf

        def start(ci, dv, mv, sem):
            off = e0 + ci * _CHE
            pltpu.async_copy(dst_hbm.at[pl.ds(off, _CHE)], dv, sem)
            pltpu.async_copy(
                msgt_hbm.at[pl.ds(r0, _RPW), pl.ds(off, _CHE)], mv, sem)

        def wait(dv, mv, sem):
            pltpu.make_async_copy(
                dst_hbm.at[pl.ds(e0, _CHE)], dv, sem).wait()
            pltpu.make_async_copy(
                msgt_hbm.at[pl.ds(r0, _RPW), pl.ds(e0, _CHE)], mv,
                sem).wait()

        def repair(idxs, vals):
            for r in range(_RPW):
                for _pass in range(16):
                    cur = plsc.load_gather(acc, [idxs[r]])
                    pending = vals[r] > cur
                    plsc.store_scatter(acc, [idxs[r]], vals[r],
                                       mask=pending)

        def process(dv, mv):
            @pl.loop(0, _CHE, step=16)
            def _(j):
                keys = dv[pl.ds(j, 16)]
                plsc.store_scatter(tmpn, [keys], io)
                idxs = [keys + (r * _N) for r in range(_RPW)]
                vals = [mv[r, pl.ds(j, 16)] for r in range(_RPW)]
                curs = [plsc.load_gather(acc, [idxs[r]])
                        for r in range(_RPW)]
                back = plsc.load_gather(tmpn, [keys])
                upds = [jnp.maximum(curs[r], vals[r]) for r in range(_RPW)]
                for r in range(_RPW):
                    plsc.store_scatter(acc, [idxs[r]], upds[r])
                has_dup = jnp.any(back != io)

                @pl.when(has_dup)
                def _():
                    repair(idxs, vals)

        start(0, dv0, mv0, sem0)

        @pl.loop(0, _NCHE // 2)
        def _(t):
            ci = t * 2
            start(ci + 1, dv1, mv1, sem1)
            wait(dv0, mv0, sem0)
            process(dv0, mv0)

            @pl.when(ci + 2 < _NCHE)
            def _():
                start(ci + 2, dv0, mv0, sem0)

            wait(dv1, mv1, sem1)
            process(dv1, mv1)

        base = (half * _D + r0) * _N
        pltpu.sync_copy(acc, ct_hbm.at[pl.ds(base, _RPW * _N)])

    return k(msgt, dst)


def _node_matmuls_kernel(h_ref, wa_ref, ba_ref, wb_ref, bb_ref, ah_ref, bh_ref):
    h = h_ref[...]
    ah_ref[...] = (
        jnp.dot(h, wa_ref[...], preferred_element_type=jnp.float32) + ba_ref[...]
    )
    bh_ref[...] = (
        jnp.dot(h, wb_ref[...], preferred_element_type=jnp.float32) + bb_ref[...]
    )


def _edge_fwd_kernel(e_ref, ga_ref, gbs_ref, gbd_ref, wc_ref, bc_ref,
                     msg_ref, r_ref, stats_ref):
    i = pl.program_id(0)
    ce = (
        jnp.dot(e_ref[...], wc_ref[...], preferred_element_type=jnp.float32)
        + bc_ref[...]
    )
    e_ij = ce + gbs_ref[...] + gbd_ref[...]
    sig = jax.nn.sigmoid(e_ij)
    msg_ref[...] = jnp.maximum(sig * ga_ref[...], 0.0).T
    r = jnp.maximum(e_ij, 0.0)
    r_ref[...] = r

    @pl.when(i == 0)
    def _():
        stats_ref[...] = jnp.zeros_like(stats_ref)

    s = jnp.sum(r, axis=0, keepdims=True)
    s2 = jnp.sum(r * r, axis=0, keepdims=True)
    row = jax.lax.broadcasted_iota(jnp.int32, (8, _D), 0)
    upd = jnp.where(row == 0, s, 0.0) + jnp.where(row == 1, s2, 0.0)
    stats_ref[...] += upd


def _node_stage_kernel(h_ref, ct_ref, w1_ref, w2_ref, bap_ref, gh_ref, bh_ref,
                       hout_ref):
    h = h_ref[...]
    ct = jnp.maximum(ct_ref[0], ct_ref[1])
    c = ct.T
    c = jnp.where(jnp.isfinite(c), c, 0.0)
    bundle = (
        jnp.dot(h, w1_ref[...], preferred_element_type=jnp.float32)
        + jnp.dot(c, w2_ref[...], preferred_element_type=jnp.float32)
        + bap_ref[...]
    )
    norm = jnp.maximum(
        jnp.sqrt(jnp.sum(bundle * bundle, axis=1, keepdims=True)), 1e-12
    )
    hn = jnp.maximum(bundle / norm, 0.0)
    mu = jnp.mean(hn, axis=0, keepdims=True)
    var = jnp.mean(jnp.square(hn - mu), axis=0, keepdims=True)
    hn = gh_ref[...] * (hn - mu) / jnp.sqrt(var + 1e-5) + bh_ref[...]
    hout_ref[...] = h + hn


def _edge_out_kernel(e_ref, r_ref, mu_ref, isd_ref, be_ref, out_ref):
    out_ref[...] = (
        e_ref[...]
        + (r_ref[...] - mu_ref[...]) * isd_ref[...]
        + be_ref[...]
    )


def _row(v):
    return v.reshape(1, _D)


@jax.jit
def kernel(h, e, W_A, b_A, W_B, b_B, W_C, b_C, W_apply, b_apply,
           gamma_h, beta_h, gamma_e, beta_e, edge_index):
    src = edge_index[0]
    dst = edge_index[1]

    ah, bh = pl.pallas_call(
        _node_matmuls_kernel,
        out_shape=[
            jax.ShapeDtypeStruct((_N, _D), jnp.float32),
            jax.ShapeDtypeStruct((_N, _D), jnp.float32),
        ],
    )(h, W_A, _row(b_A), W_B, _row(b_B))

    ga, gbs, gbd = _sc_gather(ah, bh, src, dst)

    grid_e = _E // _BE
    msg, r, stats = pl.pallas_call(
        _edge_fwd_kernel,
        grid=(grid_e,),
        in_specs=[
            pl.BlockSpec((_BE, _D), lambda i: (i, 0)),
            pl.BlockSpec((_BE, _D), lambda i: (i, 0)),
            pl.BlockSpec((_BE, _D), lambda i: (i, 0)),
            pl.BlockSpec((_BE, _D), lambda i: (i, 0)),
            pl.BlockSpec((_D, _D), lambda i: (0, 0)),
            pl.BlockSpec((1, _D), lambda i: (0, 0)),
        ],
        out_specs=[
            pl.BlockSpec((_D, _BE), lambda i: (0, i)),
            pl.BlockSpec((_BE, _D), lambda i: (i, 0)),
            pl.BlockSpec((8, _D), lambda i: (0, 0)),
        ],
        out_shape=[
            jax.ShapeDtypeStruct((_D, _E), jnp.float32),
            jax.ShapeDtypeStruct((_E, _D), jnp.float32),
            jax.ShapeDtypeStruct((8, _D), jnp.float32),
        ],
    )(e, ga, gbs, gbd, W_C, _row(b_C))

    ct = _sc_segmax(msg, dst).reshape(2, _D, _N)

    s = stats[0:1, :]
    s2 = stats[1:2, :]
    mu = s / _E
    var = s2 / _E - mu * mu
    isd = gamma_e.reshape(1, _D) / jnp.sqrt(var + 1e-5)

    e_out = pl.pallas_call(
        _edge_out_kernel,
        grid=(grid_e,),
        in_specs=[
            pl.BlockSpec((_BE, _D), lambda i: (i, 0)),
            pl.BlockSpec((_BE, _D), lambda i: (i, 0)),
            pl.BlockSpec((1, _D), lambda i: (0, 0)),
            pl.BlockSpec((1, _D), lambda i: (0, 0)),
            pl.BlockSpec((1, _D), lambda i: (0, 0)),
        ],
        out_specs=pl.BlockSpec((_BE, _D), lambda i: (i, 0)),
        out_shape=jax.ShapeDtypeStruct((_E, _D), jnp.float32),
    )(e, r, mu, isd, _row(beta_e))

    h_out = pl.pallas_call(
        _node_stage_kernel,
        out_shape=jax.ShapeDtypeStruct((_N, _D), jnp.float32),
    )(h, ct, W_apply[:_D], W_apply[_D:], _row(b_apply), _row(gamma_h),
      _row(beta_h))

    return (h_out, e_out)

# --- scband reference (transcript-rebuilt; emitter-appended) ---
"""Pipeline reference for scband-graph-sage-edge-repr-layer-77567109366526 (READ-ONLY COPY).

The authoritative reference and input builder live on the scoring server;
editing this copy changes nothing except your own understanding.
"""

import jax, jax.numpy as jnp
import numpy as np

N = 10000
E = 320000
D = 128


def _bn(x, gamma, beta, eps=1e-5):
    mu = jnp.mean(x, axis=0)
    var = jnp.var(x, axis=0)
    return gamma * (x - mu) / jnp.sqrt(var + eps) + beta


def setup_inputs(seed: int = 0) -> dict:
    key = jax.random.key(seed)
    ks = jax.random.split(key, 12)
    h = jax.random.normal(ks[0], (N, D), dtype=jnp.float32)
    e = jax.random.normal(ks[1], (E, D), dtype=jnp.float32)
    edge_index = jax.random.randint(ks[2], (2, E), 0, N, dtype=jnp.int32)
    s = 0.05
    W_A = jax.random.normal(ks[3], (D, D), dtype=jnp.float32) * s
    b_A = jnp.zeros((D,), dtype=jnp.float32)
    W_B = jax.random.normal(ks[4], (D, D), dtype=jnp.float32) * s
    b_B = jnp.zeros((D,), dtype=jnp.float32)
    W_C = jax.random.normal(ks[5], (D, D), dtype=jnp.float32) * s
    b_C = jnp.zeros((D,), dtype=jnp.float32)
    W_apply = jax.random.normal(ks[6], (2 * D, D), dtype=jnp.float32) * s
    b_apply = jnp.zeros((D,), dtype=jnp.float32)
    gamma_h = jnp.ones((D,), dtype=jnp.float32)
    beta_h = jnp.zeros((D,), dtype=jnp.float32)
    gamma_e = jnp.ones((D,), dtype=jnp.float32)
    beta_e = jnp.zeros((D,), dtype=jnp.float32)
    return {
        'h': h, 'e': e,
        'W_A': W_A, 'b_A': b_A, 'W_B': W_B, 'b_B': b_B,
        'W_C': W_C, 'b_C': b_C, 'W_apply': W_apply, 'b_apply': b_apply,
        'gamma_h': gamma_h, 'beta_h': beta_h, 'gamma_e': gamma_e, 'beta_e': beta_e,
        'edge_index': edge_index,
    }


def reference(h, e, W_A, b_A, W_B, b_B, W_C, b_C, W_apply, b_apply,
              gamma_h, beta_h, gamma_e, beta_e, edge_index):
    src = edge_index[0]
    dst = edge_index[1]
    # dropout p=0.0 -> identity
    Ah = h @ W_A + b_A            # A(h)
    Bh = h @ W_B + b_B            # B(h)
    Ce = e @ W_C + b_C            # C(e)
    # message: e_ij = Ce + Bh_src + Bh_dst  (gather)
    e_ij = Ce + jnp.take(Bh, src, axis=0) + jnp.take(Bh, dst, axis=0)
    sigma_ij = jax.nn.sigmoid(e_ij)
    msg = jax.nn.relu(sigma_ij * jnp.take(Ah, src, axis=0))
    # reduce: max over incoming edges (segment max by dst)
    c = jax.ops.segment_max(msg, dst, num_segments=h.shape[0])
    c = jnp.where(jnp.isfinite(c), c, 0.0)  # zero-in-degree nodes -> 0
    # apply: concat(h, c) -> linear -> l2-normalize -> activation
    bundle = jnp.concatenate([h, c], axis=1) @ W_apply + b_apply
    norm = jnp.maximum(jnp.linalg.norm(bundle, axis=1, keepdims=True), 1e-12)
    bundle = bundle / norm
    h_new = jax.nn.relu(bundle)
    e_new = jax.nn.relu(e_ij)
    # batch norm (batch statistics)
    h_new = _bn(h_new, gamma_h, beta_h)
    e_new = _bn(e_new, gamma_e, beta_e)
    # residual (indim == outdim)
    h_out = h + h_new
    e_out = e + e_new
    return (h_out, e_out)

if __name__ == "__main__":
    import jax
    _d = setup_inputs()
    print(jax.jit(kernel)(*tuple(_d.values())))

</pallas_src>

<mosaic_0001>
#map = affine_map<(d0, d1) -> (0, 0)>
#map1 = affine_map<(d0, d1) -> (0)>
module attributes {stable_mosaic.version = 14 : i64} {
  func.func @k(%arg0: i32, %arg1: i32, %arg2: memref<128x320000xf32, #tpu.memory_space<hbm>>, %arg3: memref<320000xi32, #tpu.memory_space<hbm>>, %arg4: memref<2560000xf32, #tpu.memory_space<hbm>>, %arg5: memref<80000xf32, #tpu.memory_space<vmem>>, %arg6: memref<10000xi32, #tpu.memory_space<vmem>>, %arg7: memref<640xi32, #tpu.memory_space<vmem>>, %arg8: memref<640xi32, #tpu.memory_space<vmem>>, %arg9: memref<8x640xf32, #tpu.memory_space<vmem>>, %arg10: memref<8x640xf32, #tpu.memory_space<vmem>>, %arg11: memref<!tpu.dma_semaphore, #tpu.memory_space<semaphore_mem>>, %arg12: memref<!tpu.dma_semaphore, #tpu.memory_space<semaphore_mem>>) attributes {dimension_semantics = [#tpu.dimension_semantics<core_parallel>, #tpu.dimension_semantics<subcore_parallel>], iteration_bounds = array<i64: 2, 16>, scalar_prefetch = 0 : i64, scratch_operands = 8 : i64, tpu.core_type = #tpu.core_type<sc_vector_subcore>, window_params = [{transform_indices = #map}, {transform_indices = #map1}, {transform_indices = #map1}]} {
    %mul3A = arith.constant 2 : i32
    %mul3A_0 = arith.muli %arg1, %mul3A : i32
    %add3A = arith.addi %mul3A_0, %arg0 : i32
    %jit3A = arith.constant 2 : i32
    %eq3A = arith.constant 0 : i32
    %eq3A_1 = arith.cmpi eq, %jit3A, %eq3A : i32
    %jit3A_2 = arith.constant 1 : i32
    %select_n3A = arith.select %eq3A_1, %jit3A_2, %jit3A : i32
    %rem3A = arith.remsi %add3A, %select_n3A : i32
    %ne3A = arith.constant 0 : i32
    %ne3A_3 = arith.cmpi ne, %rem3A, %ne3A : i32
    %lt3A = arith.constant 0 : i32
    %lt3A_4 = arith.cmpi slt, %rem3A, %lt3A : i32
    %lt3A_5 = arith.constant 0 : i32
    %lt3A_6 = arith.cmpi slt, %select_n3A, %lt3A_5 : i32
    %ne3A_7 = arith.xori %lt3A_4, %lt3A_6 : i1
    %and3A = arith.andi %ne3A_7, %ne3A_3 : i1
    %add3A_8 = arith.addi %rem3A, %select_n3A : i32
    %select_n3A_9 = arith.select %and3A, %add3A_8, %rem3A : i32
    %jit3A_10 = arith.constant 2 : i32
    %div3A = arith.divsi %add3A, %jit3A_10 : i32
    %sign3A = arith.constant 0 : i32
    %sign3A_11 = arith.cmpi sgt, %add3A, %sign3A : i32
    %sign3A_12 = arith.extui %sign3A_11 : i1 to i32
    %sign3A_13 = arith.constant 0 : i32
    %sign3A_14 = arith.cmpi slt, %add3A, %sign3A_13 : i32
    %sign3A_15 = arith.extui %sign3A_14 : i1 to i32
    %sign3A_16 = arith.subi %sign3A_12, %sign3A_15 : i32
    %sign3A_17 = arith.constant 0 : i32
    %sign3A_18 = arith.cmpi sgt, %jit3A_10, %sign3A_17 : i32
    %sign3A_19 = arith.extui %sign3A_18 : i1 to i32
    %sign3A_20 = arith.constant 0 : i32
    %sign3A_21 = arith.cmpi slt, %jit3A_10, %sign3A_20 : i32
    %sign3A_22 = arith.extui %sign3A_21 : i1 to i32
    %sign3A_23 = arith.subi %sign3A_19, %sign3A_22 : i32
    %ne3A_24 = arith.cmpi ne, %sign3A_16, %sign3A_23 : i32
    %rem3A_25 = arith.remsi %add3A, %jit3A_10 : i32
    %ne3A_26 = arith.constant 0 : i32
    %ne3A_27 = arith.cmpi ne, %rem3A_25, %ne3A_26 : i32
    %and3A_28 = arith.andi %ne3A_24, %ne3A_27 : i1
    %sub3A = arith.constant 1 : i32
    %sub3A_29 = arith.subi %div3A, %sub3A : i32
    %select_n3A_30 = arith.select %and3A_28, %sub3A_29, %div3A : i32
    %mul3A_31 = arith.constant 8 : i32
    %mul3A_32 = arith.muli %select_n3A_30, %mul3A_31 : i32
    %mul3A_33 = arith.constant 160000 : i32
    %mul3A_34 = arith.muli %select_n3A_9, %mul3A_33 : i32
    %broadcast_in_dim3A = arith.constant 0xFF800000 : f32
    %broadcast_in_dim3A_35 = vector.broadcast %broadcast_in_dim3A : f32 to vector<16xf32>
    %iota3A = tpu.iota {dimensions = array<i32: 0>} : vector<16xi32>
    %scan3A = arith.constant 0 : i32
    %scan3A_36 = arith.constant 5000 : i32
    %scan3A_37 = arith.addi %scan3A, %scan3A_36 : i32
    %scan3A_38 = arith.constant 1 : i32
    scf.for %scan3A_55 = %scan3A to %scan3A_37 step %scan3A_38  : i32 {
      %mul3A_56 = arith.constant 16 : i32
      %mul3A_57 = arith.muli %scan3A_55, %mul3A_56 : i32
      %add3A_58 = arith.constant 0 : i32
      %add3A_59 = arith.addi %add3A_58, %mul3A_57 : i32
      %swap3A = arith.index_cast %add3A_59 : i32 to index
      %swap3A_60 = tpu.vector_load %arg5[%swap3A] {strides = array<i32>} : memref<80000xf32, #tpu.memory_space<vmem>>, vector<16xf32>,
      tpu.vector_store %arg5[%swap3A], %broadcast_in_dim3A_35 {strides = array<i32>} : memref<80000xf32, #tpu.memory_space<vmem>>, vector<16xf32>,
    }
    %scan3A_39 = arith.constant 5000 : i32
    %add3A_40 = arith.constant 0 : i32
    %add3A_41 = arith.addi %mul3A_34, %add3A_40 : i32
    %dma_start3A = tpu.memref_slice %arg3[%add3A_41] : memref<320000xi32, #tpu.memory_space<hbm>> -> memref<640xi32, #tpu.memory_space<hbm>>
    %dma_start3A_42 = tpu.memref_slice %arg3[%add3A_41] : memref<320000xi32, #tpu.memory_space<hbm>> -> memref<640xi32, #tpu.memory_space<hbm>>
    tpu.enqueue_dma source(%dma_start3A_42 : memref<640xi32, #tpu.memory_space<hbm>>) target(%arg7 : memref<640xi32, #tpu.memory_space<vmem>>) target_semaphore(%arg11 : memref<!tpu.dma_semaphore, #tpu.memory_space<semaphore_mem>>)
    %dma_start3A_43 = tpu.memref_slice %arg2[%mul3A_32, %add3A_41] : memref<128x320000xf32, #tpu.memory_space<hbm>> -> memref<8x640xf32, #tpu.memory_space<hbm>>
    %dma_start3A_44 = tpu.memref_slice %arg2[%mul3A_32, %add3A_41] : memref<128x320000xf32, #tpu.memory_space<hbm>> -> memref<8x640xf32, #tpu.memory_space<hbm>>
    tpu.enqueue_dma source(%dma_start3A_44 : memref<8x640xf32, #tpu.memory_space<hbm>>) target(%arg9 : memref<8x640xf32, #tpu.memory_space<vmem>>) target_semaphore(%arg11 : memref<!tpu.dma_semaphore, #tpu.memory_space<semaphore_mem>>)
    %scan3A_45 = arith.constant 0 : i32
    %scan3A_46 = arith.constant 125 : i32
    %scan3A_47 = arith.addi %scan3A_45, %scan3A_46 : i32
    %scan3A_48 = arith.constant 1 : i32
    scf.for %scan3A_55 = %scan3A_45 to %scan3A_47 step %scan3A_48  : i32 {
      %mul3A_56 = arith.constant 1 : i32
      %mul3A_57 = arith.muli %scan3A_55, %mul3A_56 : i32
      %add3A_58 = arith.constant 0 : i32
      %add3A_59 = arith.addi %add3A_58, %mul3A_57 : i32
      %mul3A_60 = arith.constant 2 : i32
      %mul3A_61 = arith.muli %add3A_59, %mul3A_60 : i32
      %add3A_62 = arith.constant 1 : i32
      %add3A_63 = arith.addi %mul3A_61, %add3A_62 : i32
      %mul3A_64 = arith.constant 640 : i32
      %mul3A_65 = arith.muli %add3A_63, %mul3A_64 : i32
      %add3A_66 = arith.addi %mul3A_34, %mul3A_65 : i32
      %dma_start3A_67 = tpu.memref_slice %arg3[%add3A_66] : memref<320000xi32, #tpu.memory_space<hbm>> -> memref<640xi32, #tpu.memory_space<hbm>>
      %dma_start3A_68 = tpu.memref_slice %arg3[%add3A_66] : memref<320000xi32, #tpu.memory_space<hbm>> -> memref<640xi32, #tpu.memory_space<hbm>>
      tpu.enqueue_dma source(%dma_start3A_68 : memref<640xi32, #tpu.memory_space<hbm>>) target(%arg8 : memref<640xi32, #tpu.memory_space<vmem>>) target_semaphore(%arg12 : memref<!tpu.dma_semaphore, #tpu.memory_space<semaphore_mem>>)
      %dma_start3A_69 = tpu.memref_slice %arg2[%mul3A_32, %add3A_66] : memref<128x320000xf32, #tpu.memory_space<hbm>> -> memref<8x640xf32, #tpu.memory_space<hbm>>
      %dma_start3A_70 = tpu.memref_slice %arg2[%mul3A_32, %add3A_66] : memref<128x320000xf32, #tpu.memory_space<hbm>> -> memref<8x640xf32, #tpu.memory_space<hbm>>
      tpu.enqueue_dma source(%dma_start3A_70 : memref<8x640xf32, #tpu.memory_space<hbm>>) target(%arg10 : memref<8x640xf32, #tpu.memory_space<vmem>>) target_semaphore(%arg12 : memref<!tpu.dma_semaphore, #tpu.memory_space<semaphore_mem>>)
      %dma_wait3A = tpu.memref_slice %arg3[%mul3A_34] : memref<320000xi32, #tpu.memory_space<hbm>> -> memref<640xi32, #tpu.memory_space<hbm>>
      %dma_wait3A_71 = tpu.memref_slice %arg3[%mul3A_34] : memref<320000xi32, #tpu.memory_space<hbm>> -> memref<640xi32, #tpu.memory_space<hbm>>
      tpu.wait_dma2 semaphore(%arg11 : memref<!tpu.dma_semaphore, #tpu.memory_space<semaphore_mem>>) src(%dma_wait3A_71 : memref<640xi32, #tpu.memory_space<hbm>>) dst(%arg7 : memref<640xi32, #tpu.memory_space<vmem>>)
      %dma_wait3A_72 = tpu.memref_slice %arg2[%mul3A_32, %mul3A_34] : memref<128x320000xf32, #tpu.memory_space<hbm>> -> memref<8x640xf32, #tpu.memory_space<hbm>>
      %dma_wait3A_73 = tpu.memref_slice %arg2[%mul3A_32, %mul3A_34] : memref<128x320000xf32, #tpu.memory_space<hbm>> -> memref<8x640xf32, #tpu.memory_space<hbm>>
      tpu.wait_dma2 semaphore(%arg11 : memref<!tpu.dma_semaphore, #tpu.memory_space<semaphore_mem>>) src(%dma_wait3A_73 : memref<8x640xf32, #tpu.memory_space<hbm>>) dst(%arg9 : memref<8x640xf32, #tpu.memory_space<vmem>>)
      %scan3A_74 = arith.constant 0 : i32
      %scan3A_75 = arith.constant 40 : i32
      %scan3A_76 = arith.addi %scan3A_74, %scan3A_75 : i32
      %scan3A_77 = arith.constant 1 : i32
      scf.for %scan3A_93 = %scan3A_74 to %scan3A_76 step %scan3A_77  : i32 {
        %mul3A_94 = arith.constant 16 : i32
        %mul3A_95 = arith.muli %scan3A_93, %mul3A_94 : i32
        %add3A_96 = arith.constant 0 : i32
        %add3A_97 = arith.addi %add3A_96, %mul3A_95 : i32
        %get3A = arith.index_cast %add3A_97 : i32 to index
        %get3A_98 = tpu.vector_load %arg7[%get3A] {strides = array<i32>} : memref<640xi32, #tpu.memory_space<vmem>>, vector<16xi32>,
        tpu.vector_store_idx %arg6[%get3A_98], %iota3A : memref<10000xi32, #tpu.memory_space<vmem>>[vector<16xi32>], vector<16xi32>,
        %add3A_99 = arith.constant 0 : i32
        %add3A_100 = vector.broadcast %add3A_99 : i32 to vector<16xi32>
        %add3A_101 = arith.addi %get3A_98, %add3A_100 : vector<16xi32>
        %add3A_102 = arith.constant 10000 : i32
        %add3A_103 = vector.broadcast %add3A_102 : i32 to vector<16xi32>
        %add3A_104 = arith.addi %get3A_98, %add3A_103 : vector<16xi32>
        %add3A_105 = arith.constant 20000 : i32
        %add3A_106 = vector.broadcast %add3A_105 : i32 to vector<16xi32>
        %add3A_107 = arith.addi %get3A_98, %add3A_106 : vector<16xi32>
        %add3A_108 = arith.constant 30000 : i32
        %add3A_109 = vector.broadcast %add3A_108 : i32 to vector<16xi32>
        %add3A_110 = arith.addi %get3A_98, %add3A_109 : vector<16xi32>
        %add3A_111 = arith.constant 40000 : i32
        %add3A_112 = vector.broadcast %add3A_111 : i32 to vector<16xi32>
        %add3A_113 = arith.addi %get3A_98, %add3A_112 : vector<16xi32>
        %add3A_114 = arith.constant 50000 : i32
        %add3A_115 = vector.broadcast %add3A_114 : i32 to vector<16xi32>
        %add3A_116 = arith.addi %get3A_98, %add3A_115 : vector<16xi32>
        %add3A_117 = arith.constant 60000 : i32
        %add3A_118 = vector.broadcast %add3A_117 : i32 to vector<16xi32>
        %add3A_119 = arith.addi %get3A_98, %add3A_118 : vector<16xi32>
        %add3A_120 = arith.constant 70000 : i32
        %add3A_121 = vector.broadcast %add3A_120 : i32 to vector<16xi32>
        %add3A_122 = arith.addi %get3A_98, %add3A_121 : vector<16xi32>
        %get3A_123 = arith.constant 0 : i32
        %get3A_124 = arith.index_cast %get3A_123 : i32 to index
        %get3A_125 = arith.index_cast %add3A_97 : i32 to index
        %get3A_126 = tpu.vector_load %arg9[%get3A_124, %get3A_125] {strides = array<i32>} : memref<8x640xf32, #tpu.memory_space<vmem>>, vector<16xf32>,
        %get3A_127 = arith.constant 1 : i32
        %get3A_128 = arith.index_cast %get3A_127 : i32 to index
        %get3A_129 = arith.index_cast %add3A_97 : i32 to index
        %get3A_130 = tpu.vector_load %arg9[%get3A_128, %get3A_129] {strides = array<i32>} : memref<8x640xf32, #tpu.memory_space<vmem>>, vector<16xf32>,
        %get3A_131 = arith.constant 2 : i32
        %get3A_132 = arith.index_cast %get3A_131 : i32 to index
        %get3A_133 = arith.index_cast %add3A_97 : i32 to index
        %get3A_134 = tpu.vector_load %arg9[%get3A_132, %get3A_133] {strides = array<i32>} : memref<8x640xf32, #tpu.memory_space<vmem>>, vector<16xf32>,
        %get3A_135 = arith.constant 3 : i32
        %get3A_136 = arith.index_cast %get3A_135 : i32 to index
        %get3A_137 = arith.index_cast %add3A_97 : i32 to index
        %get3A_138 = tpu.vector_load %arg9[%get3A_136, %get3A_137] {strides = array<i32>} : memref<8x640xf32, #tpu.memory_space<vmem>>, vector<16xf32>,
        %get3A_139 = arith.constant 4 : i32
        %get3A_140 = arith.index_cast %get3A_139 : i32 to index
        %get3A_141 = arith.index_cast %add3A_97 : i32 to index
        %get3A_142 = tpu.vector_load %arg9[%get3A_140, %get3A_141] {strides = array<i32>} : memref<8x640xf32, #tpu.memory_space<vmem>>, vector<16xf32>,
        %get3A_143 = arith.constant 5 : i32
        %get3A_144 = arith.index_cast %get3A_143 : i32 to index
        %get3A_145 = arith.index_cast %add3A_97 : i32 to index
        %get3A_146 = tpu.vector_load %arg9[%get3A_144, %get3A_145] {strides = array<i32>} : memref<8x640xf32, #tpu.memory_space<vmem>>, vector<16xf32>,
        %get3A_147 = arith.constant 6 : i32
        %get3A_148 = arith.index_cast %get3A_147 : i32 to index
        %get3A_149 = arith.index_cast %add3A_97 : i32 to index
        %get3A_150 = tpu.vector_load %arg9[%get3A_148, %get3A_149] {strides = array<i32>} : memref<8x640xf32, #tpu.memory_space<vmem>>, vector<16xf32>,
        %get3A_151 = arith.constant 7 : i32
        %get3A_152 = arith.index_cast %get3A_151 : i32 to index
        %get3A_153 = arith.index_cast %add3A_97 : i32 to index
        %get3A_154 = tpu.vector_load %arg9[%get3A_152, %get3A_153] {strides = array<i32>} : memref<8x640xf32, #tpu.memory_space<vmem>>, vector<16xf32>,
        %gather3A = tpu.vector_load_idx %arg5[%add3A_101] : memref<80000xf32, #tpu.memory_space<vmem>>[vector<16xi32>], vector<16xf32>,
        %gather3A_155 = tpu.vector_load_idx %arg5[%add3A_104] : memref<80000xf32, #tpu.memory_space<vmem>>[vector<16xi32>], vector<16xf32>,
        %gather3A_156 = tpu.vector_load_idx %arg5[%add3A_107] : memref<80000xf32, #tpu.memory_space<vmem>>[vector<16xi32>], vector<16xf32>,
        %gather3A_157 = tpu.vector_load_idx %arg5[%add3A_110] : memref<80000xf32, #tpu.memory_space<vmem>>[vector<16xi32>], vector<16xf32>,
        %gather3A_158 = tpu.vector_load_idx %arg5[%add3A_113] : memref<80000xf32, #tpu.memory_space<vmem>>[vector<16xi32>], vector<16xf32>,
        %gather3A_159 = tpu.vector_load_idx %arg5[%add3A_116] : memref<80000xf32, #tpu.memory_space<vmem>>[vector<16xi32>], vector<16xf32>,
        %gather3A_160 = tpu.vector_load_idx %arg5[%add3A_119] : memref<80000xf32, #tpu.memory_space<vmem>>[vector<16xi32>], vector<16xf32>,
        %gather3A_161 = tpu.vector_load_idx %arg5[%add3A_122] : memref<80000xf32, #tpu.memory_space<vmem>>[vector<16xi32>], vector<16xf32>,
        %gather3A_162 = tpu.vector_load_idx %arg6[%get3A_98] : memref<10000xi32, #tpu.memory_space<vmem>>[vector<16xi32>], vector<16xi32>,
        %max3A = arith.maximumf %gather3A, %get3A_126 : vector<16xf32>
        %max3A_163 = arith.maximumf %gather3A_155, %get3A_130 : vector<16xf32>
        %max3A_164 = arith.maximumf %gather3A_156, %get3A_134 : vector<16xf32>
        %max3A_165 = arith.maximumf %gather3A_157, %get3A_138 : vector<16xf32>
        %max3A_166 = arith.maximumf %gather3A_158, %get3A_142 : vector<16xf32>
        %max3A_167 = arith.maximumf %gather3A_159, %get3A_146 : vector<16xf32>
        %max3A_168 = arith.maximumf %gather3A_160, %get3A_150 : vector<16xf32>
        %max3A_169 = arith.maximumf %gather3A_161, %get3A_154 : vector<16xf32>
        tpu.vector_store_idx %arg5[%add3A_101], %max3A : memref<80000xf32, #tpu.memory_space<vmem>>[vector<16xi32>], vector<16xf32>,
        tpu.vector_store_idx %arg5[%add3A_104], %max3A_163 : memref<80000xf32, #tpu.memory_space<vmem>>[vector<16xi32>], vector<16xf32>,
        tpu.vector_store_idx %arg5[%add3A_107], %max3A_164 : memref<80000xf32, #tpu.memory_space<vmem>>[vector<16xi32>], vector<16xf32>,
        tpu.vector_store_idx %arg5[%add3A_110], %max3A_165 : memref<80000xf32, #tpu.memory_space<vmem>>[vector<16xi32>], vector<16xf32>,
        tpu.vector_store_idx %arg5[%add3A_113], %max3A_166 : memref<80000xf32, #tpu.memory_space<vmem>>[vector<16xi32>], vector<16xf32>,
        tpu.vector_store_idx %arg5[%add3A_116], %max3A_167 : memref<80000xf32, #tpu.memory_space<vmem>>[vector<16xi32>], vector<16xf32>,
        tpu.vector_store_idx %arg5[%add3A_119], %max3A_168 : memref<80000xf32, #tpu.memory_space<vmem>>[vector<16xi32>], vector<16xf32>,
        tpu.vector_store_idx %arg5[%add3A_122], %max3A_169 : memref<80000xf32, #tpu.memory_space<vmem>>[vector<16xi32>], vector<16xf32>,
        %ne3A_170 = arith.cmpi ne, %gather3A_162, %iota3A : vector<16xi32>
        %reduce_or3A = arith.constant 1.000000e+00 : f32
        %reduce_or3A_171 = arith.constant 0.000000e+00 : f32
        %reduce_or3A_172 = vector.broadcast %reduce_or3A : f32 to vector<16xf32>
        %reduce_or3A_173 = vector.broadcast %reduce_or3A_171 : f32 to vector<16xf32>
        %reduce_or3A_174 = arith.select %ne3A_170, %reduce_or3A_172, %reduce_or3A_173 : vector<16xi1>, vector<16xf32>
        %reduce_or3A_175 = arith.constant true
        %reduce_or3A_176 = vector.broadcast %reduce_or3A_175 : i1 to vector<16xi1>
        %reduce_or3A_177 = tpu.scan <max>, %reduce_or3A_174 masked %reduce_or3A_176 : vector<16xf32>, vector<16xi1> -> vector<16xf32>
        %reduce_or3A_178 = vector.extract %reduce_or3A_177[15] : f32 from vector<16xf32>
        %reduce_or3A_179 = arith.constant 0.000000e+00 : f32
        %reduce_or3A_180 = arith.cmpf ogt, %reduce_or3A_178, %reduce_or3A_179 : f32
        %convert_element_type3A_181 = arith.extui %reduce_or3A_180 : i1 to i32
        %cond3A_182 = arith.constant 0 : i32
        %cond3A_183 = arith.cmpi ne, %convert_element_type3A_181, %cond3A_182 : i32
        scf.if %cond3A_183 {
          %gather3A_184 = tpu.vector_load_idx %arg5[%add3A_101] : memref<80000xf32, #tpu.memory_space<vmem>>[vector<16xi32>], vector<16xf32>,
          %gt3A = arith.cmpf ogt, %get3A_126, %gather3A_184 : vector<16xf32>
          tpu.vector_store_idx %arg5[%add3A_101], %get3A_126 masked %gt3A : memref<80000xf32, #tpu.memory_space<vmem>>[vector<16xi32>], vector<16xf32>, vector<16xi1>
          %gather3A_185 = tpu.vector_load_idx %arg5[%add3A_101] : memref<80000xf32, #tpu.memory_space<vmem>>[vector<16xi32>], vector<16xf32>,
          %gt3A_186 = arith.cmpf ogt, %get3A_126, %gather3A_185 : vector<16xf32>
          tpu.vector_store_idx %arg5[%add3A_101], %get3A_126 masked %gt3A_186 : memref<80000xf32, #tpu.memory_space<vmem>>[vector<16xi32>], vector<16xf32>, vector<16xi1>
          %gather3A_187 = tpu.vector_load_idx %arg5[%add3A_101] : memref<80000xf32, #tpu.memory_space<vmem>>[vector<16xi32>], vector<16xf32>,
          %gt3A_188 = arith.cmpf ogt, %get3A_126, %gather3A_187 : vector<16xf32>
          tpu.vector_store_idx %arg5[%add3A_101], %get3A_126 masked %gt3A_188 : memref<80000xf32, #tpu.memory_space<vmem>>[vector<16xi32>], vector<16xf32>, vector<16xi1>
          %gather3A_189 = tpu.vector_load_idx %arg5[%add3A_101] : memref<80000xf32, #tpu.memory_space<vmem>>[vector<16xi32>], vector<16xf32>,
          %gt3A_190 = arith.cmpf ogt, %get3A_126, %gather3A_189 : vector<16xf32>
          tpu.vector_store_idx %arg5[%add3A_101], %get3A_126 masked %gt3A_190 : memref<80000xf32, #tpu.memory_space<vmem>>[vector<16xi32>], vector<16xf32>, vector<16xi1>
          %gather3A_191 = tpu.vector_load_idx %arg5[%add3A_101] : memref<80000xf32, #tpu.memory_space<vmem>>[vector<16xi32>], vector<16xf32>,
          %gt3A_192 = arith.cmpf ogt, %get3A_126, %gather3A_191 : vector<16xf32>
          tpu.vector_store_idx %arg5[%add3A_101], %get3A_126 masked %gt3A_192 : memref<80000xf32, #tpu.memory_space<vmem>>[vector<16xi32>], vector<16xf32>, vector<16xi1>
          %gather3A_193 = tpu.vector_load_idx %arg5[%add3A_101] : memref<80000xf32, #tpu.memory_space<vmem>>[vector<16xi32>], vector<16xf32>,
          %gt3A_194 = arith.cmpf ogt, %get3A_126, %gather3A_193 : vector<16xf32>
          tpu.vector_store_idx %arg5[%add3A_101], %get3A_126 masked %gt3A_194 : memref<80000xf32, #tpu.memory_space<vmem>>[vector<16xi32>], vector<16xf32>, vector<16xi1>
          %gather3A_195 = tpu.vector_load_idx %arg5[%add3A_101] : memref<80000xf32, #tpu.memory_space<vmem>>[vector<16xi32>], vector<16xf32>,
          %gt3A_196 = arith.cmpf ogt, %get3A_126, %gather3A_195 : vector<16xf32>
          tpu.vector_store_idx %arg5[%add3A_101], %get3A_126 masked %gt3A_196 : memref<80000xf32, #tpu.memory_space<vmem>>[vector<16xi32>], vector<16xf32>, vector<16xi1>
          %gather3A_197 = tpu.vector_load_idx %arg5[%add3A_101] : memref<80000xf32, #tpu.memory_space<vmem>>[vector<16xi32>], vector<16xf32>,
          %gt3A_198 = arith.cmpf ogt, %get3A_126, %gather3A_197 : vector<16xf32>
          tpu.vector_store_idx %arg5[%add3A_101], %get3A_126 masked %gt3A_198 : memref<80000xf32, #tpu.memory_space<vmem>>[vector<16xi32>], vector<16xf32>, vector<16xi1>
          %gather3A_199 = tpu.vector_load_idx %arg5[%add3A_101] : memref<80000xf32, #tpu.memory_space<vmem>>[vector<16xi32>], vector<16xf32>,
          %gt3A_200 = arith.cmpf ogt, %get3A_126, %gather3A_199 : vector<16xf32>
          tpu.vector_store_idx %arg5[%add3A_101], %get3A_126 masked %gt3A_200 : memref<80000xf32, #tpu.memory_space<vmem>>[vector<16xi32>], vector<16xf32>, vector<16xi1>
          %gather3A_201 = tpu.vector_load_idx %arg5[%add3A_101] : memref<80000xf32, #tpu.memory_space<vmem>>[vector<16xi32>], vector<16xf32>,
          %gt3A_202 = arith.cmpf ogt, %get3A_126, %gather3A_201 : vector<16xf32>
          tpu.vector_store_idx %arg5[%add3A_101], %get3A_126 masked %gt3A_202 : memref<80000xf32, #tpu.memory_space<vmem>>[vector<16xi32>], vector<16xf32>, vector<16xi1>
          %gather3A_203 = tpu.vector_load_idx %arg5[%add3A_101] : memref<80000xf32, #tpu.memory_space<vmem>>[vector<16xi32>], vector<16xf32>,
          %gt3A_204 = arith.cmpf ogt, %get3A_126, %gather3A_203 : vector<16xf32>
          tpu.vector_store_idx %arg5[%add3A_101], %get3A_126 masked %gt3A_204 : memref<80000xf32, #tpu.memory_space<vmem>>[vector<16xi32>], vector<16xf32>, vector<16xi1>
          %gather3A_205 = tpu.vector_load_idx %arg5[%add3A_101] : memref<80000xf32, #tpu.memory_space<vmem>>[vector<16xi32>], vector<16xf32>,
          %gt3A_206 = arith.cmpf ogt, %get3A_126, %gather3A_205 : vector<16xf32>
          tpu.vector_store_idx %arg5[%add3A_101], %get3A_126 masked %gt3A_206 : memref<80000xf32, #tpu.memory_space<vmem>>[vector<16xi32>], vector<16xf32>, vector<16xi1>
          %gather3A_207 = tpu.vector_load_idx %arg5[%add3A_101] : memref<80000xf32, #tpu.memory_space<vmem>>[vector<16xi32>], vector<16xf32>,
          %gt3A_208 = arith.cmpf ogt, %get3A_126, %gather3A_207 : vector<16xf32>
          tpu.vector_store_idx %arg5[%add3A_101], %get3A_126 masked %gt3A_208 : memref<80000xf32, #tpu.memory_space<vmem>>[vector<16xi32>], vector<16xf32>, vector<16xi1>
          %gather3A_209 = tpu.vector_load_idx %arg5[%add3A_101] : memref<80000xf32, #tpu.memory_space<vmem>>[vector<16xi32>], vector<16xf32>,
          %gt3A_210 = arith.cmpf ogt, %get3A_126, %gather3A_209 : vector<16xf32>
          tpu.vector_store_idx %arg5[%add3A_101], %get3A_126 masked %gt3A_210 : memref<80000xf32, #tpu.memory_space<vmem>>[vector<16xi32>], vector<16xf32>, vector<16xi1>
          %gather3A_211 = tpu.vector_load_idx %arg5[%add3A_101] : memref<80000xf32, #tpu.memory_space<vmem>>[vector<16xi32>], vector<16xf32>,
          %gt3A_212 = arith.cmpf ogt, %get3A_126, %gather3A_211 : vector<16xf32>
          tpu.vector_store_idx %arg5[%add3A_101], %get3A_126 masked %gt3A_212 : memref<80000xf32, #tpu.memory_space<vmem>>[vector<16xi32>], vector<16xf32>, vector<16xi1>
          %gather3A_213 = tpu.vector_load_idx %arg5[%add3A_101] : memref<80000xf32, #tpu.memory_space<vmem>>[vector<16xi32>], vector<16xf32>,
          %gt3A_214 = arith.cmpf ogt, %get3A_126, %gather3A_213 : vector<16xf32>
          tpu.vector_store_idx %arg5[%add3A_101], %get3A_126 masked %gt3A_214 : memref<80000xf32, #tpu.memory_space<vmem>>[vector<16xi32>], vector<16xf32>, vector<16xi1>
          %gather3A_215 = tpu.vector_load_idx %arg5[%add3A_104] : memref<80000xf32, #tpu.memory_space<vmem>>[vector<16xi32>], vector<16xf32>,
          %gt3A_216 = arith.cmpf ogt, %get3A_130, %gather3A_215 : vector<16xf32>
          tpu.vector_store_idx %arg5[%add3A_104], %get3A_130 masked %gt3A_216 : memref<80000xf32, #tpu.memory_space<vmem>>[vector<16xi32>], vector<16xf32>, vector<16xi1>
          %gather3A_217 = tpu.vector_load_idx %arg5[%add3A_104] : memref<80000xf32, #tpu.memory_space<vmem>>[vector<16xi32>], vector<16xf32>,
          %gt3A_218 = arith.cmpf ogt, %get3A_130, %gather3A_217 : vector<16xf32>
          tpu.vector_store_idx %arg5[%add3A_104], %get3A_130 masked %gt3A_218 : memref<80000xf32, #tpu.memory_space<vmem>>[vector<16xi32>], vector<16xf32>, vector<16xi1>
          %gather3A_219 = tpu.vector_load_idx %arg5[%add3A_104] : memref<80000xf32, #tpu.memory_space<vmem>>[vector<16xi32>], vector<16xf32>,
          %gt3A_220 = arith.cmpf ogt, %get3A_130, %gather3A_219 : vector<16xf32>
          tpu.vector_store_idx %arg5[%add3A_104], %get3A_130 masked %gt3A_220 : memref<80000xf32, #tpu.memory_space<vmem>>[vector<16xi32>], vector<16xf32>, vector<16xi1>
          %gather3A_221 = tpu.vector_load_idx %arg5[%add3A_104] : memref<80000xf32, #tpu.memory_space<vmem>>[vector<16xi32>], vector<16xf32>,
          %gt3A_222 = arith.cmpf ogt, %get3A_130, %gather3A_221 : vector<16xf32>
          tpu.vector_store_idx %arg5[%add3A_104], %get3A_130 masked %gt3A_222 : memref<80000xf32, #tpu.memory_space<vmem>>[vector<16xi32>], vector<16xf32>, vector<16xi1>
          %gather3A_223 = tpu.vector_load_idx %arg5[%add3A_104] : memref<80000xf32, #tpu.memory_space<vmem>>[vector<16xi32>], vector<16xf32>,
          %gt3A_224 = arith.cmpf ogt, %get3A_130, %gather3A_223 : vector<16xf32>
          tpu.vector_store_idx %arg5[%add3A_104], %get3A_130 masked %gt3A_224 : memref<80000xf32, #tpu.memory_space<vmem>>[vector<16xi32>], vector<16xf32>, vector<16xi1>
          %gather3A_225 = tpu.vector_load_idx %arg5[%add3A_104] : memref<80000xf32, #tpu.memory_space<vmem>>[vector<16xi32>], vector<16xf32>,
          %gt3A_226 = arith.cmpf ogt, %get3A_130, %gather3A_225 : vector<16xf32>
          tpu.vector_store_idx %arg5[%add3A_104], %get3A_130 masked %gt3A_226 : memref<80000xf32, #tpu.memory_space<vmem>>[vector<16xi32>], vector<16xf32>, vector<16xi1>
          %gather3A_227 = tpu.vector_load_idx %arg5[%add3A_104] : memref<80000xf32, #tpu.memory_space<vmem>>[vector<16xi32>], vector<16xf32>,
          %gt3A_228 = arith.cmpf ogt, %get3A_130, %gather3A_227 : vector<16xf32>
          tpu.vector_store_idx %arg5[%add3A_104], %get3A_130 masked %gt3A_228 : memref<80000xf32, #tpu.memory_space<vmem>>[vector<16xi32>], vector<16xf32>, vector<16xi1>
          %gather3A_229 = tpu.vector_load_idx %arg5[%add3A_104] : memref<80000xf32, #tpu.memory_space<vmem>>[vector<16xi32>], vector<16xf32>,
          %gt3A_230 = arith.cmpf ogt, %get3A_130, %gather3A_229 : vector<16xf32>
          tpu.vector_store_idx %arg5[%add3A_104], %get3A_130 masked %gt3A_230 : memref<80000xf32, #tpu.memory_space<vmem>>[vector<16xi32>], vector<16xf32>, vector<16xi1>
          %gather3A_231 = tpu.vector_load_idx %arg5[%add3A_104] : memref<80000xf32, #tpu.memory_space<vmem>>[vector<16xi32>], vector<16xf32>,
          %gt3A_232 = arith.cmpf ogt, %get3A_130, %gather3A_231 : vector<16xf32>
          tpu.vector_store_idx %arg5[%add3A_104], %get3A_130 masked %gt3A_232 : memref<80000xf32, #tpu.memory_space<vmem>>[vector<16xi32>], vector<16xf32>, vector<16xi1>
          %gather3A_233 = tpu.vector_load_idx %arg5[%add3A_104] : memref<80000xf32, #tpu.memory_space<vmem>>[vector<16xi32>], vector<16xf32>,
          %gt3A_234 = arith.cmpf ogt, %get3A_130, %gather3A_233 : vector<16xf32>
          tpu.vector_store_idx %arg5[%add3A_104], %get3A_130 masked %gt3A_234 : memref<80000xf32, #tpu.memory_space<vmem>>[vector<16xi32>], vector<16xf32>, vector<16xi1>
          %gather3A_235 = tpu.vector_load_idx %arg5[%add3A_104] : memref<80000xf32, #tpu.memory_space<vmem>>[vector<16xi32>], vector<16xf32>,
          %gt3A_236 = arith.cmpf ogt, %get3A_130, %gather3A_235 : vector<16xf32>
          tpu.vector_store_idx %arg5[%add3A_104], %get3A_130 masked %gt3A_236 : memref<80000xf32, #tpu.memory_space<vmem>>[vector<16xi32>], vector<16xf32>, vector<16xi1>
          %gather3A_237 = tpu.vector_load_idx %arg5[%add3A_104] : memref<80000xf32, #tpu.memory_space<vmem>>[vector<16xi32>], vector<16xf32>,
          %gt3A_238 = arith.cmpf ogt, %get3A_130, %gather3A_237 : vector<16xf32>
          tpu.vector_store_idx %arg5[%add3A_104], %get3A_130 masked %gt3A_238 : memref<80000xf32, #tpu.memory_space<vmem>>[vector<16xi32>], vector<16xf32>, vector<16xi1>
          %gather3A_239 = tpu.vector_load_idx %arg5[%add3A_104] : memref<80000xf32, #tpu.memory_space<vmem>>[vector<16xi32>], vector<16xf32>,
          %gt3A_240 = arith.cmpf ogt, %get3A_130, %gather3A_239 : vector<16xf32>
          tpu.vector_store_idx %arg5[%add3A_104], %get3A_130 masked %gt3A_240 : memref<80000xf32, #tpu.memory_space<vmem>>[vector<16xi32>], vector<16xf32>, vector<16xi1>
          %gather3A_241 = tpu.vector_load_idx %arg5[%add3A_104] : memref<80000xf32, #tpu.memory_space<vmem>>[vector<16xi32>], vector<16xf32>,
          %gt3A_242 = arith.cmpf ogt, %get3A_130, %gather3A_241 : vector<16xf32>
          tpu.vector_store_idx %arg5[%add3A_104], %get3A_130 masked %gt3A_242 : memref<80000xf32, #tpu.memory_space<vmem>>[vector<16xi32>], vector<16xf32>, vector<16xi1>
          %gather3A_243 = tpu.vector_load_idx %arg5[%add3A_104] : memref<80000xf32, #tpu.memory_space<vmem>>[vector<16xi32>], vector<16xf32>,
          %gt3A_244 = arith.cmpf ogt, %get3A_130, %gather3A_243 : vector<16xf32>
          tpu.vector_store_idx %arg5[%add3A_104], %get3A_130 masked %gt3A_244 : memref<80000xf32, #tpu.memory_space<vmem>>[vector<16xi32>], vector<16xf32>, vector<16xi1>
          %gather3A_245 = tpu.vector_load_idx %arg5[%add3A_104] : memref<80000xf32, #tpu.memory_space<vmem>>[vector<16xi32>], vector<16xf32>,
          %gt3A_246 = arith.cmpf ogt, %get3A_130, %gather3A_245 : vector<16xf32>
          tpu.vector_store_idx %arg5[%add3A_104], %get3A_130 masked %gt3A_246 : memref<80000xf32, #tpu.memory_space<vmem>>[vector<16xi32>], vector<16xf32>, vector<16xi1>
          %gather3A_247 = tpu.vector_load_idx %arg5[%add3A_107] : memref<80000xf32, #tpu.memory_space<vmem>>[vector<16xi32>], vector<16xf32>,
          %gt3A_248 = arith.cmpf ogt, %get3A_134, %gather3A_247 : vector<16xf32>
          tpu.vector_store_idx %arg5[%add3A_107], %get3A_134 masked %gt3A_248 : memref<80000xf32, #tpu.memory_space<vmem>>[vector<16xi32>], vector<16xf32>, vector<16xi1>
          %gather3A_249 = tpu.vector_load_idx %arg5[%add3A_107] : memref<80000xf32, #tpu.memory_space<vmem>>[vector<16xi32>], vector<16xf32>,
          %gt3A_250 = arith.cmpf ogt, %get3A_134, %gather3A_249 : vector<16xf32>
          tpu.vector_store_idx %arg5[%add3A_107], %get3A_134 masked %gt3A_250 : memref<80000xf32, #tpu.memory_space<vmem>>[vector<16xi32>], vector<16xf32>, vector<16xi1>
          %gather3A_251 = tpu.vector_load_idx %arg5[%add3A_107] : memref<80000xf32, #tpu.memory_space<vmem>>[vector<16xi32>], vector<16xf32>,
          %gt3A_252 = arith.cmpf ogt, %get3A_134, %gather3A_251 : vector<16xf32>
          tpu.vector_store_idx %arg5[%add3A_107], %get3A_134 masked %gt3A_252 : memref<80000xf32, #tpu.memory_space<vmem>>[vector<16xi32>], vector<16xf32>, vector<16xi1>
          %gather3A_253 = tpu.vector_load_idx %arg5[%add3A_107] : memref<80000xf32, #tpu.memory_space<vmem>>[vector<16xi32>], vector<16xf32>,
          %gt3A_254 = arith.cmpf ogt, %get3A_134, %gather3A_253 : vector<16xf32>
          tpu.vector_store_idx %arg5[%add3A_107], %get3A_134 masked %gt3A_254 : memref<80000xf32, #tpu.memory_space<vmem>>[vector<16xi32>], vector<16xf32>, vector<16xi1>
          %gather3A_255 = tpu.vector_load_idx %arg5[%add3A_107] : memref<80000xf32, #tpu.memory_space<vmem>>[vector<16xi32>], vector<16xf32>,
          %gt3A_256 = arith.cmpf ogt, %get3A_134, %gather3A_255 : vector<16xf32>
          tpu.vector_store_idx %arg5[%add3A_107], %get3A_134 masked %gt3A_256 : memref<80000xf32, #tpu.memory_space<vmem>>[vector<16xi32>], vector<16xf32>, vector<16xi1>
          %gather3A_257 = tpu.vector_load_idx %arg5[%add3A_107] : memref<80000xf32, #tpu.memory_space<vmem>>[vector<16xi32>], vector<16xf32>,
          %gt3A_258 = arith.cmpf ogt, %get3A_134, %gather3A_257 : vector<16xf32>
          tpu.vector_store_idx %arg5[%add3A_107], %get3A_134 masked %gt3A_258 : memref<80000xf32, #tpu.memory_space<vmem>>[vector<16xi32>], vector<16xf32>, vector<16xi1>
          %gather3A_259 = tpu.vector_load_idx %arg5[%add3A_107] : memref<80000xf32, #tpu.memory_space<vmem>>[vector<16xi32>], vector<16xf32>,
          %gt3A_260 = arith.cmpf ogt, %get3A_134, %gather3A_259 : vector<16xf32>
          tpu.vector_store_idx %arg5[%add3A_107], %get3A_134 masked %gt3A_260 : memref<80000xf32, #tpu.memory_space<vmem>>[vector<16xi32>], vector<16xf32>, vector<16xi1>
          %gather3A_261 = tpu.vector_load_idx %arg5[%add3A_107] : memref<80000xf32, #tpu.memory_space<vmem>>[vector<16xi32>], vector<16xf32>,
          %gt3A_262 = arith.cmpf ogt, %get3A_134, %gather3A_261 : vector<16xf32>
          tpu.vector_store_idx %arg5[%add3A_107], %get3A_134 masked %gt3A_262 : memref<80000xf32, #tpu.memory_space<vmem>>[vector<16xi32>], vector<16xf32>, vector<16xi1>
          %gather3A_263 = tpu.vector_load_idx %arg5[%add3A_107] : memref<80000xf32, #tpu.memory_space<vmem>>[vector<16xi32>], vector<16xf32>,
          %gt3A_264 = arith.cmpf ogt, %get3A_134, %gather3A_263 : vector<16xf32>
          tpu.vector_store_idx %arg5[%add3A_107], %get3A_134 masked %gt3A_264 : memref<80000xf32, #tpu.memory_space<vmem>>[vector<16xi32>], vector<16xf32>, vector<16xi1>
          %gather3A_265 = tpu.vector_load_idx %arg5[%add3A_107] : memref<80000xf32, #tpu.memory_space<vmem>>[vector<16xi32>], vector<16xf32>,
          %gt3A_266 = arith.cmpf ogt, %get3A_134, %gather3A_265 : vector<16xf32>
          tpu.vector_store_idx %arg5[%add3A_107], %get3A_134 masked %gt3A_266 : memref<80000xf32, #tpu.memory_space<vmem>>[vector<16xi32>], vector<16xf32>, vector<16xi1>
          %gather3A_267 = tpu.vector_load_idx %arg5[%add3A_107] : memref<80000xf32, #tpu.memory_space<vmem>>[vector<16xi32>], vector<16xf32>,
          %gt3A_268 = arith.cmpf ogt, %get3A_134, %gather3A_267 : vector<16xf32>
          tpu.vector_store_idx %arg5[%add3A_107], %get3A_134 masked %gt3A_268 : memref<80000xf32, #tpu.memory_space<vmem>>[vector<16xi32>], vector<16xf32>, vector<16xi1>
          %gather3A_269 = tpu.vector_load_idx %arg5[%add3A_107] : memref<80000xf32, #tpu.memory_space<vmem>>[vector<16xi32>], vector<16xf32>,
          %gt3A_270 = arith.cmpf ogt, %get3A_134, %gather3A_269 : vector<16xf32>
          tpu.vector_store_idx %arg5[%add3A_107], %get3A_134 masked %gt3A_270 : memref<80000xf32, #tpu.memory_space<vmem>>[vector<16xi32>], vector<16xf32>, vector<16xi1>
          %gather3A_271 = tpu.vector_load_idx %arg5[%add3A_107] : memref<80000xf32, #tpu.memory_space<vmem>>[vector<16xi32>], vector<16xf32>,
          %gt3A_272 = arith.cmpf ogt, %get3A_134, %gather3A_271 : vector<16xf32>
          tpu.vector_store_idx %arg5[%add3A_107], %get3A_134 masked %gt3A_272 : memref<80000xf32, #tpu.memory_space<vmem>>[vector<16xi32>], vector<16xf32>, vector<16xi1>
          %gather3A_273 = tpu.vector_load_idx %arg5[%add3A_107] : memref<80000xf32, #tpu.memory_space<vmem>>[vector<16xi32>], vector<16xf32>,
          %gt3A_274 = arith.cmpf ogt, %get3A_134, %gather3A_273 : vector<16xf32>
          tpu.vector_store_idx %arg5[%add3A_107], %get3A_134 masked %gt3A_274 : memref<80000xf32, #tpu.memory_space<vmem>>[vector<16xi32>], vector<16xf32>, vector<16xi1>
          %gather3A_275 = tpu.vector_load_idx %arg5[%add3A_107] : memref<80000xf32, #tpu.memory_space<vmem>>[vector<16xi32>], vector<16xf32>,
          %gt3A_276 = arith.cmpf ogt, %get3A_134, %gather3A_275 : vector<16xf32>
          tpu.vector_store_idx %arg5[%add3A_107], %get3A_134 masked %gt3A_276 : memref<80000xf32, #tpu.memory_space<vmem>>[vector<16xi32>], vector<16xf32>, vector<16xi1>
          %gather3A_277 = tpu.vector_load_idx %arg5[%add3A_107] : memref<80000xf32, #tpu.memory_space<vmem>>[vector<16xi32>], vector<16xf32>,
          %gt3A_278 = arith.cmpf ogt, %get3A_134, %gather3A_277 : vector<16xf32>
          tpu.vector_store_idx %arg5[%add3A_107], %get3A_134 masked %gt3A_278 : memref<80000xf32, #tpu.memory_space<vmem>>[vector<16xi32>], vector<16xf32>, vector<16xi1>
          %gather3A_279 = tpu.vector_load_idx %arg5[%add3A_110] : memref<80000xf32, #tpu.memory_space<vmem>>[vector<16xi32>], vector<16xf32>,
          %gt3A_280 = arith.cmpf ogt, %get3A_138, %gather3A_279 : vector<16xf32>
          tpu.vector_store_idx %arg5[%add3A_110], %get3A_138 masked %gt3A_280 : memref<80000xf32, #tpu.memory_space<vmem>>[vector<16xi32>], vector<16xf32>, vector<16xi1>
          %gather3A_281 = tpu.vector_load_idx %arg5[%add3A_110] : memref<80000xf32, #tpu.memory_space<vmem>>[vector<16xi32>], vector<16xf32>,
          %gt3A_282 = arith.cmpf ogt, %get3A_138, %gather3A_281 : vector<16xf32>
          tpu.vector_store_idx %arg5[%add3A_110], %get3A_138 masked %gt3A_282 : memref<80000xf32, #tpu.memory_space<vmem>>[vector<16xi32>], vector<16xf32>, vector<16xi1>
          %gather3A_283 = tpu.vector_load_idx %arg5[%add3A_110] : memref<80000xf32, #tpu.memory_space<vmem>>[vector<16xi32>], vector<16xf32>,
          %gt3A_284 = arith.cmpf ogt, %get3A_138, %gather3A_283 : vector<16xf32>
          tpu.vector_store_idx %arg5[%add3A_110], %get3A_138 masked %gt3A_284 : memref<80000xf32, #tpu.memory_space<vmem>>[vector<16xi32>], vector<16xf32>, vector<16xi1>
          %gather3A_285 = tpu.vector_load_idx %arg5[%add3A_110] : memref<80000xf32, #tpu.memory_space<vmem>>[vector<16xi32>], vector<16xf32>,
          %gt3A_286 = arith.cmpf ogt, %get3A_138, %gather3A_285 : vector<16xf32>
          tpu.vector_store_idx %arg5[%add3A_110], %get3A_138 masked %gt3A_286 : memref<80000xf32, #tpu.memory_space<vmem>>[vector<16xi32>], vector<16xf32>, vector<16xi1>
          %gather3A_287 = tpu.vector_load_idx %arg5[%add3A_110] : memref<80000xf32, #tpu.memory_space<vmem>>[vector<16xi32>], vector<16xf32>,
          %gt3A_288 = arith.cmpf ogt, %get3A_138, %gather3A_287 : vector<16xf32>
          tpu.vector_store_idx %arg5[%add3A_110], %get3A_138 masked %gt3A_288 : memref<80000xf32, #tpu.memory_space<vmem>>[vector<16xi32>], vector<16xf32>, vector<16xi1>
          %gather3A_289 = tpu.vector_load_idx %arg5[%add3A_110] : memref<80000xf32, #tpu.memory_space<vmem>>[vector<16xi32>], vector<16xf32>,
          %gt3A_290 = arith.cmpf ogt, %get3A_138, %gather3A_289 : vector<16xf32>
          tpu.vector_store_idx %arg5[%add3A_110], %get3A_138 masked %gt3A_290 : memref<80000xf32, #tpu.memory_space<vmem>>[vector<16xi32>], vector<16xf32>, vector<16xi1>
          %gather3A_291 = tpu.vector_load_idx %arg5[%add3A_110] : memref<80000xf32, #tpu.memory_space<vmem>>[vector<16xi32>], vector<16xf32>,
          %gt3A_292 = arith.cmpf ogt, %get3A_138, %gather3A_291 : vector<16xf32>
          tpu.vector_store_idx %arg5[%add3A_110], %get3A_138 masked %gt3A_292 : memref<80000xf32, #tpu.memory_space<vmem>>[vector<16xi32>], vector<16xf32>, vector<16xi1>
          %gather3A_293 = tpu.vector_load_idx %arg5[%add3A_110] : memref<80000xf32, #tpu.memory_space<vmem>>[vector<16xi32>], vector<16xf32>,
          %gt3A_294 = arith.cmpf ogt, %get3A_138, %gather3A_293 : vector<16xf32>
          tpu.vector_store_idx %arg5[%add3A_110], %get3A_138 masked %gt3A_294 : memref<80000xf32, #tpu.memory_space<vmem>>[vector<16xi32>], vector<16xf32>, vector<16xi1>
          %gather3A_295 = tpu.vector_load_idx %arg5[%add3A_110] : memref<80000xf32, #tpu.memory_space<vmem>>[vector<16xi32>], vector<16xf32>,
          %gt3A_296 = arith.cmpf ogt, %get3A_138, %gather3A_295 : vector<16xf32>
          tpu.vector_store_idx %arg5[%add3A_110], %get3A_138 masked %gt3A_296 : memref<80000xf32, #tpu.memory_space<vmem>>[vector<16xi32>], vector<16xf32>, vector<16xi1>
          %gather3A_297 = tpu.vector_load_idx %arg5[%add3A_110] : memref<80000xf32, #tpu.memory_space<vmem>>[vector<16xi32>], vector<16xf32>,
          %gt3A_298 = arith.cmpf ogt, %get3A_138, %gather3A_297 : vector<16xf32>
          tpu.vector_store_idx %arg5[%add3A_110], %get3A_138 masked %gt3A_298 : memref<80000xf32, #tpu.memory_space<vmem>>[vector<16xi32>], vector<16xf32>, vector<16xi1>
          %gather3A_299 = tpu.vector_load_idx %arg5[%add3A_110] : memref<80000xf32, #tpu.memory_space<vmem>>[vector<16xi32>], vector<16xf32>,
          %gt3A_300 = arith.cmpf ogt, %get3A_138, %gather3A_299 : vector<16xf32>
          tpu.vector_store_idx %arg5[%add3A_110], %get3A_138 masked %gt3A_300 : memref<80000xf32, #tpu.memory_space<vmem>>[vector<16xi32>], vector<16xf32>, vector<16xi1>
          %gather3A_301 = tpu.vector_load_idx %arg5[%add3A_110] : memref<80000xf32, #tpu.memory_space<vmem>>[vector<16xi32>], vector<16xf32>,
          %gt3A_302 = arith.cmpf ogt, %get3A_138, %gather3A_301 : vector<16xf32>
          tpu.vector_store_idx %arg5[%add3A_110], %get3A_138 masked %gt3A_302 : memref<80000xf32, #tpu.memory_space<vmem>>[vector<16xi32>], vector<16xf32>, vector<16xi1>
          %gather3A_303 = tpu.vector_load_idx %arg5[%add3A_110] : memref<80000xf32, #tpu.memory_space<vmem>>[vector<16xi32>], vector<16xf32>,
          %gt3A_304 = arith.cmpf ogt, %get3A_138, %gather3A_303 : vector<16xf32>
          tpu.vector_store_idx %arg5[%add3A_110], %get3A_138 masked %gt3A_304 : memref<80000xf32, #tpu.memory_space<vmem>>[vector<16xi32>], vector<16xf32>, vector<16xi1>
          %gather3A_305 = tpu.vector_load_idx %arg5[%add3A_110] : memref<80000xf32, #tpu.memory_space<vmem>>[vector<16xi32>], vector<16xf32>,
          %gt3A_306 = arith.cmpf ogt, %get3A_138, %gather3A_305 : vector<16xf32>
          tpu.vector_store_idx %arg5[%add3A_110], %get3A_138 masked %gt3A_306 : memref<80000xf32, #tpu.memory_space<vmem>>[vector<16xi32>], vector<16xf32>, vector<16xi1>
          %gather3A_307 = tpu.vector_load_idx %arg5[%add3A_110] : memref<80000xf32, #tpu.memory_space<vmem>>[vector<16xi32>], vector<16xf32>,
          %gt3A_308 = arith.cmpf ogt, %get3A_138, %gather3A_307 : vector<16xf32>
          tpu.vector_store_idx %arg5[%add3A_110], %get3A_138 masked %gt3A_308 : memref<80000xf32, #tpu.memory_space<vmem>>[vector<16xi32>], vector<16xf32>, vector<16xi1>
          %gather3A_309 = tpu.vector_load_idx %arg5[%add3A_110] : memref<80000xf32, #tpu.memory_space<vmem>>[vector<16xi32>], vector<16xf32>,
          %gt3A_310 = arith.cmpf ogt, %get3A_138, %gather3A_309 : vector<16xf32>
          tpu.vector_store_idx %arg5[%add3A_110], %get3A_138 masked %gt3A_310 : memref<80000xf32, #tpu.memory_space<vmem>>[vector<16xi32>], vector<16xf32>, vector<16xi1>
          %gather3A_311 = tpu.vector_load_idx %arg5[%add3A_113] : memref<80000xf32, #tpu.memory_space<vmem>>[vector<16xi32>], vector<16xf32>,
          %gt3A_312 = arith.cmpf ogt, %get3A_142, %gather3A_311 : vector<16xf32>
          tpu.vector_store_idx %arg5[%add3A_113], %get3A_142 masked %gt3A_312 : memref<80000xf32, #tpu.memory_space<vmem>>[vector<16xi32>], vector<16xf32>, vector<16xi1>
          %gather3A_313 = tpu.vector_load_idx %arg5[%add3A_113] : memref<80000xf32, #tpu.memory_space<vmem>>[vector<16xi32>], vector<16xf32>,
          %gt3A_314 = arith.cmpf ogt, %get3A_142, %gather3A_313 : vector<16xf32>
          tpu.vector_store_idx %arg5[%add3A_113], %get3A_142 masked %gt3A_314 : memref<80000xf32, #tpu.memory_space<vmem>>[vector<16xi32>], vector<16xf32>, vector<16xi1>
          %gather3A_315 = tpu.vector_load_idx %arg5[%add3A_113] : memref<80000xf32, #tpu.memory_space<vmem>>[vector<16xi32>], vector<16xf32>,
          %gt3A_316 = arith.cmpf ogt, %get3A_142, %gather3A_315 : vector<16xf32>
          tpu.vector_store_idx %arg5[%add3A_113], %get3A_142 masked %gt3A_316 : memref<80000xf32, #tpu.memory_space<vmem>>[vector<16xi32>], vector<16xf32>, vector<16xi1>
          %gather3A_317 = tpu.vector_load_idx %arg5[%add3A_113] : memref<80000xf32, #tpu.memory_space<vmem>>[vector<16xi32>], vector<16xf32>,
          %gt3A_318 = arith.cmpf ogt, %get3A_142, %gather3A_317 : vector<16xf32>
          tpu.vector_store_idx %arg5[%add3A_113], %get3A_142 masked %gt3A_318 : memref<80000xf32, #tpu.memory_space<vmem>>[vector<16xi32>], vector<16xf32>, vector<16xi1>
          %gather3A_319 = tpu.vector_load_idx %arg5[%add3A_113] : memref<80000xf32, #tpu.memory_space<vmem>>[vector<16xi32>], vector<16xf32>,
          %gt3A_320 = arith.cmpf ogt, %get3A_142, %gather3A_319 : vector<16xf32>
          tpu.vector_store_idx %arg5[%add3A_113], %get3A_142 masked %gt3A_320 : memref<80000xf32, #tpu.memory_space<vmem>>[vector<16xi32>], vector<16xf32>, vector<16xi1>
          %gather3A_321 = tpu.vector_load_idx %arg5[%add3A_113] : memref<80000xf32, #tpu.memory_space<vmem>>[vector<16xi32>], vector<16xf32>,
          %gt3A_322 = arith.cmpf ogt, %get3A_142, %gather3A_321 : vector<16xf32>
          tpu.vector_store_idx %arg5[%add3A_113], %get3A_142 masked %gt3A_322 : memref<80000xf32, #tpu.memory_space<vmem>>[vector<16xi32>], vector<16xf32>, vector<16xi1>
          %gather3A_323 = tpu.vector_load_idx %arg5[%add3A_113] : memref<80000xf32, #tpu.memory_space<vmem>>[vector<16xi32>], vector<16xf32>,
          %gt3A_324 = arith.cmpf ogt, %get3A_142, %gather3A_323 : vector<16xf32>
          tpu.vector_store_idx %arg5[%add3A_113], %get3A_142 masked %gt3A_324 : memref<80000xf32, #tpu.memory_space<vmem>>[vector<16xi32>], vector<16xf32>, vector<16xi1>
          %gather3A_325 = tpu.vector_load_idx %arg5[%add3A_113] : memref<80000xf32, #tpu.memory_space<vmem>>[vector<16xi32>], vector<16xf32>,
          %gt3A_326 = arith.cmpf ogt, %get3A_142, %gather3A_325 : vector<16xf32>
          tpu.vector_store_idx %arg5[%add3A_113], %get3A_142 masked %gt3A_326 : memref<80000xf32, #tpu.memory_space<vmem>>[vector<16xi32>], vector<16xf32>, vector<16xi1>
          %gather3A_327 = tpu.vector_load_idx %arg5[%add3A_113] : memref<80000xf32, #tpu.memory_space<vmem>>[vector<16xi32>], vector<16xf32>,
          %gt3A_328 = arith.cmpf ogt, %get3A_142, %gather3A_327 : vector<16xf32>
          tpu.vector_store_idx %arg5[%add3A_113], %get3A_142 masked %gt3A_328 : memref<80000xf32, #tpu.memory_space<vmem>>[vector<16xi32>], vector<16xf32>, vector<16xi1>
          %gather3A_329 = tpu.vector_load_idx %arg5[%add3A_113] : memref<80000xf32, #tpu.memory_space<vmem>>[vector<16xi32>], vector<16xf32>,
          %gt3A_330 = arith.cmpf ogt, %get3A_142, %gather3A_329 : vector<16xf32>
          tpu.vector_store_idx %arg5[%add3A_113], %get3A_142 masked %gt3A_330 : memref<80000xf32, #tpu.memory_space<vmem>>[vector<16xi32>], vector<16xf32>, vector<16xi1>
          %gather3A_331 = tpu.vector_load_idx %arg5[%add3A_113] : memref<80000xf32, #tpu.memory_space<vmem>>[vector<16xi32>], vector<16xf32>,
          %gt3A_332 = arith.cmpf ogt, %get3A_142, %gather3A_331 : vector<16xf32>
          tpu.vector_store_idx %arg5[%add3A_113], %get3A_142 masked %gt3A_332 : memref<80000xf32, #tpu.memory_space<vmem>>[vector<16xi32>], vector<16xf32>, vector<16xi1>
          %gather3A_333 = tpu.vector_load_idx %arg5[%add3A_113] : memref<80000xf32, #tpu.memory_space<vmem>>[vector<16xi32>], vector<16xf32>,
          %gt3A_334 = arith.cmpf ogt, %get3A_142, %gather3A_333 : vector<16xf32>
          tpu.vector_store_idx %arg5[%add3A_113], %get3A_142 masked %gt3A_334 : memref<80000xf32, #tpu.memory_space<vmem>>[vector<16xi32>], vector<16xf32>, vector<16xi1>
          %gather3A_335 = tpu.vector_load_idx %arg5[%add3A_113] : memref<80000xf32, #tpu.memory_space<vmem>>[vector<16xi32>], vector<16xf32>,
          %gt3A_336 = arith.cmpf ogt, %get3A_142, %gather3A_335 : vector<16xf32>
          tpu.vector_store_idx %arg5[%add3A_113], %get3A_142 masked %gt3A_336 : memref<80000xf32, #tpu.memory_space<vmem>>[vector<16xi32>], vector<16xf32>, vector<16xi1>
          %gather3A_337 = tpu.vector_load_idx %arg5[%add3A_113] : memref<80000xf32, #tpu.memory_space<vmem>>[vector<16xi32>], vector<16xf32>,
          %gt3A_338 = arith.cmpf ogt, %get3A_142, %gather3A_337 : vector<16xf32>
          tpu.vector_store_idx %arg5[%add3A_113], %get3A_142 masked %gt3A_338 : memref<80000xf32, #tpu.memory_space<vmem>>[vector<16xi32>], vector<16xf32>, vector<16xi1>
          %gather3A_339 = tpu.vector_load_idx %arg5[%add3A_113] : memref<80000xf32, #tpu.memory_space<vmem>>[vector<16xi32>], vector<16xf32>,
          %gt3A_340 = arith.cmpf ogt, %get3A_142, %gather3A_339 : vector<16xf32>
          tpu.vector_store_idx %arg5[%add3A_113], %get3A_142 masked %gt3A_340 : memref<80000xf32, #tpu.memory_space<vmem>>[vector<16xi32>], vector<16xf32>, vector<16xi1>
          %gather3A_341 = tpu.vector_load_idx %arg5[%add3A_113] : memref<80000xf32, #tpu.memory_space<vmem>>[vector<16xi32>], vector<16xf32>,
          %gt3A_342 = arith.cmpf ogt, %get3A_142, %gather3A_341 : vector<16xf32>
          tpu.vector_store_idx %arg5[%add3A_113], %get3A_142 masked %gt3A_342 : memref<80000xf32, #tpu.memory_space<vmem>>[vector<16xi32>], vector<16xf32>, vector<16xi1>
          %gather3A_343 = tpu.vector_load_idx %arg5[%add3A_116] : memref<80000xf32, #tpu.memory_space<vmem>>[vector<16xi32>], vector<16xf32>,
          %gt3A_344 = arith.cmpf ogt, %get3A_146, %gather3A_343 : vector<16xf32>
          tpu.vector_store_idx %arg5[%add3A_116], %get3A_146 masked %gt3A_344 : memref<80000xf32, #tpu.memory_space<vmem>>[vector<16xi32>], vector<16xf32>, vector<16xi1>
          %gather3A_345 = tpu.vector_load_idx %arg5[%add3A_116] : memref<80000xf32, #tpu.memory_space<vmem>>[vector<16xi32>], vector<16xf32>,
          %gt3A_346 = arith.cmpf ogt, %get3A_146, %gather3A_345 : vector<16xf32>
          tpu.vector_store_idx %arg5[%add3A_116], %get3A_146 masked %gt3A_346 : memref<80000xf32, #tpu.memory_space<vmem>>[vector<16xi32>], vector<16xf32>, vector<16xi1>
          %gather3A_347 = tpu.vector_load_idx %arg5[%add3A_116] : memref<80000xf32, #tpu.memory_space<vmem>>[vector<16xi32>], vector<16xf32>,
          %gt3A_348 = arith.cmpf ogt, %get3A_146, %gather3A_347 : vector<16xf32>
          tpu.vector_store_idx %arg5[%add3A_116], %get3A_146 masked %gt3A_348 : memref<80000xf32, #tpu.memory_space<vmem>>[vector<16xi32>], vector<16xf32>, vector<16xi1>
          %gather3A_349 = tpu.vector_load_idx %arg5[%add3A_116] : memref<80000xf32, #tpu.memory_space<vmem>>[vector<16xi32>], vector<16xf32>,
          %gt3A_350 = arith.cmpf ogt, %get3A_146, %gather3A_349 : vector<16xf32>
          tpu.vector_store_idx %arg5[%add3A_116], %get3A_146 masked %gt3A_350 : memref<80000xf32, #tpu.memory_space<vmem>>[vector<16xi32>], vector<16xf32>, vector<16xi1>
          %gather3A_351 = tpu.vector_load_idx %arg5[%add3A_116] : memref<80000xf32, #tpu.memory_space<vmem>>[vector<16xi32>], vector<16xf32>,
          %gt3A_352 = arith.cmpf ogt, %get3A_146, %gather3A_351 : vector<16xf32>
          tpu.vector_store_idx %arg5[%add3A_116], %get3A_146 masked %gt3A_352 : memref<80000xf32, #tpu.memory_space<vmem>>[vector<16xi32>], vector<16xf32>, vector<16xi1>
          %gather3A_353 = tpu.vector_load_idx %arg5[%add3A_116] : memref<80000xf32, #tpu.memory_space<vmem>>[vector<16xi32>], vector<16xf32>,
          %gt3A_354 = arith.cmpf ogt, %get3A_146, %gather3A_353 : vector<16xf32>
          tpu.vector_store_idx %arg5[%add3A_116], %get3A_146 masked %gt3A_354 : memref<80000xf32, #tpu.memory_space<vmem>>[vector<16xi32>], vector<16xf32>, vector<16xi1>
          %gather3A_355 = tpu.vector_load_idx %arg5[%add3A_116] : memref<80000xf32, #tpu.memory_space<vmem>>[vector<16xi32>], vector<16xf32>,
          %gt3A_356 = arith.cmpf ogt, %get3A_146, %gather3A_355 : vector<16xf32>
          tpu.vector_store_idx %arg5[%add3A_116], %get3A_146 masked %gt3A_356 : memref<80000xf32, #tpu.memory_space<vmem>>[vector<16xi32>], vector<16xf32>, vector<16xi1>
          %gather3A_357 = tpu.vector_load_idx %arg5[%add3A_116] : memref<80000xf32, #tpu.memory_space<vmem>>[vector<16xi32>], vector<16xf32>,
          %gt3A_358 = arith.cmpf ogt, %get3A_146, %gather3A_357 : vector<16xf32>
          tpu.vector_store_idx %arg5[%add3A_116], %get3A_146 masked %gt3A_358 : memref<80000xf32, #tpu.memory_space<vmem>>[vector<16xi32>], vector<16xf32>, vector<16xi1>
          %gather3A_359 = tpu.vector_load_idx %arg5[%add3A_116] : memref<80000xf32, #tpu.memory_space<vmem>>[vector<16xi32>], vector<16xf32>,
          %gt3A_360 = arith.cmpf ogt, %get3A_146, %gather3A_359 : vector<16xf32>
          tpu.vector_store_idx %arg5[%add3A_116], %get3A_146 masked %gt3A_360 : memref<80000xf32, #tpu.memory_space<vmem>>[vector<16xi32>], vector<16xf32>, vector<16xi1>
          %gather3A_361 = tpu.vector_load_idx %arg5[%add3A_116] : memref<80000xf32, #tpu.memory_space<vmem>>[vector<16xi32>], vector<16xf32>,
          %gt3A_362 = arith.cmpf ogt, %get3A_146, %gather3A_361 : vector<16xf32>
          tpu.vector_store_idx %arg5[%add3A_116], %get3A_146 masked %gt3A_362 : memref<80000xf32, #tpu.memory_space<vmem>>[vector<16xi32>], vector<16xf32>, vector<16xi1>
          %gather3A_363 = tpu.vector_load_idx %arg5[%add3A_116] : memref<80000xf32, #tpu.memory_space<vmem>>[vector<16xi32>], vector<16xf32>,
          %gt3A_364 = arith.cmpf ogt, %get3A_146, %gather3A_363 : vector<16xf32>
          tpu.vector_store_idx %arg5[%add3A_116], %get3A_146 masked %gt3A_364 : memref<80000xf32, #tpu.memory_space<vmem>>[vector<16xi32>], vector<16xf32>, vector<16xi1>
          %gather3A_365 = tpu.vector_load_idx %arg5[%add3A_116] : memref<80000xf32, #tpu.memory_space<vmem>>[vector<16xi32>], vector<16xf32>,
          %gt3A_366 = arith.cmpf ogt, %get3A_146, %gather3A_365 : vector<16xf32>
          tpu.vector_store_idx %arg5[%add3A_116], %get3A_146 masked %gt3A_366 : memref<80000xf32, #tpu.memory_space<vmem>>[vector<16xi32>], vector<16xf32>, vector<16xi1>
          %gather3A_367 = tpu.vector_load_idx %arg5[%add3A_116] : memref<80000xf32, #tpu.memory_space<vmem>>[vector<16xi32>], vector<16xf32>,
          %gt3A_368 = arith.cmpf ogt, %get3A_146, %gather3A_367 : vector<16xf32>
          tpu.vector_store_idx %arg5[%add3A_116], %get3A_146 masked %gt3A_368 : memref<80000xf32, #tpu.memory_space<vmem>>[vector<16xi32>], vector<16xf32>, vector<16xi1>
          %gather3A_369 = tpu.vector_load_idx %arg5[%add3A_116] : memref<80000xf32, #tpu.memory_space<vmem>>[vector<16xi32>], vector<16xf32>,
          %gt3A_370 = arith.cmpf ogt, %get3A_146, %gather3A_369 : vector<16xf32>
          tpu.vector_store_idx %arg5[%add3A_116], %get3A_146 masked %gt3A_370 : memref<80000xf32, #tpu.memory_space<vmem>>[vector<16xi32>], vector<16xf32>, vector<16xi1>
          %gather3A_371 = tpu.vector_load_idx %arg5[%add3A_116] : memref<80000xf32, #tpu.memory_space<vmem>>[vector<16xi32>], vector<16xf32>,
          %gt3A_372 = arith.cmpf ogt, %get3A_146, %gather3A_371 : vector<16xf32>
          tpu.vector_store_idx %arg5[%add3A_116], %get3A_146 masked %gt3A_372 : memref<80000xf32, #tpu.memory_space<vmem>>[vector<16xi32>], vector<16xf32>, vector<16xi1>
          %gather3A_373 = tpu.vector_load_idx %arg5[%add3A_116] : memref<80000xf32, #tpu.memory_space<vmem>>[vector<16xi32>], vector<16xf32>,
          %gt3A_374 = arith.cmpf ogt, %get3A_146, %gather3A_373 : vector<16xf32>
          tpu.vector_store_idx %arg5[%add3A_116], %get3A_146 masked %gt3A_374 : memref<80000xf32, #tpu.memory_space<vmem>>[vector<16xi32>], vector<16xf32>, vector<16xi1>
          %gather3A_375 = tpu.vector_load_idx %arg5[%add3A_119] : memref<80000xf32, #tpu.memory_space<vmem>>[vector<16xi32>], vector<16xf32>,
          %gt3A_376 = arith.cmpf ogt, %get3A_150, %gather3A_375 : vector<16xf32>
          tpu.vector_store_idx %arg5[%add3A_119], %get3A_150 masked %gt3A_376 : memref<80000xf32, #tpu.memory_space<vmem>>[vector<16xi32>], vector<16xf32>, vector<16xi1>
          %gather3A_377 = tpu.vector_load_idx %arg5[%add3A_119] : memref<80000xf32, #tpu.memory_space<vmem>>[vector<16xi32>], vector<16xf32>,
          %gt3A_378 = arith.cmpf ogt, %get3A_150, %gather3A_377 : vector<16xf32>
          tpu.vector_store_idx %arg5[%add3A_119], %get3A_150 masked %gt3A_378 : memref<80000xf32, #tpu.memory_space<vmem>>[vector<16xi32>], vector<16xf32>, vector<16xi1>
          %gather3A_379 = tpu.vector_load_idx %arg5[%add3A_119] : memref<80000xf32, #tpu.memory_space<vmem>>[vector<16xi32>], vector<16xf32>,
          %gt3A_380 = arith.cmpf ogt, %get3A_150, %gather3A_379 : vector<16xf32>
          tpu.vector_store_idx %arg5[%add3A_119], %get3A_150 masked %gt3A_380 : memref<80000xf32, #tpu.memory_space<vmem>>[vector<16xi32>], vector<16xf32>, vector<16xi1>
          %gather3A_381 = tpu.vector_load_idx %arg5[%add3A_119] : memref<80000xf32, #tpu.memory_space<vmem>>[vector<16xi32>], vector<16xf32>,
          %gt3A_382 = arith.cmpf ogt, %get3A_150, %gather3A_381 : vector<16xf32>
          tpu.vector_store_idx %arg5[%add3A_119], %get3A_150 masked %gt3A_382 : memref<80000xf32, #tpu.memory_space<vmem>>[vector<16xi32>], vector<16xf32>, vector<16xi1>
          %gather3A_383 = tpu.vector_load_idx %arg5[%add3A_119] : memref<80000xf32, #tpu.memory_space<vmem>>[vector<16xi32>], vector<16xf32>,
          %gt3A_384 = arith.cmpf ogt, %get3A_150, %gather3A_383 : vector<16xf32>
          tpu.vector_store_idx %arg5[%add3A_119], %get3A_150 masked %gt3A_384 : memref<80000xf32, #tpu.memory_space<vmem>>[vector<16xi32>], vector<16xf32>, vector<16xi1>
          %gather3A_385 = tpu.vector_load_idx %arg5[%add3A_119] : memref<80000xf32, #tpu.memory_space<vmem>>[vector<16xi32>], vector<16xf32>,
          %gt3A_386 = arith.cmpf ogt, %get3A_150, %gather3A_385 : vector<16xf32>
          tpu.vector_store_idx %arg5[%add3A_119], %get3A_150 masked %gt3A_386 : memref<80000xf32, #tpu.memory_space<vmem>>[vector<16xi32>], vector<16xf32>, vector<16xi1>
          %gather3A_387 = tpu.vector_load_idx %arg5[%add3A_119] : memref<80000xf32, #tpu.memory_space<vmem>>[vector<16xi32>], vector<16xf32>,
          %gt3A_388 = arith.cmpf ogt, %get3A_150, %gather3A_387 : vector<16xf32>
          tpu.vector_store_idx %arg5[%add3A_119], %get3A_150 masked %gt3A_388 : memref<80000xf32, #tpu.memory_space<vmem>>[vector<16xi32>], vector<16xf32>, vector<16xi1>
          %gather3A_389 = tpu.vector_load_idx %arg5[%add3A_119] : memref<80000xf32, #tpu.memory_space<vmem>>[vector<16xi32>], vector<16xf32>,
          %gt3A_390 = arith.cmpf ogt, %get3A_150, %gather3A_389 : vector<16xf32>
          tpu.vector_store_idx %arg5[%add3A_119], %get3A_150 masked %gt3A_390 : memref<80000xf32, #tpu.memory_space<vmem>>[vector<16xi32>], vector<16xf32>, vector<16xi1>
          %gather3A_391 = tpu.vector_load_idx %arg5[%add3A_119] : memref<80000xf32, #tpu.memory_space<vmem>>[vector<16xi32>], vector<16xf32>,
          %gt3A_392 = arith.cmpf ogt, %get3A_150, %gather3A_391 : vector<16xf32>
          tpu.vector_store_idx %arg5[%add3A_119], %get3A_150 masked %gt3A_392 : memref<80000xf32, #tpu.memory_space<vmem>>[vector<16xi32>], vector<16xf32>, vector<16xi1>
          %gather3A_393 = tpu.vector_load_idx %arg5[%add3A_119] : memref<80000xf32, #tpu.memory_space<vmem>>[vector<16xi32>], vector<16xf32>,
          %gt3A_394 = arith.cmpf ogt, %get3A_150, %gather3A_393 : vector<16xf32>
          tpu.vector_store_idx %arg5[%add3A_119], %get3A_150 masked %gt3A_394 : memref<80000xf32, #tpu.memory_space<vmem>>[vector<16xi32>], vector<16xf32>, vector<16xi1>
          %gather3A_395 = tpu.vector_load_idx %arg5[%add3A_119] : memref<80000xf32, #tpu.memory_space<vmem>>[vector<16xi32>], vector<16xf32>,
          %gt3A_396 = arith.cmpf ogt, %get3A_150, %gather3A_395 : vector<16xf32>
          tpu.vector_store_idx %arg5[%add3A_119], %get3A_150 masked %gt3A_396 : memref<80000xf32, #tpu.memory_space<vmem>>[vector<16xi32>], vector<16xf32>, vector<16xi1>
          %gather3A_397 = tpu.vector_load_idx %arg5[%add3A_119] : memref<80000xf32, #tpu.memory_space<vmem>>[vector<16xi32>], vector<16xf32>,
          %gt3A_398 = arith.cmpf ogt, %get3A_150, %gather3A_397 : vector<16xf32>
          tpu.vector_store_idx %arg5[%add3A_119], %get3A_150 masked %gt3A_398 : memref<80000xf32, #tpu.memory_space<vmem>>[vector<16xi32>], vector<16xf32>, vector<16xi1>
          %gather3A_399 = tpu.vector_load_idx %arg5[%add3A_119] : memref<80000xf32, #tpu.memory_space<vmem>>[vector<16xi32>], vector<16xf32>,
          %gt3A_400 = arith.cmpf ogt, %get3A_150, %gather3A_399 : vector<16xf32>
          tpu.vector_store_idx %arg5[%add3A_119], %get3A_150 masked %gt3A_400 : memref<80000xf32, #tpu.memory_space<vmem>>[vector<16xi32>], vector<16xf32>, vector<16xi1>
          %gather3A_401 = tpu.vector_load_idx %arg5[%add3A_119] : memref<80000xf32, #tpu.memory_space<vmem>>[vector<16xi32>], vector<16xf32>,
          %gt3A_402 = arith.cmpf ogt, %get3A_150, %gather3A_401 : vector<16xf32>
          tpu.vector_store_idx %arg5[%add3A_119], %get3A_150 masked %gt3A_402 : memref<80000xf32, #tpu.memory_space<vmem>>[vector<16xi32>], vector<16xf32>, vector<16xi1>
          %gather3A_403 = tpu.vector_load_idx %arg5[%add3A_119] : memref<80000xf32, #tpu.memory_space<vmem>>[vector<16xi32>], vector<16xf32>,
          %gt3A_404 = arith.cmpf ogt, %get3A_150, %gather3A_403 : vector<16xf32>
          tpu.vector_store_idx %arg5[%add3A_119], %get3A_150 masked %gt3A_404 : memref<80000xf32, #tpu.memory_space<vmem>>[vector<16xi32>], vector<16xf32>, vector<16xi1>
          %gather3A_405 = tpu.vector_load_idx %arg5[%add3A_119] : memref<80000xf32, #tpu.memory_space<vmem>>[vector<16xi32>], vector<16xf32>,
          %gt3A_406 = arith.cmpf ogt, %get3A_150, %gather3A_405 : vector<16xf32>
          tpu.vector_store_idx %arg5[%add3A_119], %get3A_150 masked %gt3A_406 : memref<80000xf32, #tpu.memory_space<vmem>>[vector<16xi32>], vector<16xf32>, vector<16xi1>
          %gather3A_407 = tpu.vector_load_idx %arg5[%add3A_122] : memref<80000xf32, #tpu.memory_space<vmem>>[vector<16xi32>], vector<16xf32>,
          %gt3A_408 = arith.cmpf ogt, %get3A_154, %gather3A_407 : vector<16xf32>
          tpu.vector_store_idx %arg5[%add3A_122], %get3A_154 masked %gt3A_408 : memref<80000xf32, #tpu.memory_space<vmem>>[vector<16xi32>], vector<16xf32>, vector<16xi1>
          %gather3A_409 = tpu.vector_load_idx %arg5[%add3A_122] : memref<80000xf32, #tpu.memory_space<vmem>>[vector<16xi32>], vector<16xf32>,
          %gt3A_410 = arith.cmpf ogt, %get3A_154, %gather3A_409 : vector<16xf32>
          tpu.vector_store_idx %arg5[%add3A_122], %get3A_154 masked %gt3A_410 : memref<80000xf32, #tpu.memory_space<vmem>>[vector<16xi32>], vector<16xf32>, vector<16xi1>
          %gather3A_411 = tpu.vector_load_idx %arg5[%add3A_122] : memref<80000xf32, #tpu.memory_space<vmem>>[vector<16xi32>], vector<16xf32>,
          %gt3A_412 = arith.cmpf ogt, %get3A_154, %gather3A_411 : vector<16xf32>
          tpu.vector_store_idx %arg5[%add3A_122], %get3A_154 masked %gt3A_412 : memref<80000xf32, #tpu.memory_space<vmem>>[vector<16xi32>], vector<16xf32>, vector<16xi1>
          %gather3A_413 = tpu.vector_load_idx %arg5[%add3A_122] : memref<80000xf32, #tpu.memory_space<vmem>>[vector<16xi32>], vector<16xf32>,
          %gt3A_414 = arith.cmpf ogt, %get3A_154, %gather3A_413 : vector<16xf32>
          tpu.vector_store_idx %arg5[%add3A_122], %get3A_154 masked %gt3A_414 : memref<80000xf32, #tpu.memory_space<vmem>>[vector<16xi32>], vector<16xf32>, vector<16xi1>
          %gather3A_415 = tpu.vector_load_idx %arg5[%add3A_122] : memref<80000xf32, #tpu.memory_space<vmem>>[vector<16xi32>], vector<16xf32>,
          %gt3A_416 = arith.cmpf ogt, %get3A_154, %gather3A_415 : vector<16xf32>
          tpu.vector_store_idx %arg5[%add3A_122], %get3A_154 masked %gt3A_416 : memref<80000xf32, #tpu.memory_space<vmem>>[vector<16xi32>], vector<16xf32>, vector<16xi1>
          %gather3A_417 = tpu.vector_load_idx %arg5[%add3A_122] : memref<80000xf32, #tpu.memory_space<vmem>>[vector<16xi32>], vector<16xf32>,
          %gt3A_418 = arith.cmpf ogt, %get3A_154, %gather3A_417 : vector<16xf32>
          tpu.vector_store_idx %arg5[%add3A_122], %get3A_154 masked %gt3A_418 : memref<80000xf32, #tpu.memory_space<vmem>>[vector<16xi32>], vector<16xf32>, vector<16xi1>
          %gather3A_419 = tpu.vector_load_idx %arg5[%add3A_122] : memref<80000xf32, #tpu.memory_space<vmem>>[vector<16xi32>], vector<16xf32>,
          %gt3A_420 = arith.cmpf ogt, %get3A_154, %gather3A_419 : vector<16xf32>
          tpu.vector_store_idx %arg5[%add3A_122], %get3A_154 masked %gt3A_420 : memref<80000xf32, #tpu.memory_space<vmem>>[vector<16xi32>], vector<16xf32>, vector<16xi1>
          %gather3A_421 = tpu.vector_load_idx %arg5[%add3A_122] : memref<80000xf32, #tpu.memory_space<vmem>>[vector<16xi32>], vector<16xf32>,
          %gt3A_422 = arith.cmpf ogt, %get3A_154, %gather3A_421 : vector<16xf32>
          tpu.vector_store_idx %arg5[%add3A_122], %get3A_154 masked %gt3A_422 : memref<80000xf32, #tpu.memory_space<vmem>>[vector<16xi32>], vector<16xf32>, vector<16xi1>
          %gather3A_423 = tpu.vector_load_idx %arg5[%add3A_122] : memref<80000xf32, #tpu.memory_space<vmem>>[vector<16xi32>], vector<16xf32>,
          %gt3A_424 = arith.cmpf ogt, %get3A_154, %gather3A_423 : vector<16xf32>
          tpu.vector_store_idx %arg5[%add3A_122], %get3A_154 masked %gt3A_424 : memref<80000xf32, #tpu.memory_space<vmem>>[vector<16xi32>], vector<16xf32>, vector<16xi1>
          %gather3A_425 = tpu.vector_load_idx %arg5[%add3A_122] : memref<80000xf32, #tpu.memory_space<vmem>>[vector<16xi32>], vector<16xf32>,
          %gt3A_426 = arith.cmpf ogt, %get3A_154, %gather3A_425 : vector<16xf32>
          tpu.vector_store_idx %arg5[%add3A_122], %get3A_154 masked %gt3A_426 : memref<80000xf32, #tpu.memory_space<vmem>>[vector<16xi32>], vector<16xf32>, vector<16xi1>
          %gather3A_427 = tpu.vector_load_idx %arg5[%add3A_122] : memref<80000xf32, #tpu.memory_space<vmem>>[vector<16xi32>], vector<16xf32>,
          %gt3A_428 = arith.cmpf ogt, %get3A_154, %gather3A_427 : vector<16xf32>
          tpu.vector_store_idx %arg5[%add3A_122], %get3A_154 masked %gt3A_428 : memref<80000xf32, #tpu.memory_space<vmem>>[vector<16xi32>], vector<16xf32>, vector<16xi1>
          %gather3A_429 = tpu.vector_load_idx %arg5[%add3A_122] : memref<80000xf32, #tpu.memory_space<vmem>>[vector<16xi32>], vector<16xf32>,
          %gt3A_430 = arith.cmpf ogt, %get3A_154, %gather3A_429 : vector<16xf32>
          tpu.vector_store_idx %arg5[%add3A_122], %get3A_154 masked %gt3A_430 : memref<80000xf32, #tpu.memory_space<vmem>>[vector<16xi32>], vector<16xf32>, vector<16xi1>
          %gather3A_431 = tpu.vector_load_idx %arg5[%add3A_122] : memref<80000xf32, #tpu.memory_space<vmem>>[vector<16xi32>], vector<16xf32>,
          %gt3A_432 = arith.cmpf ogt, %get3A_154, %gather3A_431 : vector<16xf32>
          tpu.vector_store_idx %arg5[%add3A_122], %get3A_154 masked %gt3A_432 : memref<80000xf32, #tpu.memory_space<vmem>>[vector<16xi32>], vector<16xf32>, vector<16xi1>
          %gather3A_433 = tpu.vector_load_idx %arg5[%add3A_122] : memref<80000xf32, #tpu.memory_space<vmem>>[vector<16xi32>], vector<16xf32>,
          %gt3A_434 = arith.cmpf ogt, %get3A_154, %gather3A_433 : vector<16xf32>
          tpu.vector_store_idx %arg5[%add3A_122], %get3A_154 masked %gt3A_434 : memref<80000xf32, #tpu.memory_space<vmem>>[vector<16xi32>], vector<16xf32>, vector<16xi1>
          %gather3A_435 = tpu.vector_load_idx %arg5[%add3A_122] : memref<80000xf32, #tpu.memory_space<vmem>>[vector<16xi32>], vector<16xf32>,
          %gt3A_436 = arith.cmpf ogt, %get3A_154, %gather3A_435 : vector<16xf32>
          tpu.vector_store_idx %arg5[%add3A_122], %get3A_154 masked %gt3A_436 : memref<80000xf32, #tpu.memory_space<vmem>>[vector<16xi32>], vector<16xf32>, vector<16xi1>
          %gather3A_437 = tpu.vector_load_idx %arg5[%add3A_122] : memref<80000xf32, #tpu.memory_space<vmem>>[vector<16xi32>], vector<16xf32>,
          %gt3A_438 = arith.cmpf ogt, %get3A_154, %gather3A_437 : vector<16xf32>
          tpu.vector_store_idx %arg5[%add3A_122], %get3A_154 masked %gt3A_438 : memref<80000xf32, #tpu.memory_space<vmem>>[vector<16xi32>], vector<16xf32>, vector<16xi1>
        } else {
        }
      }
      %scan3A_78 = arith.constant 40 : i32
      %add3A_79 = arith.constant 2 : i32
      %add3A_80 = arith.addi %mul3A_61, %add3A_79 : i32
      %lt3A_81 = arith.constant 250 : i32
      %lt3A_82 = arith.cmpi slt, %add3A_80, %lt3A_81 : i32
      %convert_element_type3A = arith.extui %lt3A_82 : i1 to i32
      %cond3A = arith.constant 0 : i32
      %cond3A_83 = arith.cmpi ne, %convert_element_type3A, %cond3A : i32
      scf.if %cond3A_83 {
        %add3A_93 = arith.constant 2 : i32
        %add3A_94 = arith.addi %mul3A_61, %add3A_93 : i32
        %mul3A_95 = arith.constant 640 : i32
        %mul3A_96 = arith.muli %add3A_94, %mul3A_95 : i32
        %add3A_97 = arith.addi %mul3A_34, %mul3A_96 : i32
        %dma_start3A_98 = tpu.memref_slice %arg3[%add3A_97] : memref<320000xi32, #tpu.memory_space<hbm>> -> memref<640xi32, #tpu.memory_space<hbm>>
        %dma_start3A_99 = tpu.memref_slice %arg3[%add3A_97] : memref<320000xi32, #tpu.memory_space<hbm>> -> memref<640xi32, #tpu.memory_space<hbm>>
        tpu.enqueue_dma source(%dma_start3A_99 : memref<640xi32, #tpu.memory_space<hbm>>) target(%arg7 : memref<640xi32, #tpu.memory_space<vmem>>) target_semaphore(%arg11 : memref<!tpu.dma_semaphore, #tpu.memory_space<semaphore_mem>>)
        %dma_start3A_100 = tpu.memref_slice %arg2[%mul3A_32, %add3A_97] : memref<128x320000xf32, #tpu.memory_space<hbm>> -> memref<8x640xf32, #tpu.memory_space<hbm>>
        %dma_start3A_101 = tpu.memref_slice %arg2[%mul3A_32, %add3A_97] : memref<128x320000xf32, #tpu.memory_space<hbm>> -> memref<8x640xf32, #tpu.memory_space<hbm>>
        tpu.enqueue_dma source(%dma_start3A_101 : memref<8x640xf32, #tpu.memory_space<hbm>>) target(%arg9 : memref<8x640xf32, #tpu.memory_space<vmem>>) target_semaphore(%arg11 : memref<!tpu.dma_semaphore, #tpu.memory_space<semaphore_mem>>)
      } else {
      }
      %dma_wait3A_84 = tpu.memref_slice %arg3[%mul3A_34] : memref<320000xi32, #tpu.memory_space<hbm>> -> memref<640xi32, #tpu.memory_space<hbm>>
      %dma_wait3A_85 = tpu.memref_slice %arg3[%mul3A_34] : memref<320000xi32, #tpu.memory_space<hbm>> -> memref<640xi32, #tpu.memory_space<hbm>>
      tpu.wait_dma2 semaphore(%arg12 : memref<!tpu.dma_semaphore, #tpu.memory_space<semaphore_mem>>) src(%dma_wait3A_85 : memref<640xi32, #tpu.memory_space<hbm>>) dst(%arg8 : memref<640xi32, #tpu.memory_space<vmem>>)
      %dma_wait3A_86 = tpu.memref_slice %arg2[%mul3A_32, %mul3A_34] : memref<128x320000xf32, #tpu.memory_space<hbm>> -> memref<8x640xf32, #tpu.memory_space<hbm>>
      %dma_wait3A_87 = tpu.memref_slice %arg2[%mul3A_32, %mul3A_34] : memref<128x320000xf32, #tpu.memory_space<hbm>> -> memref<8x640xf32, #tpu.memory_space<hbm>>
      tpu.wait_dma2 semaphore(%arg12 : memref<!tpu.dma_semaphore, #tpu.memory_space<semaphore_mem>>) src(%dma_wait3A_87 : memref<8x640xf32, #tpu.memory_space<hbm>>) dst(%arg10 : memref<8x640xf32, #tpu.memory_space<vmem>>)
      %scan3A_88 = arith.constant 0 : i32
      %scan3A_89 = arith.constant 40 : i32
      %scan3A_90 = arith.addi %scan3A_88, %scan3A_89 : i32
      %scan3A_91 = arith.constant 1 : i32
      scf.for %scan3A_93 = %scan3A_88 to %scan3A_90 step %scan3A_91  : i32 {
        %mul3A_94 = arith.constant 16 : i32
        %mul3A_95 = arith.muli %scan3A_93, %mul3A_94 : i32
        %add3A_96 = arith.constant 0 : i32
        %add3A_97 = arith.addi %add3A_96, %mul3A_95 : i32
        %get3A = arith.index_cast %add3A_97 : i32 to index
        %get3A_98 = tpu.vector_load %arg8[%get3A] {strides = array<i32>} : memref<640xi32, #tpu.memory_space<vmem>>, vector<16xi32>,
        tpu.vector_store_idx %arg6[%get3A_98], %iota3A : memref<10000xi32, #tpu.memory_space<vmem>>[vector<16xi32>], vector<16xi32>,
        %add3A_99 = arith.constant 0 : i32
        %add3A_100 = vector.broadcast %add3A_99 : i32 to vector<16xi32>
        %add3A_101 = arith.addi %get3A_98, %add3A_100 : vector<16xi32>
        %add3A_102 = arith.constant 10000 : i32
        %add3A_103 = vector.broadcast %add3A_102 : i32 to vector<16xi32>
        %add3A_104 = arith.addi %get3A_98, %add3A_103 : vector<16xi32>
        %add3A_105 = arith.constant 20000 : i32
        %add3A_106 = vector.broadcast %add3A_105 : i32 to vector<16xi32>
        %add3A_107 = arith.addi %get3A_98, %add3A_106 : vector<16xi32>
        %add3A_108 = arith.constant 30000 : i32
        %add3A_109 = vector.broadcast %add3A_108 : i32 to vector<16xi32>
        %add3A_110 = arith.addi %get3A_98, %add3A_109 : vector<16xi32>
        %add3A_111 = arith.constant 40000 : i32
        %add3A_112 = vector.broadcast %add3A_111 : i32 to vector<16xi32>
        %add3A_113 = arith.addi %get3A_98, %add3A_112 : vector<16xi32>
        %add3A_114 = arith.constant 50000 : i32
        %add3A_115 = vector.broadcast %add3A_114 : i32 to vector<16xi32>
        %add3A_116 = arith.addi %get3A_98, %add3A_115 : vector<16xi32>
        %add3A_117 = arith.constant 60000 : i32
        %add3A_118 = vector.broadcast %add3A_117 : i32 to vector<16xi32>
        %add3A_119 = arith.addi %get3A_98, %add3A_118 : vector<16xi32>
        %add3A_120 = arith.constant 70000 : i32
        %add3A_121 = vector.broadcast %add3A_120 : i32 to vector<16xi32>
        %add3A_122 = arith.addi %get3A_98, %add3A_121 : vector<16xi32>
        %get3A_123 = arith.constant 0 : i32
        %get3A_124 = arith.index_cast %get3A_123 : i32 to index
        %get3A_125 = arith.index_cast %add3A_97 : i32 to index
        %get3A_126 = tpu.vector_load %arg10[%get3A_124, %get3A_125] {strides = array<i32>} : memref<8x640xf32, #tpu.memory_space<vmem>>, vector<16xf32>,
        %get3A_127 = arith.constant 1 : i32
        %get3A_128 = arith.index_cast %get3A_127 : i32 to index
        %get3A_129 = arith.index_cast %add3A_97 : i32 to index
        %get3A_130 = tpu.vector_load %arg10[%get3A_128, %get3A_129] {strides = array<i32>} : memref<8x640xf32, #tpu.memory_space<vmem>>, vector<16xf32>,
        %get3A_131 = arith.constant 2 : i32
        %get3A_132 = arith.index_cast %get3A_131 : i32 to index
        %get3A_133 = arith.index_cast %add3A_97 : i32 to index
        %get3A_134 = tpu.vector_load %arg10[%get3A_132, %get3A_133] {strides = array<i32>} : memref<8x640xf32, #tpu.memory_space<vmem>>, vector<16xf32>,
        %get3A_135 = arith.constant 3 : i32
        %get3A_136 = arith.index_cast %get3A_135 : i32 to index
        %get3A_137 = arith.index_cast %add3A_97 : i32 to index
        %get3A_138 = tpu.vector_load %arg10[%get3A_136, %get3A_137] {strides = array<i32>} : memref<8x640xf32, #tpu.memory_space<vmem>>, vector<16xf32>,
        %get3A_139 = arith.constant 4 : i32
        %get3A_140 = arith.index_cast %get3A_139 : i32 to index
        %get3A_141 = arith.index_cast %add3A_97 : i32 to index
        %get3A_142 = tpu.vector_load %arg10[%get3A_140, %get3A_141] {strides = array<i32>} : memref<8x640xf32, #tpu.memory_space<vmem>>, vector<16xf32>,
        %get3A_143 = arith.constant 5 : i32
        %get3A_144 = arith.index_cast %get3A_143 : i32 to index
        %get3A_145 = arith.index_cast %add3A_97 : i32 to index
        %get3A_146 = tpu.vector_load %arg10[%get3A_144, %get3A_145] {strides = array<i32>} : memref<8x640xf32, #tpu.memory_space<vmem>>, vector<16xf32>,
        %get3A_147 = arith.constant 6 : i32
        %get3A_148 = arith.index_cast %get3A_147 : i32 to index
        %get3A_149 = arith.index_cast %add3A_97 : i32 to index
        %get3A_150 = tpu.vector_load %arg10[%get3A_148, %get3A_149] {strides = array<i32>} : memref<8x640xf32, #tpu.memory_space<vmem>>, vector<16xf32>,
        %get3A_151 = arith.constant 7 : i32
        %get3A_152 = arith.index_cast %get3A_151 : i32 to index
        %get3A_153 = arith.index_cast %add3A_97 : i32 to index
        %get3A_154 = tpu.vector_load %arg10[%get3A_152, %get3A_153] {strides = array<i32>} : memref<8x640xf32, #tpu.memory_space<vmem>>, vector<16xf32>,
        %gather3A = tpu.vector_load_idx %arg5[%add3A_101] : memref<80000xf32, #tpu.memory_space<vmem>>[vector<16xi32>], vector<16xf32>,
        %gather3A_155 = tpu.vector_load_idx %arg5[%add3A_104] : memref<80000xf32, #tpu.memory_space<vmem>>[vector<16xi32>], vector<16xf32>,
        %gather3A_156 = tpu.vector_load_idx %arg5[%add3A_107] : memref<80000xf32, #tpu.memory_space<vmem>>[vector<16xi32>], vector<16xf32>,
        %gather3A_157 = tpu.vector_load_idx %arg5[%add3A_110] : memref<80000xf32, #tpu.memory_space<vmem>>[vector<16xi32>], vector<16xf32>,
        %gather3A_158 = tpu.vector_load_idx %arg5[%add3A_113] : memref<80000xf32, #tpu.memory_space<vmem>>[vector<16xi32>], vector<16xf32>,
        %gather3A_159 = tpu.vector_load_idx %arg5[%add3A_116] : memref<80000xf32, #tpu.memory_space<vmem>>[vector<16xi32>], vector<16xf32>,
        %gather3A_160 = tpu.vector_load_idx %arg5[%add3A_119] : memref<80000xf32, #tpu.memory_space<vmem>>[vector<16xi32>], vector<16xf32>,
        %gather3A_161 = tpu.vector_load_idx %arg5[%add3A_122] : memref<80000xf32, #tpu.memory_space<vmem>>[vector<16xi32>], vector<16xf32>,
        %gather3A_162 = tpu.vector_load_idx %arg6[%get3A_98] : memref<10000xi32, #tpu.memory_space<vmem>>[vector<16xi32>], vector<16xi32>,
        %max3A = arith.maximumf %gather3A, %get3A_126 : vector<16xf32>
        %max3A_163 = arith.maximumf %gather3A_155, %get3A_130 : vector<16xf32>
        %max3A_164 = arith.maximumf %gather3A_156, %get3A_134 : vector<16xf32>
        %max3A_165 = arith.maximumf %gather3A_157, %get3A_138 : vector<16xf32>
        %max3A_166 = arith.maximumf %gather3A_158, %get3A_142 : vector<16xf32>
        %max3A_167 = arith.maximumf %gather3A_159, %get3A_146 : vector<16xf32>
        %max3A_168 = arith.maximumf %gather3A_160, %get3A_150 : vector<16xf32>
        %max3A_169 = arith.maximumf %gather3A_161, %get3A_154 : vector<16xf32>
        tpu.vector_store_idx %arg5[%add3A_101], %max3A : memref<80000xf32, #tpu.memory_space<vmem>>[vector<16xi32>], vector<16xf32>,
        tpu.vector_store_idx %arg5[%add3A_104], %max3A_163 : memref<80000xf32, #tpu.memory_space<vmem>>[vector<16xi32>], vector<16xf32>,
        tpu.vector_store_idx %arg5[%add3A_107], %max3A_164 : memref<80000xf32, #tpu.memory_space<vmem>>[vector<16xi32>], vector<16xf32>,
        tpu.vector_store_idx %arg5[%add3A_110], %max3A_165 : memref<80000xf32, #tpu.memory_space<vmem>>[vector<16xi32>], vector<16xf32>,
        tpu.vector_store_idx %arg5[%add3A_113], %max3A_166 : memref<80000xf32, #tpu.memory_space<vmem>>[vector<16xi32>], vector<16xf32>,
        tpu.vector_store_idx %arg5[%add3A_116], %max3A_167 : memref<80000xf32, #tpu.memory_space<vmem>>[vector<16xi32>], vector<16xf32>,
        tpu.vector_store_idx %arg5[%add3A_119], %max3A_168 : memref<80000xf32, #tpu.memory_space<vmem>>[vector<16xi32>], vector<16xf32>,
        tpu.vector_store_idx %arg5[%add3A_122], %max3A_169 : memref<80000xf32, #tpu.memory_space<vmem>>[vector<16xi32>], vector<16xf32>,
        %ne3A_170 = arith.cmpi ne, %gather3A_162, %iota3A : vector<16xi32>
        %reduce_or3A = arith.constant 1.000000e+00 : f32
        %reduce_or3A_171 = arith.constant 0.000000e+00 : f32
        %reduce_or3A_172 = vector.broadcast %reduce_or3A : f32 to vector<16xf32>
        %reduce_or3A_173 = vector.broadcast %reduce_or3A_171 : f32 to vector<16xf32>
        %reduce_or3A_174 = arith.select %ne3A_170, %reduce_or3A_172, %reduce_or3A_173 : vector<16xi1>, vector<16xf32>
        %reduce_or3A_175 = arith.constant true
        %reduce_or3A_176 = vector.broadcast %reduce_or3A_175 : i1 to vector<16xi1>
        %reduce_or3A_177 = tpu.scan <max>, %reduce_or3A_174 masked %reduce_or3A_176 : vector<16xf32>, vector<16xi1> -> vector<16xf32>
        %reduce_or3A_178 = vector.extract %reduce_or3A_177[15] : f32 from vector<16xf32>
        %reduce_or3A_179 = arith.constant 0.000000e+00 : f32
        %reduce_or3A_180 = arith.cmpf ogt, %reduce_or3A_178, %reduce_or3A_179 : f32
        %convert_element_type3A_181 = arith.extui %reduce_or3A_180 : i1 to i32
        %cond3A_182 = arith.constant 0 : i32
        %cond3A_183 = arith.cmpi ne, %convert_element_type3A_181, %cond3A_182 : i32
        scf.if %cond3A_183 {
          %gather3A_184 = tpu.vector_load_idx %arg5[%add3A_101] : memref<80000xf32, #tpu.memory_space<vmem>>[vector<16xi32>], vector<16xf32>,
          %gt3A = arith.cmpf ogt, %get3A_126, %gather3A_184 : vector<16xf32>
          tpu.vector_store_idx %arg5[%add3A_101], %get3A_126 masked %gt3A : memref<80000xf32, #tpu.memory_space<vmem>>[vector<16xi32>], vector<16xf32>, vector<16xi1>
          %gather3A_185 = tpu.vector_load_idx %arg5[%add3A_101] : memref<80000xf32, #tpu.memory_space<vmem>>[vector<16xi32>], vector<16xf32>,
          %gt3A_186 = arith.cmpf ogt, %get3A_126, %gather3A_185 : vector<16xf32>
          tpu.vector_store_idx %arg5[%add3A_101], %get3A_126 masked %gt3A_186 : memref<80000xf32, #tpu.memory_space<vmem>>[vector<16xi32>], vector<16xf32>, vector<16xi1>
          %gather3A_187 = tpu.vector_load_idx %arg5[%add3A_101] : memref<80000xf32, #tpu.memory_space<vmem>>[vector<16xi32>], vector<16xf32>,
          %gt3A_188 = arith.cmpf ogt, %get3A_126, %gather3A_187 : vector<16xf32>
          tpu.vector_store_idx %arg5[%add3A_101], %get3A_126 masked %gt3A_188 : memref<80000xf32, #tpu.memory_space<vmem>>[vector<16xi32>], vector<16xf32>, vector<16xi1>
          %gather3A_189 = tpu.vector_load_idx %arg5[%add3A_101] : memref<80000xf32, #tpu.memory_space<vmem>>[vector<16xi32>], vector<16xf32>,
          %gt3A_190 = arith.cmpf ogt, %get3A_126, %gather3A_189 : vector<16xf32>
          tpu.vector_store_idx %arg5[%add3A_101], %get3A_126 masked %gt3A_190 : memref<80000xf32, #tpu.memory_space<vmem>>[vector<16xi32>], vector<16xf32>, vector<16xi1>
          %gather3A_191 = tpu.vector_load_idx %arg5[%add3A_101] : memref<80000xf32, #tpu.memory_space<vmem>>[vector<16xi32>], vector<16xf32>,
          %gt3A_192 = arith.cmpf ogt, %get3A_126, %gather3A_191 : vector<16xf32>
          tpu.vector_store_idx %arg5[%add3A_101], %get3A_126 masked %gt3A_192 : memref<80000xf32, #tpu.memory_space<vmem>>[vector<16xi32>], vector<16xf32>, vector<16xi1>
          %gather3A_193 = tpu.vector_load_idx %arg5[%add3A_101] : memref<80000xf32, #tpu.memory_space<vmem>>[vector<16xi32>], vector<16xf32>,
          %gt3A_194 = arith.cmpf ogt, %get3A_126, %gather3A_193 : vector<16xf32>
          tpu.vector_store_idx %arg5[%add3A_101], %get3A_126 masked %gt3A_194 : memref<80000xf32, #tpu.memory_space<vmem>>[vector<16xi32>], vector<16xf32>, vector<16xi1>
          %gather3A_195 = tpu.vector_load_idx %arg5[%add3A_101] : memref<80000xf32, #tpu.memory_space<vmem>>[vector<16xi32>], vector<16xf32>,
          %gt3A_196 = arith.cmpf ogt, %get3A_126, %gather3A_195 : vector<16xf32>
          tpu.vector_store_idx %arg5[%add3A_101], %get3A_126 masked %gt3A_196 : memref<80000xf32, #tpu.memory_space<vmem>>[vector<16xi32>], vector<16xf32>, vector<16xi1>
          %gather3A_197 = tpu.vector_load_idx %arg5[%add3A_101] : memref<80000xf32, #tpu.memory_space<vmem>>[vector<16xi32>], vector<16xf32>,
          %gt3A_198 = arith.cmpf ogt, %get3A_126, %gather3A_197 : vector<16xf32>
          tpu.vector_store_idx %arg5[%add3A_101], %get3A_126 masked %gt3A_198 : memref<80000xf32, #tpu.memory_space<vmem>>[vector<16xi32>], vector<16xf32>, vector<16xi1>
          %gather3A_199 = tpu.vector_load_idx %arg5[%add3A_101] : memref<80000xf32, #tpu.memory_space<vmem>>[vector<16xi32>], vector<16xf32>,
          %gt3A_200 = arith.cmpf ogt, %get3A_126, %gather3A_199 : vector<16xf32>
          tpu.vector_store_idx %arg5[%add3A_101], %get3A_126 masked %gt3A_200 : memref<80000xf32, #tpu.memory_space<vmem>>[vector<16xi32>], vector<16xf32>, vector<16xi1>
          %gather3A_201 = tpu.vector_load_idx %arg5[%add3A_101] : memref<80000xf32, #tpu.memory_space<vmem>>[vector<16xi32>], vector<16xf32>,
          %gt3A_202 = arith.cmpf ogt, %get3A_126, %gather3A_201 : vector<16xf32>
          tpu.vector_store_idx %arg5[%add3A_101], %get3A_126 masked %gt3A_202 : memref<80000xf32, #tpu.memory_space<vmem>>[vector<16xi32>], vector<16xf32>, vector<16xi1>
          %gather3A_203 = tpu.vector_load_idx %arg5[%add3A_101] : memref<80000xf32, #tpu.memory_space<vmem>>[vector<16xi32>], vector<16xf32>,
          %gt3A_204 = arith.cmpf ogt, %get3A_126, %gather3A_203 : vector<16xf32>
          tpu.vector_store_idx %arg5[%add3A_101], %get3A_126 masked %gt3A_204 : memref<80000xf32, #tpu.memory_space<vmem>>[vector<16xi32>], vector<16xf32>, vector<16xi1>
          %gather3A_205 = tpu.vector_load_idx %arg5[%add3A_101] : memref<80000xf32, #tpu.memory_space<vmem>>[vector<16xi32>], vector<16xf32>,
          %gt3A_206 = arith.cmpf ogt, %get3A_126, %gather3A_205 : vector<16xf32>
          tpu.vector_store_idx %arg5[%add3A_101], %get3A_126 masked %gt3A_206 : memref<80000xf32, #tpu.memory_space<vmem>>[vector<16xi32>], vector<16xf32>, vector<16xi1>
          %gather3A_207 = tpu.vector_load_idx %arg5[%add3A_101] : memref<80000xf32, #tpu.memory_space<vmem>>[vector<16xi32>], vector<16xf32>,
          %gt3A_208 = arith.cmpf ogt, %get3A_126, %gather3A_207 : vector<16xf32>
          tpu.vector_store_idx %arg5[%add3A_101], %get3A_126 masked %gt3A_208 : memref<80000xf32, #tpu.memory_space<vmem>>[vector<16xi32>], vector<16xf32>, vector<16xi1>
          %gather3A_209 = tpu.vector_load_idx %arg5[%add3A_101] : memref<80000xf32, #tpu.memory_space<vmem>>[vector<16xi32>], vector<16xf32>,
          %gt3A_210 = arith.cmpf ogt, %get3A_126, %gather3A_209 : vector<16xf32>
          tpu.vector_store_idx %arg5[%add3A_101], %get3A_126 masked %gt3A_210 : memref<80000xf32, #tpu.memory_space<vmem>>[vector<16xi32>], vector<16xf32>, vector<16xi1>
          %gather3A_211 = tpu.vector_load_idx %arg5[%add3A_101] : memref<80000xf32, #tpu.memory_space<vmem>>[vector<16xi32>], vector<16xf32>,
          %gt3A_212 = arith.cmpf ogt, %get3A_126, %gather3A_211 : vector<16xf32>
          tpu.vector_store_idx %arg5[%add3A_101], %get3A_126 masked %gt3A_212 : memref<80000xf32, #tpu.memory_space<vmem>>[vector<16xi32>], vector<16xf32>, vector<16xi1>
          %gather3A_213 = tpu.vector_load_idx %arg5[%add3A_101] : memref<80000xf32, #tpu.memory_space<vmem>>[vector<16xi32>], vector<16xf32>,
          %gt3A_214 = arith.cmpf ogt, %get3A_126, %gather3A_213 : vector<16xf32>
          tpu.vector_store_idx %arg5[%add3A_101], %get3A_126 masked %gt3A_214 : memref<80000xf32, #tpu.memory_space<vmem>>[vector<16xi32>], vector<16xf32>, vector<16xi1>
          %gather3A_215 = tpu.vector_load_idx %arg5[%add3A_104] : memref<80000xf32, #tpu.memory_space<vmem>>[vector<16xi32>], vector<16xf32>,
          %gt3A_216 = arith.cmpf ogt, %get3A_130, %gather3A_215 : vector<16xf32>
          tpu.vector_store_idx %arg5[%add3A_104], %get3A_130 masked %gt3A_216 : memref<80000xf32, #tpu.memory_space<vmem>>[vector<16xi32>], vector<16xf32>, vector<16xi1>
          %gather3A_217 = tpu.vector_load_idx %arg5[%add3A_104] : memref<80000xf32, #tpu.memory_space<vmem>>[vector<16xi32>], vector<16xf32>,
          %gt3A_218 = arith.cmpf ogt, %get3A_130, %gather3A_217 : vector<16xf32>
          tpu.vector_store_idx %arg5[%add3A_104], %get3A_130 masked %gt3A_218 : memref<80000xf32, #tpu.memory_space<vmem>>[vector<16xi32>], vector<16xf32>, vector<16xi1>
          %gather3A_219 = tpu.vector_load_idx %arg5[%add3A_104] : memref<80000xf32, #tpu.memory_space<vmem>>[vector<16xi32>], vector<16xf32>,
          %gt3A_220 = arith.cmpf ogt, %get3A_130, %gather3A_219 : vector<16xf32>
          tpu.vector_store_idx %arg5[%add3A_104], %get3A_130 masked %gt3A_220 : memref<80000xf32, #tpu.memory_space<vmem>>[vector<16xi32>], vector<16xf32>, vector<16xi1>
          %gather3A_221 = tpu.vector_load_idx %arg5[%add3A_104] : memref<80000xf32, #tpu.memory_space<vmem>>[vector<16xi32>], vector<16xf32>,
          %gt3A_222 = arith.cmpf ogt, %get3A_130, %gather3A_221 : vector<16xf32>
          tpu.vector_store_idx %arg5[%add3A_104], %get3A_130 masked %gt3A_222 : memref<80000xf32, #tpu.memory_space<vmem>>[vector<16xi32>], vector<16xf32>, vector<16xi1>
          %gather3A_223 = tpu.vector_load_idx %arg5[%add3A_104] : memref<80000xf32, #tpu.memory_space<vmem>>[vector<16xi32>], vector<16xf32>,
          %gt3A_224 = arith.cmpf ogt, %get3A_130, %gather3A_223 : vector<16xf32>
          tpu.vector_store_idx %arg5[%add3A_104], %get3A_130 masked %gt3A_224 : memref<80000xf32, #tpu.memory_space<vmem>>[vector<16xi32>], vector<16xf32>, vector<16xi1>
          %gather3A_225 = tpu.vector_load_idx %arg5[%add3A_104] : memref<80000xf32, #tpu.memory_space<vmem>>[vector<16xi32>], vector<16xf32>,
          %gt3A_226 = arith.cmpf ogt, %get3A_130, %gather3A_225 : vector<16xf32>
          tpu.vector_store_idx %arg5[%add3A_104], %get3A_130 masked %gt3A_226 : memref<80000xf32, #tpu.memory_space<vmem>>[vector<16xi32>], vector<16xf32>, vector<16xi1>
          %gather3A_227 = tpu.vector_load_idx %arg5[%add3A_104] : memref<80000xf32, #tpu.memory_space<vmem>>[vector<16xi32>], vector<16xf32>,
          %gt3A_228 = arith.cmpf ogt, %get3A_130, %gather3A_227 : vector<16xf32>
          tpu.vector_store_idx %arg5[%add3A_104], %get3A_130 masked %gt3A_228 : memref<80000xf32, #tpu.memory_space<vmem>>[vector<16xi32>], vector<16xf32>, vector<16xi1>
          %gather3A_229 = tpu.vector_load_idx %arg5[%add3A_104] : memref<80000xf32, #tpu.memory_space<vmem>>[vector<16xi32>], vector<16xf32>,
          %gt3A_230 = arith.cmpf ogt, %get3A_130, %gather3A_229 : vector<16xf32>
          tpu.vector_store_idx %arg5[%add3A_104], %get3A_130 masked %gt3A_230 : memref<80000xf32, #tpu.memory_space<vmem>>[vector<16xi32>], vector<16xf32>, vector<16xi1>
          %gather3A_231 = tpu.vector_load_idx %arg5[%add3A_104] : memref<80000xf32, #tpu.memory_space<vmem>>[vector<16xi32>], vector<16xf32>,
          %gt3A_232 = arith.cmpf ogt, %get3A_130, %gather3A_231 : vector<16xf32>
          tpu.vector_store_idx %arg5[%add3A_104], %get3A_130 masked %gt3A_232 : memref<80000xf32, #tpu.memory_space<vmem>>[vector<16xi32>], vector<16xf32>, vector<16xi1>
          %gather3A_233 = tpu.vector_load_idx %arg5[%add3A_104] : memref<80000xf32, #tpu.memory_space<vmem>>[vector<16xi32>], vector<16xf32>,
          %gt3A_234 = arith.cmpf ogt, %get3A_130, %gather3A_233 : vector<16xf32>
          tpu.vector_store_idx %arg5[%add3A_104], %get3A_130 masked %gt3A_234 : memref<80000xf32, #tpu.memory_space<vmem>>[vector<16xi32>], vector<16xf32>, vector<16xi1>
          %gather3A_235 = tpu.vector_load_idx %arg5[%add3A_104] : memref<80000xf32, #tpu.memory_space<vmem>>[vector<16xi32>], vector<16xf32>,
          %gt3A_236 = arith.cmpf ogt, %get3A_130, %gather3A_235 : vector<16xf32>
          tpu.vector_store_idx %arg5[%add3A_104], %get3A_130 masked %gt3A_236 : memref<80000xf32, #tpu.memory_space<vmem>>[vector<16xi32>], vector<16xf32>, vector<16xi1>
          %gather3A_237 = tpu.vector_load_idx %arg5[%add3A_104] : memref<80000xf32, #tpu.memory_space<vmem>>[vector<16xi32>], vector<16xf32>,
          %gt3A_238 = arith.cmpf ogt, %get3A_130, %gather3A_237 : vector<16xf32>
          tpu.vector_store_idx %arg5[%add3A_104], %get3A_130 masked %gt3A_238 : memref<80000xf32, #tpu.memory_space<vmem>>[vector<16xi32>], vector<16xf32>, vector<16xi1>
          %gather3A_239 = tpu.vector_load_idx %arg5[%add3A_104] : memref<80000xf32, #tpu.memory_space<vmem>>[vector<16xi32>], vector<16xf32>,
          %gt3A_240 = arith.cmpf ogt, %get3A_130, %gather3A_239 : vector<16xf32>
          tpu.vector_store_idx %arg5[%add3A_104], %get3A_130 masked %gt3A_240 : memref<80000xf32, #tpu.memory_space<vmem>>[vector<16xi32>], vector<16xf32>, vector<16xi1>
          %gather3A_241 = tpu.vector_load_idx %arg5[%add3A_104] : memref<80000xf32, #tpu.memory_space<vmem>>[vector<16xi32>], vector<16xf32>,
          %gt3A_242 = arith.cmpf ogt, %get3A_130, %gather3A_241 : vector<16xf32>
          tpu.vector_store_idx %arg5[%add3A_104], %get3A_130 masked %gt3A_242 : memref<80000xf32, #tpu.memory_space<vmem>>[vector<16xi32>], vector<16xf32>, vector<16xi1>
          %gather3A_243 = tpu.vector_load_idx %arg5[%add3A_104] : memref<80000xf32, #tpu.memory_space<vmem>>[vector<16xi32>], vector<16xf32>,
          %gt3A_244 = arith.cmpf ogt, %get3A_130, %gather3A_243 : vector<16xf32>
          tpu.vector_store_idx %arg5[%add3A_104], %get3A_130 masked %gt3A_244 : memref<80000xf32, #tpu.memory_space<vmem>>[vector<16xi32>], vector<16xf32>, vector<16xi1>
          %gather3A_245 = tpu.vector_load_idx %arg5[%add3A_104] : memref<80000xf32, #tpu.memory_space<vmem>>[vector<16xi32>], vector<16xf32>,
          %gt3A_246 = arith.cmpf ogt, %get3A_130, %gather3A_245 : vector<16xf32>
          tpu.vector_store_idx %arg5[%add3A_104], %get3A_130 masked %gt3A_246 : memref<80000xf32, #tpu.memory_space<vmem>>[vector<16xi32>], vector<16xf32>, vector<16xi1>
          %gather3A_247 = tpu.vector_load_idx %arg5[%add3A_107] : memref<80000xf32, #tpu.memory_space<vmem>>[vector<16xi32>], vector<16xf32>,
          %gt3A_248 = arith.cmpf ogt, %get3A_134, %gather3A_247 : vector<16xf32>
          tpu.vector_store_idx %arg5[%add3A_107], %get3A_134 masked %gt3A_248 : memref<80000xf32, #tpu.memory_space<vmem>>[vector<16xi32>], vector<16xf32>, vector<16xi1>
          %gather3A_249 = tpu.vector_load_idx %arg5[%add3A_107] : memref<80000xf32, #tpu.memory_space<vmem>>[vector<16xi32>], vector<16xf32>,
          %gt3A_250 = arith.cmpf ogt, %get3A_134, %gather3A_249 : vector<16xf32>
          tpu.vector_store_idx %arg5[%add3A_107], %get3A_134 masked %gt3A_250 : memref<80000xf32, #tpu.memory_space<vmem>>[vector<16xi32>], vector<16xf32>, vector<16xi1>
          %gather3A_251 = tpu.vector_load_idx %arg5[%add3A_107] : memref<80000xf32, #tpu.memory_space<vmem>>[vector<16xi32>], vector<16xf32>,
          %gt3A_252 = arith.cmpf ogt, %get3A_134, %gather3A_251 : vector<16xf32>
          tpu.vector_store_idx %arg5[%add3A_107], %get3A_134 masked %gt3A_252 : memref<80000xf32, #tpu.memory_space<vmem>>[vector<16xi32>], vector<16xf32>, vector<16xi1>
          %gather3A_253 = tpu.vector_load_idx %arg5[%add3A_107] : memref<80000xf32, #tpu.memory_space<vmem>>[vector<16xi32>], vector<16xf32>,
          %gt3A_254 = arith.cmpf ogt, %get3A_134, %gather3A_253 : vector<16xf32>
          tpu.vector_store_idx %arg5[%add3A_107], %get3A_134 masked %gt3A_254 : memref<80000xf32, #tpu.memory_space<vmem>>[vector<16xi32>], vector<16xf32>, vector<16xi1>
          %gather3A_255 = tpu.vector_load_idx %arg5[%add3A_107] : memref<80000xf32, #tpu.memory_space<vmem>>[vector<16xi32>], vector<16xf32>,
          %gt3A_256 = arith.cmpf ogt, %get3A_134, %gather3A_255 : vector<16xf32>
          tpu.vector_store_idx %arg5[%add3A_107], %get3A_134 masked %gt3A_256 : memref<80000xf32, #tpu.memory_space<vmem>>[vector<16xi32>], vector<16xf32>, vector<16xi1>
          %gather3A_257 = tpu.vector_load_idx %arg5[%add3A_107] : memref<80000xf32, #tpu.memory_space<vmem>>[vector<16xi32>], vector<16xf32>,
          %gt3A_258 = arith.cmpf ogt, %get3A_134, %gather3A_257 : vector<16xf32>
          tpu.vector_store_idx %arg5[%add3A_107], %get3A_134 masked %gt3A_258 : memref<80000xf32, #tpu.memory_space<vmem>>[vector<16xi32>], vector<16xf32>, vector<16xi1>
          %gather3A_259 = tpu.vector_load_idx %arg5[%add3A_107] : memref<80000xf32, #tpu.memory_space<vmem>>[vector<16xi32>], vector<16xf32>,
          %gt3A_260 = arith.cmpf ogt, %get3A_134, %gather3A_259 : vector<16xf32>
          tpu.vector_store_idx %arg5[%add3A_107], %get3A_134 masked %gt3A_260 : memref<80000xf32, #tpu.memory_space<vmem>>[vector<16xi32>], vector<16xf32>, vector<16xi1>
          %gather3A_261 = tpu.vector_load_idx %arg5[%add3A_107] : memref<80000xf32, #tpu.memory_space<vmem>>[vector<16xi32>], vector<16xf32>,
          %gt3A_262 = arith.cmpf ogt, %get3A_134, %gather3A_261 : vector<16xf32>
          tpu.vector_store_idx %arg5[%add3A_107], %get3A_134 masked %gt3A_262 : memref<80000xf32, #tpu.memory_space<vmem>>[vector<16xi32>], vector<16xf32>, vector<16xi1>
          %gather3A_263 = tpu.vector_load_idx %arg5[%add3A_107] : memref<80000xf32, #tpu.memory_space<vmem>>[vector<16xi32>], vector<16xf32>,
          %gt3A_264 = arith.cmpf ogt, %get3A_134, %gather3A_263 : vector<16xf32>
          tpu.vector_store_idx %arg5[%add3A_107], %get3A_134 masked %gt3A_264 : memref<80000xf32, #tpu.memory_space<vmem>>[vector<16xi32>], vector<16xf32>, vector<16xi1>
          %gather3A_265 = tpu.vector_load_idx %arg5[%add3A_107] : memref<80000xf32, #tpu.memory_space<vmem>>[vector<16xi32>], vector<16xf32>,
          %gt3A_266 = arith.cmpf ogt, %get3A_134, %gather3A_265 : vector<16xf32>
          tpu.vector_store_idx %arg5[%add3A_107], %get3A_134 masked %gt3A_266 : memref<80000xf32, #tpu.memory_space<vmem>>[vector<16xi32>], vector<16xf32>, vector<16xi1>
          %gather3A_267 = tpu.vector_load_idx %arg5[%add3A_107] : memref<80000xf32, #tpu.memory_space<vmem>>[vector<16xi32>], vector<16xf32>,
          %gt3A_268 = arith.cmpf ogt, %get3A_134, %gather3A_267 : vector<16xf32>
          tpu.vector_store_idx %arg5[%add3A_107], %get3A_134 masked %gt3A_268 : memref<80000xf32, #tpu.memory_space<vmem>>[vector<16xi32>], vector<16xf32>, vector<16xi1>
          %gather3A_269 = tpu.vector_load_idx %arg5[%add3A_107] : memref<80000xf32, #tpu.memory_space<vmem>>[vector<16xi32>], vector<16xf32>,
          %gt3A_270 = arith.cmpf ogt, %get3A_134, %gather3A_269 : vector<16xf32>
          tpu.vector_store_idx %arg5[%add3A_107], %get3A_134 masked %gt3A_270 : memref<80000xf32, #tpu.memory_space<vmem>>[vector<16xi32>], vector<16xf32>, vector<16xi1>
          %gather3A_271 = tpu.vector_load_idx %arg5[%add3A_107] : memref<80000xf32, #tpu.memory_space<vmem>>[vector<16xi32>], vector<16xf32>,
          %gt3A_272 = arith.cmpf ogt, %get3A_134, %gather3A_271 : vector<16xf32>
          tpu.vector_store_idx %arg5[%add3A_107], %get3A_134 masked %gt3A_272 : memref<80000xf32, #tpu.memory_space<vmem>>[vector<16xi32>], vector<16xf32>, vector<16xi1>
          %gather3A_273 = tpu.vector_load_idx %arg5[%add3A_107] : memref<80000xf32, #tpu.memory_space<vmem>>[vector<16xi32>], vector<16xf32>,
          %gt3A_274 = arith.cmpf ogt, %get3A_134, %gather3A_273 : vector<16xf32>
          tpu.vector_store_idx %arg5[%add3A_107], %get3A_134 masked %gt3A_274 : memref<80000xf32, #tpu.memory_space<vmem>>[vector<16xi32>], vector<16xf32>, vector<16xi1>
          %gather3A_275 = tpu.vector_load_idx %arg5[%add3A_107] : memref<80000xf32, #tpu.memory_space<vmem>>[vector<16xi32>], vector<16xf32>,
          %gt3A_276 = arith.cmpf ogt, %get3A_134, %gather3A_275 : vector<16xf32>
          tpu.vector_store_idx %arg5[%add3A_107], %get3A_134 masked %gt3A_276 : memref<80000xf32, #tpu.memory_space<vmem>>[vector<16xi32>], vector<16xf32>, vector<16xi1>
          %gather3A_277 = tpu.vector_load_idx %arg5[%add3A_107] : memref<80000xf32, #tpu.memory_space<vmem>>[vector<16xi32>], vector<16xf32>,
          %gt3A_278 = arith.cmpf ogt, %get3A_134, %gather3A_277 : vector<16xf32>
          tpu.vector_store_idx %arg5[%add3A_107], %get3A_134 masked %gt3A_278 : memref<80000xf32, #tpu.memory_space<vmem>>[vector<16xi32>], vector<16xf32>, vector<16xi1>
          %gather3A_279 = tpu.vector_load_idx %arg5[%add3A_110] : memref<80000xf32, #tpu.memory_space<vmem>>[vector<16xi32>], vector<16xf32>,
          %gt3A_280 = arith.cmpf ogt, %get3A_138, %gather3A_279 : vector<16xf32>
          tpu.vector_store_idx %arg5[%add3A_110], %get3A_138 masked %gt3A_280 : memref<80000xf32, #tpu.memory_space<vmem>>[vector<16xi32>], vector<16xf32>, vector<16xi1>
          %gather3A_281 = tpu.vector_load_idx %arg5[%add3A_110] : memref<80000xf32, #tpu.memory_space<vmem>>[vector<16xi32>], vector<16xf32>,
          %gt3A_282 = arith.cmpf ogt, %get3A_138, %gather3A_281 : vector<16xf32>
          tpu.vector_store_idx %arg5[%add3A_110], %get3A_138 masked %gt3A_282 : memref<80000xf32, #tpu.memory_space<vmem>>[vector<16xi32>], vector<16xf32>, vector<16xi1>
          %gather3A_283 = tpu.vector_load_idx %arg5[%add3A_110] : memref<80000xf32, #tpu.memory_space<vmem>>[vector<16xi32>], vector<16xf32>,
          %gt3A_284 = arith.cmpf ogt, %get3A_138, %gather3A_283 : vector<16xf32>
          tpu.vector_store_idx %arg5[%add3A_110], %get3A_138 masked %gt3A_284 : memref<80000xf32, #tpu.memory_space<vmem>>[vector<16xi32>], vector<16xf32>, vector<16xi1>
          %gather3A_285 = tpu.vector_load_idx %arg5[%add3A_110] : memref<80000xf32, #tpu.memory_space<vmem>>[vector<16xi32>], vector<16xf32>,
          %gt3A_286 = arith.cmpf ogt, %get3A_138, %gather3A_285 : vector<16xf32>
          tpu.vector_store_idx %arg5[%add3A_110], %get3A_138 masked %gt3A_286 : memref<80000xf32, #tpu.memory_space<vmem>>[vector<16xi32>], vector<16xf32>, vector<16xi1>
          %gather3A_287 = tpu.vector_load_idx %arg5[%add3A_110] : memref<80000xf32, #tpu.memory_space<vmem>>[vector<16xi32>], vector<16xf32>,
          %gt3A_288 = arith.cmpf ogt, %get3A_138, %gather3A_287 : vector<16xf32>
          tpu.vector_store_idx %arg5[%add3A_110], %get3A_138 masked %gt3A_288 : memref<80000xf32, #tpu.memory_space<vmem>>[vector<16xi32>], vector<16xf32>, vector<16xi1>
          %gather3A_289 = tpu.vector_load_idx %arg5[%add3A_110] : memref<80000xf32, #tpu.memory_space<vmem>>[vector<16xi32>], vector<16xf32>,
          %gt3A_290 = arith.cmpf ogt, %get3A_138, %gather3A_289 : vector<16xf32>
          tpu.vector_store_idx %arg5[%add3A_110], %get3A_138 masked %gt3A_290 : memref<80000xf32, #tpu.memory_space<vmem>>[vector<16xi32>], vector<16xf32>, vector<16xi1>
          %gather3A_291 = tpu.vector_load_idx %arg5[%add3A_110] : memref<80000xf32, #tpu.memory_space<vmem>>[vector<16xi32>], vector<16xf32>,
          %gt3A_292 = arith.cmpf ogt, %get3A_138, %gather3A_291 : vector<16xf32>
          tpu.vector_store_idx %arg5[%add3A_110], %get3A_138 masked %gt3A_292 : memref<80000xf32, #tpu.memory_space<vmem>>[vector<16xi32>], vector<16xf32>, vector<16xi1>
          %gather3A_293 = tpu.vector_load_idx %arg5[%add3A_110] : memref<80000xf32, #tpu.memory_space<vmem>>[vector<16xi32>], vector<16xf32>,
          %gt3A_294 = arith.cmpf ogt, %get3A_138, %gather3A_293 : vector<16xf32>
          tpu.vector_store_idx %arg5[%add3A_110], %get3A_138 masked %gt3A_294 : memref<80000xf32, #tpu.memory_space<vmem>>[vector<16xi32>], vector<16xf32>, vector<16xi1>
          %gather3A_295 = tpu.vector_load_idx %arg5[%add3A_110] : memref<80000xf32, #tpu.memory_space<vmem>>[vector<16xi32>], vector<16xf32>,
          %gt3A_296 = arith.cmpf ogt, %get3A_138, %gather3A_295 : vector<16xf32>
          tpu.vector_store_idx %arg5[%add3A_110], %get3A_138 masked %gt3A_296 : memref<80000xf32, #tpu.memory_space<vmem>>[vector<16xi32>], vector<16xf32>, vector<16xi1>
          %gather3A_297 = tpu.vector_load_idx %arg5[%add3A_110] : memref<80000xf32, #tpu.memory_space<vmem>>[vector<16xi32>], vector<16xf32>,
          %gt3A_298 = arith.cmpf ogt, %get3A_138, %gather3A_297 : vector<16xf32>
          tpu.vector_store_idx %arg5[%add3A_110], %get3A_138 masked %gt3A_298 : memref<80000xf32, #tpu.memory_space<vmem>>[vector<16xi32>], vector<16xf32>, vector<16xi1>
          %gather3A_299 = tpu.vector_load_idx %arg5[%add3A_110] : memref<80000xf32, #tpu.memory_space<vmem>>[vector<16xi32>], vector<16xf32>,
          %gt3A_300 = arith.cmpf ogt, %get3A_138, %gather3A_299 : vector<16xf32>
          tpu.vector_store_idx %arg5[%add3A_110], %get3A_138 masked %gt3A_300 : memref<80000xf32, #tpu.memory_space<vmem>>[vector<16xi32>], vector<16xf32>, vector<16xi1>
          %gather3A_301 = tpu.vector_load_idx %arg5[%add3A_110] : memref<80000xf32, #tpu.memory_space<vmem>>[vector<16xi32>], vector<16xf32>,
          %gt3A_302 = arith.cmpf ogt, %get3A_138, %gather3A_301 : vector<16xf32>
          tpu.vector_store_idx %arg5[%add3A_110], %get3A_138 masked %gt3A_302 : memref<80000xf32, #tpu.memory_space<vmem>>[vector<16xi32>], vector<16xf32>, vector<16xi1>
          %gather3A_303 = tpu.vector_load_idx %arg5[%add3A_110] : memref<80000xf32, #tpu.memory_space<vmem>>[vector<16xi32>], vector<16xf32>,
          %gt3A_304 = arith.cmpf ogt, %get3A_138, %gather3A_303 : vector<16xf32>
          tpu.vector_store_idx %arg5[%add3A_110], %get3A_138 masked %gt3A_304 : memref<80000xf32, #tpu.memory_space<vmem>>[vector<16xi32>], vector<16xf32>, vector<16xi1>
          %gather3A_305 = tpu.vector_load_idx %arg5[%add3A_110] : memref<80000xf32, #tpu.memory_space<vmem>>[vector<16xi32>], vector<16xf32>,
          %gt3A_306 = arith.cmpf ogt, %get3A_138, %gather3A_305 : vector<16xf32>
          tpu.vector_store_idx %arg5[%add3A_110], %get3A_138 masked %gt3A_306 : memref<80000xf32, #tpu.memory_space<vmem>>[vector<16xi32>], vector<16xf32>, vector<16xi1>
          %gather3A_307 = tpu.vector_load_idx %arg5[%add3A_110] : memref<80000xf32, #tpu.memory_space<vmem>>[vector<16xi32>], vector<16xf32>,
          %gt3A_308 = arith.cmpf ogt, %get3A_138, %gather3A_307 : vector<16xf32>
          tpu.vector_store_idx %arg5[%add3A_110], %get3A_138 masked %gt3A_308 : memref<80000xf32, #tpu.memory_space<vmem>>[vector<16xi32>], vector<16xf32>, vector<16xi1>
          %gather3A_309 = tpu.vector_load_idx %arg5[%add3A_110] : memref<80000xf32, #tpu.memory_space<vmem>>[vector<16xi32>], vector<16xf32>,
          %gt3A_310 = arith.cmpf ogt, %get3A_138, %gather3A_309 : vector<16xf32>
          tpu.vector_store_idx %arg5[%add3A_110], %get3A_138 masked %gt3A_310 : memref<80000xf32, #tpu.memory_space<vmem>>[vector<16xi32>], vector<16xf32>, vector<16xi1>
          %gather3A_311 = tpu.vector_load_idx %arg5[%add3A_113] : memref<80000xf32, #tpu.memory_space<vmem>>[vector<16xi32>], vector<16xf32>,
          %gt3A_312 = arith.cmpf ogt, %get3A_142, %gather3A_311 : vector<16xf32>
          tpu.vector_store_idx %arg5[%add3A_113], %get3A_142 masked %gt3A_312 : memref<80000xf32, #tpu.memory_space<vmem>>[vector<16xi32>], vector<16xf32>, vector<16xi1>
          %gather3A_313 = tpu.vector_load_idx %arg5[%add3A_113] : memref<80000xf32, #tpu.memory_space<vmem>>[vector<16xi32>], vector<16xf32>,
          %gt3A_314 = arith.cmpf ogt, %get3A_142, %gather3A_313 : vector<16xf32>
          tpu.vector_store_idx %arg5[%add3A_113], %get3A_142 masked %gt3A_314 : memref<80000xf32, #tpu.memory_space<vmem>>[vector<16xi32>], vector<16xf32>, vector<16xi1>
          %gather3A_315 = tpu.vector_load_idx %arg5[%add3A_113] : memref<80000xf32, #tpu.memory_space<vmem>>[vector<16xi32>], vector<16xf32>,
          %gt3A_316 = arith.cmpf ogt, %get3A_142, %gather3A_315 : vector<16xf32>
          tpu.vector_store_idx %arg5[%add3A_113], %get3A_142 masked %gt3A_316 : memref<80000xf32, #tpu.memory_space<vmem>>[vector<16xi32>], vector<16xf32>, vector<16xi1>
          %gather3A_317 = tpu.vector_load_idx %arg5[%add3A_113] : memref<80000xf32, #tpu.memory_space<vmem>>[vector<16xi32>], vector<16xf32>,
          %gt3A_318 = arith.cmpf ogt, %get3A_142, %gather3A_317 : vector<16xf32>
          tpu.vector_store_idx %arg5[%add3A_113], %get3A_142 masked %gt3A_318 : memref<80000xf32, #tpu.memory_space<vmem>>[vector<16xi32>], vector<16xf32>, vector<16xi1>
          %gather3A_319 = tpu.vector_load_idx %arg5[%add3A_113] : memref<80000xf32, #tpu.memory_space<vmem>>[vector<16xi32>], vector<16xf32>,
          %gt3A_320 = arith.cmpf ogt, %get3A_142, %gather3A_319 : vector<16xf32>
          tpu.vector_store_idx %arg5[%add3A_113], %get3A_142 masked %gt3A_320 : memref<80000xf32, #tpu.memory_space<vmem>>[vector<16xi32>], vector<16xf32>, vector<16xi1>
          %gather3A_321 = tpu.vector_load_idx %arg5[%add3A_113] : memref<80000xf32, #tpu.memory_space<vmem>>[vector<16xi32>], vector<16xf32>,
          %gt3A_322 = arith.cmpf ogt, %get3A_142, %gather3A_321 : vector<16xf32>
          tpu.vector_store_idx %arg5[%add3A_113], %get3A_142 masked %gt3A_322 : memref<80000xf32, #tpu.memory_space<vmem>>[vector<16xi32>], vector<16xf32>, vector<16xi1>
          %gather3A_323 = tpu.vector_load_idx %arg5[%add3A_113] : memref<80000xf32, #tpu.memory_space<vmem>>[vector<16xi32>], vector<16xf32>,
          %gt3A_324 = arith.cmpf ogt, %get3A_142, %gather3A_323 : vector<16xf32>
          tpu.vector_store_idx %arg5[%add3A_113], %get3A_142 masked %gt3A_324 : memref<80000xf32, #tpu.memory_space<vmem>>[vector<16xi32>], vector<16xf32>, vector<16xi1>
          %gather3A_325 = tpu.vector_load_idx %arg5[%add3A_113] : memref<80000xf32, #tpu.memory_space<vmem>>[vector<16xi32>], vector<16xf32>,
          %gt3A_326 = arith.cmpf ogt, %get3A_142, %gather3A_325 : vector<16xf32>
          tpu.vector_store_idx %arg5[%add3A_113], %get3A_142 masked %gt3A_326 : memref<80000xf32, #tpu.memory_space<vmem>>[vector<16xi32>], vector<16xf32>, vector<16xi1>
          %gather3A_327 = tpu.vector_load_idx %arg5[%add3A_113] : memref<80000xf32, #tpu.memory_space<vmem>>[vector<16xi32>], vector<16xf32>,
          %gt3A_328 = arith.cmpf ogt, %get3A_142, %gather3A_327 : vector<16xf32>
          tpu.vector_store_idx %arg5[%add3A_113], %get3A_142 masked %gt3A_328 : memref<80000xf32, #tpu.memory_space<vmem>>[vector<16xi32>], vector<16xf32>, vector<16xi1>
          %gather3A_329 = tpu.vector_load_idx %arg5[%add3A_113] : memref<80000xf32, #tpu.memory_space<vmem>>[vector<16xi32>], vector<16xf32>,
          %gt3A_330 = arith.cmpf ogt, %get3A_142, %gather3A_329 : vector<16xf32>
          tpu.vector_store_idx %arg5[%add3A_113], %get3A_142 masked %gt3A_330 : memref<80000xf32, #tpu.memory_space<vmem>>[vector<16xi32>], vector<16xf32>, vector<16xi1>
          %gather3A_331 = tpu.vector_load_idx %arg5[%add3A_113] : memref<80000xf32, #tpu.memory_space<vmem>>[vector<16xi32>], vector<16xf32>,
          %gt3A_332 = arith.cmpf ogt, %get3A_142, %gather3A_331 : vector<16xf32>
          tpu.vector_store_idx %arg5[%add3A_113], %get3A_142 masked %gt3A_332 : memref<80000xf32, #tpu.memory_space<vmem>>[vector<16xi32>], vector<16xf32>, vector<16xi1>
          %gather3A_333 = tpu.vector_load_idx %arg5[%add3A_113] : memref<80000xf32, #tpu.memory_space<vmem>>[vector<16xi32>], vector<16xf32>,
          %gt3A_334 = arith.cmpf ogt, %get3A_142, %gather3A_333 : vector<16xf32>
          tpu.vector_store_idx %arg5[%add3A_113], %get3A_142 masked %gt3A_334 : memref<80000xf32, #tpu.memory_space<vmem>>[vector<16xi32>], vector<16xf32>, vector<16xi1>
          %gather3A_335 = tpu.vector_load_idx %arg5[%add3A_113] : memref<80000xf32, #tpu.memory_space<vmem>>[vector<16xi32>], vector<16xf32>,
          %gt3A_336 = arith.cmpf ogt, %get3A_142, %gather3A_335 : vector<16xf32>
          tpu.vector_store_idx %arg5[%add3A_113], %get3A_142 masked %gt3A_336 : memref<80000xf32, #tpu.memory_space<vmem>>[vector<16xi32>], vector<16xf32>, vector<16xi1>
          %gather3A_337 = tpu.vector_load_idx %arg5[%add3A_113] : memref<80000xf32, #tpu.memory_space<vmem>>[vector<16xi32>], vector<16xf32>,
          %gt3A_338 = arith.cmpf ogt, %get3A_142, %gather3A_337 : vector<16xf32>
          tpu.vector_store_idx %arg5[%add3A_113], %get3A_142 masked %gt3A_338 : memref<80000xf32, #tpu.memory_space<vmem>>[vector<16xi32>], vector<16xf32>, vector<16xi1>
          %gather3A_339 = tpu.vector_load_idx %arg5[%add3A_113] : memref<80000xf32, #tpu.memory_space<vmem>>[vector<16xi32>], vector<16xf32>,
          %gt3A_340 = arith.cmpf ogt, %get3A_142, %gather3A_339 : vector<16xf32>
          tpu.vector_store_idx %arg5[%add3A_113], %get3A_142 masked %gt3A_340 : memref<80000xf32, #tpu.memory_space<vmem>>[vector<16xi32>], vector<16xf32>, vector<16xi1>
          %gather3A_341 = tpu.vector_load_idx %arg5[%add3A_113] : memref<80000xf32, #tpu.memory_space<vmem>>[vector<16xi32>], vector<16xf32>,
          %gt3A_342 = arith.cmpf ogt, %get3A_142, %gather3A_341 : vector<16xf32>
          tpu.vector_store_idx %arg5[%add3A_113], %get3A_142 masked %gt3A_342 : memref<80000xf32, #tpu.memory_space<vmem>>[vector<16xi32>], vector<16xf32>, vector<16xi1>
          %gather3A_343 = tpu.vector_load_idx %arg5[%add3A_116] : memref<80000xf32, #tpu.memory_space<vmem>>[vector<16xi32>], vector<16xf32>,
          %gt3A_344 = arith.cmpf ogt, %get3A_146, %gather3A_343 : vector<16xf32>
          tpu.vector_store_idx %arg5[%add3A_116], %get3A_146 masked %gt3A_344 : memref<80000xf32, #tpu.memory_space<vmem>>[vector<16xi32>], vector<16xf32>, vector<16xi1>
          %gather3A_345 = tpu.vector_load_idx %arg5[%add3A_116] : memref<80000xf32, #tpu.memory_space<vmem>>[vector<16xi32>], vector<16xf32>,
          %gt3A_346 = arith.cmpf ogt, %get3A_146, %gather3A_345 : vector<16xf32>
          tpu.vector_store_idx %arg5[%add3A_116], %get3A_146 masked %gt3A_346 : memref<80000xf32, #tpu.memory_space<vmem>>[vector<16xi32>], vector<16xf32>, vector<16xi1>
          %gather3A_347 = tpu.vector_load_idx %arg5[%add3A_116] : memref<80000xf32, #tpu.memory_space<vmem>>[vector<16xi32>], vector<16xf32>,
          %gt3A_348 = arith.cmpf ogt, %get3A_146, %gather3A_347 : vector<16xf32>
          tpu.vector_store_idx %arg5[%add3A_116], %get3A_146 masked %gt3A_348 : memref<80000xf32, #tpu.memory_space<vmem>>[vector<16xi32>], vector<16xf32>, vector<16xi1>
          %gather3A_349 = tpu.vector_load_idx %arg5[%add3A_116] : memref<80000xf32, #tpu.memory_space<vmem>>[vector<16xi32>], vector<16xf32>,
          %gt3A_350 = arith.cmpf ogt, %get3A_146, %gather3A_349 : vector<16xf32>
          tpu.vector_store_idx %arg5[%add3A_116], %get3A_146 masked %gt3A_350 : memref<80000xf32, #tpu.memory_space<vmem>>[vector<16xi32>], vector<16xf32>, vector<16xi1>
          %gather3A_351 = tpu.vector_load_idx %arg5[%add3A_116] : memref<80000xf32, #tpu.memory_space<vmem>>[vector<16xi32>], vector<16xf32>,
          %gt3A_352 = arith.cmpf ogt, %get3A_146, %gather3A_351 : vector<16xf32>
          tpu.vector_store_idx %arg5[%add3A_116], %get3A_146 masked %gt3A_352 : memref<80000xf32, #tpu.memory_space<vmem>>[vector<16xi32>], vector<16xf32>, vector<16xi1>
          %gather3A_353 = tpu.vector_load_idx %arg5[%add3A_116] : memref<80000xf32, #tpu.memory_space<vmem>>[vector<16xi32>], vector<16xf32>,
          %gt3A_354 = arith.cmpf ogt, %get3A_146, %gather3A_353 : vector<16xf32>
          tpu.vector_store_idx %arg5[%add3A_116], %get3A_146 masked %gt3A_354 : memref<80000xf32, #tpu.memory_space<vmem>>[vector<16xi32>], vector<16xf32>, vector<16xi1>
          %gather3A_355 = tpu.vector_load_idx %arg5[%add3A_116] : memref<80000xf32, #tpu.memory_space<vmem>>[vector<16xi32>], vector<16xf32>,
          %gt3A_356 = arith.cmpf ogt, %get3A_146, %gather3A_355 : vector<16xf32>
          tpu.vector_store_idx %arg5[%add3A_116], %get3A_146 masked %gt3A_356 : memref<80000xf32, #tpu.memory_space<vmem>>[vector<16xi32>], vector<16xf32>, vector<16xi1>
          %gather3A_357 = tpu.vector_load_idx %arg5[%add3A_116] : memref<80000xf32, #tpu.memory_space<vmem>>[vector<16xi32>], vector<16xf32>,
          %gt3A_358 = arith.cmpf ogt, %get3A_146, %gather3A_357 : vector<16xf32>
          tpu.vector_store_idx %arg5[%add3A_116], %get3A_146 masked %gt3A_358 : memref<80000xf32, #tpu.memory_space<vmem>>[vector<16xi32>], vector<16xf32>, vector<16xi1>
          %gather3A_359 = tpu.vector_load_idx %arg5[%add3A_116] : memref<80000xf32, #tpu.memory_space<vmem>>[vector<16xi32>], vector<16xf32>,
          %gt3A_360 = arith.cmpf ogt, %get3A_146, %gather3A_359 : vector<16xf32>
          tpu.vector_store_idx %arg5[%add3A_116], %get3A_146 masked %gt3A_360 : memref<80000xf32, #tpu.memory_space<vmem>>[vector<16xi32>], vector<16xf32>, vector<16xi1>
          %gather3A_361 = tpu.vector_load_idx %arg5[%add3A_116] : memref<80000xf32, #tpu.memory_space<vmem>>[vector<16xi32>], vector<16xf32>,
          %gt3A_362 = arith.cmpf ogt, %get3A_146, %gather3A_361 : vector<16xf32>
          tpu.vector_store_idx %arg5[%add3A_116], %get3A_146 masked %gt3A_362 : memref<80000xf32, #tpu.memory_space<vmem>>[vector<16xi32>], vector<16xf32>, vector<16xi1>
          %gather3A_363 = tpu.vector_load_idx %arg5[%add3A_116] : memref<80000xf32, #tpu.memory_space<vmem>>[vector<16xi32>], vector<16xf32>,
          %gt3A_364 = arith.cmpf ogt, %get3A_146, %gather3A_363 : vector<16xf32>
          tpu.vector_store_idx %arg5[%add3A_116], %get3A_146 masked %gt3A_364 : memref<80000xf32, #tpu.memory_space<vmem>>[vector<16xi32>], vector<16xf32>, vector<16xi1>
          %gather3A_365 = tpu.vector_load_idx %arg5[%add3A_116] : memref<80000xf32, #tpu.memory_space<vmem>>[vector<16xi32>], vector<16xf32>,
          %gt3A_366 = arith.cmpf ogt, %get3A_146, %gather3A_365 : vector<16xf32>
          tpu.vector_store_idx %arg5[%add3A_116], %get3A_146 masked %gt3A_366 : memref<80000xf32, #tpu.memory_space<vmem>>[vector<16xi32>], vector<16xf32>, vector<16xi1>
          %gather3A_367 = tpu.vector_load_idx %arg5[%add3A_116] : memref<80000xf32, #tpu.memory_space<vmem>>[vector<16xi32>], vector<16xf32>,
          %gt3A_368 = arith.cmpf ogt, %get3A_146, %gather3A_367 : vector<16xf32>
          tpu.vector_store_idx %arg5[%add3A_116], %get3A_146 masked %gt3A_368 : memref<80000xf32, #tpu.memory_space<vmem>>[vector<16xi32>], vector<16xf32>, vector<16xi1>
          %gather3A_369 = tpu.vector_load_idx %arg5[%add3A_116] : memref<80000xf32, #tpu.memory_space<vmem>>[vector<16xi32>], vector<16xf32>,
          %gt3A_370 = arith.cmpf ogt, %get3A_146, %gather3A_369 : vector<16xf32>
          tpu.vector_store_idx %arg5[%add3A_116], %get3A_146 masked %gt3A_370 : memref<80000xf32, #tpu.memory_space<vmem>>[vector<16xi32>], vector<16xf32>, vector<16xi1>
          %gather3A_371 = tpu.vector_load_idx %arg5[%add3A_116] : memref<80000xf32, #tpu.memory_space<vmem>>[vector<16xi32>], vector<16xf32>,
          %gt3A_372 = arith.cmpf ogt, %get3A_146, %gather3A_371 : vector<16xf32>
          tpu.vector_store_idx %arg5[%add3A_116], %get3A_146 masked %gt3A_372 : memref<80000xf32, #tpu.memory_space<vmem>>[vector<16xi32>], vector<16xf32>, vector<16xi1>
          %gather3A_373 = tpu.vector_load_idx %arg5[%add3A_116] : memref<80000xf32, #tpu.memory_space<vmem>>[vector<16xi32>], vector<16xf32>,
          %gt3A_374 = arith.cmpf ogt, %get3A_146, %gather3A_373 : vector<16xf32>
          tpu.vector_store_idx %arg5[%add3A_116], %get3A_146 masked %gt3A_374 : memref<80000xf32, #tpu.memory_space<vmem>>[vector<16xi32>], vector<16xf32>, vector<16xi1>
          %gather3A_375 = tpu.vector_load_idx %arg5[%add3A_119] : memref<80000xf32, #tpu.memory_space<vmem>>[vector<16xi32>], vector<16xf32>,
          %gt3A_376 = arith.cmpf ogt, %get3A_150, %gather3A_375 : vector<16xf32>
          tpu.vector_store_idx %arg5[%add3A_119], %get3A_150 masked %gt3A_376 : memref<80000xf32, #tpu.memory_space<vmem>>[vector<16xi32>], vector<16xf32>, vector<16xi1>
          %gather3A_377 = tpu.vector_load_idx %arg5[%add3A_119] : memref<80000xf32, #tpu.memory_space<vmem>>[vector<16xi32>], vector<16xf32>,
          %gt3A_378 = arith.cmpf ogt, %get3A_150, %gather3A_377 : vector<16xf32>
          tpu.vector_store_idx %arg5[%add3A_119], %get3A_150 masked %gt3A_378 : memref<80000xf32, #tpu.memory_space<vmem>>[vector<16xi32>], vector<16xf32>, vector<16xi1>
          %gather3A_379 = tpu.vector_load_idx %arg5[%add3A_119] : memref<80000xf32, #tpu.memory_space<vmem>>[vector<16xi32>], vector<16xf32>,
          %gt3A_380 = arith.cmpf ogt, %get3A_150, %gather3A_379 : vector<16xf32>
          tpu.vector_store_idx %arg5[%add3A_119], %get3A_150 masked %gt3A_380 : memref<80000xf32, #tpu.memory_space<vmem>>[vector<16xi32>], vector<16xf32>, vector<16xi1>
          %gather3A_381 = tpu.vector_load_idx %arg5[%add3A_119] : memref<80000xf32, #tpu.memory_space<vmem>>[vector<16xi32>], vector<16xf32>,
          %gt3A_382 = arith.cmpf ogt, %get3A_150, %gather3A_381 : vector<16xf32>
          tpu.vector_store_idx %arg5[%add3A_119], %get3A_150 masked %gt3A_382 : memref<80000xf32, #tpu.memory_space<vmem>>[vector<16xi32>], vector<16xf32>, vector<16xi1>
          %gather3A_383 = tpu.vector_load_idx %arg5[%add3A_119] : memref<80000xf32, #tpu.memory_space<vmem>>[vector<16xi32>], vector<16xf32>,
          %gt3A_384 = arith.cmpf ogt, %get3A_150, %gather3A_383 : vector<16xf32>
          tpu.vector_store_idx %arg5[%add3A_119], %get3A_150 masked %gt3A_384 : memref<80000xf32, #tpu.memory_space<vmem>>[vector<16xi32>], vector<16xf32>, vector<16xi1>
          %gather3A_385 = tpu.vector_load_idx %arg5[%add3A_119] : memref<80000xf32, #tpu.memory_space<vmem>>[vector<16xi32>], vector<16xf32>,
          %gt3A_386 = arith.cmpf ogt, %get3A_150, %gather3A_385 : vector<16xf32>
          tpu.vector_store_idx %arg5[%add3A_119], %get3A_150 masked %gt3A_386 : memref<80000xf32, #tpu.memory_space<vmem>>[vector<16xi32>], vector<16xf32>, vector<16xi1>
          %gather3A_387 = tpu.vector_load_idx %arg5[%add3A_119] : memref<80000xf32, #tpu.memory_space<vmem>>[vector<16xi32>], vector<16xf32>,
          %gt3A_388 = arith.cmpf ogt, %get3A_150, %gather3A_387 : vector<16xf32>
          tpu.vector_store_idx %arg5[%add3A_119], %get3A_150 masked %gt3A_388 : memref<80000xf32, #tpu.memory_space<vmem>>[vector<16xi32>], vector<16xf32>, vector<16xi1>
          %gather3A_389 = tpu.vector_load_idx %arg5[%add3A_119] : memref<80000xf32, #tpu.memory_space<vmem>>[vector<16xi32>], vector<16xf32>,
          %gt3A_390 = arith.cmpf ogt, %get3A_150, %gather3A_389 : vector<16xf32>
          tpu.vector_store_idx %arg5[%add3A_119], %get3A_150 masked %gt3A_390 : memref<80000xf32, #tpu.memory_space<vmem>>[vector<16xi32>], vector<16xf32>, vector<16xi1>
          %gather3A_391 = tpu.vector_load_idx %arg5[%add3A_119] : memref<80000xf32, #tpu.memory_space<vmem>>[vector<16xi32>], vector<16xf32>,
          %gt3A_392 = arith.cmpf ogt, %get3A_150, %gather3A_391 : vector<16xf32>
          tpu.vector_store_idx %arg5[%add3A_119], %get3A_150 masked %gt3A_392 : memref<80000xf32, #tpu.memory_space<vmem>>[vector<16xi32>], vector<16xf32>, vector<16xi1>
          %gather3A_393 = tpu.vector_load_idx %arg5[%add3A_119] : memref<80000xf32, #tpu.memory_space<vmem>>[vector<16xi32>], vector<16xf32>,
          %gt3A_394 = arith.cmpf ogt, %get3A_150, %gather3A_393 : vector<16xf32>
          tpu.vector_store_idx %arg5[%add3A_119], %get3A_150 masked %gt3A_394 : memref<80000xf32, #tpu.memory_space<vmem>>[vector<16xi32>], vector<16xf32>, vector<16xi1>
          %gather3A_395 = tpu.vector_load_idx %arg5[%add3A_119] : memref<80000xf32, #tpu.memory_space<vmem>>[vector<16xi32>], vector<16xf32>,
          %gt3A_396 = arith.cmpf ogt, %get3A_150, %gather3A_395 : vector<16xf32>
          tpu.vector_store_idx %arg5[%add3A_119], %get3A_150 masked %gt3A_396 : memref<80000xf32, #tpu.memory_space<vmem>>[vector<16xi32>], vector<16xf32>, vector<16xi1>
          %gather3A_397 = tpu.vector_load_idx %arg5[%add3A_119] : memref<80000xf32, #tpu.memory_space<vmem>>[vector<16xi32>], vector<16xf32>,
          %gt3A_398 = arith.cmpf ogt, %get3A_150, %gather3A_397 : vector<16xf32>
          tpu.vector_store_idx %arg5[%add3A_119], %get3A_150 masked %gt3A_398 : memref<80000xf32, #tpu.memory_space<vmem>>[vector<16xi32>], vector<16xf32>, vector<16xi1>
          %gather3A_399 = tpu.vector_load_idx %arg5[%add3A_119] : memref<80000xf32, #tpu.memory_space<vmem>>[vector<16xi32>], vector<16xf32>,
          %gt3A_400 = arith.cmpf ogt, %get3A_150, %gather3A_399 : vector<16xf32>
          tpu.vector_store_idx %arg5[%add3A_119], %get3A_150 masked %gt3A_400 : memref<80000xf32, #tpu.memory_space<vmem>>[vector<16xi32>], vector<16xf32>, vector<16xi1>
          %gather3A_401 = tpu.vector_load_idx %arg5[%add3A_119] : memref<80000xf32, #tpu.memory_space<vmem>>[vector<16xi32>], vector<16xf32>,
          %gt3A_402 = arith.cmpf ogt, %get3A_150, %gather3A_401 : vector<16xf32>
          tpu.vector_store_idx %arg5[%add3A_119], %get3A_150 masked %gt3A_402 : memref<80000xf32, #tpu.memory_space<vmem>>[vector<16xi32>], vector<16xf32>, vector<16xi1>
          %gather3A_403 = tpu.vector_load_idx %arg5[%add3A_119] : memref<80000xf32, #tpu.memory_space<vmem>>[vector<16xi32>], vector<16xf32>,
          %gt3A_404 = arith.cmpf ogt, %get3A_150, %gather3A_403 : vector<16xf32>
          tpu.vector_store_idx %arg5[%add3A_119], %get3A_150 masked %gt3A_404 : memref<80000xf32, #tpu.memory_space<vmem>>[vector<16xi32>], vector<16xf32>, vector<16xi1>
          %gather3A_405 = tpu.vector_load_idx %arg5[%add3A_119] : memref<80000xf32, #tpu.memory_space<vmem>>[vector<16xi32>], vector<16xf32>,
          %gt3A_406 = arith.cmpf ogt, %get3A_150, %gather3A_405 : vector<16xf32>
          tpu.vector_store_idx %arg5[%add3A_119], %get3A_150 masked %gt3A_406 : memref<80000xf32, #tpu.memory_space<vmem>>[vector<16xi32>], vector<16xf32>, vector<16xi1>
          %gather3A_407 = tpu.vector_load_idx %arg5[%add3A_122] : memref<80000xf32, #tpu.memory_space<vmem>>[vector<16xi32>], vector<16xf32>,
          %gt3A_408 = arith.cmpf ogt, %get3A_154, %gather3A_407 : vector<16xf32>
          tpu.vector_store_idx %arg5[%add3A_122], %get3A_154 masked %gt3A_408 : memref<80000xf32, #tpu.memory_space<vmem>>[vector<16xi32>], vector<16xf32>, vector<16xi1>
          %gather3A_409 = tpu.vector_load_idx %arg5[%add3A_122] : memref<80000xf32, #tpu.memory_space<vmem>>[vector<16xi32>], vector<16xf32>,
          %gt3A_410 = arith.cmpf ogt, %get3A_154, %gather3A_409 : vector<16xf32>
          tpu.vector_store_idx %arg5[%add3A_122], %get3A_154 masked %gt3A_410 : memref<80000xf32, #tpu.memory_space<vmem>>[vector<16xi32>], vector<16xf32>, vector<16xi1>
          %gather3A_411 = tpu.vector_load_idx %arg5[%add3A_122] : memref<80000xf32, #tpu.memory_space<vmem>>[vector<16xi32>], vector<16xf32>,
          %gt3A_412 = arith.cmpf ogt, %get3A_154, %gather3A_411 : vector<16xf32>
          tpu.vector_store_idx %arg5[%add3A_122], %get3A_154 masked %gt3A_412 : memref<80000xf32, #tpu.memory_space<vmem>>[vector<16xi32>], vector<16xf32>, vector<16xi1>
          %gather3A_413 = tpu.vector_load_idx %arg5[%add3A_122] : memref<80000xf32, #tpu.memory_space<vmem>>[vector<16xi32>], vector<16xf32>,
          %gt3A_414 = arith.cmpf ogt, %get3A_154, %gather3A_413 : vector<16xf32>
          tpu.vector_store_idx %arg5[%add3A_122], %get3A_154 masked %gt3A_414 : memref<80000xf32, #tpu.memory_space<vmem>>[vector<16xi32>], vector<16xf32>, vector<16xi1>
          %gather3A_415 = tpu.vector_load_idx %arg5[%add3A_122] : memref<80000xf32, #tpu.memory_space<vmem>>[vector<16xi32>], vector<16xf32>,
          %gt3A_416 = arith.cmpf ogt, %get3A_154, %gather3A_415 : vector<16xf32>
          tpu.vector_store_idx %arg5[%add3A_122], %get3A_154 masked %gt3A_416 : memref<80000xf32, #tpu.memory_space<vmem>>[vector<16xi32>], vector<16xf32>, vector<16xi1>
          %gather3A_417 = tpu.vector_load_idx %arg5[%add3A_122] : memref<80000xf32, #tpu.memory_space<vmem>>[vector<16xi32>], vector<16xf32>,
          %gt3A_418 = arith.cmpf ogt, %get3A_154, %gather3A_417 : vector<16xf32>
          tpu.vector_store_idx %arg5[%add3A_122], %get3A_154 masked %gt3A_418 : memref<80000xf32, #tpu.memory_space<vmem>>[vector<16xi32>], vector<16xf32>, vector<16xi1>
          %gather3A_419 = tpu.vector_load_idx %arg5[%add3A_122] : memref<80000xf32, #tpu.memory_space<vmem>>[vector<16xi32>], vector<16xf32>,
          %gt3A_420 = arith.cmpf ogt, %get3A_154, %gather3A_419 : vector<16xf32>
          tpu.vector_store_idx %arg5[%add3A_122], %get3A_154 masked %gt3A_420 : memref<80000xf32, #tpu.memory_space<vmem>>[vector<16xi32>], vector<16xf32>, vector<16xi1>
          %gather3A_421 = tpu.vector_load_idx %arg5[%add3A_122] : memref<80000xf32, #tpu.memory_space<vmem>>[vector<16xi32>], vector<16xf32>,
          %gt3A_422 = arith.cmpf ogt, %get3A_154, %gather3A_421 : vector<16xf32>
          tpu.vector_store_idx %arg5[%add3A_122], %get3A_154 masked %gt3A_422 : memref<80000xf32, #tpu.memory_space<vmem>>[vector<16xi32>], vector<16xf32>, vector<16xi1>
          %gather3A_423 = tpu.vector_load_idx %arg5[%add3A_122] : memref<80000xf32, #tpu.memory_space<vmem>>[vector<16xi32>], vector<16xf32>,
          %gt3A_424 = arith.cmpf ogt, %get3A_154, %gather3A_423 : vector<16xf32>
          tpu.vector_store_idx %arg5[%add3A_122], %get3A_154 masked %gt3A_424 : memref<80000xf32, #tpu.memory_space<vmem>>[vector<16xi32>], vector<16xf32>, vector<16xi1>
          %gather3A_425 = tpu.vector_load_idx %arg5[%add3A_122] : memref<80000xf32, #tpu.memory_space<vmem>>[vector<16xi32>], vector<16xf32>,
          %gt3A_426 = arith.cmpf ogt, %get3A_154, %gather3A_425 : vector<16xf32>
          tpu.vector_store_idx %arg5[%add3A_122], %get3A_154 masked %gt3A_426 : memref<80000xf32, #tpu.memory_space<vmem>>[vector<16xi32>], vector<16xf32>, vector<16xi1>
          %gather3A_427 = tpu.vector_load_idx %arg5[%add3A_122] : memref<80000xf32, #tpu.memory_space<vmem>>[vector<16xi32>], vector<16xf32>,
          %gt3A_428 = arith.cmpf ogt, %get3A_154, %gather3A_427 : vector<16xf32>
          tpu.vector_store_idx %arg5[%add3A_122], %get3A_154 masked %gt3A_428 : memref<80000xf32, #tpu.memory_space<vmem>>[vector<16xi32>], vector<16xf32>, vector<16xi1>
          %gather3A_429 = tpu.vector_load_idx %arg5[%add3A_122] : memref<80000xf32, #tpu.memory_space<vmem>>[vector<16xi32>], vector<16xf32>,
          %gt3A_430 = arith.cmpf ogt, %get3A_154, %gather3A_429 : vector<16xf32>
          tpu.vector_store_idx %arg5[%add3A_122], %get3A_154 masked %gt3A_430 : memref<80000xf32, #tpu.memory_space<vmem>>[vector<16xi32>], vector<16xf32>, vector<16xi1>
          %gather3A_431 = tpu.vector_load_idx %arg5[%add3A_122] : memref<80000xf32, #tpu.memory_space<vmem>>[vector<16xi32>], vector<16xf32>,
          %gt3A_432 = arith.cmpf ogt, %get3A_154, %gather3A_431 : vector<16xf32>
          tpu.vector_store_idx %arg5[%add3A_122], %get3A_154 masked %gt3A_432 : memref<80000xf32, #tpu.memory_space<vmem>>[vector<16xi32>], vector<16xf32>, vector<16xi1>
          %gather3A_433 = tpu.vector_load_idx %arg5[%add3A_122] : memref<80000xf32, #tpu.memory_space<vmem>>[vector<16xi32>], vector<16xf32>,
          %gt3A_434 = arith.cmpf ogt, %get3A_154, %gather3A_433 : vector<16xf32>
          tpu.vector_store_idx %arg5[%add3A_122], %get3A_154 masked %gt3A_434 : memref<80000xf32, #tpu.memory_space<vmem>>[vector<16xi32>], vector<16xf32>, vector<16xi1>
          %gather3A_435 = tpu.vector_load_idx %arg5[%add3A_122] : memref<80000xf32, #tpu.memory_space<vmem>>[vector<16xi32>], vector<16xf32>,
          %gt3A_436 = arith.cmpf ogt, %get3A_154, %gather3A_435 : vector<16xf32>
          tpu.vector_store_idx %arg5[%add3A_122], %get3A_154 masked %gt3A_436 : memref<80000xf32, #tpu.memory_space<vmem>>[vector<16xi32>], vector<16xf32>, vector<16xi1>
          %gather3A_437 = tpu.vector_load_idx %arg5[%add3A_122] : memref<80000xf32, #tpu.memory_space<vmem>>[vector<16xi32>], vector<16xf32>,
          %gt3A_438 = arith.cmpf ogt, %get3A_154, %gather3A_437 : vector<16xf32>
          tpu.vector_store_idx %arg5[%add3A_122], %get3A_154 masked %gt3A_438 : memref<80000xf32, #tpu.memory_space<vmem>>[vector<16xi32>], vector<16xf32>, vector<16xi1>
        } else {
        }
      }
      %scan3A_92 = arith.constant 40 : i32
    }
    %scan3A_49 = arith.constant 125 : i32
    %mul3A_50 = arith.constant 128 : i32
    %mul3A_51 = arith.muli %select_n3A_9, %mul3A_50 : i32
    %add3A_52 = arith.addi %mul3A_51, %mul3A_32 : i32
    %mul3A_53 = arith.constant 10000 : i32
    %mul3A_54 = arith.muli %add3A_52, %mul3A_53 : i32
    "tpu.region"() ({
      %run_scoped3A = tpu.sem_alloc : memref<!tpu.dma_semaphore, #tpu.memory_space<semaphore_mem>>
      %dma_start3A_55 = tpu.memref_slice %arg4[%mul3A_54] : memref<2560000xf32, #tpu.memory_space<hbm>> -> memref<80000xf32, #tpu.memory_space<hbm>>
      %dma_start3A_56 = tpu.memref_slice %arg4[%mul3A_54] : memref<2560000xf32, #tpu.memory_space<hbm>> -> memref<80000xf32, #tpu.memory_space<hbm>>
      tpu.enqueue_dma source(%arg5 : memref<80000xf32, #tpu.memory_space<vmem>>) target(%dma_start3A_56 : memref<80000xf32, #tpu.memory_space<hbm>>) target_semaphore(%run_scoped3A : memref<!tpu.dma_semaphore, #tpu.memory_space<semaphore_mem>>)
      %dma_wait3A = tpu.memref_slice %arg4[%mul3A_54] : memref<2560000xf32, #tpu.memory_space<hbm>> -> memref<80000xf32, #tpu.memory_space<hbm>>
      %dma_wait3A_57 = tpu.memref_slice %arg4[%mul3A_54] : memref<2560000xf32, #tpu.memory_space<hbm>> -> memref<80000xf32, #tpu.memory_space<hbm>>
      tpu.wait_dma2 semaphore(%run_scoped3A : memref<!tpu.dma_semaphore, #tpu.memory_space<semaphore_mem>>) src(%arg5 : memref<80000xf32, #tpu.memory_space<vmem>>) dst(%dma_wait3A_57 : memref<80000xf32, #tpu.memory_space<hbm>>)
      tpu.yield
    }) : () -> ()
    return
  }
}

#map = affine_map<(d0, d1) -> (0, 0)>
#map1 = affine_map<(d0, d1) -> (0, 0, 0)>
module attributes {stable_mosaic.version = 14 : i64} {
  func.func @k(%arg0: i32, %arg1: i32, %arg2: memref<10000x128xf32, #tpu.memory_space<hbm>>, %arg3: memref<10000x128xf32, #tpu.memory_space<hbm>>, %arg4: memref<5000x1x64xi32, #tpu.memory_space<hbm>>, %arg5: memref<5000x1x64xi32, #tpu.memory_space<hbm>>, %arg6: memref<320000x128xf32, #tpu.memory_space<hbm>>, %arg7: memref<320000x128xf32, #tpu.memory_space<hbm>>, %arg8: memref<320000x128xf32, #tpu.memory_space<hbm>>, %arg9: memref<10000x128xf32, #tpu.memory_space<vmem_shared>>) attributes {dimension_semantics = [#tpu.dimension_semantics<core_parallel>, #tpu.dimension_semantics<subcore_parallel>], iteration_bounds = array<i64: 2, 16>, scalar_prefetch = 0 : i64, scratch_operands = 1 : i64, tpu.core_type = #tpu.core_type<sc_vector_subcore>, window_params = [{transform_indices = #map}, {transform_indices = #map}, {transform_indices = #map1}, {transform_indices = #map1}, {transform_indices = #map}, {transform_indices = #map}, {transform_indices = #map}]} {
    %mul3A = arith.constant 624 : i32
    %mul3A_0 = arith.muli %arg1, %mul3A : i32
    %mul3A_1 = arith.constant 624 : i32
    %mul3A_2 = arith.muli %arg1, %mul3A_1 : i32
    "tpu.region"() ({
      %run_scoped3A = tpu.sem_alloc : memref<!tpu.dma_semaphore, #tpu.memory_space<semaphore_mem>>
      %dma_start3A = arith.constant 0 : i32
      %dma_start3A_23 = tpu.memref_slice %arg9[%mul3A_2, %dma_start3A] : memref<10000x128xf32, #tpu.memory_space<vmem_shared>> -> memref<624x128xf32, #tpu.memory_space<vmem_shared>>
      %dma_start3A_24 = arith.constant 0 : i32
      %dma_start3A_25 = tpu.memref_slice %arg3[%mul3A_0, %dma_start3A_24] : memref<10000x128xf32, #tpu.memory_space<hbm>> -> memref<624x128xf32, #tpu.memory_space<hbm>>
      tpu.enqueue_dma source(%dma_start3A_25 : memref<624x128xf32, #tpu.memory_space<hbm>>) target(%dma_start3A_23 : memref<624x128xf32, #tpu.memory_space<vmem_shared>>) target_semaphore(%run_scoped3A : memref<!tpu.dma_semaphore, #tpu.memory_space<semaphore_mem>>)
      %dma_wait3A = arith.constant 0 : i32
      %dma_wait3A_26 = tpu.memref_slice %arg9[%mul3A_2, %dma_wait3A] : memref<10000x128xf32, #tpu.memory_space<vmem_shared>> -> memref<624x128xf32, #tpu.memory_space<vmem_shared>>
      %dma_wait3A_27 = arith.constant 0 : i32
      %dma_wait3A_28 = tpu.memref_slice %arg3[%mul3A_0, %dma_wait3A_27] : memref<10000x128xf32, #tpu.memory_space<hbm>> -> memref<624x128xf32, #tpu.memory_space<hbm>>
      tpu.wait_dma2 semaphore(%run_scoped3A : memref<!tpu.dma_semaphore, #tpu.memory_space<semaphore_mem>>) src(%dma_wait3A_28 : memref<624x128xf32, #tpu.memory_space<hbm>>) dst(%dma_wait3A_26 : memref<624x128xf32, #tpu.memory_space<vmem_shared>>)
      tpu.yield
    }) : () -> ()
    %eq3A = arith.constant 0 : i32
    %eq3A_3 = arith.cmpi eq, %arg1, %eq3A : i32
    %convert_element_type3A = arith.extui %eq3A_3 : i1 to i32
    %cond3A = arith.constant 0 : i32
    %cond3A_4 = arith.cmpi ne, %convert_element_type3A, %cond3A : i32
    scf.if %cond3A_4 {
      "tpu.region"() ({
        %run_scoped3A = tpu.sem_alloc : memref<!tpu.dma_semaphore, #tpu.memory_space<semaphore_mem>>
        %dma_start3A = arith.constant 9984 : i32
        %dma_start3A_23 = arith.constant 0 : i32
        %dma_start3A_24 = tpu.memref_slice %arg9[%dma_start3A, %dma_start3A_23] : memref<10000x128xf32, #tpu.memory_space<vmem_shared>> -> memref<16x128xf32, #tpu.memory_space<vmem_shared>>
        %dma_start3A_25 = arith.constant 9984 : i32
        %dma_start3A_26 = arith.constant 0 : i32
        %dma_start3A_27 = tpu.memref_slice %arg3[%dma_start3A_25, %dma_start3A_26] : memref<10000x128xf32, #tpu.memory_space<hbm>> -> memref<16x128xf32, #tpu.memory_space<hbm>>
        tpu.enqueue_dma source(%dma_start3A_27 : memref<16x128xf32, #tpu.memory_space<hbm>>) target(%dma_start3A_24 : memref<16x128xf32, #tpu.memory_space<vmem_shared>>) target_semaphore(%run_scoped3A : memref<!tpu.dma_semaphore, #tpu.memory_space<semaphore_mem>>)
        %dma_wait3A = arith.constant 9984 : i32
        %dma_wait3A_28 = arith.constant 0 : i32
        %dma_wait3A_29 = tpu.memref_slice %arg9[%dma_wait3A, %dma_wait3A_28] : memref<10000x128xf32, #tpu.memory_space<vmem_shared>> -> memref<16x128xf32, #tpu.memory_space<vmem_shared>>
        %dma_wait3A_30 = arith.constant 9984 : i32
        %dma_wait3A_31 = arith.constant 0 : i32
        %dma_wait3A_32 = tpu.memref_slice %arg3[%dma_wait3A_30, %dma_wait3A_31] : memref<10000x128xf32, #tpu.memory_space<hbm>> -> memref<16x128xf32, #tpu.memory_space<hbm>>
        tpu.wait_dma2 semaphore(%run_scoped3A : memref<!tpu.dma_semaphore, #tpu.memory_space<semaphore_mem>>) src(%dma_wait3A_32 : memref<16x128xf32, #tpu.memory_space<hbm>>) dst(%dma_wait3A_29 : memref<16x128xf32, #tpu.memory_space<vmem_shared>>)
        tpu.yield
      }) : () -> ()
    } else {
    }
    %barrier3A = arith.constant 0 : index
    tpu.barrier barrier_id(%barrier3A)
    %mul3A_5 = arith.constant 1 : i32
    %mul3A_6 = arith.muli %arg1, %mul3A_5 : i32
    %add3A = arith.constant 0 : i32
    %add3A_7 = arith.addi %add3A, %mul3A_6 : i32
    %mul3A_8 = arith.constant 16 : i32
    %mul3A_9 = arith.muli %arg0, %mul3A_8 : i32
    %add3A_10 = arith.addi %add3A_7, %mul3A_9 : i32
    %lt3A = arith.constant 8 : i32
    %lt3A_11 = arith.cmpi slt, %add3A_10, %lt3A : i32
    %jit3A = arith.constant 157 : i32
    %jit3A_12 = arith.constant 156 : i32
    %select_n3A = arith.select %lt3A_11, %jit3A, %jit3A_12 : i32
    %lt3A_13 = arith.constant 8 : i32
    %lt3A_14 = arith.cmpi slt, %add3A_10, %lt3A_13 : i32
    %mul3A_15 = arith.muli %add3A_10, %select_n3A : i32
    %mul3A_16 = arith.constant 156 : i32
    %mul3A_17 = arith.muli %add3A_10, %mul3A_16 : i32
    %add3A_18 = arith.constant 8 : i32
    %add3A_19 = arith.addi %mul3A_17, %add3A_18 : i32
    %select_n3A_20 = arith.select %lt3A_14, %mul3A_15, %add3A_19 : i32
    %mul3A_21 = arith.constant 1 : i32
    %mul3A_22 = arith.muli %mul3A_21, %select_n3A : i32
    "tpu.region"() ({
      %run_scoped3A = memref.alloca() : memref<2x1x1x64xi32, #tpu.memory_space<vmem>>
      %run_scoped3A_23 = tpu.sem_alloc : memref<2x!tpu.dma_semaphore, #tpu.memory_space<semaphore_mem>>
      %run_scoped3A_24 = memref.alloca() : memref<2x1x1x64xi32, #tpu.memory_space<vmem>>
      %run_scoped3A_25 = tpu.sem_alloc : memref<2x!tpu.dma_semaphore, #tpu.memory_space<semaphore_mem>>
      %run_scoped3A_26 = memref.alloca() : memref<2x64x128xf32, #tpu.memory_space<vmem>>
      %run_scoped3A_27 = tpu.sem_alloc : memref<2x!tpu.dma_semaphore, #tpu.memory_space<semaphore_mem>>
      %run_scoped3A_28 = memref.alloca() : memref<2x64x128xf32, #tpu.memory_space<vmem>>
      %run_scoped3A_29 = tpu.sem_alloc : memref<2x!tpu.dma_semaphore, #tpu.memory_space<semaphore_mem>>
      %run_scoped3A_30 = memref.alloca() : memref<2x64x128xf32, #tpu.memory_space<vmem>>
      %run_scoped3A_31 = tpu.sem_alloc : memref<2x!tpu.dma_semaphore, #tpu.memory_space<semaphore_mem>>
      %gt3A = arith.constant 0 : i32
      %gt3A_32 = arith.cmpi sgt, %mul3A_22, %gt3A : i32
      %convert_element_type3A_33 = arith.extui %gt3A_32 : i1 to i32
      %cond3A_34 = arith.constant 0 : i32
      %cond3A_35 = arith.cmpi ne, %convert_element_type3A_33, %cond3A_34 : i32
      scf.if %cond3A_35 {
        %mul3A_36 = arith.constant 1 : i32
        %mul3A_37 = arith.muli %mul3A_36, %select_n3A : i32
        %sub3A = arith.constant 1 : i32
        %sub3A_38 = arith.subi %mul3A_37, %sub3A : i32
        %eq3A_39 = arith.constant 0 : i32
        %eq3A_40 = arith.cmpi eq, %sub3A_38, %eq3A_39 : i32
        %add3A_41 = arith.constant 0 : i32
        %add3A_42 = arith.addi %add3A_41, %select_n3A_20 : i32
        %select_n3A_43 = arith.constant true
        %select_n3A_44 = arith.constant 0 : i32
        %select_n3A_45 = arith.constant -1 : i32
        %select_n3A_46 = arith.select %select_n3A_43, %select_n3A_45, %select_n3A_44 : i32
        %eq3A_47 = arith.constant -1 : i32
        %eq3A_48 = arith.cmpi eq, %select_n3A_46, %eq3A_47 : i32
        %sub3A_49 = arith.constant 1 : i32
        %sub3A_50 = arith.subi %select_n3A, %sub3A_49 : i32
        %select_n3A_51 = arith.select %eq3A_48, %sub3A_50, %select_n3A_46 : i32
        %add3A_52 = arith.addi %select_n3A_51, %select_n3A_20 : i32
        %select_n3A_53 = arith.constant true
        %select_n3A_54 = arith.constant 0 : i32
        %select_n3A_55 = arith.constant 1 : i32
        %select_n3A_56 = arith.select %select_n3A_53, %select_n3A_55, %select_n3A_54 : i32
        %eq3A_57 = arith.cmpi eq, %select_n3A_56, %select_n3A : i32
        %select_n3A_58 = arith.constant 0 : i32
        %select_n3A_59 = arith.select %eq3A_57, %select_n3A_58, %select_n3A_56 : i32
        %add3A_60 = arith.addi %select_n3A_59, %select_n3A_20 : i32
        %add3A_61 = arith.constant 1 : i32
        %add3A_62 = arith.addi %select_n3A_59, %add3A_61 : i32
        %select_n3A_63 = arith.constant true
        %select_n3A_64 = arith.select %select_n3A_63, %add3A_62, %select_n3A_59 : i32
        %eq3A_65 = arith.cmpi eq, %select_n3A_64, %select_n3A : i32
        %select_n3A_66 = arith.constant 0 : i32
        %select_n3A_67 = arith.select %eq3A_65, %select_n3A_66, %select_n3A_64 : i32
        %add3A_68 = arith.addi %select_n3A_67, %select_n3A_20 : i32
        "tpu.trace_start"() <{level = 10 : i32, message = "ep_initialize_0"}> : () -> ()
        %rem3A = arith.constant 0 : i32
        %rem3A_69 = arith.constant 2 : i32
        %rem3A_70 = arith.remui %rem3A, %rem3A_69 : i32
        %mul3A_71 = arith.constant 1 : i32
        %mul3A_72 = arith.muli %mul3A_71, %add3A_42 : i32
        %dma_start3A = arith.constant 0 : i32
        %dma_start3A_73 = arith.constant 0 : i32
        %dma_start3A_74 = arith.constant 0 : i32
        %dma_start3A_75 = tpu.memref_slice %run_scoped3A[%rem3A_70, %dma_start3A, %dma_start3A_73, %dma_start3A_74] : memref<2x1x1x64xi32, #tpu.memory_space<vmem>> -> memref<1x1x1x64xi32, #tpu.memory_space<vmem>>
        %dma_start3A_76 = tpu.memref_squeeze %dma_start3A_75 : memref<1x1x1x64xi32, #tpu.memory_space<vmem>> -> memref<1x1x64xi32, #tpu.memory_space<vmem>>
        %dma_start3A_77 = arith.constant 0 : i32
        %dma_start3A_78 = arith.constant 0 : i32
        %dma_start3A_79 = tpu.memref_slice %arg4[%mul3A_72, %dma_start3A_77, %dma_start3A_78] : memref<5000x1x64xi32, #tpu.memory_space<hbm>> -> memref<1x1x64xi32, #tpu.memory_space<hbm>>
        %dma_start3A_80 = tpu.memref_slice %run_scoped3A_23[%rem3A_70] : memref<2x!tpu.dma_semaphore, #tpu.memory_space<semaphore_mem>> -> memref<1x!tpu.dma_semaphore, #tpu.memory_space<semaphore_mem>>
        %dma_start3A_81 = tpu.memref_squeeze %dma_start3A_80 : memref<1x!tpu.dma_semaphore, #tpu.memory_space<semaphore_mem>> -> memref<!tpu.dma_semaphore, #tpu.memory_space<semaphore_mem>>
        %dma_start3A_82 = arith.constant 0 : i32
        %dma_start3A_83 = arith.constant 0 : i32
        %dma_start3A_84 = arith.constant 0 : i32
        %dma_start3A_85 = tpu.memref_slice %run_scoped3A[%rem3A_70, %dma_start3A_82, %dma_start3A_83, %dma_start3A_84] : memref<2x1x1x64xi32, #tpu.memory_space<vmem>> -> memref<1x1x1x64xi32, #tpu.memory_space<vmem>>
        %dma_start3A_86 = tpu.memref_squeeze %dma_start3A_85 : memref<1x1x1x64xi32, #tpu.memory_space<vmem>> -> memref<1x1x64xi32, #tpu.memory_space<vmem>>
        %dma_start3A_87 = arith.constant 0 : i32
        %dma_start3A_88 = arith.constant 0 : i32
        %dma_start3A_89 = tpu.memref_slice %arg4[%mul3A_72, %dma_start3A_87, %dma_start3A_88] : memref<5000x1x64xi32, #tpu.memory_space<hbm>> -> memref<1x1x64xi32, #tpu.memory_space<hbm>>
        tpu.enqueue_dma source(%dma_start3A_89 : memref<1x1x64xi32, #tpu.memory_space<hbm>>) target(%dma_start3A_86 : memref<1x1x64xi32, #tpu.memory_space<vmem>>) target_semaphore(%dma_start3A_81 : memref<!tpu.dma_semaphore, #tpu.memory_space<semaphore_mem>>)
        %add3A_90 = arith.constant 0 : i32
        %add3A_91 = arith.constant 1 : i32
        %add3A_92 = arith.addi %add3A_90, %add3A_91 : i32
        %select_n3A_93 = arith.constant true
        %select_n3A_94 = arith.constant 0 : i32
        %select_n3A_95 = arith.select %select_n3A_93, %add3A_92, %select_n3A_94 : i32
        %rem3A_96 = arith.constant 0 : i32
        %rem3A_97 = arith.constant 2 : i32
        %rem3A_98 = arith.remui %rem3A_96, %rem3A_97 : i32
        %mul3A_99 = arith.constant 1 : i32
        %mul3A_100 = arith.muli %mul3A_99, %add3A_42 : i32
        %dma_start3A_101 = arith.constant 0 : i32
        %dma_start3A_102 = arith.constant 0 : i32
        %dma_start3A_103 = arith.constant 0 : i32
        %dma_start3A_104 = tpu.memref_slice %run_scoped3A_24[%rem3A_98, %dma_start3A_101, %dma_start3A_102, %dma_start3A_103] : memref<2x1x1x64xi32, #tpu.memory_space<vmem>> -> memref<1x1x1x64xi32, #tpu.memory_space<vmem>>
        %dma_start3A_105 = tpu.memref_squeeze %dma_start3A_104 : memref<1x1x1x64xi32, #tpu.memory_space<vmem>> -> memref<1x1x64xi32, #tpu.memory_space<vmem>>
        %dma_start3A_106 = arith.constant 0 : i32
        %dma_start3A_107 = arith.constant 0 : i32
        %dma_start3A_108 = tpu.memref_slice %arg5[%mul3A_100, %dma_start3A_106, %dma_start3A_107] : memref<5000x1x64xi32, #tpu.memory_space<hbm>> -> memref<1x1x64xi32, #tpu.memory_space<hbm>>
        %dma_start3A_109 = tpu.memref_slice %run_scoped3A_25[%rem3A_98] : memref<2x!tpu.dma_semaphore, #tpu.memory_space<semaphore_mem>> -> memref<1x!tpu.dma_semaphore, #tpu.memory_space<semaphore_mem>>
        %dma_start3A_110 = tpu.memref_squeeze %dma_start3A_109 : memref<1x!tpu.dma_semaphore, #tpu.memory_space<semaphore_mem>> -> memref<!tpu.dma_semaphore, #tpu.memory_space<semaphore_mem>>
        %dma_start3A_111 = arith.constant 0 : i32
        %dma_start3A_112 = arith.constant 0 : i32
        %dma_start3A_113 = arith.constant 0 : i32
        %dma_start3A_114 = tpu.memref_slice %run_scoped3A_24[%rem3A_98, %dma_start3A_111, %dma_start3A_112, %dma_start3A_113] : memref<2x1x1x64xi32, #tpu.memory_space<vmem>> -> memref<1x1x1x64xi32, #tpu.memory_space<vmem>>
        %dma_start3A_115 = tpu.memref_squeeze %dma_start3A_114 : memref<1x1x1x64xi32, #tpu.memory_space<vmem>> -> memref<1x1x64xi32, #tpu.memory_space<vmem>>
        %dma_start3A_116 = arith.constant 0 : i32
        %dma_start3A_117 = arith.constant 0 : i32
        %dma_start3A_118 = tpu.memref_slice %arg5[%mul3A_100, %dma_start3A_116, %dma_start3A_117] : memref<5000x1x64xi32, #tpu.memory_space<hbm>> -> memref<1x1x64xi32, #tpu.memory_space<hbm>>
        tpu.enqueue_dma source(%dma_start3A_118 : memref<1x1x64xi32, #tpu.memory_space<hbm>>) target(%dma_start3A_115 : memref<1x1x64xi32, #tpu.memory_space<vmem>>) target_semaphore(%dma_start3A_110 : memref<!tpu.dma_semaphore, #tpu.memory_space<semaphore_mem>>)
        %add3A_119 = arith.constant 0 : i32
        %add3A_120 = arith.constant 1 : i32
        %add3A_121 = arith.addi %add3A_119, %add3A_120 : i32
        %select_n3A_122 = arith.constant true
        %select_n3A_123 = arith.constant 0 : i32
        %select_n3A_124 = arith.select %select_n3A_122, %add3A_121, %select_n3A_123 : i32
        %while3A = arith.constant 0 : i32
        %while3A_125 = arith.constant 0 : i32
        %while3A_126 = arith.constant 0 : i32
        %while3A_127 = arith.constant 0 : i32
        %while3A_128 = arith.constant 0 : i32
        %while3A_129 = arith.constant 0 : i32
        %while3A_130 = arith.constant 0 : i32
        %while3A_131 = arith.constant 0 : i32
        %while3A_132 = arith.constant 0 : i32
        %while3A_133 = arith.constant 0 : i32
        "tpu.trace_stop"() : () -> ()
        %while3A_134 = arith.subi %mul3A_22, %while3A : i32
        %while3A_135 = arith.addi %while3A, %while3A_134 : i32
        %while3A_136 = arith.constant 1 : i32
        %while3A_137 = arith.divsi %while3A_134, %while3A_136 : i32
        %while3A_138 = arith.muli %while3A_137, %while3A_136 : i32
        %while3A_139 = arith.addi %while3A, %while3A_138 : i32
        %while3A_140 = arith.constant 1 : i32
        %while3A_141:11 = scf.for %while3A_204 = %while3A to %while3A_139 step %while3A_140 iter_args(%while3A_205 = %select_n3A_95, %while3A_206 = %while3A_125, %while3A_207 = %select_n3A_124, %while3A_208 = %while3A_126, %while3A_209 = %while3A_127, %while3A_210 = %while3A_128, %while3A_211 = %while3A_129, %while3A_212 = %while3A_130, %while3A_213 = %while3A_131, %while3A_214 = %while3A_132, %while3A_215 = %while3A_133) -> (i32, i32, i32, i32, i32, i32, i32, i32, i32, i32, i32)  : i32 {
          %mul3A_216 = arith.constant 1 : i32
          %mul3A_217 = arith.muli %mul3A_216, %select_n3A : i32
          %eq3A_218 = arith.constant 0 : i32
          %eq3A_219 = arith.cmpi eq, %while3A_204, %eq3A_218 : i32
          %sub3A_220 = arith.constant 1 : i32
          %sub3A_221 = arith.subi %mul3A_217, %sub3A_220 : i32
          %eq3A_222 = arith.cmpi eq, %while3A_204, %sub3A_221 : i32
          %add3A_223 = arith.addi %while3A_215, %select_n3A_20 : i32
          %sub3A_224 = arith.constant 1 : i32
          %sub3A_225 = arith.subi %while3A_215, %sub3A_224 : i32
          %select_n3A_226 = arith.constant true
          %select_n3A_227 = arith.select %select_n3A_226, %sub3A_225, %while3A_215 : i32
          %eq3A_228 = arith.constant -1 : i32
          %eq3A_229 = arith.cmpi eq, %select_n3A_227, %eq3A_228 : i32
          %sub3A_230 = arith.constant 1 : i32
          %sub3A_231 = arith.subi %select_n3A, %sub3A_230 : i32
          %select_n3A_232 = arith.select %eq3A_229, %sub3A_231, %select_n3A_227 : i32
          %add3A_233 = arith.addi %select_n3A_232, %select_n3A_20 : i32
          %add3A_234 = arith.constant 1 : i32
          %add3A_235 = arith.addi %while3A_215, %add3A_234 : i32
          %select_n3A_236 = arith.constant true
          %select_n3A_237 = arith.select %select_n3A_236, %add3A_235, %while3A_215 : i32
          %eq3A_238 = arith.cmpi eq, %select_n3A_237, %select_n3A : i32
          %select_n3A_239 = arith.constant 0 : i32
          %select_n3A_240 = arith.select %eq3A_238, %select_n3A_239, %select_n3A_237 : i32
          %add3A_241 = arith.addi %select_n3A_240, %select_n3A_20 : i32
          %add3A_242 = arith.constant 1 : i32
          %add3A_243 = arith.addi %select_n3A_240, %add3A_242 : i32
          %select_n3A_244 = arith.constant true
          %select_n3A_245 = arith.select %select_n3A_244, %add3A_243, %select_n3A_240 : i32
          %eq3A_246 = arith.cmpi eq, %select_n3A_245, %select_n3A : i32
          %select_n3A_247 = arith.constant 0 : i32
          %select_n3A_248 = arith.select %eq3A_246, %select_n3A_247, %select_n3A_245 : i32
          %add3A_249 = arith.addi %select_n3A_248, %select_n3A_20 : i32
          %ne3A = arith.cmpi ne, %add3A_223, %add3A_241 : i32
          %or3A = arith.constant false
          %or3A_250 = arith.ori %or3A, %ne3A : i1
          %or3A_251 = arith.constant false
          %or3A_252 = arith.ori %or3A_250, %or3A_251 : i1
          %or3A_253 = arith.constant false
          %or3A_254 = arith.ori %or3A_252, %or3A_253 : i1
          %sub3A_255 = arith.constant 2 : i32
          %sub3A_256 = arith.subi %mul3A_217, %sub3A_255 : i32
          %add3A_257 = arith.constant 1 : i32
          %add3A_258 = arith.addi %sub3A_256, %add3A_257 : i32
          %ge3A = arith.cmpi sge, %while3A_204, %add3A_258 : i32
          %not3A = arith.constant true
          %not3A_259 = arith.xori %ge3A, %not3A : i1
          %and3A = arith.andi %or3A_254, %not3A_259 : i1
          %convert_element_type3A_260 = arith.extui %and3A : i1 to i32
          %cond3A_261 = arith.constant 0 : i32
          %cond3A_262 = arith.cmpi ne, %convert_element_type3A_260, %cond3A_261 : i32
          scf.if %cond3A_262 {
            "tpu.trace_start"() <{level = 10 : i32, message = "ep_copy_in"}> : () -> ()
            %rem3A_570 = arith.constant 2 : i32
            %rem3A_571 = arith.remui %while3A_205, %rem3A_570 : i32
            %mul3A_572 = arith.constant 1 : i32
            %mul3A_573 = arith.muli %mul3A_572, %add3A_241 : i32
            %dma_start3A_574 = arith.constant 0 : i32
            %dma_start3A_575 = arith.constant 0 : i32
            %dma_start3A_576 = arith.constant 0 : i32
            %dma_start3A_577 = tpu.memref_slice %run_scoped3A[%rem3A_571, %dma_start3A_574, %dma_start3A_575, %dma_start3A_576] : memref<2x1x1x64xi32, #tpu.memory_space<vmem>> -> memref<1x1x1x64xi32, #tpu.memory_space<vmem>>
            %dma_start3A_578 = tpu.memref_squeeze %dma_start3A_577 : memref<1x1x1x64xi32, #tpu.memory_space<vmem>> -> memref<1x1x64xi32, #tpu.memory_space<vmem>>
            %dma_start3A_579 = arith.constant 0 : i32
            %dma_start3A_580 = arith.constant 0 : i32
            %dma_start3A_581 = tpu.memref_slice %arg4[%mul3A_573, %dma_start3A_579, %dma_start3A_580] : memref<5000x1x64xi32, #tpu.memory_space<hbm>> -> memref<1x1x64xi32, #tpu.memory_space<hbm>>
            %dma_start3A_582 = tpu.memref_slice %run_scoped3A_23[%rem3A_571] : memref<2x!tpu.dma_semaphore, #tpu.memory_space<semaphore_mem>> -> memref<1x!tpu.dma_semaphore, #tpu.memory_space<semaphore_mem>>
            %dma_start3A_583 = tpu.memref_squeeze %dma_start3A_582 : memref<1x!tpu.dma_semaphore, #tpu.memory_space<semaphore_mem>> -> memref<!tpu.dma_semaphore, #tpu.memory_space<semaphore_mem>>
            %dma_start3A_584 = arith.constant 0 : i32
            %dma_start3A_585 = arith.constant 0 : i32
            %dma_start3A_586 = arith.constant 0 : i32
            %dma_start3A_587 = tpu.memref_slice %run_scoped3A[%rem3A_571, %dma_start3A_584, %dma_start3A_585, %dma_start3A_586] : memref<2x1x1x64xi32, #tpu.memory_space<vmem>> -> memref<1x1x1x64xi32, #tpu.memory_space<vmem>>
            %dma_start3A_588 = tpu.memref_squeeze %dma_start3A_587 : memref<1x1x1x64xi32, #tpu.memory_space<vmem>> -> memref<1x1x64xi32, #tpu.memory_space<vmem>>
            %dma_start3A_589 = arith.constant 0 : i32
            %dma_start3A_590 = arith.constant 0 : i32
            %dma_start3A_591 = tpu.memref_slice %arg4[%mul3A_573, %dma_start3A_589, %dma_start3A_590] : memref<5000x1x64xi32, #tpu.memory_space<hbm>> -> memref<1x1x64xi32, #tpu.memory_space<hbm>>
            tpu.enqueue_dma source(%dma_start3A_591 : memref<1x1x64xi32, #tpu.memory_space<hbm>>) target(%dma_start3A_588 : memref<1x1x64xi32, #tpu.memory_space<vmem>>) target_semaphore(%dma_start3A_583 : memref<!tpu.dma_semaphore, #tpu.memory_space<semaphore_mem>>)
            "tpu.trace_stop"() : () -> ()
          } else {
          }
          %and3A_263 = arith.constant true
          %and3A_264 = arith.andi %and3A, %and3A_263 : i1
          %add3A_265 = arith.constant 1 : i32
          %add3A_266 = arith.addi %while3A_205, %add3A_265 : i32
          %select_n3A_267 = arith.select %and3A_264, %add3A_266, %while3A_205 : i32
          %ne3A_268 = arith.cmpi ne, %add3A_223, %add3A_241 : i32
          %or3A_269 = arith.constant false
          %or3A_270 = arith.ori %or3A_269, %ne3A_268 : i1
          %or3A_271 = arith.constant false
          %or3A_272 = arith.ori %or3A_270, %or3A_271 : i1
          %or3A_273 = arith.constant false
          %or3A_274 = arith.ori %or3A_272, %or3A_273 : i1
          %sub3A_275 = arith.constant 2 : i32
          %sub3A_276 = arith.subi %mul3A_217, %sub3A_275 : i32
          %add3A_277 = arith.constant 1 : i32
          %add3A_278 = arith.addi %sub3A_276, %add3A_277 : i32
          %ge3A_279 = arith.cmpi sge, %while3A_204, %add3A_278 : i32
          %not3A_280 = arith.constant true
          %not3A_281 = arith.xori %ge3A_279, %not3A_280 : i1
          %and3A_282 = arith.andi %or3A_274, %not3A_281 : i1
          %convert_element_type3A_283 = arith.extui %and3A_282 : i1 to i32
          %cond3A_284 = arith.constant 0 : i32
          %cond3A_285 = arith.cmpi ne, %convert_element_type3A_283, %cond3A_284 : i32
          scf.if %cond3A_285 {
            "tpu.trace_start"() <{level = 10 : i32, message = "ep_copy_in"}> : () -> ()
            %rem3A_570 = arith.constant 2 : i32
            %rem3A_571 = arith.remui %while3A_207, %rem3A_570 : i32
            %mul3A_572 = arith.constant 1 : i32
            %mul3A_573 = arith.muli %mul3A_572, %add3A_241 : i32
            %dma_start3A_574 = arith.constant 0 : i32
            %dma_start3A_575 = arith.constant 0 : i32
            %dma_start3A_576 = arith.constant 0 : i32
            %dma_start3A_577 = tpu.memref_slice %run_scoped3A_24[%rem3A_571, %dma_start3A_574, %dma_start3A_575, %dma_start3A_576] : memref<2x1x1x64xi32, #tpu.memory_space<vmem>> -> memref<1x1x1x64xi32, #tpu.memory_space<vmem>>
            %dma_start3A_578 = tpu.memref_squeeze %dma_start3A_577 : memref<1x1x1x64xi32, #tpu.memory_space<vmem>> -> memref<1x1x64xi32, #tpu.memory_space<vmem>>
            %dma_start3A_579 = arith.constant 0 : i32
            %dma_start3A_580 = arith.constant 0 : i32
            %dma_start3A_581 = tpu.memref_slice %arg5[%mul3A_573, %dma_start3A_579, %dma_start3A_580] : memref<5000x1x64xi32, #tpu.memory_space<hbm>> -> memref<1x1x64xi32, #tpu.memory_space<hbm>>
            %dma_start3A_582 = tpu.memref_slice %run_scoped3A_25[%rem3A_571] : memref<2x!tpu.dma_semaphore, #tpu.memory_space<semaphore_mem>> -> memref<1x!tpu.dma_semaphore, #tpu.memory_space<semaphore_mem>>
            %dma_start3A_583 = tpu.memref_squeeze %dma_start3A_582 : memref<1x!tpu.dma_semaphore, #tpu.memory_space<semaphore_mem>> -> memref<!tpu.dma_semaphore, #tpu.memory_space<semaphore_mem>>
            %dma_start3A_584 = arith.constant 0 : i32
            %dma_start3A_585 = arith.constant 0 : i32
            %dma_start3A_586 = arith.constant 0 : i32
            %dma_start3A_587 = tpu.memref_slice %run_scoped3A_24[%rem3A_571, %dma_start3A_584, %dma_start3A_585, %dma_start3A_586] : memref<2x1x1x64xi32, #tpu.memory_space<vmem>> -> memref<1x1x1x64xi32, #tpu.memory_space<vmem>>
            %dma_start3A_588 = tpu.memref_squeeze %dma_start3A_587 : memref<1x1x1x64xi32, #tpu.memory_space<vmem>> -> memref<1x1x64xi32, #tpu.memory_space<vmem>>
            %dma_start3A_589 = arith.constant 0 : i32
            %dma_start3A_590 = arith.constant 0 : i32
            %dma_start3A_591 = tpu.memref_slice %arg5[%mul3A_573, %dma_start3A_589, %dma_start3A_590] : memref<5000x1x64xi32, #tpu.memory_space<hbm>> -> memref<1x1x64xi32, #tpu.memory_space<hbm>>
            tpu.enqueue_dma source(%dma_start3A_591 : memref<1x1x64xi32, #tpu.memory_space<hbm>>) target(%dma_start3A_588 : memref<1x1x64xi32, #tpu.memory_space<vmem>>) target_semaphore(%dma_start3A_583 : memref<!tpu.dma_semaphore, #tpu.memory_space<semaphore_mem>>)
            "tpu.trace_stop"() : () -> ()
          } else {
          }
          %and3A_286 = arith.constant true
          %and3A_287 = arith.andi %and3A_282, %and3A_286 : i1
          %add3A_288 = arith.constant 1 : i32
          %add3A_289 = arith.addi %while3A_207, %add3A_288 : i32
          %select_n3A_290 = arith.select %and3A_287, %add3A_289, %while3A_207 : i32
          %ne3A_291 = arith.cmpi ne, %add3A_223, %add3A_241 : i32
          %or3A_292 = arith.constant false
          %or3A_293 = arith.ori %or3A_292, %ne3A_291 : i1
          %or3A_294 = arith.constant false
          %or3A_295 = arith.ori %or3A_293, %or3A_294 : i1
          %sub3A_296 = arith.constant 2 : i32
          %sub3A_297 = arith.subi %mul3A_217, %sub3A_296 : i32
          %add3A_298 = arith.constant 1 : i32
          %add3A_299 = arith.addi %sub3A_297, %add3A_298 : i32
          %ge3A_300 = arith.cmpi sge, %while3A_204, %add3A_299 : i32
          %not3A_301 = arith.constant true
          %not3A_302 = arith.xori %ge3A_300, %not3A_301 : i1
          %and3A_303 = arith.andi %or3A_295, %not3A_302 : i1
          %ne3A_304 = arith.cmpi ne, %add3A_223, %add3A_241 : i32
          %or3A_305 = arith.constant false
          %or3A_306 = arith.ori %or3A_305, %ne3A_304 : i1
          %or3A_307 = arith.constant false
          %or3A_308 = arith.ori %or3A_306, %or3A_307 : i1
          %sub3A_309 = arith.constant 2 : i32
          %sub3A_310 = arith.subi %mul3A_217, %sub3A_309 : i32
          %add3A_311 = arith.constant 1 : i32
          %add3A_312 = arith.addi %sub3A_310, %add3A_311 : i32
          %ge3A_313 = arith.cmpi sge, %while3A_204, %add3A_312 : i32
          %not3A_314 = arith.constant true
          %not3A_315 = arith.xori %ge3A_313, %not3A_314 : i1
          %and3A_316 = arith.andi %or3A_308, %not3A_315 : i1
          %ne3A_317 = arith.cmpi ne, %add3A_223, %add3A_241 : i32
          %or3A_318 = arith.constant false
          %or3A_319 = arith.ori %or3A_318, %ne3A_317 : i1
          %or3A_320 = arith.constant false
          %or3A_321 = arith.ori %or3A_319, %or3A_320 : i1
          %sub3A_322 = arith.constant 2 : i32
          %sub3A_323 = arith.subi %mul3A_217, %sub3A_322 : i32
          %add3A_324 = arith.constant 1 : i32
          %add3A_325 = arith.addi %sub3A_323, %add3A_324 : i32
          %ge3A_326 = arith.cmpi sge, %while3A_204, %add3A_325 : i32
          %not3A_327 = arith.constant true
          %not3A_328 = arith.xori %ge3A_326, %not3A_327 : i1
          %and3A_329 = arith.andi %or3A_321, %not3A_328 : i1
          %ne3A_330 = arith.cmpi ne, %add3A_223, %add3A_233 : i32
          %or3A_331 = arith.constant false
          %or3A_332 = arith.ori %or3A_331, %ne3A_330 : i1
          %or3A_333 = arith.constant false
          %or3A_334 = arith.ori %or3A_332, %or3A_333 : i1
          %or3A_335 = arith.constant false
          %or3A_336 = arith.ori %or3A_334, %or3A_335 : i1
          %or3A_337 = arith.ori %or3A_336, %eq3A_219 : i1
          %convert_element_type3A_338 = arith.extui %or3A_337 : i1 to i32
          %cond3A_339 = arith.constant 0 : i32
          %cond3A_340 = arith.cmpi ne, %convert_element_type3A_338, %cond3A_339 : i32
          scf.if %cond3A_340 {
            "tpu.trace_start"() <{level = 10 : i32, message = "ep_wait_in"}> : () -> ()
            %mul3A_570 = arith.constant 1 : i32
            %mul3A_571 = arith.muli %mul3A_570, %add3A_223 : i32
            %rem3A_572 = arith.constant 2 : i32
            %rem3A_573 = arith.remui %while3A_206, %rem3A_572 : i32
            %dma_wait3A = arith.constant 0 : i32
            %dma_wait3A_574 = arith.constant 0 : i32
            %dma_wait3A_575 = arith.constant 0 : i32
            %dma_wait3A_576 = tpu.memref_slice %run_scoped3A[%rem3A_573, %dma_wait3A, %dma_wait3A_574, %dma_wait3A_575] : memref<2x1x1x64xi32, #tpu.memory_space<vmem>> -> memref<1x1x1x64xi32, #tpu.memory_space<vmem>>
            %dma_wait3A_577 = tpu.memref_squeeze %dma_wait3A_576 : memref<1x1x1x64xi32, #tpu.memory_space<vmem>> -> memref<1x1x64xi32, #tpu.memory_space<vmem>>
            %dma_wait3A_578 = arith.constant 0 : i32
            %dma_wait3A_579 = arith.constant 0 : i32
            %dma_wait3A_580 = tpu.memref_slice %arg4[%mul3A_571, %dma_wait3A_578, %dma_wait3A_579] : memref<5000x1x64xi32, #tpu.memory_space<hbm>> -> memref<1x1x64xi32, #tpu.memory_space<hbm>>
            %dma_wait3A_581 = tpu.memref_slice %run_scoped3A_23[%rem3A_573] : memref<2x!tpu.dma_semaphore, #tpu.memory_space<semaphore_mem>> -> memref<1x!tpu.dma_semaphore, #tpu.memory_space<semaphore_mem>>
            %dma_wait3A_582 = tpu.memref_squeeze %dma_wait3A_581 : memref<1x!tpu.dma_semaphore, #tpu.memory_space<semaphore_mem>> -> memref<!tpu.dma_semaphore, #tpu.memory_space<semaphore_mem>>
            %dma_wait3A_583 = arith.constant 0 : i32
            %dma_wait3A_584 = arith.constant 0 : i32
            %dma_wait3A_585 = arith.constant 0 : i32
            %dma_wait3A_586 = tpu.memref_slice %run_scoped3A[%rem3A_573, %dma_wait3A_583, %dma_wait3A_584, %dma_wait3A_585] : memref<2x1x1x64xi32, #tpu.memory_space<vmem>> -> memref<1x1x1x64xi32, #tpu.memory_space<vmem>>
            %dma_wait3A_587 = tpu.memref_squeeze %dma_wait3A_586 : memref<1x1x1x64xi32, #tpu.memory_space<vmem>> -> memref<1x1x64xi32, #tpu.memory_space<vmem>>
            %dma_wait3A_588 = arith.constant 0 : i32
            %dma_wait3A_589 = arith.constant 0 : i32
            %dma_wait3A_590 = tpu.memref_slice %arg4[%mul3A_571, %dma_wait3A_588, %dma_wait3A_589] : memref<5000x1x64xi32, #tpu.memory_space<hbm>> -> memref<1x1x64xi32, #tpu.memory_space<hbm>>
            tpu.wait_dma2 semaphore(%dma_wait3A_582 : memref<!tpu.dma_semaphore, #tpu.memory_space<semaphore_mem>>) src(%dma_wait3A_590 : memref<1x1x64xi32, #tpu.memory_space<hbm>>) dst(%dma_wait3A_587 : memref<1x1x64xi32, #tpu.memory_space<vmem>>)
            "tpu.trace_stop"() : () -> ()
          } else {
          }
          %ne3A_341 = arith.cmpi ne, %add3A_223, %add3A_233 : i32
          %or3A_342 = arith.constant false
          %or3A_343 = arith.ori %or3A_342, %ne3A_341 : i1
          %or3A_344 = arith.constant false
          %or3A_345 = arith.ori %or3A_343, %or3A_344 : i1
          %or3A_346 = arith.constant false
          %or3A_347 = arith.ori %or3A_345, %or3A_346 : i1
          %or3A_348 = arith.ori %or3A_347, %eq3A_219 : i1
          %convert_element_type3A_349 = arith.extui %or3A_348 : i1 to i32
          %cond3A_350 = arith.constant 0 : i32
          %cond3A_351 = arith.cmpi ne, %convert_element_type3A_349, %cond3A_350 : i32
          scf.if %cond3A_351 {
            "tpu.trace_start"() <{level = 10 : i32, message = "ep_wait_in"}> : () -> ()
            %mul3A_570 = arith.constant 1 : i32
            %mul3A_571 = arith.muli %mul3A_570, %add3A_223 : i32
            %rem3A_572 = arith.constant 2 : i32
            %rem3A_573 = arith.remui %while3A_208, %rem3A_572 : i32
            %dma_wait3A = arith.constant 0 : i32
            %dma_wait3A_574 = arith.constant 0 : i32
            %dma_wait3A_575 = arith.constant 0 : i32
            %dma_wait3A_576 = tpu.memref_slice %run_scoped3A_24[%rem3A_573, %dma_wait3A, %dma_wait3A_574, %dma_wait3A_575] : memref<2x1x1x64xi32, #tpu.memory_space<vmem>> -> memref<1x1x1x64xi32, #tpu.memory_space<vmem>>
            %dma_wait3A_577 = tpu.memref_squeeze %dma_wait3A_576 : memref<1x1x1x64xi32, #tpu.memory_space<vmem>> -> memref<1x1x64xi32, #tpu.memory_space<vmem>>
            %dma_wait3A_578 = arith.constant 0 : i32
            %dma_wait3A_579 = arith.constant 0 : i32
            %dma_wait3A_580 = tpu.memref_slice %arg5[%mul3A_571, %dma_wait3A_578, %dma_wait3A_579] : memref<5000x1x64xi32, #tpu.memory_space<hbm>> -> memref<1x1x64xi32, #tpu.memory_space<hbm>>
            %dma_wait3A_581 = tpu.memref_slice %run_scoped3A_25[%rem3A_573] : memref<2x!tpu.dma_semaphore, #tpu.memory_space<semaphore_mem>> -> memref<1x!tpu.dma_semaphore, #tpu.memory_space<semaphore_mem>>
            %dma_wait3A_582 = tpu.memref_squeeze %dma_wait3A_581 : memref<1x!tpu.dma_semaphore, #tpu.memory_space<semaphore_mem>> -> memref<!tpu.dma_semaphore, #tpu.memory_space<semaphore_mem>>
            %dma_wait3A_583 = arith.constant 0 : i32
            %dma_wait3A_584 = arith.constant 0 : i32
            %dma_wait3A_585 = arith.constant 0 : i32
            %dma_wait3A_586 = tpu.memref_slice %run_scoped3A_24[%rem3A_573, %dma_wait3A_583, %dma_wait3A_584, %dma_wait3A_585] : memref<2x1x1x64xi32, #tpu.memory_space<vmem>> -> memref<1x1x1x64xi32, #tpu.memory_space<vmem>>
            %dma_wait3A_587 = tpu.memref_squeeze %dma_wait3A_586 : memref<1x1x1x64xi32, #tpu.memory_space<vmem>> -> memref<1x1x64xi32, #tpu.memory_space<vmem>>
            %dma_wait3A_588 = arith.constant 0 : i32
            %dma_wait3A_589 = arith.constant 0 : i32
            %dma_wait3A_590 = tpu.memref_slice %arg5[%mul3A_571, %dma_wait3A_588, %dma_wait3A_589] : memref<5000x1x64xi32, #tpu.memory_space<hbm>> -> memref<1x1x64xi32, #tpu.memory_space<hbm>>
            tpu.wait_dma2 semaphore(%dma_wait3A_582 : memref<!tpu.dma_semaphore, #tpu.memory_space<semaphore_mem>>) src(%dma_wait3A_590 : memref<1x1x64xi32, #tpu.memory_space<hbm>>) dst(%dma_wait3A_587 : memref<1x1x64xi32, #tpu.memory_space<vmem>>)
            "tpu.trace_stop"() : () -> ()
          } else {
          }
          %ne3A_352 = arith.cmpi ne, %add3A_223, %add3A_233 : i32
          %or3A_353 = arith.constant false
          %or3A_354 = arith.ori %or3A_353, %ne3A_352 : i1
          %or3A_355 = arith.constant false
          %or3A_356 = arith.ori %or3A_354, %or3A_355 : i1
          %or3A_357 = arith.ori %or3A_356, %eq3A_219 : i1
          %convert_element_type3A_358 = arith.extui %or3A_357 : i1 to i32
          %cond3A_359 = arith.constant 0 : i32
          %cond3A_360 = arith.cmpi ne, %convert_element_type3A_358, %cond3A_359 : i32
          scf.if %cond3A_360 {
          } else {
          }
          %ne3A_361 = arith.cmpi ne, %add3A_223, %add3A_233 : i32
          %or3A_362 = arith.constant false
          %or3A_363 = arith.ori %or3A_362, %ne3A_361 : i1
          %or3A_364 = arith.constant false
          %or3A_365 = arith.ori %or3A_363, %or3A_364 : i1
          %or3A_366 = arith.ori %or3A_365, %eq3A_219 : i1
          %convert_element_type3A_367 = arith.extui %or3A_366 : i1 to i32
          %cond3A_368 = arith.constant 0 : i32
          %cond3A_369 = arith.cmpi ne, %convert_element_type3A_367, %cond3A_368 : i32
          scf.if %cond3A_369 {
          } else {
          }
          %ne3A_370 = arith.cmpi ne, %add3A_223, %add3A_233 : i32
          %or3A_371 = arith.constant false
          %or3A_372 = arith.ori %or3A_371, %ne3A_370 : i1
          %or3A_373 = arith.constant false
          %or3A_374 = arith.ori %or3A_372, %or3A_373 : i1
          %or3A_375 = arith.ori %or3A_374, %eq3A_219 : i1
          %convert_element_type3A_376 = arith.extui %or3A_375 : i1 to i32
          %cond3A_377 = arith.constant 0 : i32
          %cond3A_378 = arith.cmpi ne, %convert_element_type3A_376, %cond3A_377 : i32
          scf.if %cond3A_378 {
          } else {
          }
          %rem3A_379 = arith.constant 2 : i32
          %rem3A_380 = arith.remui %while3A_206, %rem3A_379 : i32
          %rem3A_381 = arith.constant 2 : i32
          %rem3A_382 = arith.remui %while3A_208, %rem3A_381 : i32
          %rem3A_383 = arith.constant 2 : i32
          %rem3A_384 = arith.remui %while3A_209, %rem3A_383 : i32
          %rem3A_385 = arith.constant 2 : i32
          %rem3A_386 = arith.remui %while3A_211, %rem3A_385 : i32
          %rem3A_387 = arith.constant 2 : i32
          %rem3A_388 = arith.remui %while3A_213, %rem3A_387 : i32
          %run_scoped3A_389 = arith.constant 0 : i32
          %run_scoped3A_390 = arith.constant 0 : i32
          "tpu.trace_start"() <{level = 10 : i32, message = "ep_run_kernel"}> : () -> ()
          "tpu.region"() ({
            %run_scoped3A_570 = tpu.sem_alloc : memref<!tpu.dma_semaphore, #tpu.memory_space<semaphore_mem>>
            %dma_start3A_571 = arith.constant 0 : i32
            %dma_start3A_572 = arith.constant 0 : i32
            %dma_start3A_573 = tpu.memref_slice %run_scoped3A_26[%rem3A_384, %dma_start3A_571, %dma_start3A_572] : memref<2x64x128xf32, #tpu.memory_space<vmem>> -> memref<1x64x128xf32, #tpu.memory_space<vmem>>
            %dma_start3A_574 = tpu.memref_squeeze %dma_start3A_573 : memref<1x64x128xf32, #tpu.memory_space<vmem>> -> memref<64x128xf32, #tpu.memory_space<vmem>>
            %dma_start3A_575 = arith.constant 0 : i32
            %dma_start3A_576 = arith.constant 0 : i32
            %dma_start3A_577 = arith.constant 0 : i32
            %dma_start3A_578 = tpu.memref_slice %run_scoped3A[%rem3A_380, %dma_start3A_575, %dma_start3A_576, %dma_start3A_577] : memref<2x1x1x64xi32, #tpu.memory_space<vmem>> -> memref<1x1x1x64xi32, #tpu.memory_space<vmem>>
            %dma_start3A_579 = tpu.memref_squeeze %dma_start3A_578 : memref<1x1x1x64xi32, #tpu.memory_space<vmem>> -> memref<1x1x64xi32, #tpu.memory_space<vmem>>
            %dma_start3A_580 = arith.constant 0 : i32
            %dma_start3A_581 = tpu.memref_slice %dma_start3A_579[%run_scoped3A_389, %run_scoped3A_390, %dma_start3A_580] : memref<1x1x64xi32, #tpu.memory_space<vmem>> -> memref<1x1x64xi32, #tpu.memory_space<vmem>>
            %dma_start3A_582 = tpu.memref_squeeze %dma_start3A_581 : memref<1x1x64xi32, #tpu.memory_space<vmem>> -> memref<64xi32, #tpu.memory_space<vmem>>
            %dma_start3A_583 = arith.constant 0 : i32
            %dma_start3A_584 = arith.constant 0 : i32
            %dma_start3A_585 = tpu.memref_slice %arg2[%dma_start3A_583, %dma_start3A_584] : memref<10000x128xf32, #tpu.memory_space<hbm>> -> memref<10000x128xf32, #tpu.memory_space<hbm>>
            tpu.enqueue_indirect_dma source(%dma_start3A_585 : memref<10000x128xf32, #tpu.memory_space<hbm>>) target(%dma_start3A_574 : memref<64x128xf32, #tpu.memory_space<vmem>>) offsets(%dma_start3A_582 : memref<64xi32, #tpu.memory_space<vmem>>) semaphore(%run_scoped3A_570 : memref<!tpu.dma_semaphore, #tpu.memory_space<semaphore_mem>>)
            %dma_wait3A = arith.constant 0 : i32
            %dma_wait3A_586 = arith.constant 0 : i32
            %dma_wait3A_587 = tpu.memref_slice %run_scoped3A_26[%rem3A_384, %dma_wait3A, %dma_wait3A_586] : memref<2x64x128xf32, #tpu.memory_space<vmem>> -> memref<1x64x128xf32, #tpu.memory_space<vmem>>
            %dma_wait3A_588 = tpu.memref_squeeze %dma_wait3A_587 : memref<1x64x128xf32, #tpu.memory_space<vmem>> -> memref<64x128xf32, #tpu.memory_space<vmem>>
            %dma_wait3A_589 = arith.constant 0 : i32
            %dma_wait3A_590 = arith.constant 0 : i32
            %dma_wait3A_591 = arith.constant 0 : i32
            %dma_wait3A_592 = tpu.memref_slice %run_scoped3A[%rem3A_380, %dma_wait3A_589, %dma_wait3A_590, %dma_wait3A_591] : memref<2x1x1x64xi32, #tpu.memory_space<vmem>> -> memref<1x1x1x64xi32, #tpu.memory_space<vmem>>
            %dma_wait3A_593 = tpu.memref_squeeze %dma_wait3A_592 : memref<1x1x1x64xi32, #tpu.memory_space<vmem>> -> memref<1x1x64xi32, #tpu.memory_space<vmem>>
            %dma_wait3A_594 = arith.constant 0 : i32
            %dma_wait3A_595 = tpu.memref_slice %dma_wait3A_593[%run_scoped3A_389, %run_scoped3A_390, %dma_wait3A_594] : memref<1x1x64xi32, #tpu.memory_space<vmem>> -> memref<1x1x64xi32, #tpu.memory_space<vmem>>
            %dma_wait3A_596 = tpu.memref_squeeze %dma_wait3A_595 : memref<1x1x64xi32, #tpu.memory_space<vmem>> -> memref<64xi32, #tpu.memory_space<vmem>>
            %dma_wait3A_597 = arith.constant 0 : i32
            %dma_wait3A_598 = arith.constant 0 : i32
            %dma_wait3A_599 = tpu.memref_slice %arg2[%dma_wait3A_597, %dma_wait3A_598] : memref<10000x128xf32, #tpu.memory_space<hbm>> -> memref<10000x128xf32, #tpu.memory_space<hbm>>
            tpu.wait_indirect_dma semaphore(%run_scoped3A_570 : memref<!tpu.dma_semaphore, #tpu.memory_space<semaphore_mem>>) src(%dma_wait3A_599 : memref<10000x128xf32, #tpu.memory_space<hbm>>) dst(%dma_wait3A_588 : memref<64x128xf32, #tpu.memory_space<vmem>>)
            tpu.yield
          }) : () -> ()
          %run_scoped3A_391 = arith.constant 0 : i32
          %run_scoped3A_392 = arith.constant 0 : i32
          "tpu.region"() ({
            %run_scoped3A_570 = tpu.sem_alloc : memref<!tpu.dma_semaphore, #tpu.memory_space<semaphore_mem>>
            %dma_start3A_571 = arith.constant 0 : i32
            %dma_start3A_572 = arith.constant 0 : i32
            %dma_start3A_573 = tpu.memref_slice %run_scoped3A_28[%rem3A_386, %dma_start3A_571, %dma_start3A_572] : memref<2x64x128xf32, #tpu.memory_space<vmem>> -> memref<1x64x128xf32, #tpu.memory_space<vmem>>
            %dma_start3A_574 = tpu.memref_squeeze %dma_start3A_573 : memref<1x64x128xf32, #tpu.memory_space<vmem>> -> memref<64x128xf32, #tpu.memory_space<vmem>>
            %dma_start3A_575 = arith.constant 0 : i32
            %dma_start3A_576 = arith.constant 0 : i32
            %dma_start3A_577 = arith.constant 0 : i32
            %dma_start3A_578 = tpu.memref_slice %run_scoped3A[%rem3A_380, %dma_start3A_575, %dma_start3A_576, %dma_start3A_577] : memref<2x1x1x64xi32, #tpu.memory_space<vmem>> -> memref<1x1x1x64xi32, #tpu.memory_space<vmem>>
            %dma_start3A_579 = tpu.memref_squeeze %dma_start3A_578 : memref<1x1x1x64xi32, #tpu.memory_space<vmem>> -> memref<1x1x64xi32, #tpu.memory_space<vmem>>
            %dma_start3A_580 = arith.constant 0 : i32
            %dma_start3A_581 = tpu.memref_slice %dma_start3A_579[%run_scoped3A_391, %run_scoped3A_392, %dma_start3A_580] : memref<1x1x64xi32, #tpu.memory_space<vmem>> -> memref<1x1x64xi32, #tpu.memory_space<vmem>>
            %dma_start3A_582 = tpu.memref_squeeze %dma_start3A_581 : memref<1x1x64xi32, #tpu.memory_space<vmem>> -> memref<64xi32, #tpu.memory_space<vmem>>
            %dma_start3A_583 = arith.constant 0 : i32
            %dma_start3A_584 = arith.constant 0 : i32
            %dma_start3A_585 = tpu.memref_slice %arg9[%dma_start3A_583, %dma_start3A_584] : memref<10000x128xf32, #tpu.memory_space<vmem_shared>> -> memref<10000x128xf32, #tpu.memory_space<vmem_shared>>
            tpu.enqueue_indirect_dma source(%dma_start3A_585 : memref<10000x128xf32, #tpu.memory_space<vmem_shared>>) target(%dma_start3A_574 : memref<64x128xf32, #tpu.memory_space<vmem>>) offsets(%dma_start3A_582 : memref<64xi32, #tpu.memory_space<vmem>>) semaphore(%run_scoped3A_570 : memref<!tpu.dma_semaphore, #tpu.memory_space<semaphore_mem>>)
            %dma_wait3A = arith.constant 0 : i32
            %dma_wait3A_586 = arith.constant 0 : i32
            %dma_wait3A_587 = tpu.memref_slice %run_scoped3A_28[%rem3A_386, %dma_wait3A, %dma_wait3A_586] : memref<2x64x128xf32, #tpu.memory_space<vmem>> -> memref<1x64x128xf32, #tpu.memory_space<vmem>>
            %dma_wait3A_588 = tpu.memref_squeeze %dma_wait3A_587 : memref<1x64x128xf32, #tpu.memory_space<vmem>> -> memref<64x128xf32, #tpu.memory_space<vmem>>
            %dma_wait3A_589 = arith.constant 0 : i32
            %dma_wait3A_590 = arith.constant 0 : i32
            %dma_wait3A_591 = arith.constant 0 : i32
            %dma_wait3A_592 = tpu.memref_slice %run_scoped3A[%rem3A_380, %dma_wait3A_589, %dma_wait3A_590, %dma_wait3A_591] : memref<2x1x1x64xi32, #tpu.memory_space<vmem>> -> memref<1x1x1x64xi32, #tpu.memory_space<vmem>>
            %dma_wait3A_593 = tpu.memref_squeeze %dma_wait3A_592 : memref<1x1x1x64xi32, #tpu.memory_space<vmem>> -> memref<1x1x64xi32, #tpu.memory_space<vmem>>
            %dma_wait3A_594 = arith.constant 0 : i32
            %dma_wait3A_595 = tpu.memref_slice %dma_wait3A_593[%run_scoped3A_391, %run_scoped3A_392, %dma_wait3A_594] : memref<1x1x64xi32, #tpu.memory_space<vmem>> -> memref<1x1x64xi32, #tpu.memory_space<vmem>>
            %dma_wait3A_596 = tpu.memref_squeeze %dma_wait3A_595 : memref<1x1x64xi32, #tpu.memory_space<vmem>> -> memref<64xi32, #tpu.memory_space<vmem>>
            %dma_wait3A_597 = arith.constant 0 : i32
            %dma_wait3A_598 = arith.constant 0 : i32
            %dma_wait3A_599 = tpu.memref_slice %arg9[%dma_wait3A_597, %dma_wait3A_598] : memref<10000x128xf32, #tpu.memory_space<vmem_shared>> -> memref<10000x128xf32, #tpu.memory_space<vmem_shared>>
            tpu.wait_indirect_dma semaphore(%run_scoped3A_570 : memref<!tpu.dma_semaphore, #tpu.memory_space<semaphore_mem>>) src(%dma_wait3A_599 : memref<10000x128xf32, #tpu.memory_space<vmem_shared>>) dst(%dma_wait3A_588 : memref<64x128xf32, #tpu.memory_space<vmem>>)
            tpu.yield
          }) : () -> ()
          %run_scoped3A_393 = arith.constant 0 : i32
          %run_scoped3A_394 = arith.constant 0 : i32
          "tpu.region"() ({
            %run_scoped3A_570 = tpu.sem_alloc : memref<!tpu.dma_semaphore, #tpu.memory_space<semaphore_mem>>
            %dma_start3A_571 = arith.constant 0 : i32
            %dma_start3A_572 = arith.constant 0 : i32
            %dma_start3A_573 = tpu.memref_slice %run_scoped3A_30[%rem3A_388, %dma_start3A_571, %dma_start3A_572] : memref<2x64x128xf32, #tpu.memory_space<vmem>> -> memref<1x64x128xf32, #tpu.memory_space<vmem>>
            %dma_start3A_574 = tpu.memref_squeeze %dma_start3A_573 : memref<1x64x128xf32, #tpu.memory_space<vmem>> -> memref<64x128xf32, #tpu.memory_space<vmem>>
            %dma_start3A_575 = arith.constant 0 : i32
            %dma_start3A_576 = arith.constant 0 : i32
            %dma_start3A_577 = arith.constant 0 : i32
            %dma_start3A_578 = tpu.memref_slice %run_scoped3A_24[%rem3A_382, %dma_start3A_575, %dma_start3A_576, %dma_start3A_577] : memref<2x1x1x64xi32, #tpu.memory_space<vmem>> -> memref<1x1x1x64xi32, #tpu.memory_space<vmem>>
            %dma_start3A_579 = tpu.memref_squeeze %dma_start3A_578 : memref<1x1x1x64xi32, #tpu.memory_space<vmem>> -> memref<1x1x64xi32, #tpu.memory_space<vmem>>
            %dma_start3A_580 = arith.constant 0 : i32
            %dma_start3A_581 = tpu.memref_slice %dma_start3A_579[%run_scoped3A_393, %run_scoped3A_394, %dma_start3A_580] : memref<1x1x64xi32, #tpu.memory_space<vmem>> -> memref<1x1x64xi32, #tpu.memory_space<vmem>>
            %dma_start3A_582 = tpu.memref_squeeze %dma_start3A_581 : memref<1x1x64xi32, #tpu.memory_space<vmem>> -> memref<64xi32, #tpu.memory_space<vmem>>
            %dma_start3A_583 = arith.constant 0 : i32
            %dma_start3A_584 = arith.constant 0 : i32
            %dma_start3A_585 = tpu.memref_slice %arg9[%dma_start3A_583, %dma_start3A_584] : memref<10000x128xf32, #tpu.memory_space<vmem_shared>> -> memref<10000x128xf32, #tpu.memory_space<vmem_shared>>
            tpu.enqueue_indirect_dma source(%dma_start3A_585 : memref<10000x128xf32, #tpu.memory_space<vmem_shared>>) target(%dma_start3A_574 : memref<64x128xf32, #tpu.memory_space<vmem>>) offsets(%dma_start3A_582 : memref<64xi32, #tpu.memory_space<vmem>>) semaphore(%run_scoped3A_570 : memref<!tpu.dma_semaphore, #tpu.memory_space<semaphore_mem>>)
            %dma_wait3A = arith.constant 0 : i32
            %dma_wait3A_586 = arith.constant 0 : i32
            %dma_wait3A_587 = tpu.memref_slice %run_scoped3A_30[%rem3A_388, %dma_wait3A, %dma_wait3A_586] : memref<2x64x128xf32, #tpu.memory_space<vmem>> -> memref<1x64x128xf32, #tpu.memory_space<vmem>>
            %dma_wait3A_588 = tpu.memref_squeeze %dma_wait3A_587 : memref<1x64x128xf32, #tpu.memory_space<vmem>> -> memref<64x128xf32, #tpu.memory_space<vmem>>
            %dma_wait3A_589 = arith.constant 0 : i32
            %dma_wait3A_590 = arith.constant 0 : i32
            %dma_wait3A_591 = arith.constant 0 : i32
            %dma_wait3A_592 = tpu.memref_slice %run_scoped3A_24[%rem3A_382, %dma_wait3A_589, %dma_wait3A_590, %dma_wait3A_591] : memref<2x1x1x64xi32, #tpu.memory_space<vmem>> -> memref<1x1x1x64xi32, #tpu.memory_space<vmem>>
            %dma_wait3A_593 = tpu.memref_squeeze %dma_wait3A_592 : memref<1x1x1x64xi32, #tpu.memory_space<vmem>> -> memref<1x1x64xi32, #tpu.memory_space<vmem>>
            %dma_wait3A_594 = arith.constant 0 : i32
            %dma_wait3A_595 = tpu.memref_slice %dma_wait3A_593[%run_scoped3A_393, %run_scoped3A_394, %dma_wait3A_594] : memref<1x1x64xi32, #tpu.memory_space<vmem>> -> memref<1x1x64xi32, #tpu.memory_space<vmem>>
            %dma_wait3A_596 = tpu.memref_squeeze %dma_wait3A_595 : memref<1x1x64xi32, #tpu.memory_space<vmem>> -> memref<64xi32, #tpu.memory_space<vmem>>
            %dma_wait3A_597 = arith.constant 0 : i32
            %dma_wait3A_598 = arith.constant 0 : i32
            %dma_wait3A_599 = tpu.memref_slice %arg9[%dma_wait3A_597, %dma_wait3A_598] : memref<10000x128xf32, #tpu.memory_space<vmem_shared>> -> memref<10000x128xf32, #tpu.memory_space<vmem_shared>>
            tpu.wait_indirect_dma semaphore(%run_scoped3A_570 : memref<!tpu.dma_semaphore, #tpu.memory_space<semaphore_mem>>) src(%dma_wait3A_599 : memref<10000x128xf32, #tpu.memory_space<vmem_shared>>) dst(%dma_wait3A_588 : memref<64x128xf32, #tpu.memory_space<vmem>>)
            tpu.yield
          }) : () -> ()
          "tpu.trace_stop"() : () -> ()
          %ne3A_395 = arith.cmpi ne, %add3A_223, %add3A_241 : i32
          %or3A_396 = arith.constant false
          %or3A_397 = arith.ori %or3A_396, %ne3A_395 : i1
          %or3A_398 = arith.constant false
          %or3A_399 = arith.ori %or3A_397, %or3A_398 : i1
          %or3A_400 = arith.constant false
          %or3A_401 = arith.ori %or3A_399, %or3A_400 : i1
          %or3A_402 = arith.ori %or3A_401, %eq3A_222 : i1
          %convert_element_type3A_403 = arith.extui %or3A_402 : i1 to i32
          %cond3A_404 = arith.constant 0 : i32
          %cond3A_405 = arith.cmpi ne, %convert_element_type3A_403, %cond3A_404 : i32
          scf.if %cond3A_405 {
          } else {
          }
          %and3A_406 = arith.constant false
          %and3A_407 = arith.andi %or3A_402, %and3A_406 : i1
          %ne3A_408 = arith.cmpi ne, %add3A_223, %add3A_241 : i32
          %or3A_409 = arith.constant false
          %or3A_410 = arith.ori %or3A_409, %ne3A_408 : i1
          %or3A_411 = arith.constant false
          %or3A_412 = arith.ori %or3A_410, %or3A_411 : i1
          %or3A_413 = arith.constant false
          %or3A_414 = arith.ori %or3A_412, %or3A_413 : i1
          %or3A_415 = arith.ori %or3A_414, %eq3A_222 : i1
          %convert_element_type3A_416 = arith.extui %or3A_415 : i1 to i32
          %cond3A_417 = arith.constant 0 : i32
          %cond3A_418 = arith.cmpi ne, %convert_element_type3A_416, %cond3A_417 : i32
          scf.if %cond3A_418 {
          } else {
          }
          %and3A_419 = arith.constant false
          %and3A_420 = arith.andi %or3A_415, %and3A_419 : i1
          %ne3A_421 = arith.cmpi ne, %add3A_223, %add3A_241 : i32
          %or3A_422 = arith.constant false
          %or3A_423 = arith.ori %or3A_422, %ne3A_421 : i1
          %or3A_424 = arith.constant false
          %or3A_425 = arith.ori %or3A_423, %or3A_424 : i1
          %or3A_426 = arith.ori %or3A_425, %eq3A_222 : i1
          %convert_element_type3A_427 = arith.extui %or3A_426 : i1 to i32
          %cond3A_428 = arith.constant 0 : i32
          %cond3A_429 = arith.cmpi ne, %convert_element_type3A_427, %cond3A_428 : i32
          scf.if %cond3A_429 {
            "tpu.trace_start"() <{level = 10 : i32, message = "ep_copy_out"}> : () -> ()
            %rem3A_570 = arith.constant 2 : i32
            %rem3A_571 = arith.remui %while3A_209, %rem3A_570 : i32
            %mul3A_572 = arith.constant 64 : i32
            %mul3A_573 = arith.muli %mul3A_572, %add3A_223 : i32
            %dma_start3A_574 = arith.constant 0 : i32
            %dma_start3A_575 = arith.constant 0 : i32
            %dma_start3A_576 = tpu.memref_slice %run_scoped3A_26[%rem3A_571, %dma_start3A_574, %dma_start3A_575] : memref<2x64x128xf32, #tpu.memory_space<vmem>> -> memref<1x64x128xf32, #tpu.memory_space<vmem>>
            %dma_start3A_577 = tpu.memref_squeeze %dma_start3A_576 : memref<1x64x128xf32, #tpu.memory_space<vmem>> -> memref<64x128xf32, #tpu.memory_space<vmem>>
            %dma_start3A_578 = arith.constant 0 : i32
            %dma_start3A_579 = tpu.memref_slice %arg6[%mul3A_573, %dma_start3A_578] : memref<320000x128xf32, #tpu.memory_space<hbm>> -> memref<64x128xf32, #tpu.memory_space<hbm>>
            %dma_start3A_580 = tpu.memref_slice %run_scoped3A_27[%rem3A_571] : memref<2x!tpu.dma_semaphore, #tpu.memory_space<semaphore_mem>> -> memref<1x!tpu.dma_semaphore, #tpu.memory_space<semaphore_mem>>
            %dma_start3A_581 = tpu.memref_squeeze %dma_start3A_580 : memref<1x!tpu.dma_semaphore, #tpu.memory_space<semaphore_mem>> -> memref<!tpu.dma_semaphore, #tpu.memory_space<semaphore_mem>>
            %dma_start3A_582 = arith.constant 0 : i32
            %dma_start3A_583 = tpu.memref_slice %arg6[%mul3A_573, %dma_start3A_582] : memref<320000x128xf32, #tpu.memory_space<hbm>> -> memref<64x128xf32, #tpu.memory_space<hbm>>
            %dma_start3A_584 = arith.constant 0 : i32
            %dma_start3A_585 = arith.constant 0 : i32
            %dma_start3A_586 = tpu.memref_slice %run_scoped3A_26[%rem3A_571, %dma_start3A_584, %dma_start3A_585] : memref<2x64x128xf32, #tpu.memory_space<vmem>> -> memref<1x64x128xf32, #tpu.memory_space<vmem>>
            %dma_start3A_587 = tpu.memref_squeeze %dma_start3A_586 : memref<1x64x128xf32, #tpu.memory_space<vmem>> -> memref<64x128xf32, #tpu.memory_space<vmem>>
            tpu.enqueue_dma source(%dma_start3A_587 : memref<64x128xf32, #tpu.memory_space<vmem>>) target(%dma_start3A_583 : memref<64x128xf32, #tpu.memory_space<hbm>>) target_semaphore(%dma_start3A_581 : memref<!tpu.dma_semaphore, #tpu.memory_space<semaphore_mem>>)
            "tpu.trace_stop"() : () -> ()
          } else {
          }
          %and3A_430 = arith.constant true
          %and3A_431 = arith.andi %or3A_426, %and3A_430 : i1
          %add3A_432 = arith.constant 1 : i32
          %add3A_433 = arith.addi %while3A_209, %add3A_432 : i32
          %select_n3A_434 = arith.select %and3A_431, %add3A_433, %while3A_209 : i32
          %ne3A_435 = arith.cmpi ne, %add3A_223, %add3A_241 : i32
          %or3A_436 = arith.constant false
          %or3A_437 = arith.ori %or3A_436, %ne3A_435 : i1
          %or3A_438 = arith.constant false
          %or3A_439 = arith.ori %or3A_437, %or3A_438 : i1
          %or3A_440 = arith.ori %or3A_439, %eq3A_222 : i1
          %convert_element_type3A_441 = arith.extui %or3A_440 : i1 to i32
          %cond3A_442 = arith.constant 0 : i32
          %cond3A_443 = arith.cmpi ne, %convert_element_type3A_441, %cond3A_442 : i32
          scf.if %cond3A_443 {
            "tpu.trace_start"() <{level = 10 : i32, message = "ep_copy_out"}> : () -> ()
            %rem3A_570 = arith.constant 2 : i32
            %rem3A_571 = arith.remui %while3A_211, %rem3A_570 : i32
            %mul3A_572 = arith.constant 64 : i32
            %mul3A_573 = arith.muli %mul3A_572, %add3A_223 : i32
            %dma_start3A_574 = arith.constant 0 : i32
            %dma_start3A_575 = arith.constant 0 : i32
            %dma_start3A_576 = tpu.memref_slice %run_scoped3A_28[%rem3A_571, %dma_start3A_574, %dma_start3A_575] : memref<2x64x128xf32, #tpu.memory_space<vmem>> -> memref<1x64x128xf32, #tpu.memory_space<vmem>>
            %dma_start3A_577 = tpu.memref_squeeze %dma_start3A_576 : memref<1x64x128xf32, #tpu.memory_space<vmem>> -> memref<64x128xf32, #tpu.memory_space<vmem>>
            %dma_start3A_578 = arith.constant 0 : i32
            %dma_start3A_579 = tpu.memref_slice %arg7[%mul3A_573, %dma_start3A_578] : memref<320000x128xf32, #tpu.memory_space<hbm>> -> memref<64x128xf32, #tpu.memory_space<hbm>>
            %dma_start3A_580 = tpu.memref_slice %run_scoped3A_29[%rem3A_571] : memref<2x!tpu.dma_semaphore, #tpu.memory_space<semaphore_mem>> -> memref<1x!tpu.dma_semaphore, #tpu.memory_space<semaphore_mem>>
            %dma_start3A_581 = tpu.memref_squeeze %dma_start3A_580 : memref<1x!tpu.dma_semaphore, #tpu.memory_space<semaphore_mem>> -> memref<!tpu.dma_semaphore, #tpu.memory_space<semaphore_mem>>
            %dma_start3A_582 = arith.constant 0 : i32
            %dma_start3A_583 = tpu.memref_slice %arg7[%mul3A_573, %dma_start3A_582] : memref<320000x128xf32, #tpu.memory_space<hbm>> -> memref<64x128xf32, #tpu.memory_space<hbm>>
            %dma_start3A_584 = arith.constant 0 : i32
            %dma_start3A_585 = arith.constant 0 : i32
            %dma_start3A_586 = tpu.memref_slice %run_scoped3A_28[%rem3A_571, %dma_start3A_584, %dma_start3A_585] : memref<2x64x128xf32, #tpu.memory_space<vmem>> -> memref<1x64x128xf32, #tpu.memory_space<vmem>>
            %dma_start3A_587 = tpu.memref_squeeze %dma_start3A_586 : memref<1x64x128xf32, #tpu.memory_space<vmem>> -> memref<64x128xf32, #tpu.memory_space<vmem>>
            tpu.enqueue_dma source(%dma_start3A_587 : memref<64x128xf32, #tpu.memory_space<vmem>>) target(%dma_start3A_583 : memref<64x128xf32, #tpu.memory_space<hbm>>) target_semaphore(%dma_start3A_581 : memref<!tpu.dma_semaphore, #tpu.memory_space<semaphore_mem>>)
            "tpu.trace_stop"() : () -> ()
          } else {
          }
          %and3A_444 = arith.constant true
          %and3A_445 = arith.andi %or3A_440, %and3A_444 : i1
          %add3A_446 = arith.constant 1 : i32
          %add3A_447 = arith.addi %while3A_211, %add3A_446 : i32
          %select_n3A_448 = arith.select %and3A_445, %add3A_447, %while3A_211 : i32
          %ne3A_449 = arith.cmpi ne, %add3A_223, %add3A_241 : i32
          %or3A_450 = arith.constant false
          %or3A_451 = arith.ori %or3A_450, %ne3A_449 : i1
          %or3A_452 = arith.constant false
          %or3A_453 = arith.ori %or3A_451, %or3A_452 : i1
          %or3A_454 = arith.ori %or3A_453, %eq3A_222 : i1
          %convert_element_type3A_455 = arith.extui %or3A_454 : i1 to i32
          %cond3A_456 = arith.constant 0 : i32
          %cond3A_457 = arith.cmpi ne, %convert_element_type3A_455, %cond3A_456 : i32
          scf.if %cond3A_457 {
            "tpu.trace_start"() <{level = 10 : i32, message = "ep_copy_out"}> : () -> ()
            %rem3A_570 = arith.constant 2 : i32
            %rem3A_571 = arith.remui %while3A_213, %rem3A_570 : i32
            %mul3A_572 = arith.constant 64 : i32
            %mul3A_573 = arith.muli %mul3A_572, %add3A_223 : i32
            %dma_start3A_574 = arith.constant 0 : i32
            %dma_start3A_575 = arith.constant 0 : i32
            %dma_start3A_576 = tpu.memref_slice %run_scoped3A_30[%rem3A_571, %dma_start3A_574, %dma_start3A_575] : memref<2x64x128xf32, #tpu.memory_space<vmem>> -> memref<1x64x128xf32, #tpu.memory_space<vmem>>
            %dma_start3A_577 = tpu.memref_squeeze %dma_start3A_576 : memref<1x64x128xf32, #tpu.memory_space<vmem>> -> memref<64x128xf32, #tpu.memory_space<vmem>>
            %dma_start3A_578 = arith.constant 0 : i32
            %dma_start3A_579 = tpu.memref_slice %arg8[%mul3A_573, %dma_start3A_578] : memref<320000x128xf32, #tpu.memory_space<hbm>> -> memref<64x128xf32, #tpu.memory_space<hbm>>
            %dma_start3A_580 = tpu.memref_slice %run_scoped3A_31[%rem3A_571] : memref<2x!tpu.dma_semaphore, #tpu.memory_space<semaphore_mem>> -> memref<1x!tpu.dma_semaphore, #tpu.memory_space<semaphore_mem>>
            %dma_start3A_581 = tpu.memref_squeeze %dma_start3A_580 : memref<1x!tpu.dma_semaphore, #tpu.memory_space<semaphore_mem>> -> memref<!tpu.dma_semaphore, #tpu.memory_space<semaphore_mem>>
            %dma_start3A_582 = arith.constant 0 : i32
            %dma_start3A_583 = tpu.memref_slice %arg8[%mul3A_573, %dma_start3A_582] : memref<320000x128xf32, #tpu.memory_space<hbm>> -> memref<64x128xf32, #tpu.memory_space<hbm>>
            %dma_start3A_584 = arith.constant 0 : i32
            %dma_start3A_585 = arith.constant 0 : i32
            %dma_start3A_586 = tpu.memref_slice %run_scoped3A_30[%rem3A_571, %dma_start3A_584, %dma_start3A_585] : memref<2x64x128xf32, #tpu.memory_space<vmem>> -> memref<1x64x128xf32, #tpu.memory_space<vmem>>
            %dma_start3A_587 = tpu.memref_squeeze %dma_start3A_586 : memref<1x64x128xf32, #tpu.memory_space<vmem>> -> memref<64x128xf32, #tpu.memory_space<vmem>>
            tpu.enqueue_dma source(%dma_start3A_587 : memref<64x128xf32, #tpu.memory_space<vmem>>) target(%dma_start3A_583 : memref<64x128xf32, #tpu.memory_space<hbm>>) target_semaphore(%dma_start3A_581 : memref<!tpu.dma_semaphore, #tpu.memory_space<semaphore_mem>>)
            "tpu.trace_stop"() : () -> ()
          } else {
          }
          %and3A_458 = arith.constant true
          %and3A_459 = arith.andi %or3A_454, %and3A_458 : i1
          %add3A_460 = arith.constant 1 : i32
          %add3A_461 = arith.addi %while3A_213, %add3A_460 : i32
          %select_n3A_462 = arith.select %and3A_459, %add3A_461, %while3A_213 : i32
          %ne3A_463 = arith.cmpi ne, %add3A_223, %add3A_233 : i32
          %or3A_464 = arith.constant false
          %or3A_465 = arith.ori %or3A_464, %ne3A_463 : i1
          %or3A_466 = arith.constant false
          %or3A_467 = arith.ori %or3A_465, %or3A_466 : i1
          %or3A_468 = arith.constant false
          %or3A_469 = arith.ori %or3A_467, %or3A_468 : i1
          %not3A_470 = arith.constant true
          %not3A_471 = arith.xori %eq3A_219, %not3A_470 : i1
          %and3A_472 = arith.andi %or3A_469, %not3A_471 : i1
          %convert_element_type3A_473 = arith.extui %and3A_472 : i1 to i32
          %cond3A_474 = arith.constant 0 : i32
          %cond3A_475 = arith.cmpi ne, %convert_element_type3A_473, %cond3A_474 : i32
          scf.if %cond3A_475 {
          } else {
          }
          %and3A_476 = arith.constant false
          %and3A_477 = arith.andi %and3A_472, %and3A_476 : i1
          %ne3A_478 = arith.cmpi ne, %add3A_223, %add3A_233 : i32
          %or3A_479 = arith.constant false
          %or3A_480 = arith.ori %or3A_479, %ne3A_478 : i1
          %or3A_481 = arith.constant false
          %or3A_482 = arith.ori %or3A_480, %or3A_481 : i1
          %or3A_483 = arith.constant false
          %or3A_484 = arith.ori %or3A_482, %or3A_483 : i1
          %not3A_485 = arith.constant true
          %not3A_486 = arith.xori %eq3A_219, %not3A_485 : i1
          %and3A_487 = arith.andi %or3A_484, %not3A_486 : i1
          %convert_element_type3A_488 = arith.extui %and3A_487 : i1 to i32
          %cond3A_489 = arith.constant 0 : i32
          %cond3A_490 = arith.cmpi ne, %convert_element_type3A_488, %cond3A_489 : i32
          scf.if %cond3A_490 {
          } else {
          }
          %and3A_491 = arith.constant false
          %and3A_492 = arith.andi %and3A_487, %and3A_491 : i1
          %ne3A_493 = arith.cmpi ne, %add3A_223, %add3A_233 : i32
          %or3A_494 = arith.constant false
          %or3A_495 = arith.ori %or3A_494, %ne3A_493 : i1
          %or3A_496 = arith.constant false
          %or3A_497 = arith.ori %or3A_495, %or3A_496 : i1
          %not3A_498 = arith.constant true
          %not3A_499 = arith.xori %eq3A_219, %not3A_498 : i1
          %and3A_500 = arith.andi %or3A_497, %not3A_499 : i1
          %convert_element_type3A_501 = arith.extui %and3A_500 : i1 to i32
          %cond3A_502 = arith.constant 0 : i32
          %cond3A_503 = arith.cmpi ne, %convert_element_type3A_501, %cond3A_502 : i32
          scf.if %cond3A_503 {
            "tpu.trace_start"() <{level = 10 : i32, message = "ep_wait_out"}> : () -> ()
            %rem3A_570 = arith.constant 2 : i32
            %rem3A_571 = arith.remui %while3A_210, %rem3A_570 : i32
            %mul3A_572 = arith.constant 64 : i32
            %mul3A_573 = arith.muli %mul3A_572, %add3A_233 : i32
            %dma_wait3A = arith.constant 0 : i32
            %dma_wait3A_574 = arith.constant 0 : i32
            %dma_wait3A_575 = tpu.memref_slice %run_scoped3A_26[%rem3A_571, %dma_wait3A, %dma_wait3A_574] : memref<2x64x128xf32, #tpu.memory_space<vmem>> -> memref<1x64x128xf32, #tpu.memory_space<vmem>>
            %dma_wait3A_576 = tpu.memref_squeeze %dma_wait3A_575 : memref<1x64x128xf32, #tpu.memory_space<vmem>> -> memref<64x128xf32, #tpu.memory_space<vmem>>
            %dma_wait3A_577 = arith.constant 0 : i32
            %dma_wait3A_578 = tpu.memref_slice %arg6[%mul3A_573, %dma_wait3A_577] : memref<320000x128xf32, #tpu.memory_space<hbm>> -> memref<64x128xf32, #tpu.memory_space<hbm>>
            %dma_wait3A_579 = tpu.memref_slice %run_scoped3A_27[%rem3A_571] : memref<2x!tpu.dma_semaphore, #tpu.memory_space<semaphore_mem>> -> memref<1x!tpu.dma_semaphore, #tpu.memory_space<semaphore_mem>>
            %dma_wait3A_580 = tpu.memref_squeeze %dma_wait3A_579 : memref<1x!tpu.dma_semaphore, #tpu.memory_space<semaphore_mem>> -> memref<!tpu.dma_semaphore, #tpu.memory_space<semaphore_mem>>
            %dma_wait3A_581 = arith.constant 0 : i32
            %dma_wait3A_582 = tpu.memref_slice %arg6[%mul3A_573, %dma_wait3A_581] : memref<320000x128xf32, #tpu.memory_space<hbm>> -> memref<64x128xf32, #tpu.memory_space<hbm>>
            %dma_wait3A_583 = arith.constant 0 : i32
            %dma_wait3A_584 = arith.constant 0 : i32
            %dma_wait3A_585 = tpu.memref_slice %run_scoped3A_26[%rem3A_571, %dma_wait3A_583, %dma_wait3A_584] : memref<2x64x128xf32, #tpu.memory_space<vmem>> -> memref<1x64x128xf32, #tpu.memory_space<vmem>>
            %dma_wait3A_586 = tpu.memref_squeeze %dma_wait3A_585 : memref<1x64x128xf32, #tpu.memory_space<vmem>> -> memref<64x128xf32, #tpu.memory_space<vmem>>
            tpu.wait_dma2 semaphore(%dma_wait3A_580 : memref<!tpu.dma_semaphore, #tpu.memory_space<semaphore_mem>>) src(%dma_wait3A_586 : memref<64x128xf32, #tpu.memory_space<vmem>>) dst(%dma_wait3A_582 : memref<64x128xf32, #tpu.memory_space<hbm>>)
            "tpu.trace_stop"() : () -> ()
          } else {
          }
          %and3A_504 = arith.constant true
          %and3A_505 = arith.andi %and3A_500, %and3A_504 : i1
          %add3A_506 = arith.constant 1 : i32
          %add3A_507 = arith.addi %while3A_210, %add3A_506 : i32
          %select_n3A_508 = arith.select %and3A_505, %add3A_507, %while3A_210 : i32
          %ne3A_509 = arith.cmpi ne, %add3A_223, %add3A_233 : i32
          %or3A_510 = arith.constant false
          %or3A_511 = arith.ori %or3A_510, %ne3A_509 : i1
          %or3A_512 = arith.constant false
          %or3A_513 = arith.ori %or3A_511, %or3A_512 : i1
          %not3A_514 = arith.constant true
          %not3A_515 = arith.xori %eq3A_219, %not3A_514 : i1
          %and3A_516 = arith.andi %or3A_513, %not3A_515 : i1
          %convert_element_type3A_517 = arith.extui %and3A_516 : i1 to i32
          %cond3A_518 = arith.constant 0 : i32
          %cond3A_519 = arith.cmpi ne, %convert_element_type3A_517, %cond3A_518 : i32
          scf.if %cond3A_519 {
            "tpu.trace_start"() <{level = 10 : i32, message = "ep_wait_out"}> : () -> ()
            %rem3A_570 = arith.constant 2 : i32
            %rem3A_571 = arith.remui %while3A_212, %rem3A_570 : i32
            %mul3A_572 = arith.constant 64 : i32
            %mul3A_573 = arith.muli %mul3A_572, %add3A_233 : i32
            %dma_wait3A = arith.constant 0 : i32
            %dma_wait3A_574 = arith.constant 0 : i32
            %dma_wait3A_575 = tpu.memref_slice %run_scoped3A_28[%rem3A_571, %dma_wait3A, %dma_wait3A_574] : memref<2x64x128xf32, #tpu.memory_space<vmem>> -> memref<1x64x128xf32, #tpu.memory_space<vmem>>
            %dma_wait3A_576 = tpu.memref_squeeze %dma_wait3A_575 : memref<1x64x128xf32, #tpu.memory_space<vmem>> -> memref<64x128xf32, #tpu.memory_space<vmem>>
            %dma_wait3A_577 = arith.constant 0 : i32
            %dma_wait3A_578 = tpu.memref_slice %arg7[%mul3A_573, %dma_wait3A_577] : memref<320000x128xf32, #tpu.memory_space<hbm>> -> memref<64x128xf32, #tpu.memory_space<hbm>>
            %dma_wait3A_579 = tpu.memref_slice %run_scoped3A_29[%rem3A_571] : memref<2x!tpu.dma_semaphore, #tpu.memory_space<semaphore_mem>> -> memref<1x!tpu.dma_semaphore, #tpu.memory_space<semaphore_mem>>
            %dma_wait3A_580 = tpu.memref_squeeze %dma_wait3A_579 : memref<1x!tpu.dma_semaphore, #tpu.memory_space<semaphore_mem>> -> memref<!tpu.dma_semaphore, #tpu.memory_space<semaphore_mem>>
            %dma_wait3A_581 = arith.constant 0 : i32
            %dma_wait3A_582 = tpu.memref_slice %arg7[%mul3A_573, %dma_wait3A_581] : memref<320000x128xf32, #tpu.memory_space<hbm>> -> memref<64x128xf32, #tpu.memory_space<hbm>>
            %dma_wait3A_583 = arith.constant 0 : i32
            %dma_wait3A_584 = arith.constant 0 : i32
            %dma_wait3A_585 = tpu.memref_slice %run_scoped3A_28[%rem3A_571, %dma_wait3A_583, %dma_wait3A_584] : memref<2x64x128xf32, #tpu.memory_space<vmem>> -> memref<1x64x128xf32, #tpu.memory_space<vmem>>
            %dma_wait3A_586 = tpu.memref_squeeze %dma_wait3A_585 : memref<1x64x128xf32, #tpu.memory_space<vmem>> -> memref<64x128xf32, #tpu.memory_space<vmem>>
            tpu.wait_dma2 semaphore(%dma_wait3A_580 : memref<!tpu.dma_semaphore, #tpu.memory_space<semaphore_mem>>) src(%dma_wait3A_586 : memref<64x128xf32, #tpu.memory_space<vmem>>) dst(%dma_wait3A_582 : memref<64x128xf32, #tpu.memory_space<hbm>>)
            "tpu.trace_stop"() : () -> ()
          } else {
          }
          %and3A_520 = arith.constant true
          %and3A_521 = arith.andi %and3A_516, %and3A_520 : i1
          %add3A_522 = arith.constant 1 : i32
          %add3A_523 = arith.addi %while3A_212, %add3A_522 : i32
          %select_n3A_524 = arith.select %and3A_521, %add3A_523, %while3A_212 : i32
          %ne3A_525 = arith.cmpi ne, %add3A_223, %add3A_233 : i32
          %or3A_526 = arith.constant false
          %or3A_527 = arith.ori %or3A_526, %ne3A_525 : i1
          %or3A_528 = arith.constant false
          %or3A_529 = arith.ori %or3A_527, %or3A_528 : i1
          %not3A_530 = arith.constant true
          %not3A_531 = arith.xori %eq3A_219, %not3A_530 : i1
          %and3A_532 = arith.andi %or3A_529, %not3A_531 : i1
          %convert_element_type3A_533 = arith.extui %and3A_532 : i1 to i32
          %cond3A_534 = arith.constant 0 : i32
          %cond3A_535 = arith.cmpi ne, %convert_element_type3A_533, %cond3A_534 : i32
          scf.if %cond3A_535 {
            "tpu.trace_start"() <{level = 10 : i32, message = "ep_wait_out"}> : () -> ()
            %rem3A_570 = arith.constant 2 : i32
            %rem3A_571 = arith.remui %while3A_214, %rem3A_570 : i32
            %mul3A_572 = arith.constant 64 : i32
            %mul3A_573 = arith.muli %mul3A_572, %add3A_233 : i32
            %dma_wait3A = arith.constant 0 : i32
            %dma_wait3A_574 = arith.constant 0 : i32
            %dma_wait3A_575 = tpu.memref_slice %run_scoped3A_30[%rem3A_571, %dma_wait3A, %dma_wait3A_574] : memref<2x64x128xf32, #tpu.memory_space<vmem>> -> memref<1x64x128xf32, #tpu.memory_space<vmem>>
            %dma_wait3A_576 = tpu.memref_squeeze %dma_wait3A_575 : memref<1x64x128xf32, #tpu.memory_space<vmem>> -> memref<64x128xf32, #tpu.memory_space<vmem>>
            %dma_wait3A_577 = arith.constant 0 : i32
            %dma_wait3A_578 = tpu.memref_slice %arg8[%mul3A_573, %dma_wait3A_577] : memref<320000x128xf32, #tpu.memory_space<hbm>> -> memref<64x128xf32, #tpu.memory_space<hbm>>
            %dma_wait3A_579 = tpu.memref_slice %run_scoped3A_31[%rem3A_571] : memref<2x!tpu.dma_semaphore, #tpu.memory_space<semaphore_mem>> -> memref<1x!tpu.dma_semaphore, #tpu.memory_space<semaphore_mem>>
            %dma_wait3A_580 = tpu.memref_squeeze %dma_wait3A_579 : memref<1x!tpu.dma_semaphore, #tpu.memory_space<semaphore_mem>> -> memref<!tpu.dma_semaphore, #tpu.memory_space<semaphore_mem>>
            %dma_wait3A_581 = arith.constant 0 : i32
            %dma_wait3A_582 = tpu.memref_slice %arg8[%mul3A_573, %dma_wait3A_581] : memref<320000x128xf32, #tpu.memory_space<hbm>> -> memref<64x128xf32, #tpu.memory_space<hbm>>
            %dma_wait3A_583 = arith.constant 0 : i32
            %dma_wait3A_584 = arith.constant 0 : i32
            %dma_wait3A_585 = tpu.memref_slice %run_scoped3A_30[%rem3A_571, %dma_wait3A_583, %dma_wait3A_584] : memref<2x64x128xf32, #tpu.memory_space<vmem>> -> memref<1x64x128xf32, #tpu.memory_space<vmem>>
            %dma_wait3A_586 = tpu.memref_squeeze %dma_wait3A_585 : memref<1x64x128xf32, #tpu.memory_space<vmem>> -> memref<64x128xf32, #tpu.memory_space<vmem>>
            tpu.wait_dma2 semaphore(%dma_wait3A_580 : memref<!tpu.dma_semaphore, #tpu.memory_space<semaphore_mem>>) src(%dma_wait3A_586 : memref<64x128xf32, #tpu.memory_space<vmem>>) dst(%dma_wait3A_582 : memref<64x128xf32, #tpu.memory_space<hbm>>)
            "tpu.trace_stop"() : () -> ()
          } else {
          }
          %and3A_536 = arith.constant true
          %and3A_537 = arith.andi %and3A_532, %and3A_536 : i1
          %add3A_538 = arith.constant 1 : i32
          %add3A_539 = arith.addi %while3A_214, %add3A_538 : i32
          %select_n3A_540 = arith.select %and3A_537, %add3A_539, %while3A_214 : i32
          %ne3A_541 = arith.cmpi ne, %add3A_223, %add3A_241 : i32
          %or3A_542 = arith.constant false
          %or3A_543 = arith.ori %or3A_542, %ne3A_541 : i1
          %or3A_544 = arith.constant false
          %or3A_545 = arith.ori %or3A_543, %or3A_544 : i1
          %or3A_546 = arith.constant false
          %or3A_547 = arith.ori %or3A_545, %or3A_546 : i1
          %or3A_548 = arith.ori %or3A_547, %eq3A_222 : i1
          %add3A_549 = arith.constant 1 : i32
          %add3A_550 = arith.addi %while3A_206, %add3A_549 : i32
          %select_n3A_551 = arith.select %or3A_548, %add3A_550, %while3A_206 : i32
          %ne3A_552 = arith.cmpi ne, %add3A_223, %add3A_241 : i32
          %or3A_553 = arith.constant false
          %or3A_554 = arith.ori %or3A_553, %ne3A_552 : i1
          %or3A_555 = arith.constant false
          %or3A_556 = arith.ori %or3A_554, %or3A_555 : i1
          %or3A_557 = arith.constant false
          %or3A_558 = arith.ori %or3A_556, %or3A_557 : i1
          %or3A_559 = arith.ori %or3A_558, %eq3A_222 : i1
          %add3A_560 = arith.constant 1 : i32
          %add3A_561 = arith.addi %while3A_208, %add3A_560 : i32
          %select_n3A_562 = arith.select %or3A_559, %add3A_561, %while3A_208 : i32
          %add3A_563 = arith.constant 1 : i32
          %add3A_564 = arith.addi %while3A_215, %add3A_563 : i32
          %select_n3A_565 = arith.constant true
          %select_n3A_566 = arith.select %select_n3A_565, %add3A_564, %while3A_215 : i32
          %eq3A_567 = arith.cmpi eq, %select_n3A_566, %select_n3A : i32
          %select_n3A_568 = arith.constant 0 : i32
          %select_n3A_569 = arith.select %eq3A_567, %select_n3A_568, %select_n3A_566 : i32
          scf.yield %select_n3A_267, %select_n3A_551, %select_n3A_290, %select_n3A_562, %select_n3A_434, %select_n3A_508, %select_n3A_448, %select_n3A_524, %select_n3A_462, %select_n3A_540, %select_n3A_569 : i32, i32, i32, i32, i32, i32, i32, i32, i32, i32, i32
        }
        %while3A_142 = arith.constant 1 : i32
        %while3A_143:11 = scf.for %while3A_204 = %while3A_139 to %while3A_135 step %while3A_142 iter_args(%while3A_205 = %while3A_141#0, %while3A_206 = %while3A_141#1, %while3A_207 = %while3A_141#2, %while3A_208 = %while3A_141#3, %while3A_209 = %while3A_141#4, %while3A_210 = %while3A_141#5, %while3A_211 = %while3A_141#6, %while3A_212 = %while3A_141#7, %while3A_213 = %while3A_141#8, %while3A_214 = %while3A_141#9, %while3A_215 = %while3A_141#10) -> (i32, i32, i32, i32, i32, i32, i32, i32, i32, i32, i32)  : i32 {
          %mul3A_216 = arith.constant 1 : i32
          %mul3A_217 = arith.muli %mul3A_216, %select_n3A : i32
          %eq3A_218 = arith.constant 0 : i32
          %eq3A_219 = arith.cmpi eq, %while3A_204, %eq3A_218 : i32
          %sub3A_220 = arith.constant 1 : i32
          %sub3A_221 = arith.subi %mul3A_217, %sub3A_220 : i32
          %eq3A_222 = arith.cmpi eq, %while3A_204, %sub3A_221 : i32
          %add3A_223 = arith.addi %while3A_215, %select_n3A_20 : i32
          %sub3A_224 = arith.constant 1 : i32
          %sub3A_225 = arith.subi %while3A_215, %sub3A_224 : i32
          %select_n3A_226 = arith.constant true
          %select_n3A_227 = arith.select %select_n3A_226, %sub3A_225, %while3A_215 : i32
          %eq3A_228 = arith.constant -1 : i32
          %eq3A_229 = arith.cmpi eq, %select_n3A_227, %eq3A_228 : i32
          %sub3A_230 = arith.constant 1 : i32
          %sub3A_231 = arith.subi %select_n3A, %sub3A_230 : i32
          %select_n3A_232 = arith.select %eq3A_229, %sub3A_231, %select_n3A_227 : i32
          %add3A_233 = arith.addi %select_n3A_232, %select_n3A_20 : i32
          %add3A_234 = arith.constant 1 : i32
          %add3A_235 = arith.addi %while3A_215, %add3A_234 : i32
          %select_n3A_236 = arith.constant true
          %select_n3A_237 = arith.select %select_n3A_236, %add3A_235, %while3A_215 : i32
          %eq3A_238 = arith.cmpi eq, %select_n3A_237, %select_n3A : i32
          %select_n3A_239 = arith.constant 0 : i32
          %select_n3A_240 = arith.select %eq3A_238, %select_n3A_239, %select_n3A_237 : i32
          %add3A_241 = arith.addi %select_n3A_240, %select_n3A_20 : i32
          %add3A_242 = arith.constant 1 : i32
          %add3A_243 = arith.addi %select_n3A_240, %add3A_242 : i32
          %select_n3A_244 = arith.constant true
          %select_n3A_245 = arith.select %select_n3A_244, %add3A_243, %select_n3A_240 : i32
          %eq3A_246 = arith.cmpi eq, %select_n3A_245, %select_n3A : i32
          %select_n3A_247 = arith.constant 0 : i32
          %select_n3A_248 = arith.select %eq3A_246, %select_n3A_247, %select_n3A_245 : i32
          %add3A_249 = arith.addi %select_n3A_248, %select_n3A_20 : i32
          %ne3A = arith.cmpi ne, %add3A_223, %add3A_241 : i32
          %or3A = arith.constant false
          %or3A_250 = arith.ori %or3A, %ne3A : i1
          %or3A_251 = arith.constant false
          %or3A_252 = arith.ori %or3A_250, %or3A_251 : i1
          %or3A_253 = arith.constant false
          %or3A_254 = arith.ori %or3A_252, %or3A_253 : i1
          %sub3A_255 = arith.constant 2 : i32
          %sub3A_256 = arith.subi %mul3A_217, %sub3A_255 : i32
          %add3A_257 = arith.constant 1 : i32
          %add3A_258 = arith.addi %sub3A_256, %add3A_257 : i32
          %ge3A = arith.cmpi sge, %while3A_204, %add3A_258 : i32
          %not3A = arith.constant true
          %not3A_259 = arith.xori %ge3A, %not3A : i1
          %and3A = arith.andi %or3A_254, %not3A_259 : i1
          %convert_element_type3A_260 = arith.extui %and3A : i1 to i32
          %cond3A_261 = arith.constant 0 : i32
          %cond3A_262 = arith.cmpi ne, %convert_element_type3A_260, %cond3A_261 : i32
          scf.if %cond3A_262 {
            "tpu.trace_start"() <{level = 10 : i32, message = "ep_copy_in"}> : () -> ()
            %rem3A_570 = arith.constant 2 : i32
            %rem3A_571 = arith.remui %while3A_205, %rem3A_570 : i32
            %mul3A_572 = arith.constant 1 : i32
            %mul3A_573 = arith.muli %mul3A_572, %add3A_241 : i32
            %dma_start3A_574 = arith.constant 0 : i32
            %dma_start3A_575 = arith.constant 0 : i32
            %dma_start3A_576 = arith.constant 0 : i32
            %dma_start3A_577 = tpu.memref_slice %run_scoped3A[%rem3A_571, %dma_start3A_574, %dma_start3A_575, %dma_start3A_576] : memref<2x1x1x64xi32, #tpu.memory_space<vmem>> -> memref<1x1x1x64xi32, #tpu.memory_space<vmem>>
            %dma_start3A_578 = tpu.memref_squeeze %dma_start3A_577 : memref<1x1x1x64xi32, #tpu.memory_space<vmem>> -> memref<1x1x64xi32, #tpu.memory_space<vmem>>
            %dma_start3A_579 = arith.constant 0 : i32
            %dma_start3A_580 = arith.constant 0 : i32
            %dma_start3A_581 = tpu.memref_slice %arg4[%mul3A_573, %dma_start3A_579, %dma_start3A_580] : memref<5000x1x64xi32, #tpu.memory_space<hbm>> -> memref<1x1x64xi32, #tpu.memory_space<hbm>>
            %dma_start3A_582 = tpu.memref_slice %run_scoped3A_23[%rem3A_571] : memref<2x!tpu.dma_semaphore, #tpu.memory_space<semaphore_mem>> -> memref<1x!tpu.dma_semaphore, #tpu.memory_space<semaphore_mem>>
            %dma_start3A_583 = tpu.memref_squeeze %dma_start3A_582 : memref<1x!tpu.dma_semaphore, #tpu.memory_space<semaphore_mem>> -> memref<!tpu.dma_semaphore, #tpu.memory_space<semaphore_mem>>
            %dma_start3A_584 = arith.constant 0 : i32
            %dma_start3A_585 = arith.constant 0 : i32
            %dma_start3A_586 = arith.constant 0 : i32
            %dma_start3A_587 = tpu.memref_slice %run_scoped3A[%rem3A_571, %dma_start3A_584, %dma_start3A_585, %dma_start3A_586] : memref<2x1x1x64xi32, #tpu.memory_space<vmem>> -> memref<1x1x1x64xi32, #tpu.memory_space<vmem>>
            %dma_start3A_588 = tpu.memref_squeeze %dma_start3A_587 : memref<1x1x1x64xi32, #tpu.memory_space<vmem>> -> memref<1x1x64xi32, #tpu.memory_space<vmem>>
            %dma_start3A_589 = arith.constant 0 : i32
            %dma_start3A_590 = arith.constant 0 : i32
            %dma_start3A_591 = tpu.memref_slice %arg4[%mul3A_573, %dma_start3A_589, %dma_start3A_590] : memref<5000x1x64xi32, #tpu.memory_space<hbm>> -> memref<1x1x64xi32, #tpu.memory_space<hbm>>
            tpu.enqueue_dma source(%dma_start3A_591 : memref<1x1x64xi32, #tpu.memory_space<hbm>>) target(%dma_start3A_588 : memref<1x1x64xi32, #tpu.memory_space<vmem>>) target_semaphore(%dma_start3A_583 : memref<!tpu.dma_semaphore, #tpu.memory_space<semaphore_mem>>)
            "tpu.trace_stop"() : () -> ()
          } else {
          }
          %and3A_263 = arith.constant true
          %and3A_264 = arith.andi %and3A, %and3A_263 : i1
          %add3A_265 = arith.constant 1 : i32
          %add3A_266 = arith.addi %while3A_205, %add3A_265 : i32
          %select_n3A_267 = arith.select %and3A_264, %add3A_266, %while3A_205 : i32
          %ne3A_268 = arith.cmpi ne, %add3A_223, %add3A_241 : i32
          %or3A_269 = arith.constant false
          %or3A_270 = arith.ori %or3A_269, %ne3A_268 : i1
          %or3A_271 = arith.constant false
          %or3A_272 = arith.ori %or3A_270, %or3A_271 : i1
          %or3A_273 = arith.constant false
          %or3A_274 = arith.ori %or3A_272, %or3A_273 : i1
          %sub3A_275 = arith.constant 2 : i32
          %sub3A_276 = arith.subi %mul3A_217, %sub3A_275 : i32
          %add3A_277 = arith.constant 1 : i32
          %add3A_278 = arith.addi %sub3A_276, %add3A_277 : i32
          %ge3A_279 = arith.cmpi sge, %while3A_204, %add3A_278 : i32
          %not3A_280 = arith.constant true
          %not3A_281 = arith.xori %ge3A_279, %not3A_280 : i1
          %and3A_282 = arith.andi %or3A_274, %not3A_281 : i1
          %convert_element_type3A_283 = arith.extui %and3A_282 : i1 to i32
          %cond3A_284 = arith.constant 0 : i32
          %cond3A_285 = arith.cmpi ne, %convert_element_type3A_283, %cond3A_284 : i32
          scf.if %cond3A_285 {
            "tpu.trace_start"() <{level = 10 : i32, message = "ep_copy_in"}> : () -> ()
            %rem3A_570 = arith.constant 2 : i32
            %rem3A_571 = arith.remui %while3A_207, %rem3A_570 : i32
            %mul3A_572 = arith.constant 1 : i32
            %mul3A_573 = arith.muli %mul3A_572, %add3A_241 : i32
            %dma_start3A_574 = arith.constant 0 : i32
            %dma_start3A_575 = arith.constant 0 : i32
            %dma_start3A_576 = arith.constant 0 : i32
            %dma_start3A_577 = tpu.memref_slice %run_scoped3A_24[%rem3A_571, %dma_start3A_574, %dma_start3A_575, %dma_start3A_576] : memref<2x1x1x64xi32, #tpu.memory_space<vmem>> -> memref<1x1x1x64xi32, #tpu.memory_space<vmem>>
            %dma_start3A_578 = tpu.memref_squeeze %dma_start3A_577 : memref<1x1x1x64xi32, #tpu.memory_space<vmem>> -> memref<1x1x64xi32, #tpu.memory_space<vmem>>
            %dma_start3A_579 = arith.constant 0 : i32
            %dma_start3A_580 = arith.constant 0 : i32
            %dma_start3A_581 = tpu.memref_slice %arg5[%mul3A_573, %dma_start3A_579, %dma_start3A_580] : memref<5000x1x64xi32, #tpu.memory_space<hbm>> -> memref<1x1x64xi32, #tpu.memory_space<hbm>>
            %dma_start3A_582 = tpu.memref_slice %run_scoped3A_25[%rem3A_571] : memref<2x!tpu.dma_semaphore, #tpu.memory_space<semaphore_mem>> -> memref<1x!tpu.dma_semaphore, #tpu.memory_space<semaphore_mem>>
            %dma_start3A_583 = tpu.memref_squeeze %dma_start3A_582 : memref<1x!tpu.dma_semaphore, #tpu.memory_space<semaphore_mem>> -> memref<!tpu.dma_semaphore, #tpu.memory_space<semaphore_mem>>
            %dma_start3A_584 = arith.constant 0 : i32
            %dma_start3A_585 = arith.constant 0 : i32
            %dma_start3A_586 = arith.constant 0 : i32
            %dma_start3A_587 = tpu.memref_slice %run_scoped3A_24[%rem3A_571, %dma_start3A_584, %dma_start3A_585, %dma_start3A_586] : memref<2x1x1x64xi32, #tpu.memory_space<vmem>> -> memref<1x1x1x64xi32, #tpu.memory_space<vmem>>
            %dma_start3A_588 = tpu.memref_squeeze %dma_start3A_587 : memref<1x1x1x64xi32, #tpu.memory_space<vmem>> -> memref<1x1x64xi32, #tpu.memory_space<vmem>>
            %dma_start3A_589 = arith.constant 0 : i32
            %dma_start3A_590 = arith.constant 0 : i32
            %dma_start3A_591 = tpu.memref_slice %arg5[%mul3A_573, %dma_start3A_589, %dma_start3A_590] : memref<5000x1x64xi32, #tpu.memory_space<hbm>> -> memref<1x1x64xi32, #tpu.memory_space<hbm>>
            tpu.enqueue_dma source(%dma_start3A_591 : memref<1x1x64xi32, #tpu.memory_space<hbm>>) target(%dma_start3A_588 : memref<1x1x64xi32, #tpu.memory_space<vmem>>) target_semaphore(%dma_start3A_583 : memref<!tpu.dma_semaphore, #tpu.memory_space<semaphore_mem>>)
            "tpu.trace_stop"() : () -> ()
          } else {
          }
          %and3A_286 = arith.constant true
          %and3A_287 = arith.andi %and3A_282, %and3A_286 : i1
          %add3A_288 = arith.constant 1 : i32
          %add3A_289 = arith.addi %while3A_207, %add3A_288 : i32
          %select_n3A_290 = arith.select %and3A_287, %add3A_289, %while3A_207 : i32
          %ne3A_291 = arith.cmpi ne, %add3A_223, %add3A_241 : i32
          %or3A_292 = arith.constant false
          %or3A_293 = arith.ori %or3A_292, %ne3A_291 : i1
          %or3A_294 = arith.constant false
          %or3A_295 = arith.ori %or3A_293, %or3A_294 : i1
          %sub3A_296 = arith.constant 2 : i32
          %sub3A_297 = arith.subi %mul3A_217, %sub3A_296 : i32
          %add3A_298 = arith.constant 1 : i32
          %add3A_299 = arith.addi %sub3A_297, %add3A_298 : i32
          %ge3A_300 = arith.cmpi sge, %while3A_204, %add3A_299 : i32
          %not3A_301 = arith.constant true
          %not3A_302 = arith.xori %ge3A_300, %not3A_301 : i1
          %and3A_303 = arith.andi %or3A_295, %not3A_302 : i1
          %ne3A_304 = arith.cmpi ne, %add3A_223, %add3A_241 : i32
          %or3A_305 = arith.constant false
          %or3A_306 = arith.ori %or3A_305, %ne3A_304 : i1
          %or3A_307 = arith.constant false
          %or3A_308 = arith.ori %or3A_306, %or3A_307 : i1
          %sub3A_309 = arith.constant 2 : i32
          %sub3A_310 = arith.subi %mul3A_217, %sub3A_309 : i32
          %add3A_311 = arith.constant 1 : i32
          %add3A_312 = arith.addi %sub3A_310, %add3A_311 : i32
          %ge3A_313 = arith.cmpi sge, %while3A_204, %add3A_312 : i32
          %not3A_314 = arith.constant true
          %not3A_315 = arith.xori %ge3A_313, %not3A_314 : i1
          %and3A_316 = arith.andi %or3A_308, %not3A_315 : i1
          %ne3A_317 = arith.cmpi ne, %add3A_223, %add3A_241 : i32
          %or3A_318 = arith.constant false
          %or3A_319 = arith.ori %or3A_318, %ne3A_317 : i1
          %or3A_320 = arith.constant false
          %or3A_321 = arith.ori %or3A_319, %or3A_320 : i1
          %sub3A_322 = arith.constant 2 : i32
          %sub3A_323 = arith.subi %mul3A_217, %sub3A_322 : i32
          %add3A_324 = arith.constant 1 : i32
          %add3A_325 = arith.addi %sub3A_323, %add3A_324 : i32
          %ge3A_326 = arith.cmpi sge, %while3A_204, %add3A_325 : i32
          %not3A_327 = arith.constant true
          %not3A_328 = arith.xori %ge3A_326, %not3A_327 : i1
          %and3A_329 = arith.andi %or3A_321, %not3A_328 : i1
          %ne3A_330 = arith.cmpi ne, %add3A_223, %add3A_233 : i32
          %or3A_331 = arith.constant false
          %or3A_332 = arith.ori %or3A_331, %ne3A_330 : i1
          %or3A_333 = arith.constant false
          %or3A_334 = arith.ori %or3A_332, %or3A_333 : i1
          %or3A_335 = arith.constant false
          %or3A_336 = arith.ori %or3A_334, %or3A_335 : i1
          %or3A_337 = arith.ori %or3A_336, %eq3A_219 : i1
          %convert_element_type3A_338 = arith.extui %or3A_337 : i1 to i32
          %cond3A_339 = arith.constant 0 : i32
          %cond3A_340 = arith.cmpi ne, %convert_element_type3A_338, %cond3A_339 : i32
          scf.if %cond3A_340 {
            "tpu.trace_start"() <{level = 10 : i32, message = "ep_wait_in"}> : () -> ()
            %mul3A_570 = arith.constant 1 : i32
            %mul3A_571 = arith.muli %mul3A_570, %add3A_223 : i32
            %rem3A_572 = arith.constant 2 : i32
            %rem3A_573 = arith.remui %while3A_206, %rem3A_572 : i32
            %dma_wait3A = arith.constant 0 : i32
            %dma_wait3A_574 = arith.constant 0 : i32
            %dma_wait3A_575 = arith.constant 0 : i32
            %dma_wait3A_576 = tpu.memref_slice %run_scoped3A[%rem3A_573, %dma_wait3A, %dma_wait3A_574, %dma_wait3A_575] : memref<2x1x1x64xi32, #tpu.memory_space<vmem>> -> memref<1x1x1x64xi32, #tpu.memory_space<vmem>>
            %dma_wait3A_577 = tpu.memref_squeeze %dma_wait3A_576 : memref<1x1x1x64xi32, #tpu.memory_space<vmem>> -> memref<1x1x64xi32, #tpu.memory_space<vmem>>
            %dma_wait3A_578 = arith.constant 0 : i32
            %dma_wait3A_579 = arith.constant 0 : i32
            %dma_wait3A_580 = tpu.memref_slice %arg4[%mul3A_571, %dma_wait3A_578, %dma_wait3A_579] : memref<5000x1x64xi32, #tpu.memory_space<hbm>> -> memref<1x1x64xi32, #tpu.memory_space<hbm>>
            %dma_wait3A_581 = tpu.memref_slice %run_scoped3A_23[%rem3A_573] : memref<2x!tpu.dma_semaphore, #tpu.memory_space<semaphore_mem>> -> memref<1x!tpu.dma_semaphore, #tpu.memory_space<semaphore_mem>>
            %dma_wait3A_582 = tpu.memref_squeeze %dma_wait3A_581 : memref<1x!tpu.dma_semaphore, #tpu.memory_space<semaphore_mem>> -> memref<!tpu.dma_semaphore, #tpu.memory_space<semaphore_mem>>
            %dma_wait3A_583 = arith.constant 0 : i32
            %dma_wait3A_584 = arith.constant 0 : i32
            %dma_wait3A_585 = arith.constant 0 : i32
            %dma_wait3A_586 = tpu.memref_slice %run_scoped3A[%rem3A_573, %dma_wait3A_583, %dma_wait3A_584, %dma_wait3A_585] : memref<2x1x1x64xi32, #tpu.memory_space<vmem>> -> memref<1x1x1x64xi32, #tpu.memory_space<vmem>>
            %dma_wait3A_587 = tpu.memref_squeeze %dma_wait3A_586 : memref<1x1x1x64xi32, #tpu.memory_space<vmem>> -> memref<1x1x64xi32, #tpu.memory_space<vmem>>
            %dma_wait3A_588 = arith.constant 0 : i32
            %dma_wait3A_589 = arith.constant 0 : i32
            %dma_wait3A_590 = tpu.memref_slice %arg4[%mul3A_571, %dma_wait3A_588, %dma_wait3A_589] : memref<5000x1x64xi32, #tpu.memory_space<hbm>> -> memref<1x1x64xi32, #tpu.memory_space<hbm>>
            tpu.wait_dma2 semaphore(%dma_wait3A_582 : memref<!tpu.dma_semaphore, #tpu.memory_space<semaphore_mem>>) src(%dma_wait3A_590 : memref<1x1x64xi32, #tpu.memory_space<hbm>>) dst(%dma_wait3A_587 : memref<1x1x64xi32, #tpu.memory_space<vmem>>)
            "tpu.trace_stop"() : () -> ()
          } else {
          }
          %ne3A_341 = arith.cmpi ne, %add3A_223, %add3A_233 : i32
          %or3A_342 = arith.constant false
          %or3A_343 = arith.ori %or3A_342, %ne3A_341 : i1
          %or3A_344 = arith.constant false
          %or3A_345 = arith.ori %or3A_343, %or3A_344 : i1
          %or3A_346 = arith.constant false
          %or3A_347 = arith.ori %or3A_345, %or3A_346 : i1
          %or3A_348 = arith.ori %or3A_347, %eq3A_219 : i1
          %convert_element_type3A_349 = arith.extui %or3A_348 : i1 to i32
          %cond3A_350 = arith.constant 0 : i32
          %cond3A_351 = arith.cmpi ne, %convert_element_type3A_349, %cond3A_350 : i32
          scf.if %cond3A_351 {
            "tpu.trace_start"() <{level = 10 : i32, message = "ep_wait_in"}> : () -> ()
            %mul3A_570 = arith.constant 1 : i32
            %mul3A_571 = arith.muli %mul3A_570, %add3A_223 : i32
            %rem3A_572 = arith.constant 2 : i32
            %rem3A_573 = arith.remui %while3A_208, %rem3A_572 : i32
            %dma_wait3A = arith.constant 0 : i32
            %dma_wait3A_574 = arith.constant 0 : i32
            %dma_wait3A_575 = arith.constant 0 : i32
            %dma_wait3A_576 = tpu.memref_slice %run_scoped3A_24[%rem3A_573, %dma_wait3A, %dma_wait3A_574, %dma_wait3A_575] : memref<2x1x1x64xi32, #tpu.memory_space<vmem>> -> memref<1x1x1x64xi32, #tpu.memory_space<vmem>>
            %dma_wait3A_577 = tpu.memref_squeeze %dma_wait3A_576 : memref<1x1x1x64xi32, #tpu.memory_space<vmem>> -> memref<1x1x64xi32, #tpu.memory_space<vmem>>
            %dma_wait3A_578 = arith.constant 0 : i32
            %dma_wait3A_579 = arith.constant 0 : i32
            %dma_wait3A_580 = tpu.memref_slice %arg5[%mul3A_571, %dma_wait3A_578, %dma_wait3A_579] : memref<5000x1x64xi32, #tpu.memory_space<hbm>> -> memref<1x1x64xi32, #tpu.memory_space<hbm>>
            %dma_wait3A_581 = tpu.memref_slice %run_scoped3A_25[%rem3A_573] : memref<2x!tpu.dma_semaphore, #tpu.memory_space<semaphore_mem>> -> memref<1x!tpu.dma_semaphore, #tpu.memory_space<semaphore_mem>>
            %dma_wait3A_582 = tpu.memref_squeeze %dma_wait3A_581 : memref<1x!tpu.dma_semaphore, #tpu.memory_space<semaphore_mem>> -> memref<!tpu.dma_semaphore, #tpu.memory_space<semaphore_mem>>
            %dma_wait3A_583 = arith.constant 0 : i32
            %dma_wait3A_584 = arith.constant 0 : i32
            %dma_wait3A_585 = arith.constant 0 : i32
            %dma_wait3A_586 = tpu.memref_slice %run_scoped3A_24[%rem3A_573, %dma_wait3A_583, %dma_wait3A_584, %dma_wait3A_585] : memref<2x1x1x64xi32, #tpu.memory_space<vmem>> -> memref<1x1x1x64xi32, #tpu.memory_space<vmem>>
            %dma_wait3A_587 = tpu.memref_squeeze %dma_wait3A_586 : memref<1x1x1x64xi32, #tpu.memory_space<vmem>> -> memref<1x1x64xi32, #tpu.memory_space<vmem>>
            %dma_wait3A_588 = arith.constant 0 : i32
            %dma_wait3A_589 = arith.constant 0 : i32
            %dma_wait3A_590 = tpu.memref_slice %arg5[%mul3A_571, %dma_wait3A_588, %dma_wait3A_589] : memref<5000x1x64xi32, #tpu.memory_space<hbm>> -> memref<1x1x64xi32, #tpu.memory_space<hbm>>
            tpu.wait_dma2 semaphore(%dma_wait3A_582 : memref<!tpu.dma_semaphore, #tpu.memory_space<semaphore_mem>>) src(%dma_wait3A_590 : memref<1x1x64xi32, #tpu.memory_space<hbm>>) dst(%dma_wait3A_587 : memref<1x1x64xi32, #tpu.memory_space<vmem>>)
            "tpu.trace_stop"() : () -> ()
          } else {
          }
          %ne3A_352 = arith.cmpi ne, %add3A_223, %add3A_233 : i32
          %or3A_353 = arith.constant false
          %or3A_354 = arith.ori %or3A_353, %ne3A_352 : i1
          %or3A_355 = arith.constant false
          %or3A_356 = arith.ori %or3A_354, %or3A_355 : i1
          %or3A_357 = arith.ori %or3A_356, %eq3A_219 : i1
          %convert_element_type3A_358 = arith.extui %or3A_357 : i1 to i32
          %cond3A_359 = arith.constant 0 : i32
          %cond3A_360 = arith.cmpi ne, %convert_element_type3A_358, %cond3A_359 : i32
          scf.if %cond3A_360 {
          } else {
          }
          %ne3A_361 = arith.cmpi ne, %add3A_223, %add3A_233 : i32
          %or3A_362 = arith.constant false
          %or3A_363 = arith.ori %or3A_362, %ne3A_361 : i1
          %or3A_364 = arith.constant false
          %or3A_365 = arith.ori %or3A_363, %or3A_364 : i1
          %or3A_366 = arith.ori %or3A_365, %eq3A_219 : i1
          %convert_element_type3A_367 = arith.extui %or3A_366 : i1 to i32
          %cond3A_368 = arith.constant 0 : i32
          %cond3A_369 = arith.cmpi ne, %convert_element_type3A_367, %cond3A_368 : i32
          scf.if %cond3A_369 {
          } else {
          }
          %ne3A_370 = arith.cmpi ne, %add3A_223, %add3A_233 : i32
          %or3A_371 = arith.constant false
          %or3A_372 = arith.ori %or3A_371, %ne3A_370 : i1
          %or3A_373 = arith.constant false
          %or3A_374 = arith.ori %or3A_372, %or3A_373 : i1
          %or3A_375 = arith.ori %or3A_374, %eq3A_219 : i1
          %convert_element_type3A_376 = arith.extui %or3A_375 : i1 to i32
          %cond3A_377 = arith.constant 0 : i32
          %cond3A_378 = arith.cmpi ne, %convert_element_type3A_376, %cond3A_377 : i32
          scf.if %cond3A_378 {
          } else {
          }
          %rem3A_379 = arith.constant 2 : i32
          %rem3A_380 = arith.remui %while3A_206, %rem3A_379 : i32
          %rem3A_381 = arith.constant 2 : i32
          %rem3A_382 = arith.remui %while3A_208, %rem3A_381 : i32
          %rem3A_383 = arith.constant 2 : i32
          %rem3A_384 = arith.remui %while3A_209, %rem3A_383 : i32
          %rem3A_385 = arith.constant 2 : i32
          %rem3A_386 = arith.remui %while3A_211, %rem3A_385 : i32
          %rem3A_387 = arith.constant 2 : i32
          %rem3A_388 = arith.remui %while3A_213, %rem3A_387 : i32
          %run_scoped3A_389 = arith.constant 0 : i32
          %run_scoped3A_390 = arith.constant 0 : i32
          "tpu.trace_start"() <{level = 10 : i32, message = "ep_run_kernel"}> : () -> ()
          "tpu.region"() ({
            %run_scoped3A_570 = tpu.sem_alloc : memref<!tpu.dma_semaphore, #tpu.memory_space<semaphore_mem>>
            %dma_start3A_571 = arith.constant 0 : i32
            %dma_start3A_572 = arith.constant 0 : i32
            %dma_start3A_573 = tpu.memref_slice %run_scoped3A_26[%rem3A_384, %dma_start3A_571, %dma_start3A_572] : memref<2x64x128xf32, #tpu.memory_space<vmem>> -> memref<1x64x128xf32, #tpu.memory_space<vmem>>
            %dma_start3A_574 = tpu.memref_squeeze %dma_start3A_573 : memref<1x64x128xf32, #tpu.memory_space<vmem>> -> memref<64x128xf32, #tpu.memory_space<vmem>>
            %dma_start3A_575 = arith.constant 0 : i32
            %dma_start3A_576 = arith.constant 0 : i32
            %dma_start3A_577 = arith.constant 0 : i32
            %dma_start3A_578 = tpu.memref_slice %run_scoped3A[%rem3A_380, %dma_start3A_575, %dma_start3A_576, %dma_start3A_577] : memref<2x1x1x64xi32, #tpu.memory_space<vmem>> -> memref<1x1x1x64xi32, #tpu.memory_space<vmem>>
            %dma_start3A_579 = tpu.memref_squeeze %dma_start3A_578 : memref<1x1x1x64xi32, #tpu.memory_space<vmem>> -> memref<1x1x64xi32, #tpu.memory_space<vmem>>
            %dma_start3A_580 = arith.constant 0 : i32
            %dma_start3A_581 = tpu.memref_slice %dma_start3A_579[%run_scoped3A_389, %run_scoped3A_390, %dma_start3A_580] : memref<1x1x64xi32, #tpu.memory_space<vmem>> -> memref<1x1x64xi32, #tpu.memory_space<vmem>>
            %dma_start3A_582 = tpu.memref_squeeze %dma_start3A_581 : memref<1x1x64xi32, #tpu.memory_space<vmem>> -> memref<64xi32, #tpu.memory_space<vmem>>
            %dma_start3A_583 = arith.constant 0 : i32
            %dma_start3A_584 = arith.constant 0 : i32
            %dma_start3A_585 = tpu.memref_slice %arg2[%dma_start3A_583, %dma_start3A_584] : memref<10000x128xf32, #tpu.memory_space<hbm>> -> memref<10000x128xf32, #tpu.memory_space<hbm>>
            tpu.enqueue_indirect_dma source(%dma_start3A_585 : memref<10000x128xf32, #tpu.memory_space<hbm>>) target(%dma_start3A_574 : memref<64x128xf32, #tpu.memory_space<vmem>>) offsets(%dma_start3A_582 : memref<64xi32, #tpu.memory_space<vmem>>) semaphore(%run_scoped3A_570 : memref<!tpu.dma_semaphore, #tpu.memory_space<semaphore_mem>>)
            %dma_wait3A = arith.constant 0 : i32
            %dma_wait3A_586 = arith.constant 0 : i32
            %dma_wait3A_587 = tpu.memref_slice %run_scoped3A_26[%rem3A_384, %dma_wait3A, %dma_wait3A_586] : memref<2x64x128xf32, #tpu.memory_space<vmem>> -> memref<1x64x128xf32, #tpu.memory_space<vmem>>
            %dma_wait3A_588 = tpu.memref_squeeze %dma_wait3A_587 : memref<1x64x128xf32, #tpu.memory_space<vmem>> -> memref<64x128xf32, #tpu.memory_space<vmem>>
            %dma_wait3A_589 = arith.constant 0 : i32
            %dma_wait3A_590 = arith.constant 0 : i32
            %dma_wait3A_591 = arith.constant 0 : i32
            %dma_wait3A_592 = tpu.memref_slice %run_scoped3A[%rem3A_380, %dma_wait3A_589, %dma_wait3A_590, %dma_wait3A_591] : memref<2x1x1x64xi32, #tpu.memory_space<vmem>> -> memref<1x1x1x64xi32, #tpu.memory_space<vmem>>
            %dma_wait3A_593 = tpu.memref_squeeze %dma_wait3A_592 : memref<1x1x1x64xi32, #tpu.memory_space<vmem>> -> memref<1x1x64xi32, #tpu.memory_space<vmem>>
            %dma_wait3A_594 = arith.constant 0 : i32
            %dma_wait3A_595 = tpu.memref_slice %dma_wait3A_593[%run_scoped3A_389, %run_scoped3A_390, %dma_wait3A_594] : memref<1x1x64xi32, #tpu.memory_space<vmem>> -> memref<1x1x64xi32, #tpu.memory_space<vmem>>
            %dma_wait3A_596 = tpu.memref_squeeze %dma_wait3A_595 : memref<1x1x64xi32, #tpu.memory_space<vmem>> -> memref<64xi32, #tpu.memory_space<vmem>>
            %dma_wait3A_597 = arith.constant 0 : i32
            %dma_wait3A_598 = arith.constant 0 : i32
            %dma_wait3A_599 = tpu.memref_slice %arg2[%dma_wait3A_597, %dma_wait3A_598] : memref<10000x128xf32, #tpu.memory_space<hbm>> -> memref<10000x128xf32, #tpu.memory_space<hbm>>
            tpu.wait_indirect_dma semaphore(%run_scoped3A_570 : memref<!tpu.dma_semaphore, #tpu.memory_space<semaphore_mem>>) src(%dma_wait3A_599 : memref<10000x128xf32, #tpu.memory_space<hbm>>) dst(%dma_wait3A_588 : memref<64x128xf32, #tpu.memory_space<vmem>>)
            tpu.yield
          }) : () -> ()
          %run_scoped3A_391 = arith.constant 0 : i32
          %run_scoped3A_392 = arith.constant 0 : i32
          "tpu.region"() ({
            %run_scoped3A_570 = tpu.sem_alloc : memref<!tpu.dma_semaphore, #tpu.memory_space<semaphore_mem>>
            %dma_start3A_571 = arith.constant 0 : i32
            %dma_start3A_572 = arith.constant 0 : i32
            %dma_start3A_573 = tpu.memref_slice %run_scoped3A_28[%rem3A_386, %dma_start3A_571, %dma_start3A_572] : memref<2x64x128xf32, #tpu.memory_space<vmem>> -> memref<1x64x128xf32, #tpu.memory_space<vmem>>
            %dma_start3A_574 = tpu.memref_squeeze %dma_start3A_573 : memref<1x64x128xf32, #tpu.memory_space<vmem>> -> memref<64x128xf32, #tpu.memory_space<vmem>>
            %dma_start3A_575 = arith.constant 0 : i32
            %dma_start3A_576 = arith.constant 0 : i32
            %dma_start3A_577 = arith.constant 0 : i32
            %dma_start3A_578 = tpu.memref_slice %run_scoped3A[%rem3A_380, %dma_start3A_575, %dma_start3A_576, %dma_start3A_577] : memref<2x1x1x64xi32, #tpu.memory_space<vmem>> -> memref<1x1x1x64xi32, #tpu.memory_space<vmem>>
            %dma_start3A_579 = tpu.memref_squeeze %dma_start3A_578 : memref<1x1x1x64xi32, #tpu.memory_space<vmem>> -> memref<1x1x64xi32, #tpu.memory_space<vmem>>
            %dma_start3A_580 = arith.constant 0 : i32
            %dma_start3A_581 = tpu.memref_slice %dma_start3A_579[%run_scoped3A_391, %run_scoped3A_392, %dma_start3A_580] : memref<1x1x64xi32, #tpu.memory_space<vmem>> -> memref<1x1x64xi32, #tpu.memory_space<vmem>>
            %dma_start3A_582 = tpu.memref_squeeze %dma_start3A_581 : memref<1x1x64xi32, #tpu.memory_space<vmem>> -> memref<64xi32, #tpu.memory_space<vmem>>
            %dma_start3A_583 = arith.constant 0 : i32
            %dma_start3A_584 = arith.constant 0 : i32
            %dma_start3A_585 = tpu.memref_slice %arg9[%dma_start3A_583, %dma_start3A_584] : memref<10000x128xf32, #tpu.memory_space<vmem_shared>> -> memref<10000x128xf32, #tpu.memory_space<vmem_shared>>
            tpu.enqueue_indirect_dma source(%dma_start3A_585 : memref<10000x128xf32, #tpu.memory_space<vmem_shared>>) target(%dma_start3A_574 : memref<64x128xf32, #tpu.memory_space<vmem>>) offsets(%dma_start3A_582 : memref<64xi32, #tpu.memory_space<vmem>>) semaphore(%run_scoped3A_570 : memref<!tpu.dma_semaphore, #tpu.memory_space<semaphore_mem>>)
            %dma_wait3A = arith.constant 0 : i32
            %dma_wait3A_586 = arith.constant 0 : i32
            %dma_wait3A_587 = tpu.memref_slice %run_scoped3A_28[%rem3A_386, %dma_wait3A, %dma_wait3A_586] : memref<2x64x128xf32, #tpu.memory_space<vmem>> -> memref<1x64x128xf32, #tpu.memory_space<vmem>>
            %dma_wait3A_588 = tpu.memref_squeeze %dma_wait3A_587 : memref<1x64x128xf32, #tpu.memory_space<vmem>> -> memref<64x128xf32, #tpu.memory_space<vmem>>
            %dma_wait3A_589 = arith.constant 0 : i32
            %dma_wait3A_590 = arith.constant 0 : i32
            %dma_wait3A_591 = arith.constant 0 : i32
            %dma_wait3A_592 = tpu.memref_slice %run_scoped3A[%rem3A_380, %dma_wait3A_589, %dma_wait3A_590, %dma_wait3A_591] : memref<2x1x1x64xi32, #tpu.memory_space<vmem>> -> memref<1x1x1x64xi32, #tpu.memory_space<vmem>>
            %dma_wait3A_593 = tpu.memref_squeeze %dma_wait3A_592 : memref<1x1x1x64xi32, #tpu.memory_space<vmem>> -> memref<1x1x64xi32, #tpu.memory_space<vmem>>
            %dma_wait3A_594 = arith.constant 0 : i32
            %dma_wait3A_595 = tpu.memref_slice %dma_wait3A_593[%run_scoped3A_391, %run_scoped3A_392, %dma_wait3A_594] : memref<1x1x64xi32, #tpu.memory_space<vmem>> -> memref<1x1x64xi32, #tpu.memory_space<vmem>>
            %dma_wait3A_596 = tpu.memref_squeeze %dma_wait3A_595 : memref<1x1x64xi32, #tpu.memory_space<vmem>> -> memref<64xi32, #tpu.memory_space<vmem>>
            %dma_wait3A_597 = arith.constant 0 : i32
            %dma_wait3A_598 = arith.constant 0 : i32
            %dma_wait3A_599 = tpu.memref_slice %arg9[%dma_wait3A_597, %dma_wait3A_598] : memref<10000x128xf32, #tpu.memory_space<vmem_shared>> -> memref<10000x128xf32, #tpu.memory_space<vmem_shared>>
            tpu.wait_indirect_dma semaphore(%run_scoped3A_570 : memref<!tpu.dma_semaphore, #tpu.memory_space<semaphore_mem>>) src(%dma_wait3A_599 : memref<10000x128xf32, #tpu.memory_space<vmem_shared>>) dst(%dma_wait3A_588 : memref<64x128xf32, #tpu.memory_space<vmem>>)
            tpu.yield
          }) : () -> ()
          %run_scoped3A_393 = arith.constant 0 : i32
          %run_scoped3A_394 = arith.constant 0 : i32
          "tpu.region"() ({
            %run_scoped3A_570 = tpu.sem_alloc : memref<!tpu.dma_semaphore, #tpu.memory_space<semaphore_mem>>
            %dma_start3A_571 = arith.constant 0 : i32
            %dma_start3A_572 = arith.constant 0 : i32
            %dma_start3A_573 = tpu.memref_slice %run_scoped3A_30[%rem3A_388, %dma_start3A_571, %dma_start3A_572] : memref<2x64x128xf32, #tpu.memory_space<vmem>> -> memref<1x64x128xf32, #tpu.memory_space<vmem>>
            %dma_start3A_574 = tpu.memref_squeeze %dma_start3A_573 : memref<1x64x128xf32, #tpu.memory_space<vmem>> -> memref<64x128xf32, #tpu.memory_space<vmem>>
            %dma_start3A_575 = arith.constant 0 : i32
            %dma_start3A_576 = arith.constant 0 : i32
            %dma_start3A_577 = arith.constant 0 : i32
            %dma_start3A_578 = tpu.memref_slice %run_scoped3A_24[%rem3A_382, %dma_start3A_575, %dma_start3A_576, %dma_start3A_577] : memref<2x1x1x64xi32, #tpu.memory_space<vmem>> -> memref<1x1x1x64xi32, #tpu.memory_space<vmem>>
            %dma_start3A_579 = tpu.memref_squeeze %dma_start3A_578 : memref<1x1x1x64xi32, #tpu.memory_space<vmem>> -> memref<1x1x64xi32, #tpu.memory_space<vmem>>
            %dma_start3A_580 = arith.constant 0 : i32
            %dma_start3A_581 = tpu.memref_slice %dma_start3A_579[%run_scoped3A_393, %run_scoped3A_394, %dma_start3A_580] : memref<1x1x64xi32, #tpu.memory_space<vmem>> -> memref<1x1x64xi32, #tpu.memory_space<vmem>>
            %dma_start3A_582 = tpu.memref_squeeze %dma_start3A_581 : memref<1x1x64xi32, #tpu.memory_space<vmem>> -> memref<64xi32, #tpu.memory_space<vmem>>
            %dma_start3A_583 = arith.constant 0 : i32
            %dma_start3A_584 = arith.constant 0 : i32
            %dma_start3A_585 = tpu.memref_slice %arg9[%dma_start3A_583, %dma_start3A_584] : memref<10000x128xf32, #tpu.memory_space<vmem_shared>> -> memref<10000x128xf32, #tpu.memory_space<vmem_shared>>
            tpu.enqueue_indirect_dma source(%dma_start3A_585 : memref<10000x128xf32, #tpu.memory_space<vmem_shared>>) target(%dma_start3A_574 : memref<64x128xf32, #tpu.memory_space<vmem>>) offsets(%dma_start3A_582 : memref<64xi32, #tpu.memory_space<vmem>>) semaphore(%run_scoped3A_570 : memref<!tpu.dma_semaphore, #tpu.memory_space<semaphore_mem>>)
            %dma_wait3A = arith.constant 0 : i32
            %dma_wait3A_586 = arith.constant 0 : i32
            %dma_wait3A_587 = tpu.memref_slice %run_scoped3A_30[%rem3A_388, %dma_wait3A, %dma_wait3A_586] : memref<2x64x128xf32, #tpu.memory_space<vmem>> -> memref<1x64x128xf32, #tpu.memory_space<vmem>>
            %dma_wait3A_588 = tpu.memref_squeeze %dma_wait3A_587 : memref<1x64x128xf32, #tpu.memory_space<vmem>> -> memref<64x128xf32, #tpu.memory_space<vmem>>
            %dma_wait3A_589 = arith.constant 0 : i32
            %dma_wait3A_590 = arith.constant 0 : i32
            %dma_wait3A_591 = arith.constant 0 : i32
            %dma_wait3A_592 = tpu.memref_slice %run_scoped3A_24[%rem3A_382, %dma_wait3A_589, %dma_wait3A_590, %dma_wait3A_591] : memref<2x1x1x64xi32, #tpu.memory_space<vmem>> -> memref<1x1x1x64xi32, #tpu.memory_space<vmem>>
            %dma_wait3A_593 = tpu.memref_squeeze %dma_wait3A_592 : memref<1x1x1x64xi32, #tpu.memory_space<vmem>> -> memref<1x1x64xi32, #tpu.memory_space<vmem>>
            %dma_wait3A_594 = arith.constant 0 : i32
            %dma_wait3A_595 = tpu.memref_slice %dma_wait3A_593[%run_scoped3A_393, %run_scoped3A_394, %dma_wait3A_594] : memref<1x1x64xi32, #tpu.memory_space<vmem>> -> memref<1x1x64xi32, #tpu.memory_space<vmem>>
            %dma_wait3A_596 = tpu.memref_squeeze %dma_wait3A_595 : memref<1x1x64xi32, #tpu.memory_space<vmem>> -> memref<64xi32, #tpu.memory_space<vmem>>
            %dma_wait3A_597 = arith.constant 0 : i32
            %dma_wait3A_598 = arith.constant 0 : i32
            %dma_wait3A_599 = tpu.memref_slice %arg9[%dma_wait3A_597, %dma_wait3A_598] : memref<10000x128xf32, #tpu.memory_space<vmem_shared>> -> memref<10000x128xf32, #tpu.memory_space<vmem_shared>>
            tpu.wait_indirect_dma semaphore(%run_scoped3A_570 : memref<!tpu.dma_semaphore, #tpu.memory_space<semaphore_mem>>) src(%dma_wait3A_599 : memref<10000x128xf32, #tpu.memory_space<vmem_shared>>) dst(%dma_wait3A_588 : memref<64x128xf32, #tpu.memory_space<vmem>>)
            tpu.yield
          }) : () -> ()
          "tpu.trace_stop"() : () -> ()
          %ne3A_395 = arith.cmpi ne, %add3A_223, %add3A_241 : i32
          %or3A_396 = arith.constant false
          %or3A_397 = arith.ori %or3A_396, %ne3A_395 : i1
          %or3A_398 = arith.constant false
          %or3A_399 = arith.ori %or3A_397, %or3A_398 : i1
          %or3A_400 = arith.constant false
          %or3A_401 = arith.ori %or3A_399, %or3A_400 : i1
          %or3A_402 = arith.ori %or3A_401, %eq3A_222 : i1
          %convert_element_type3A_403 = arith.extui %or3A_402 : i1 to i32
          %cond3A_404 = arith.constant 0 : i32
          %cond3A_405 = arith.cmpi ne, %convert_element_type3A_403, %cond3A_404 : i32
          scf.if %cond3A_405 {
          } else {
          }
          %and3A_406 = arith.constant false
          %and3A_407 = arith.andi %or3A_402, %and3A_406 : i1
          %ne3A_408 = arith.cmpi ne, %add3A_223, %add3A_241 : i32
          %or3A_409 = arith.constant false
          %or3A_410 = arith.ori %or3A_409, %ne3A_408 : i1
          %or3A_411 = arith.constant false
          %or3A_412 = arith.ori %or3A_410, %or3A_411 : i1
          %or3A_413 = arith.constant false
          %or3A_414 = arith.ori %or3A_412, %or3A_413 : i1
          %or3A_415 = arith.ori %or3A_414, %eq3A_222 : i1
          %convert_element_type3A_416 = arith.extui %or3A_415 : i1 to i32
          %cond3A_417 = arith.constant 0 : i32
          %cond3A_418 = arith.cmpi ne, %convert_element_type3A_416, %cond3A_417 : i32
          scf.if %cond3A_418 {
          } else {
          }
          %and3A_419 = arith.constant false
          %and3A_420 = arith.andi %or3A_415, %and3A_419 : i1
          %ne3A_421 = arith.cmpi ne, %add3A_223, %add3A_241 : i32
          %or3A_422 = arith.constant false
          %or3A_423 = arith.ori %or3A_422, %ne3A_421 : i1
          %or3A_424 = arith.constant false
          %or3A_425 = arith.ori %or3A_423, %or3A_424 : i1
          %or3A_426 = arith.ori %or3A_425, %eq3A_222 : i1
          %convert_element_type3A_427 = arith.extui %or3A_426 : i1 to i32
          %cond3A_428 = arith.constant 0 : i32
          %cond3A_429 = arith.cmpi ne, %convert_element_type3A_427, %cond3A_428 : i32
          scf.if %cond3A_429 {
            "tpu.trace_start"() <{level = 10 : i32, message = "ep_copy_out"}> : () -> ()
            %rem3A_570 = arith.constant 2 : i32
            %rem3A_571 = arith.remui %while3A_209, %rem3A_570 : i32
            %mul3A_572 = arith.constant 64 : i32
            %mul3A_573 = arith.muli %mul3A_572, %add3A_223 : i32
            %dma_start3A_574 = arith.constant 0 : i32
            %dma_start3A_575 = arith.constant 0 : i32
            %dma_start3A_576 = tpu.memref_slice %run_scoped3A_26[%rem3A_571, %dma_start3A_574, %dma_start3A_575] : memref<2x64x128xf32, #tpu.memory_space<vmem>> -> memref<1x64x128xf32, #tpu.memory_space<vmem>>
            %dma_start3A_577 = tpu.memref_squeeze %dma_start3A_576 : memref<1x64x128xf32, #tpu.memory_space<vmem>> -> memref<64x128xf32, #tpu.memory_space<vmem>>
            %dma_start3A_578 = arith.constant 0 : i32
            %dma_start3A_579 = tpu.memref_slice %arg6[%mul3A_573, %dma_start3A_578] : memref<320000x128xf32, #tpu.memory_space<hbm>> -> memref<64x128xf32, #tpu.memory_space<hbm>>
            %dma_start3A_580 = tpu.memref_slice %run_scoped3A_27[%rem3A_571] : memref<2x!tpu.dma_semaphore, #tpu.memory_space<semaphore_mem>> -> memref<1x!tpu.dma_semaphore, #tpu.memory_space<semaphore_mem>>
            %dma_start3A_581 = tpu.memref_squeeze %dma_start3A_580 : memref<1x!tpu.dma_semaphore, #tpu.memory_space<semaphore_mem>> -> memref<!tpu.dma_semaphore, #tpu.memory_space<semaphore_mem>>
            %dma_start3A_582 = arith.constant 0 : i32
            %dma_start3A_583 = tpu.memref_slice %arg6[%mul3A_573, %dma_start3A_582] : memref<320000x128xf32, #tpu.memory_space<hbm>> -> memref<64x128xf32, #tpu.memory_space<hbm>>
            %dma_start3A_584 = arith.constant 0 : i32
            %dma_start3A_585 = arith.constant 0 : i32
            %dma_start3A_586 = tpu.memref_slice %run_scoped3A_26[%rem3A_571, %dma_start3A_584, %dma_start3A_585] : memref<2x64x128xf32, #tpu.memory_space<vmem>> -> memref<1x64x128xf32, #tpu.memory_space<vmem>>
            %dma_start3A_587 = tpu.memref_squeeze %dma_start3A_586 : memref<1x64x128xf32, #tpu.memory_space<vmem>> -> memref<64x128xf32, #tpu.memory_space<vmem>>
            tpu.enqueue_dma source(%dma_start3A_587 : memref<64x128xf32, #tpu.memory_space<vmem>>) target(%dma_start3A_583 : memref<64x128xf32, #tpu.memory_space<hbm>>) target_semaphore(%dma_start3A_581 : memref<!tpu.dma_semaphore, #tpu.memory_space<semaphore_mem>>)
            "tpu.trace_stop"() : () -> ()
          } else {
          }
          %and3A_430 = arith.constant true
          %and3A_431 = arith.andi %or3A_426, %and3A_430 : i1
          %add3A_432 = arith.constant 1 : i32
          %add3A_433 = arith.addi %while3A_209, %add3A_432 : i32
          %select_n3A_434 = arith.select %and3A_431, %add3A_433, %while3A_209 : i32
          %ne3A_435 = arith.cmpi ne, %add3A_223, %add3A_241 : i32
          %or3A_436 = arith.constant false
          %or3A_437 = arith.ori %or3A_436, %ne3A_435 : i1
          %or3A_438 = arith.constant false
          %or3A_439 = arith.ori %or3A_437, %or3A_438 : i1
          %or3A_440 = arith.ori %or3A_439, %eq3A_222 : i1
          %convert_element_type3A_441 = arith.extui %or3A_440 : i1 to i32
          %cond3A_442 = arith.constant 0 : i32
          %cond3A_443 = arith.cmpi ne, %convert_element_type3A_441, %cond3A_442 : i32
          scf.if %cond3A_443 {
            "tpu.trace_start"() <{level = 10 : i32, message = "ep_copy_out"}> : () -> ()
            %rem3A_570 = arith.constant 2 : i32
            %rem3A_571 = arith.remui %while3A_211, %rem3A_570 : i32
            %mul3A_572 = arith.constant 64 : i32
            %mul3A_573 = arith.muli %mul3A_572, %add3A_223 : i32
            %dma_start3A_574 = arith.constant 0 : i32
            %dma_start3A_575 = arith.constant 0 : i32
            %dma_start3A_576 = tpu.memref_slice %run_scoped3A_28[%rem3A_571, %dma_start3A_574, %dma_start3A_575] : memref<2x64x128xf32, #tpu.memory_space<vmem>> -> memref<1x64x128xf32, #tpu.memory_space<vmem>>
            %dma_start3A_577 = tpu.memref_squeeze %dma_start3A_576 : memref<1x64x128xf32, #tpu.memory_space<vmem>> -> memref<64x128xf32, #tpu.memory_space<vmem>>
            %dma_start3A_578 = arith.constant 0 : i32
            %dma_start3A_579 = tpu.memref_slice %arg7[%mul3A_573, %dma_start3A_578] : memref<320000x128xf32, #tpu.memory_space<hbm>> -> memref<64x128xf32, #tpu.memory_space<hbm>>
            %dma_start3A_580 = tpu.memref_slice %run_scoped3A_29[%rem3A_571] : memref<2x!tpu.dma_semaphore, #tpu.memory_space<semaphore_mem>> -> memref<1x!tpu.dma_semaphore, #tpu.memory_space<semaphore_mem>>
            %dma_start3A_581 = tpu.memref_squeeze %dma_start3A_580 : memref<1x!tpu.dma_semaphore, #tpu.memory_space<semaphore_mem>> -> memref<!tpu.dma_semaphore, #tpu.memory_space<semaphore_mem>>
            %dma_start3A_582 = arith.constant 0 : i32
            %dma_start3A_583 = tpu.memref_slice %arg7[%mul3A_573, %dma_start3A_582] : memref<320000x128xf32, #tpu.memory_space<hbm>> -> memref<64x128xf32, #tpu.memory_space<hbm>>
            %dma_start3A_584 = arith.constant 0 : i32
            %dma_start3A_585 = arith.constant 0 : i32
            %dma_start3A_586 = tpu.memref_slice %run_scoped3A_28[%rem3A_571, %dma_start3A_584, %dma_start3A_585] : memref<2x64x128xf32, #tpu.memory_space<vmem>> -> memref<1x64x128xf32, #tpu.memory_space<vmem>>
            %dma_start3A_587 = tpu.memref_squeeze %dma_start3A_586 : memref<1x64x128xf32, #tpu.memory_space<vmem>> -> memref<64x128xf32, #tpu.memory_space<vmem>>
            tpu.enqueue_dma source(%dma_start3A_587 : memref<64x128xf32, #tpu.memory_space<vmem>>) target(%dma_start3A_583 : memref<64x128xf32, #tpu.memory_space<hbm>>) target_semaphore(%dma_start3A_581 : memref<!tpu.dma_semaphore, #tpu.memory_space<semaphore_mem>>)
            "tpu.trace_stop"() : () -> ()
          } else {
          }
          %and3A_444 = arith.constant true
          %and3A_445 = arith.andi %or3A_440, %and3A_444 : i1
          %add3A_446 = arith.constant 1 : i32
          %add3A_447 = arith.addi %while3A_211, %add3A_446 : i32
          %select_n3A_448 = arith.select %and3A_445, %add3A_447, %while3A_211 : i32
          %ne3A_449 = arith.cmpi ne, %add3A_223, %add3A_241 : i32
          %or3A_450 = arith.constant false
          %or3A_451 = arith.ori %or3A_450, %ne3A_449 : i1
          %or3A_452 = arith.constant false
          %or3A_453 = arith.ori %or3A_451, %or3A_452 : i1
          %or3A_454 = arith.ori %or3A_453, %eq3A_222 : i1
          %convert_element_type3A_455 = arith.extui %or3A_454 : i1 to i32
          %cond3A_456 = arith.constant 0 : i32
          %cond3A_457 = arith.cmpi ne, %convert_element_type3A_455, %cond3A_456 : i32
          scf.if %cond3A_457 {
            "tpu.trace_start"() <{level = 10 : i32, message = "ep_copy_out"}> : () -> ()
            %rem3A_570 = arith.constant 2 : i32
            %rem3A_571 = arith.remui %while3A_213, %rem3A_570 : i32
            %mul3A_572 = arith.constant 64 : i32
            %mul3A_573 = arith.muli %mul3A_572, %add3A_223 : i32
            %dma_start3A_574 = arith.constant 0 : i32
            %dma_start3A_575 = arith.constant 0 : i32
            %dma_start3A_576 = tpu.memref_slice %run_scoped3A_30[%rem3A_571, %dma_start3A_574, %dma_start3A_575] : memref<2x64x128xf32, #tpu.memory_space<vmem>> -> memref<1x64x128xf32, #tpu.memory_space<vmem>>
            %dma_start3A_577 = tpu.memref_squeeze %dma_start3A_576 : memref<1x64x128xf32, #tpu.memory_space<vmem>> -> memref<64x128xf32, #tpu.memory_space<vmem>>
            %dma_start3A_578 = arith.constant 0 : i32
            %dma_start3A_579 = tpu.memref_slice %arg8[%mul3A_573, %dma_start3A_578] : memref<320000x128xf32, #tpu.memory_space<hbm>> -> memref<64x128xf32, #tpu.memory_space<hbm>>
            %dma_start3A_580 = tpu.memref_slice %run_scoped3A_31[%rem3A_571] : memref<2x!tpu.dma_semaphore, #tpu.memory_space<semaphore_mem>> -> memref<1x!tpu.dma_semaphore, #tpu.memory_space<semaphore_mem>>
            %dma_start3A_581 = tpu.memref_squeeze %dma_start3A_580 : memref<1x!tpu.dma_semaphore, #tpu.memory_space<semaphore_mem>> -> memref<!tpu.dma_semaphore, #tpu.memory_space<semaphore_mem>>
            %dma_start3A_582 = arith.constant 0 : i32
            %dma_start3A_583 = tpu.memref_slice %arg8[%mul3A_573, %dma_start3A_582] : memref<320000x128xf32, #tpu.memory_space<hbm>> -> memref<64x128xf32, #tpu.memory_space<hbm>>
            %dma_start3A_584 = arith.constant 0 : i32
            %dma_start3A_585 = arith.constant 0 : i32
            %dma_start3A_586 = tpu.memref_slice %run_scoped3A_30[%rem3A_571, %dma_start3A_584, %dma_start3A_585] : memref<2x64x128xf32, #tpu.memory_space<vmem>> -> memref<1x64x128xf32, #tpu.memory_space<vmem>>
            %dma_start3A_587 = tpu.memref_squeeze %dma_start3A_586 : memref<1x64x128xf32, #tpu.memory_space<vmem>> -> memref<64x128xf32, #tpu.memory_space<vmem>>
            tpu.enqueue_dma source(%dma_start3A_587 : memref<64x128xf32, #tpu.memory_space<vmem>>) target(%dma_start3A_583 : memref<64x128xf32, #tpu.memory_space<hbm>>) target_semaphore(%dma_start3A_581 : memref<!tpu.dma_semaphore, #tpu.memory_space<semaphore_mem>>)
            "tpu.trace_stop"() : () -> ()
          } else {
          }
          %and3A_458 = arith.constant true
          %and3A_459 = arith.andi %or3A_454, %and3A_458 : i1
          %add3A_460 = arith.constant 1 : i32
          %add3A_461 = arith.addi %while3A_213, %add3A_460 : i32
          %select_n3A_462 = arith.select %and3A_459, %add3A_461, %while3A_213 : i32
          %ne3A_463 = arith.cmpi ne, %add3A_223, %add3A_233 : i32
          %or3A_464 = arith.constant false
          %or3A_465 = arith.ori %or3A_464, %ne3A_463 : i1
          %or3A_466 = arith.constant false
          %or3A_467 = arith.ori %or3A_465, %or3A_466 : i1
          %or3A_468 = arith.constant false
          %or3A_469 = arith.ori %or3A_467, %or3A_468 : i1
          %not3A_470 = arith.constant true
          %not3A_471 = arith.xori %eq3A_219, %not3A_470 : i1
          %and3A_472 = arith.andi %or3A_469, %not3A_471 : i1
          %convert_element_type3A_473 = arith.extui %and3A_472 : i1 to i32
          %cond3A_474 = arith.constant 0 : i32
          %cond3A_475 = arith.cmpi ne, %convert_element_type3A_473, %cond3A_474 : i32
          scf.if %cond3A_475 {
          } else {
          }
          %and3A_476 = arith.constant false
          %and3A_477 = arith.andi %and3A_472, %and3A_476 : i1
          %ne3A_478 = arith.cmpi ne, %add3A_223, %add3A_233 : i32
          %or3A_479 = arith.constant false
          %or3A_480 = arith.ori %or3A_479, %ne3A_478 : i1
          %or3A_481 = arith.constant false
          %or3A_482 = arith.ori %or3A_480, %or3A_481 : i1
          %or3A_483 = arith.constant false
          %or3A_484 = arith.ori %or3A_482, %or3A_483 : i1
          %not3A_485 = arith.constant true
          %not3A_486 = arith.xori %eq3A_219, %not3A_485 : i1
          %and3A_487 = arith.andi %or3A_484, %not3A_486 : i1
          %convert_element_type3A_488 = arith.extui %and3A_487 : i1 to i32
          %cond3A_489 = arith.constant 0 : i32
          %cond3A_490 = arith.cmpi ne, %convert_element_type3A_488, %cond3A_489 : i32
          scf.if %cond3A_490 {
          } else {
          }
          %and3A_491 = arith.constant false
          %and3A_492 = arith.andi %and3A_487, %and3A_491 : i1
          %ne3A_493 = arith.cmpi ne, %add3A_223, %add3A_233 : i32
          %or3A_494 = arith.constant false
          %or3A_495 = arith.ori %or3A_494, %ne3A_493 : i1
          %or3A_496 = arith.constant false
          %or3A_497 = arith.ori %or3A_495, %or3A_496 : i1
          %not3A_498 = arith.constant true
          %not3A_499 = arith.xori %eq3A_219, %not3A_498 : i1
          %and3A_500 = arith.andi %or3A_497, %not3A_499 : i1
          %convert_element_type3A_501 = arith.extui %and3A_500 : i1 to i32
          %cond3A_502 = arith.constant 0 : i32
          %cond3A_503 = arith.cmpi ne, %convert_element_type3A_501, %cond3A_502 : i32
          scf.if %cond3A_503 {
            "tpu.trace_start"() <{level = 10 : i32, message = "ep_wait_out"}> : () -> ()
            %rem3A_570 = arith.constant 2 : i32
            %rem3A_571 = arith.remui %while3A_210, %rem3A_570 : i32
            %mul3A_572 = arith.constant 64 : i32
            %mul3A_573 = arith.muli %mul3A_572, %add3A_233 : i32
            %dma_wait3A = arith.constant 0 : i32
            %dma_wait3A_574 = arith.constant 0 : i32
            %dma_wait3A_575 = tpu.memref_slice %run_scoped3A_26[%rem3A_571, %dma_wait3A, %dma_wait3A_574] : memref<2x64x128xf32, #tpu.memory_space<vmem>> -> memref<1x64x128xf32, #tpu.memory_space<vmem>>
            %dma_wait3A_576 = tpu.memref_squeeze %dma_wait3A_575 : memref<1x64x128xf32, #tpu.memory_space<vmem>> -> memref<64x128xf32, #tpu.memory_space<vmem>>
            %dma_wait3A_577 = arith.constant 0 : i32
            %dma_wait3A_578 = tpu.memref_slice %arg6[%mul3A_573, %dma_wait3A_577] : memref<320000x128xf32, #tpu.memory_space<hbm>> -> memref<64x128xf32, #tpu.memory_space<hbm>>
            %dma_wait3A_579 = tpu.memref_slice %run_scoped3A_27[%rem3A_571] : memref<2x!tpu.dma_semaphore, #tpu.memory_space<semaphore_mem>> -> memref<1x!tpu.dma_semaphore, #tpu.memory_space<semaphore_mem>>
            %dma_wait3A_580 = tpu.memref_squeeze %dma_wait3A_579 : memref<1x!tpu.dma_semaphore, #tpu.memory_space<semaphore_mem>> -> memref<!tpu.dma_semaphore, #tpu.memory_space<semaphore_mem>>
            %dma_wait3A_581 = arith.constant 0 : i32
            %dma_wait3A_582 = tpu.memref_slice %arg6[%mul3A_573, %dma_wait3A_581] : memref<320000x128xf32, #tpu.memory_space<hbm>> -> memref<64x128xf32, #tpu.memory_space<hbm>>
            %dma_wait3A_583 = arith.constant 0 : i32
            %dma_wait3A_584 = arith.constant 0 : i32
            %dma_wait3A_585 = tpu.memref_slice %run_scoped3A_26[%rem3A_571, %dma_wait3A_583, %dma_wait3A_584] : memref<2x64x128xf32, #tpu.memory_space<vmem>> -> memref<1x64x128xf32, #tpu.memory_space<vmem>>
            %dma_wait3A_586 = tpu.memref_squeeze %dma_wait3A_585 : memref<1x64x128xf32, #tpu.memory_space<vmem>> -> memref<64x128xf32, #tpu.memory_space<vmem>>
            tpu.wait_dma2 semaphore(%dma_wait3A_580 : memref<!tpu.dma_semaphore, #tpu.memory_space<semaphore_mem>>) src(%dma_wait3A_586 : memref<64x128xf32, #tpu.memory_space<vmem>>) dst(%dma_wait3A_582 : memref<64x128xf32, #tpu.memory_space<hbm>>)
            "tpu.trace_stop"() : () -> ()
          } else {
          }
          %and3A_504 = arith.constant true
          %and3A_505 = arith.andi %and3A_500, %and3A_504 : i1
          %add3A_506 = arith.constant 1 : i32
          %add3A_507 = arith.addi %while3A_210, %add3A_506 : i32
          %select_n3A_508 = arith.select %and3A_505, %add3A_507, %while3A_210 : i32
          %ne3A_509 = arith.cmpi ne, %add3A_223, %add3A_233 : i32
          %or3A_510 = arith.constant false
          %or3A_511 = arith.ori %or3A_510, %ne3A_509 : i1
          %or3A_512 = arith.constant false
          %or3A_513 = arith.ori %or3A_511, %or3A_512 : i1
          %not3A_514 = arith.constant true
          %not3A_515 = arith.xori %eq3A_219, %not3A_514 : i1
          %and3A_516 = arith.andi %or3A_513, %not3A_515 : i1
          %convert_element_type3A_517 = arith.extui %and3A_516 : i1 to i32
          %cond3A_518 = arith.constant 0 : i32
          %cond3A_519 = arith.cmpi ne, %convert_element_type3A_517, %cond3A_518 : i32
          scf.if %cond3A_519 {
            "tpu.trace_start"() <{level = 10 : i32, message = "ep_wait_out"}> : () -> ()
            %rem3A_570 = arith.constant 2 : i32
            %rem3A_571 = arith.remui %while3A_212, %rem3A_570 : i32
            %mul3A_572 = arith.constant 64 : i32
            %mul3A_573 = arith.muli %mul3A_572, %add3A_233 : i32
            %dma_wait3A = arith.constant 0 : i32
            %dma_wait3A_574 = arith.constant 0 : i32
            %dma_wait3A_575 = tpu.memref_slice %run_scoped3A_28[%rem3A_571, %dma_wait3A, %dma_wait3A_574] : memref<2x64x128xf32, #tpu.memory_space<vmem>> -> memref<1x64x128xf32, #tpu.memory_space<vmem>>
            %dma_wait3A_576 = tpu.memref_squeeze %dma_wait3A_575 : memref<1x64x128xf32, #tpu.memory_space<vmem>> -> memref<64x128xf32, #tpu.memory_space<vmem>>
            %dma_wait3A_577 = arith.constant 0 : i32
            %dma_wait3A_578 = tpu.memref_slice %arg7[%mul3A_573, %dma_wait3A_577] : memref<320000x128xf32, #tpu.memory_space<hbm>> -> memref<64x128xf32, #tpu.memory_space<hbm>>
            %dma_wait3A_579 = tpu.memref_slice %run_scoped3A_29[%rem3A_571] : memref<2x!tpu.dma_semaphore, #tpu.memory_space<semaphore_mem>> -> memref<1x!tpu.dma_semaphore, #tpu.memory_space<semaphore_mem>>
            %dma_wait3A_580 = tpu.memref_squeeze %dma_wait3A_579 : memref<1x!tpu.dma_semaphore, #tpu.memory_space<semaphore_mem>> -> memref<!tpu.dma_semaphore, #tpu.memory_space<semaphore_mem>>
            %dma_wait3A_581 = arith.constant 0 : i32
            %dma_wait3A_582 = tpu.memref_slice %arg7[%mul3A_573, %dma_wait3A_581] : memref<320000x128xf32, #tpu.memory_space<hbm>> -> memref<64x128xf32, #tpu.memory_space<hbm>>
            %dma_wait3A_583 = arith.constant 0 : i32
            %dma_wait3A_584 = arith.constant 0 : i32
            %dma_wait3A_585 = tpu.memref_slice %run_scoped3A_28[%rem3A_571, %dma_wait3A_583, %dma_wait3A_584] : memref<2x64x128xf32, #tpu.memory_space<vmem>> -> memref<1x64x128xf32, #tpu.memory_space<vmem>>
            %dma_wait3A_586 = tpu.memref_squeeze %dma_wait3A_585 : memref<1x64x128xf32, #tpu.memory_space<vmem>> -> memref<64x128xf32, #tpu.memory_space<vmem>>
            tpu.wait_dma2 semaphore(%dma_wait3A_580 : memref<!tpu.dma_semaphore, #tpu.memory_space<semaphore_mem>>) src(%dma_wait3A_586 : memref<64x128xf32, #tpu.memory_space<vmem>>) dst(%dma_wait3A_582 : memref<64x128xf32, #tpu.memory_space<hbm>>)
            "tpu.trace_stop"() : () -> ()
          } else {
          }
          %and3A_520 = arith.constant true
          %and3A_521 = arith.andi %and3A_516, %and3A_520 : i1
          %add3A_522 = arith.constant 1 : i32
          %add3A_523 = arith.addi %while3A_212, %add3A_522 : i32
          %select_n3A_524 = arith.select %and3A_521, %add3A_523, %while3A_212 : i32
          %ne3A_525 = arith.cmpi ne, %add3A_223, %add3A_233 : i32
          %or3A_526 = arith.constant false
          %or3A_527 = arith.ori %or3A_526, %ne3A_525 : i1
          %or3A_528 = arith.constant false
          %or3A_529 = arith.ori %or3A_527, %or3A_528 : i1
          %not3A_530 = arith.constant true
          %not3A_531 = arith.xori %eq3A_219, %not3A_530 : i1
          %and3A_532 = arith.andi %or3A_529, %not3A_531 : i1
          %convert_element_type3A_533 = arith.extui %and3A_532 : i1 to i32
          %cond3A_534 = arith.constant 0 : i32
          %cond3A_535 = arith.cmpi ne, %convert_element_type3A_533, %cond3A_534 : i32
          scf.if %cond3A_535 {
            "tpu.trace_start"() <{level = 10 : i32, message = "ep_wait_out"}> : () -> ()
            %rem3A_570 = arith.constant 2 : i32
            %rem3A_571 = arith.remui %while3A_214, %rem3A_570 : i32
            %mul3A_572 = arith.constant 64 : i32
            %mul3A_573 = arith.muli %mul3A_572, %add3A_233 : i32
            %dma_wait3A = arith.constant 0 : i32
            %dma_wait3A_574 = arith.constant 0 : i32
            %dma_wait3A_575 = tpu.memref_slice %run_scoped3A_30[%rem3A_571, %dma_wait3A, %dma_wait3A_574] : memref<2x64x128xf32, #tpu.memory_space<vmem>> -> memref<1x64x128xf32, #tpu.memory_space<vmem>>
            %dma_wait3A_576 = tpu.memref_squeeze %dma_wait3A_575 : memref<1x64x128xf32, #tpu.memory_space<vmem>> -> memref<64x128xf32, #tpu.memory_space<vmem>>
            %dma_wait3A_577 = arith.constant 0 : i32
            %dma_wait3A_578 = tpu.memref_slice %arg8[%mul3A_573, %dma_wait3A_577] : memref<320000x128xf32, #tpu.memory_space<hbm>> -> memref<64x128xf32, #tpu.memory_space<hbm>>
            %dma_wait3A_579 = tpu.memref_slice %run_scoped3A_31[%rem3A_571] : memref<2x!tpu.dma_semaphore, #tpu.memory_space<semaphore_mem>> -> memref<1x!tpu.dma_semaphore, #tpu.memory_space<semaphore_mem>>
            %dma_wait3A_580 = tpu.memref_squeeze %dma_wait3A_579 : memref<1x!tpu.dma_semaphore, #tpu.memory_space<semaphore_mem>> -> memref<!tpu.dma_semaphore, #tpu.memory_space<semaphore_mem>>
            %dma_wait3A_581 = arith.constant 0 : i32
            %dma_wait3A_582 = tpu.memref_slice %arg8[%mul3A_573, %dma_wait3A_581] : memref<320000x128xf32, #tpu.memory_space<hbm>> -> memref<64x128xf32, #tpu.memory_space<hbm>>
            %dma_wait3A_583 = arith.constant 0 : i32
            %dma_wait3A_584 = arith.constant 0 : i32
            %dma_wait3A_585 = tpu.memref_slice %run_scoped3A_30[%rem3A_571, %dma_wait3A_583, %dma_wait3A_584] : memref<2x64x128xf32, #tpu.memory_space<vmem>> -> memref<1x64x128xf32, #tpu.memory_space<vmem>>
            %dma_wait3A_586 = tpu.memref_squeeze %dma_wait3A_585 : memref<1x64x128xf32, #tpu.memory_space<vmem>> -> memref<64x128xf32, #tpu.memory_space<vmem>>
            tpu.wait_dma2 semaphore(%dma_wait3A_580 : memref<!tpu.dma_semaphore, #tpu.memory_space<semaphore_mem>>) src(%dma_wait3A_586 : memref<64x128xf32, #tpu.memory_space<vmem>>) dst(%dma_wait3A_582 : memref<64x128xf32, #tpu.memory_space<hbm>>)
            "tpu.trace_stop"() : () -> ()
          } else {
          }
          %and3A_536 = arith.constant true
          %and3A_537 = arith.andi %and3A_532, %and3A_536 : i1
          %add3A_538 = arith.constant 1 : i32
          %add3A_539 = arith.addi %while3A_214, %add3A_538 : i32
          %select_n3A_540 = arith.select %and3A_537, %add3A_539, %while3A_214 : i32
          %ne3A_541 = arith.cmpi ne, %add3A_223, %add3A_241 : i32
          %or3A_542 = arith.constant false
          %or3A_543 = arith.ori %or3A_542, %ne3A_541 : i1
          %or3A_544 = arith.constant false
          %or3A_545 = arith.ori %or3A_543, %or3A_544 : i1
          %or3A_546 = arith.constant false
          %or3A_547 = arith.ori %or3A_545, %or3A_546 : i1
          %or3A_548 = arith.ori %or3A_547, %eq3A_222 : i1
          %add3A_549 = arith.constant 1 : i32
          %add3A_550 = arith.addi %while3A_206, %add3A_549 : i32
          %select_n3A_551 = arith.select %or3A_548, %add3A_550, %while3A_206 : i32
          %ne3A_552 = arith.cmpi ne, %add3A_223, %add3A_241 : i32
          %or3A_553 = arith.constant false
          %or3A_554 = arith.ori %or3A_553, %ne3A_552 : i1
          %or3A_555 = arith.constant false
          %or3A_556 = arith.ori %or3A_554, %or3A_555 : i1
          %or3A_557 = arith.constant false
          %or3A_558 = arith.ori %or3A_556, %or3A_557 : i1
          %or3A_559 = arith.ori %or3A_558, %eq3A_222 : i1
          %add3A_560 = arith.constant 1 : i32
          %add3A_561 = arith.addi %while3A_208, %add3A_560 : i32
          %select_n3A_562 = arith.select %or3A_559, %add3A_561, %while3A_208 : i32
          %add3A_563 = arith.constant 1 : i32
          %add3A_564 = arith.addi %while3A_215, %add3A_563 : i32
          %select_n3A_565 = arith.constant true
          %select_n3A_566 = arith.select %select_n3A_565, %add3A_564, %while3A_215 : i32
          %eq3A_567 = arith.cmpi eq, %select_n3A_566, %select_n3A : i32
          %select_n3A_568 = arith.constant 0 : i32
          %select_n3A_569 = arith.select %eq3A_567, %select_n3A_568, %select_n3A_566 : i32
          scf.yield %select_n3A_267, %select_n3A_551, %select_n3A_290, %select_n3A_562, %select_n3A_434, %select_n3A_508, %select_n3A_448, %select_n3A_524, %select_n3A_462, %select_n3A_540, %select_n3A_569 : i32, i32, i32, i32, i32, i32, i32, i32, i32, i32, i32
        }
        %sub3A_144 = arith.constant 1 : i32
        %sub3A_145 = arith.subi %while3A_143#10, %sub3A_144 : i32
        %select_n3A_146 = arith.constant true
        %select_n3A_147 = arith.select %select_n3A_146, %sub3A_145, %while3A_143#10 : i32
        %eq3A_148 = arith.constant -1 : i32
        %eq3A_149 = arith.cmpi eq, %select_n3A_147, %eq3A_148 : i32
        %sub3A_150 = arith.constant 1 : i32
        %sub3A_151 = arith.subi %select_n3A, %sub3A_150 : i32
        %select_n3A_152 = arith.select %eq3A_149, %sub3A_151, %select_n3A_147 : i32
        %sub3A_153 = arith.constant 1 : i32
        %sub3A_154 = arith.subi %mul3A_22, %sub3A_153 : i32
        %mul3A_155 = arith.constant 1 : i32
        %mul3A_156 = arith.muli %mul3A_155, %select_n3A : i32
        %eq3A_157 = arith.constant 0 : i32
        %eq3A_158 = arith.cmpi eq, %sub3A_154, %eq3A_157 : i32
        %sub3A_159 = arith.constant 1 : i32
        %sub3A_160 = arith.subi %mul3A_156, %sub3A_159 : i32
        %eq3A_161 = arith.cmpi eq, %sub3A_154, %sub3A_160 : i32
        %add3A_162 = arith.addi %select_n3A_152, %select_n3A_20 : i32
        %sub3A_163 = arith.constant 1 : i32
        %sub3A_164 = arith.subi %select_n3A_152, %sub3A_163 : i32
        %select_n3A_165 = arith.constant true
        %select_n3A_166 = arith.select %select_n3A_165, %sub3A_164, %select_n3A_152 : i32
        %eq3A_167 = arith.constant -1 : i32
        %eq3A_168 = arith.cmpi eq, %select_n3A_166, %eq3A_167 : i32
        %sub3A_169 = arith.constant 1 : i32
        %sub3A_170 = arith.subi %select_n3A, %sub3A_169 : i32
        %select_n3A_171 = arith.select %eq3A_168, %sub3A_170, %select_n3A_166 : i32
        %add3A_172 = arith.addi %select_n3A_171, %select_n3A_20 : i32
        %add3A_173 = arith.constant 1 : i32
        %add3A_174 = arith.addi %select_n3A_152, %add3A_173 : i32
        %select_n3A_175 = arith.constant true
        %select_n3A_176 = arith.select %select_n3A_175, %add3A_174, %select_n3A_152 : i32
        %eq3A_177 = arith.cmpi eq, %select_n3A_176, %select_n3A : i32
        %select_n3A_178 = arith.constant 0 : i32
        %select_n3A_179 = arith.select %eq3A_177, %select_n3A_178, %select_n3A_176 : i32
        %add3A_180 = arith.addi %select_n3A_179, %select_n3A_20 : i32
        %add3A_181 = arith.constant 1 : i32
        %add3A_182 = arith.addi %select_n3A_179, %add3A_181 : i32
        %select_n3A_183 = arith.constant true
        %select_n3A_184 = arith.select %select_n3A_183, %add3A_182, %select_n3A_179 : i32
        %eq3A_185 = arith.cmpi eq, %select_n3A_184, %select_n3A : i32
        %select_n3A_186 = arith.constant 0 : i32
        %select_n3A_187 = arith.select %eq3A_185, %select_n3A_186, %select_n3A_184 : i32
        %add3A_188 = arith.addi %select_n3A_187, %select_n3A_20 : i32
        %convert_element_type3A_189 = arith.extui %eq3A_161 : i1 to i32
        %cond3A_190 = arith.constant 0 : i32
        %cond3A_191 = arith.cmpi ne, %convert_element_type3A_189, %cond3A_190 : i32
        scf.if %cond3A_191 {
        } else {
        }
        %convert_element_type3A_192 = arith.extui %eq3A_161 : i1 to i32
        %cond3A_193 = arith.constant 0 : i32
        %cond3A_194 = arith.cmpi ne, %convert_element_type3A_192, %cond3A_193 : i32
        scf.if %cond3A_194 {
        } else {
        }
        %convert_element_type3A_195 = arith.extui %eq3A_161 : i1 to i32
        %cond3A_196 = arith.constant 0 : i32
        %cond3A_197 = arith.cmpi ne, %convert_element_type3A_195, %cond3A_196 : i32
        scf.if %cond3A_197 {
          "tpu.trace_start"() <{level = 10 : i32, message = "ep_finalize"}> : () -> ()
          %rem3A_204 = arith.constant 2 : i32
          %rem3A_205 = arith.remui %while3A_143#5, %rem3A_204 : i32
          %mul3A_206 = arith.constant 64 : i32
          %mul3A_207 = arith.muli %mul3A_206, %add3A_162 : i32
          %dma_wait3A = arith.constant 0 : i32
          %dma_wait3A_208 = arith.constant 0 : i32
          %dma_wait3A_209 = tpu.memref_slice %run_scoped3A_26[%rem3A_205, %dma_wait3A, %dma_wait3A_208] : memref<2x64x128xf32, #tpu.memory_space<vmem>> -> memref<1x64x128xf32, #tpu.memory_space<vmem>>
          %dma_wait3A_210 = tpu.memref_squeeze %dma_wait3A_209 : memref<1x64x128xf32, #tpu.memory_space<vmem>> -> memref<64x128xf32, #tpu.memory_space<vmem>>
          %dma_wait3A_211 = arith.constant 0 : i32
          %dma_wait3A_212 = tpu.memref_slice %arg6[%mul3A_207, %dma_wait3A_211] : memref<320000x128xf32, #tpu.memory_space<hbm>> -> memref<64x128xf32, #tpu.memory_space<hbm>>
          %dma_wait3A_213 = tpu.memref_slice %run_scoped3A_27[%rem3A_205] : memref<2x!tpu.dma_semaphore, #tpu.memory_space<semaphore_mem>> -> memref<1x!tpu.dma_semaphore, #tpu.memory_space<semaphore_mem>>
          %dma_wait3A_214 = tpu.memref_squeeze %dma_wait3A_213 : memref<1x!tpu.dma_semaphore, #tpu.memory_space<semaphore_mem>> -> memref<!tpu.dma_semaphore, #tpu.memory_space<semaphore_mem>>
          %dma_wait3A_215 = arith.constant 0 : i32
          %dma_wait3A_216 = tpu.memref_slice %arg6[%mul3A_207, %dma_wait3A_215] : memref<320000x128xf32, #tpu.memory_space<hbm>> -> memref<64x128xf32, #tpu.memory_space<hbm>>
          %dma_wait3A_217 = arith.constant 0 : i32
          %dma_wait3A_218 = arith.constant 0 : i32
          %dma_wait3A_219 = tpu.memref_slice %run_scoped3A_26[%rem3A_205, %dma_wait3A_217, %dma_wait3A_218] : memref<2x64x128xf32, #tpu.memory_space<vmem>> -> memref<1x64x128xf32, #tpu.memory_space<vmem>>
          %dma_wait3A_220 = tpu.memref_squeeze %dma_wait3A_219 : memref<1x64x128xf32, #tpu.memory_space<vmem>> -> memref<64x128xf32, #tpu.memory_space<vmem>>
          tpu.wait_dma2 semaphore(%dma_wait3A_214 : memref<!tpu.dma_semaphore, #tpu.memory_space<semaphore_mem>>) src(%dma_wait3A_220 : memref<64x128xf32, #tpu.memory_space<vmem>>) dst(%dma_wait3A_216 : memref<64x128xf32, #tpu.memory_space<hbm>>)
          "tpu.trace_stop"() : () -> ()
        } else {
        }
        %convert_element_type3A_198 = arith.extui %eq3A_161 : i1 to i32
        %cond3A_199 = arith.constant 0 : i32
        %cond3A_200 = arith.cmpi ne, %convert_element_type3A_198, %cond3A_199 : i32
        scf.if %cond3A_200 {
          "tpu.trace_start"() <{level = 10 : i32, message = "ep_finalize"}> : () -> ()
          %rem3A_204 = arith.constant 2 : i32
          %rem3A_205 = arith.remui %while3A_143#7, %rem3A_204 : i32
          %mul3A_206 = arith.constant 64 : i32
          %mul3A_207 = arith.muli %mul3A_206, %add3A_162 : i32
          %dma_wait3A = arith.constant 0 : i32
          %dma_wait3A_208 = arith.constant 0 : i32
          %dma_wait3A_209 = tpu.memref_slice %run_scoped3A_28[%rem3A_205, %dma_wait3A, %dma_wait3A_208] : memref<2x64x128xf32, #tpu.memory_space<vmem>> -> memref<1x64x128xf32, #tpu.memory_space<vmem>>
          %dma_wait3A_210 = tpu.memref_squeeze %dma_wait3A_209 : memref<1x64x128xf32, #tpu.memory_space<vmem>> -> memref<64x128xf32, #tpu.memory_space<vmem>>
          %dma_wait3A_211 = arith.constant 0 : i32
          %dma_wait3A_212 = tpu.memref_slice %arg7[%mul3A_207, %dma_wait3A_211] : memref<320000x128xf32, #tpu.memory_space<hbm>> -> memref<64x128xf32, #tpu.memory_space<hbm>>
          %dma_wait3A_213 = tpu.memref_slice %run_scoped3A_29[%rem3A_205] : memref<2x!tpu.dma_semaphore, #tpu.memory_space<semaphore_mem>> -> memref<1x!tpu.dma_semaphore, #tpu.memory_space<semaphore_mem>>
          %dma_wait3A_214 = tpu.memref_squeeze %dma_wait3A_213 : memref<1x!tpu.dma_semaphore, #tpu.memory_space<semaphore_mem>> -> memref<!tpu.dma_semaphore, #tpu.memory_space<semaphore_mem>>
          %dma_wait3A_215 = arith.constant 0 : i32
          %dma_wait3A_216 = tpu.memref_slice %arg7[%mul3A_207, %dma_wait3A_215] : memref<320000x128xf32, #tpu.memory_space<hbm>> -> memref<64x128xf32, #tpu.memory_space<hbm>>
          %dma_wait3A_217 = arith.constant 0 : i32
          %dma_wait3A_218 = arith.constant 0 : i32
          %dma_wait3A_219 = tpu.memref_slice %run_scoped3A_28[%rem3A_205, %dma_wait3A_217, %dma_wait3A_218] : memref<2x64x128xf32, #tpu.memory_space<vmem>> -> memref<1x64x128xf32, #tpu.memory_space<vmem>>
          %dma_wait3A_220 = tpu.memref_squeeze %dma_wait3A_219 : memref<1x64x128xf32, #tpu.memory_space<vmem>> -> memref<64x128xf32, #tpu.memory_space<vmem>>
          tpu.wait_dma2 semaphore(%dma_wait3A_214 : memref<!tpu.dma_semaphore, #tpu.memory_space<semaphore_mem>>) src(%dma_wait3A_220 : memref<64x128xf32, #tpu.memory_space<vmem>>) dst(%dma_wait3A_216 : memref<64x128xf32, #tpu.memory_space<hbm>>)
          "tpu.trace_stop"() : () -> ()
        } else {
        }
        %convert_element_type3A_201 = arith.extui %eq3A_161 : i1 to i32
        %cond3A_202 = arith.constant 0 : i32
        %cond3A_203 = arith.cmpi ne, %convert_element_type3A_201, %cond3A_202 : i32
        scf.if %cond3A_203 {
          "tpu.trace_start"() <{level = 10 : i32, message = "ep_finalize"}> : () -> ()
          %rem3A_204 = arith.constant 2 : i32
          %rem3A_205 = arith.remui %while3A_143#9, %rem3A_204 : i32
          %mul3A_206 = arith.constant 64 : i32
          %mul3A_207 = arith.muli %mul3A_206, %add3A_162 : i32
          %dma_wait3A = arith.constant 0 : i32
          %dma_wait3A_208 = arith.constant 0 : i32
          %dma_wait3A_209 = tpu.memref_slice %run_scoped3A_30[%rem3A_205, %dma_wait3A, %dma_wait3A_208] : memref<2x64x128xf32, #tpu.memory_space<vmem>> -> memref<1x64x128xf32, #tpu.memory_space<vmem>>
          %dma_wait3A_210 = tpu.memref_squeeze %dma_wait3A_209 : memref<1x64x128xf32, #tpu.memory_space<vmem>> -> memref<64x128xf32, #tpu.memory_space<vmem>>
          %dma_wait3A_211 = arith.constant 0 : i32
          %dma_wait3A_212 = tpu.memref_slice %arg8[%mul3A_207, %dma_wait3A_211] : memref<320000x128xf32, #tpu.memory_space<hbm>> -> memref<64x128xf32, #tpu.memory_space<hbm>>
          %dma_wait3A_213 = tpu.memref_slice %run_scoped3A_31[%rem3A_205] : memref<2x!tpu.dma_semaphore, #tpu.memory_space<semaphore_mem>> -> memref<1x!tpu.dma_semaphore, #tpu.memory_space<semaphore_mem>>
          %dma_wait3A_214 = tpu.memref_squeeze %dma_wait3A_213 : memref<1x!tpu.dma_semaphore, #tpu.memory_space<semaphore_mem>> -> memref<!tpu.dma_semaphore, #tpu.memory_space<semaphore_mem>>
          %dma_wait3A_215 = arith.constant 0 : i32
          %dma_wait3A_216 = tpu.memref_slice %arg8[%mul3A_207, %dma_wait3A_215] : memref<320000x128xf32, #tpu.memory_space<hbm>> -> memref<64x128xf32, #tpu.memory_space<hbm>>
          %dma_wait3A_217 = arith.constant 0 : i32
          %dma_wait3A_218 = arith.constant 0 : i32
          %dma_wait3A_219 = tpu.memref_slice %run_scoped3A_30[%rem3A_205, %dma_wait3A_217, %dma_wait3A_218] : memref<2x64x128xf32, #tpu.memory_space<vmem>> -> memref<1x64x128xf32, #tpu.memory_space<vmem>>
          %dma_wait3A_220 = tpu.memref_squeeze %dma_wait3A_219 : memref<1x64x128xf32, #tpu.memory_space<vmem>> -> memref<64x128xf32, #tpu.memory_space<vmem>>
          tpu.wait_dma2 semaphore(%dma_wait3A_214 : memref<!tpu.dma_semaphore, #tpu.memory_space<semaphore_mem>>) src(%dma_wait3A_220 : memref<64x128xf32, #tpu.memory_space<vmem>>) dst(%dma_wait3A_216 : memref<64x128xf32, #tpu.memory_space<hbm>>)
          "tpu.trace_stop"() : () -> ()
        } else {
        }
      } else {
      }
      tpu.yield
    }) : () -> ()
    return
  }
}

module attributes {stable_mosaic.version = 14 : i64} {
  func.func @_node_matmuls_kernel(%arg0: memref<10000x128xf32, #tpu.memory_space<vmem>>, %arg1: memref<128x128xf32, #tpu.memory_space<vmem>>, %arg2: memref<1x128xf32, #tpu.memory_space<vmem>>, %arg3: memref<128x128xf32, #tpu.memory_space<vmem>>, %arg4: memref<1x128xf32, #tpu.memory_space<vmem>>, %arg5: memref<10000x128xf32, #tpu.memory_space<vmem>>, %arg6: memref<10000x128xf32, #tpu.memory_space<vmem>>) attributes {dimension_semantics = [], scalar_prefetch = 0 : i64, scratch_operands = 0 : i64, tpu.core_type = #tpu.core_type<tc>} {
    %get3A = arith.constant 0 : index
    %get3A_0 = arith.constant 0 : index
    %get3A_1 = vector.load %arg0[%get3A, %get3A_0] : memref<10000x128xf32, #tpu.memory_space<vmem>>, vector<10000x128xf32>
    %get3A_2 = arith.constant 0 : index
    %get3A_3 = arith.constant 0 : index
    %get3A_4 = vector.load %arg1[%get3A_2, %get3A_3] : memref<128x128xf32, #tpu.memory_space<vmem>>, vector<128x128xf32>
    %dot_general3A = arith.constant dense<0.000000e+00> : vector<10000x128xf32>
    %dot_general3A_5 = tpu.matmul %get3A_1, %get3A_4, %dot_general3A {dimension_numbers = #tpu.dot_dimension_numbers<[1], [0], [0], [1], [0, 0, 1, 1], [], []>, transpose_lhs_hint = false} : vector<10000x128xf32>, vector<128x128xf32>, vector<10000x128xf32> -> vector<10000x128xf32>
    %get3A_6 = arith.constant 0 : index
    %get3A_7 = arith.constant 0 : index
    %get3A_8 = vector.load %arg2[%get3A_6, %get3A_7] : memref<1x128xf32, #tpu.memory_space<vmem>>, vector<1x128xf32>
    %add3A = vector.broadcast %get3A_8 : vector<1x128xf32> to vector<10000x128xf32>
    %add3A_9 = arith.addf %dot_general3A_5, %add3A : vector<10000x128xf32>
    %swap3A = arith.constant 0 : index
    %swap3A_10 = arith.constant 0 : index
    %swap3A_11 = vector.load %arg5[%swap3A, %swap3A_10] : memref<10000x128xf32, #tpu.memory_space<vmem>>, vector<10000x128xf32>
    tpu.vector_store %arg5[%swap3A, %swap3A_10], %add3A_9 {strides = array<i32>} : memref<10000x128xf32, #tpu.memory_space<vmem>>, vector<10000x128xf32>,
    %get3A_12 = arith.constant 0 : index
    %get3A_13 = arith.constant 0 : index
    %get3A_14 = vector.load %arg3[%get3A_12, %get3A_13] : memref<128x128xf32, #tpu.memory_space<vmem>>, vector<128x128xf32>
    %dot_general3A_15 = arith.constant dense<0.000000e+00> : vector<10000x128xf32>
    %dot_general3A_16 = tpu.matmul %get3A_1, %get3A_14, %dot_general3A_15 {dimension_numbers = #tpu.dot_dimension_numbers<[1], [0], [0], [1], [0, 0, 1, 1], [], []>, transpose_lhs_hint = false} : vector<10000x128xf32>, vector<128x128xf32>, vector<10000x128xf32> -> vector<10000x128xf32>
    %get3A_17 = arith.constant 0 : index
    %get3A_18 = arith.constant 0 : index
    %get3A_19 = vector.load %arg4[%get3A_17, %get3A_18] : memref<1x128xf32, #tpu.memory_space<vmem>>, vector<1x128xf32>
    %add3A_20 = vector.broadcast %get3A_19 : vector<1x128xf32> to vector<10000x128xf32>
    %add3A_21 = arith.addf %dot_general3A_16, %add3A_20 : vector<10000x128xf32>
    %swap3A_22 = arith.constant 0 : index
    %swap3A_23 = arith.constant 0 : index
    %swap3A_24 = vector.load %arg6[%swap3A_22, %swap3A_23] : memref<10000x128xf32, #tpu.memory_space<vmem>>, vector<10000x128xf32>
    tpu.vector_store %arg6[%swap3A_22, %swap3A_23], %add3A_21 {strides = array<i32>} : memref<10000x128xf32, #tpu.memory_space<vmem>>, vector<10000x128xf32>,
    return
  }
}

module attributes {stable_mosaic.version = 14 : i64} {
  func.func @_edge_fwd_kernel(%arg0: i32, %arg1: memref<1280x128xf32, #tpu.memory_space<vmem>>, %arg2: memref<1280x128xf32, #tpu.memory_space<vmem>>, %arg3: memref<1280x128xf32, #tpu.memory_space<vmem>>, %arg4: memref<1280x128xf32, #tpu.memory_space<vmem>>, %arg5: memref<128x128xf32, #tpu.memory_space<vmem>>, %arg6: memref<1x128xf32, #tpu.memory_space<vmem>>, %arg7: memref<128x1280xf32, #tpu.memory_space<vmem>>, %arg8: memref<1280x128xf32, #tpu.memory_space<vmem>>, %arg9: memref<8x128xf32, #tpu.memory_space<vmem>>) attributes {dimension_semantics = [#tpu.dimension_semantics<arbitrary>], iteration_bounds = array<i64: 250>, scalar_prefetch = 0 : i64, scratch_operands = 0 : i64, tpu.core_type = #tpu.core_type<tc>, window_params = [{transform_indices = @transform_0, window_bounds = array<i64: 1280, 128>}, {transform_indices = @transform_1, window_bounds = array<i64: 1280, 128>}, {transform_indices = @transform_2, window_bounds = array<i64: 1280, 128>}, {transform_indices = @transform_3, window_bounds = array<i64: 1280, 128>}, {pipeline_mode = #tpu.pipeline_mode<synchronous>, transform_indices = @transform_4, window_bounds = array<i64: 128, 128>}, {pipeline_mode = #tpu.pipeline_mode<synchronous>, transform_indices = @transform_5, window_bounds = array<i64: 1, 128>}, {transform_indices = @transform_6, window_bounds = array<i64: 128, 1280>}, {transform_indices = @transform_7, window_bounds = array<i64: 1280, 128>}, {pipeline_mode = #tpu.pipeline_mode<synchronous>, transform_indices = @transform_8, window_bounds = array<i64: 8, 128>}]} {
    %get3A = arith.constant 0 : index
    %get3A_0 = arith.constant 0 : index
    %get3A_1 = vector.load %arg1[%get3A, %get3A_0] : memref<1280x128xf32, #tpu.memory_space<vmem>>, vector<1280x128xf32>
    %get3A_2 = arith.constant 0 : index
    %get3A_3 = arith.constant 0 : index
    %get3A_4 = vector.load %arg5[%get3A_2, %get3A_3] : memref<128x128xf32, #tpu.memory_space<vmem>>, vector<128x128xf32>
    %dot_general3A = arith.constant dense<0.000000e+00> : vector<1280x128xf32>
    %dot_general3A_5 = tpu.matmul %get3A_1, %get3A_4, %dot_general3A {dimension_numbers = #tpu.dot_dimension_numbers<[1], [0], [0], [1], [0, 0, 1, 1], [], []>, transpose_lhs_hint = false} : vector<1280x128xf32>, vector<128x128xf32>, vector<1280x128xf32> -> vector<1280x128xf32>
    %get3A_6 = arith.constant 0 : index
    %get3A_7 = arith.constant 0 : index
    %get3A_8 = vector.load %arg6[%get3A_6, %get3A_7] : memref<1x128xf32, #tpu.memory_space<vmem>>, vector<1x128xf32>
    %add3A = vector.broadcast %get3A_8 : vector<1x128xf32> to vector<1280x128xf32>
    %add3A_9 = arith.addf %dot_general3A_5, %add3A : vector<1280x128xf32>
    %get3A_10 = arith.constant 0 : index
    %get3A_11 = arith.constant 0 : index
    %get3A_12 = vector.load %arg3[%get3A_10, %get3A_11] : memref<1280x128xf32, #tpu.memory_space<vmem>>, vector<1280x128xf32>
    %add3A_13 = arith.addf %add3A_9, %get3A_12 : vector<1280x128xf32>
    %get3A_14 = arith.constant 0 : index
    %get3A_15 = arith.constant 0 : index
    %get3A_16 = vector.load %arg4[%get3A_14, %get3A_15] : memref<1280x128xf32, #tpu.memory_space<vmem>>, vector<1280x128xf32>
    %add3A_17 = arith.addf %add3A_13, %get3A_16 : vector<1280x128xf32>
    %logistic3A = arith.negf %add3A_17 : vector<1280x128xf32>
    %logistic3A_18 = math.exp %logistic3A : vector<1280x128xf32>
    %logistic3A_19 = arith.constant 1.000000e+00 : f32
    %logistic3A_20 = vector.broadcast %logistic3A_19 : f32 to vector<1280x128xf32>
    %logistic3A_21 = arith.addf %logistic3A_20, %logistic3A_18 : vector<1280x128xf32>
    %logistic3A_22 = arith.divf %logistic3A_20, %logistic3A_21 : vector<1280x128xf32>
    %get3A_23 = arith.constant 0 : index
    %get3A_24 = arith.constant 0 : index
    %get3A_25 = vector.load %arg2[%get3A_23, %get3A_24] : memref<1280x128xf32, #tpu.memory_space<vmem>>, vector<1280x128xf32>
    %mul3A = arith.mulf %logistic3A_22, %get3A_25 : vector<1280x128xf32>
    %max3A = arith.constant 0.000000e+00 : f32
    %max3A_26 = vector.broadcast %max3A : f32 to vector<1280x128xf32>
    %max3A_27 = arith.maximumf %mul3A, %max3A_26 : vector<1280x128xf32>
    %transpose3A = tpu.transpose %max3A_27, [1, 0] : vector<1280x128xf32> -> vector<128x1280xf32>
    %swap3A = arith.constant 0 : index
    %swap3A_28 = arith.constant 0 : index
    %swap3A_29 = vector.load %arg7[%swap3A, %swap3A_28] : memref<128x1280xf32, #tpu.memory_space<vmem>>, vector<128x1280xf32>
    tpu.vector_store %arg7[%swap3A, %swap3A_28], %transpose3A {strides = array<i32>} : memref<128x1280xf32, #tpu.memory_space<vmem>>, vector<128x1280xf32>,
    %max3A_30 = arith.constant 0.000000e+00 : f32
    %max3A_31 = vector.broadcast %max3A_30 : f32 to vector<1280x128xf32>
    %max3A_32 = arith.maximumf %add3A_17, %max3A_31 : vector<1280x128xf32>
    %swap3A_33 = arith.constant 0 : index
    %swap3A_34 = arith.constant 0 : index
    %swap3A_35 = vector.load %arg8[%swap3A_33, %swap3A_34] : memref<1280x128xf32, #tpu.memory_space<vmem>>, vector<1280x128xf32>
    tpu.vector_store %arg8[%swap3A_33, %swap3A_34], %max3A_32 {strides = array<i32>} : memref<1280x128xf32, #tpu.memory_space<vmem>>, vector<1280x128xf32>,
    %eq3A = arith.constant 0 : i32
    %eq3A_36 = arith.cmpi eq, %arg0, %eq3A : i32
    %convert_element_type3A = arith.extui %eq3A_36 : i1 to i32
    %cond3A = arith.constant 0 : i32
    %cond3A_37 = arith.cmpi ne, %convert_element_type3A, %cond3A : i32
    scf.if %cond3A_37 {
      %broadcast_in_dim3A_65 = arith.constant 0.000000e+00 : f32
      %broadcast_in_dim3A_66 = vector.broadcast %broadcast_in_dim3A_65 : f32 to vector<8x128xf32>
      %swap3A_67 = arith.constant 0 : index
      %swap3A_68 = arith.constant 0 : index
      %swap3A_69 = vector.load %arg9[%swap3A_67, %swap3A_68] : memref<8x128xf32, #tpu.memory_space<vmem>>, vector<8x128xf32>
      tpu.vector_store %arg9[%swap3A_67, %swap3A_68], %broadcast_in_dim3A_66 {strides = array<i32>} : memref<8x128xf32, #tpu.memory_space<vmem>>, vector<8x128xf32>,
    } else {
    }
    %reduce_sum3A = arith.constant dense<0.000000e+00> : vector<128xf32>
    %reduce_sum3A_38 = vector.multi_reduction <add>, %max3A_32, %reduce_sum3A [0] : vector<1280x128xf32> to vector<128xf32>
    %broadcast_in_dim3A = vector.shape_cast %reduce_sum3A_38 : vector<128xf32> to vector<1x128xf32>
    %mul3A_39 = arith.mulf %max3A_32, %max3A_32 : vector<1280x128xf32>
    %reduce_sum3A_40 = arith.constant dense<0.000000e+00> : vector<128xf32>
    %reduce_sum3A_41 = vector.multi_reduction <add>, %mul3A_39, %reduce_sum3A_40 [0] : vector<1280x128xf32> to vector<128xf32>
    %broadcast_in_dim3A_42 = vector.shape_cast %reduce_sum3A_41 : vector<128xf32> to vector<1x128xf32>
    %iota3A = tpu.iota {dimensions = array<i32: 0>} : vector<8x128xi32>
    %eq3A_43 = arith.constant 0 : i32
    %eq3A_44 = vector.broadcast %eq3A_43 : i32 to vector<8x128xi32>
    %eq3A_45 = arith.cmpi eq, %iota3A, %eq3A_44 : vector<8x128xi32>
    %jit3A = arith.constant 0.000000e+00 : f32
    %broadcast_in_dim3A_46 = vector.shape_cast %broadcast_in_dim3A : vector<1x128xf32> to vector<1x128xf32>
    %broadcast_in_dim3A_47 = vector.broadcast %broadcast_in_dim3A_46 : vector<1x128xf32> to vector<8x128xf32>
    %broadcast_in_dim3A_48 = vector.broadcast %jit3A : f32 to vector<8x128xf32>
    %select_n3A = arith.select %eq3A_45, %broadcast_in_dim3A_47, %broadcast_in_dim3A_48 : vector<8x128xi1>, vector<8x128xf32>
    %eq3A_49 = arith.constant 1 : i32
    %eq3A_50 = vector.broadcast %eq3A_49 : i32 to vector<8x128xi32>
    %eq3A_51 = arith.cmpi eq, %iota3A, %eq3A_50 : vector<8x128xi32>
    %jit3A_52 = arith.constant 0.000000e+00 : f32
    %broadcast_in_dim3A_53 = vector.shape_cast %broadcast_in_dim3A_42 : vector<1x128xf32> to vector<1x128xf32>
    %broadcast_in_dim3A_54 = vector.broadcast %broadcast_in_dim3A_53 : vector<1x128xf32> to vector<8x128xf32>
    %broadcast_in_dim3A_55 = vector.broadcast %jit3A_52 : f32 to vector<8x128xf32>
    %select_n3A_56 = arith.select %eq3A_51, %broadcast_in_dim3A_54, %broadcast_in_dim3A_55 : vector<8x128xi1>, vector<8x128xf32>
    %add3A_57 = arith.addf %select_n3A, %select_n3A_56 : vector<8x128xf32>
    %get3A_58 = arith.constant 0 : index
    %get3A_59 = arith.constant 0 : index
    %get3A_60 = vector.load %arg9[%get3A_58, %get3A_59] : memref<8x128xf32, #tpu.memory_space<vmem>>, vector<8x128xf32>
    %add3A_61 = arith.addf %get3A_60, %add3A_57 : vector<8x128xf32>
    %swap3A_62 = arith.constant 0 : index
    %swap3A_63 = arith.constant 0 : index
    %swap3A_64 = vector.load %arg9[%swap3A_62, %swap3A_63] : memref<8x128xf32, #tpu.memory_space<vmem>>, vector<8x128xf32>
    tpu.vector_store %arg9[%swap3A_62, %swap3A_63], %add3A_61 {strides = array<i32>} : memref<8x128xf32, #tpu.memory_space<vmem>>, vector<8x128xf32>,
    return
  }
  func.func @transform_0(%arg0: i32) -> (i32, i32) {
    %c0_i32 = arith.constant 0 : i32
    %c0_i32_0 = arith.constant 0 : i32
    return %arg0, %c0_i32 : i32, i32
  }
  func.func @transform_1(%arg0: i32) -> (i32, i32) {
    %c0_i32 = arith.constant 0 : i32
    %c0_i32_0 = arith.constant 0 : i32
    return %arg0, %c0_i32 : i32, i32
  }
  func.func @transform_2(%arg0: i32) -> (i32, i32) {
    %c0_i32 = arith.constant 0 : i32
    %c0_i32_0 = arith.constant 0 : i32
    return %arg0, %c0_i32 : i32, i32
  }
  func.func @transform_3(%arg0: i32) -> (i32, i32) {
    %c0_i32 = arith.constant 0 : i32
    %c0_i32_0 = arith.constant 0 : i32
    return %arg0, %c0_i32 : i32, i32
  }
  func.func @transform_4(%arg0: i32) -> (i32, i32) {
    %c0_i32 = arith.constant 0 : i32
    %c0_i32_0 = arith.constant 0 : i32
    %c0_i32_1 = arith.constant 0 : i32
    return %c0_i32, %c0_i32_0 : i32, i32
  }
  func.func @transform_5(%arg0: i32) -> (i32, i32) {
    %c0_i32 = arith.constant 0 : i32
    %c0_i32_0 = arith.constant 0 : i32
    %c0_i32_1 = arith.constant 0 : i32
    return %c0_i32, %c0_i32_0 : i32, i32
  }
  func.func @transform_6(%arg0: i32) -> (i32, i32) {
    %c0_i32 = arith.constant 0 : i32
    %c0_i32_0 = arith.constant 0 : i32
    return %c0_i32, %arg0 : i32, i32
  }
  func.func @transform_7(%arg0: i32) -> (i32, i32) {
    %c0_i32 = arith.constant 0 : i32
    %c0_i32_0 = arith.constant 0 : i32
    return %arg0, %c0_i32 : i32, i32
  }
  func.func @transform_8(%arg0: i32) -> (i32, i32) {
    %c0_i32 = arith.constant 0 : i32
    %c0_i32_0 = arith.constant 0 : i32
    %c0_i32_1 = arith.constant 0 : i32
    return %c0_i32, %c0_i32_0 : i32, i32
  }
}

module attributes {stable_mosaic.version = 14 : i64} {
  func.func @_edge_out_kernel(%arg0: i32, %arg1: memref<1280x128xf32, #tpu.memory_space<vmem>>, %arg2: memref<1280x128xf32, #tpu.memory_space<vmem>>, %arg3: memref<1x128xf32, #tpu.memory_space<vmem>>, %arg4: memref<1x128xf32, #tpu.memory_space<vmem>>, %arg5: memref<1x128xf32, #tpu.memory_space<vmem>>, %arg6: memref<1280x128xf32, #tpu.memory_space<vmem>>) attributes {dimension_semantics = [#tpu.dimension_semantics<arbitrary>], iteration_bounds = array<i64: 250>, scalar_prefetch = 0 : i64, scratch_operands = 0 : i64, tpu.core_type = #tpu.core_type<tc>, window_params = [{transform_indices = @transform_0, window_bounds = array<i64: 1280, 128>}, {transform_indices = @transform_1, window_bounds = array<i64: 1280, 128>}, {pipeline_mode = #tpu.pipeline_mode<synchronous>, transform_indices = @transform_2, window_bounds = array<i64: 1, 128>}, {pipeline_mode = #tpu.pipeline_mode<synchronous>, transform_indices = @transform_3, window_bounds = array<i64: 1, 128>}, {pipeline_mode = #tpu.pipeline_mode<synchronous>, transform_indices = @transform_4, window_bounds = array<i64: 1, 128>}, {transform_indices = @transform_5, window_bounds = array<i64: 1280, 128>}]} {
    %get3A = arith.constant 0 : index
    %get3A_0 = arith.constant 0 : index
    %get3A_1 = vector.load %arg1[%get3A, %get3A_0] : memref<1280x128xf32, #tpu.memory_space<vmem>>, vector<1280x128xf32>
    %get3A_2 = arith.constant 0 : index
    %get3A_3 = arith.constant 0 : index
    %get3A_4 = vector.load %arg2[%get3A_2, %get3A_3] : memref<1280x128xf32, #tpu.memory_space<vmem>>, vector<1280x128xf32>
    %get3A_5 = arith.constant 0 : index
    %get3A_6 = arith.constant 0 : index
    %get3A_7 = vector.load %arg3[%get3A_5, %get3A_6] : memref<1x128xf32, #tpu.memory_space<vmem>>, vector<1x128xf32>
    %sub3A = vector.broadcast %get3A_7 : vector<1x128xf32> to vector<1280x128xf32>
    %sub3A_8 = arith.subf %get3A_4, %sub3A : vector<1280x128xf32>
    %get3A_9 = arith.constant 0 : index
    %get3A_10 = arith.constant 0 : index
    %get3A_11 = vector.load %arg4[%get3A_9, %get3A_10] : memref<1x128xf32, #tpu.memory_space<vmem>>, vector<1x128xf32>
    %mul3A = vector.broadcast %get3A_11 : vector<1x128xf32> to vector<1280x128xf32>
    %mul3A_12 = arith.mulf %sub3A_8, %mul3A : vector<1280x128xf32>
    %add3A = arith.addf %get3A_1, %mul3A_12 : vector<1280x128xf32>
    %get3A_13 = arith.constant 0 : index
    %get3A_14 = arith.constant 0 : index
    %get3A_15 = vector.load %arg5[%get3A_13, %get3A_14] : memref<1x128xf32, #tpu.memory_space<vmem>>, vector<1x128xf32>
    %add3A_16 = vector.broadcast %get3A_15 : vector<1x128xf32> to vector<1280x128xf32>
    %add3A_17 = arith.addf %add3A, %add3A_16 : vector<1280x128xf32>
    %swap3A = arith.constant 0 : index
    %swap3A_18 = arith.constant 0 : index
    %swap3A_19 = vector.load %arg6[%swap3A, %swap3A_18] : memref<1280x128xf32, #tpu.memory_space<vmem>>, vector<1280x128xf32>
    tpu.vector_store %arg6[%swap3A, %swap3A_18], %add3A_17 {strides = array<i32>} : memref<1280x128xf32, #tpu.memory_space<vmem>>, vector<1280x128xf32>,
    return
  }
  func.func @transform_0(%arg0: i32) -> (i32, i32) {
    %c0_i32 = arith.constant 0 : i32
    %c0_i32_0 = arith.constant 0 : i32
    return %arg0, %c0_i32 : i32, i32
  }
  func.func @transform_1(%arg0: i32) -> (i32, i32) {
    %c0_i32 = arith.constant 0 : i32
    %c0_i32_0 = arith.constant 0 : i32
    return %arg0, %c0_i32 : i32, i32
  }
  func.func @transform_2(%arg0: i32) -> (i32, i32) {
    %c0_i32 = arith.constant 0 : i32
    %c0_i32_0 = arith.constant 0 : i32
    %c0_i32_1 = arith.constant 0 : i32
    return %c0_i32, %c0_i32_0 : i32, i32
  }
  func.func @transform_3(%arg0: i32) -> (i32, i32) {
    %c0_i32 = arith.constant 0 : i32
    %c0_i32_0 = arith.constant 0 : i32
    %c0_i32_1 = arith.constant 0 : i32
    return %c0_i32, %c0_i32_0 : i32, i32
  }
  func.func @transform_4(%arg0: i32) -> (i32, i32) {
    %c0_i32 = arith.constant 0 : i32
    %c0_i32_0 = arith.constant 0 : i32
    %c0_i32_1 = arith.constant 0 : i32
    return %c0_i32, %c0_i32_0 : i32, i32
  }
  func.func @transform_5(%arg0: i32) -> (i32, i32) {
    %c0_i32 = arith.constant 0 : i32
    %c0_i32_0 = arith.constant 0 : i32
    return %arg0, %c0_i32 : i32, i32
  }
}

module attributes {stable_mosaic.version = 14 : i64} {
  func.func @_node_stage_kernel(%arg0: memref<10000x128xf32, #tpu.memory_space<vmem>>, %arg1: memref<2x128x10000xf32, #tpu.memory_space<vmem>>, %arg2: memref<128x128xf32, #tpu.memory_space<vmem>>, %arg3: memref<128x128xf32, #tpu.memory_space<vmem>>, %arg4: memref<1x128xf32, #tpu.memory_space<vmem>>, %arg5: memref<1x128xf32, #tpu.memory_space<vmem>>, %arg6: memref<1x128xf32, #tpu.memory_space<vmem>>, %arg7: memref<10000x128xf32, #tpu.memory_space<vmem>>) attributes {dimension_semantics = [], scalar_prefetch = 0 : i64, scratch_operands = 0 : i64, tpu.core_type = #tpu.core_type<tc>} {
    %get3A = arith.constant 0 : index
    %get3A_0 = arith.constant 0 : index
    %get3A_1 = vector.load %arg0[%get3A, %get3A_0] : memref<10000x128xf32, #tpu.memory_space<vmem>>, vector<10000x128xf32>
    %get3A_2 = arith.constant 0 : index
    %get3A_3 = arith.constant 0 : index
    %get3A_4 = arith.constant 0 : index
    %get3A_5 = vector.load %arg1[%get3A_2, %get3A_3, %get3A_4] : memref<2x128x10000xf32, #tpu.memory_space<vmem>>, vector<1x128x10000xf32>
    %get3A_6 = vector.shape_cast %get3A_5 : vector<1x128x10000xf32> to vector<128x10000xf32>
    %get3A_7 = arith.constant 1 : index
    %get3A_8 = arith.constant 0 : index
    %get3A_9 = arith.constant 0 : index
    %get3A_10 = vector.load %arg1[%get3A_7, %get3A_8, %get3A_9] : memref<2x128x10000xf32, #tpu.memory_space<vmem>>, vector<1x128x10000xf32>
    %get3A_11 = vector.shape_cast %get3A_10 : vector<1x128x10000xf32> to vector<128x10000xf32>
    %max3A = arith.maximumf %get3A_6, %get3A_11 : vector<128x10000xf32>
    %transpose3A = tpu.transpose %max3A, [1, 0] : vector<128x10000xf32> -> vector<10000x128xf32>
    %is_finite3A = tpu.weird %transpose3A : vector<10000x128xf32> -> vector<10000x128xi1>
    %is_finite3A_12 = arith.constant dense<true> : vector<10000x128xi1>
    %is_finite3A_13 = arith.xori %is_finite3A, %is_finite3A_12 : vector<10000x128xi1>
    %jit3A = arith.constant 0.000000e+00 : f32
    %broadcast_in_dim3A = vector.broadcast %jit3A : f32 to vector<10000x128xf32>
    %select_n3A = arith.select %is_finite3A_13, %transpose3A, %broadcast_in_dim3A : vector<10000x128xi1>, vector<10000x128xf32>
    %get3A_14 = arith.constant 0 : index
    %get3A_15 = arith.constant 0 : index
    %get3A_16 = vector.load %arg2[%get3A_14, %get3A_15] : memref<128x128xf32, #tpu.memory_space<vmem>>, vector<128x128xf32>
    %dot_general3A = arith.constant dense<0.000000e+00> : vector<10000x128xf32>
    %dot_general3A_17 = tpu.matmul %get3A_1, %get3A_16, %dot_general3A {dimension_numbers = #tpu.dot_dimension_numbers<[1], [0], [0], [1], [0, 0, 1, 1], [], []>, transpose_lhs_hint = false} : vector<10000x128xf32>, vector<128x128xf32>, vector<10000x128xf32> -> vector<10000x128xf32>
    %get3A_18 = arith.constant 0 : index
    %get3A_19 = arith.constant 0 : index
    %get3A_20 = vector.load %arg3[%get3A_18, %get3A_19] : memref<128x128xf32, #tpu.memory_space<vmem>>, vector<128x128xf32>
    %dot_general3A_21 = arith.constant dense<0.000000e+00> : vector<10000x128xf32>
    %dot_general3A_22 = tpu.matmul %select_n3A, %get3A_20, %dot_general3A_21 {dimension_numbers = #tpu.dot_dimension_numbers<[1], [0], [0], [1], [0, 0, 1, 1], [], []>, transpose_lhs_hint = false} : vector<10000x128xf32>, vector<128x128xf32>, vector<10000x128xf32> -> vector<10000x128xf32>
    %add3A = arith.addf %dot_general3A_17, %dot_general3A_22 : vector<10000x128xf32>
    %get3A_23 = arith.constant 0 : index
    %get3A_24 = arith.constant 0 : index
    %get3A_25 = vector.load %arg4[%get3A_23, %get3A_24] : memref<1x128xf32, #tpu.memory_space<vmem>>, vector<1x128xf32>
    %add3A_26 = vector.broadcast %get3A_25 : vector<1x128xf32> to vector<10000x128xf32>
    %add3A_27 = arith.addf %add3A, %add3A_26 : vector<10000x128xf32>
    %mul3A = arith.mulf %add3A_27, %add3A_27 : vector<10000x128xf32>
    %reduce_sum3A = arith.constant dense<0.000000e+00> : vector<10000xf32>
    %reduce_sum3A_28 = vector.multi_reduction <add>, %mul3A, %reduce_sum3A [1] : vector<10000x128xf32> to vector<10000xf32>
    %broadcast_in_dim3A_29 = vector.shape_cast %reduce_sum3A_28 : vector<10000xf32> to vector<10000x1xf32>
    %sqrt3A = math.sqrt %broadcast_in_dim3A_29 : vector<10000x1xf32>
    %max3A_30 = arith.constant 9.99999996E-13 : f32
    %max3A_31 = vector.broadcast %max3A_30 : f32 to vector<10000x1xf32>
    %max3A_32 = arith.maximumf %sqrt3A, %max3A_31 : vector<10000x1xf32>
    %div3A = vector.broadcast %max3A_32 : vector<10000x1xf32> to vector<10000x128xf32>
    %div3A_33 = arith.divf %add3A_27, %div3A : vector<10000x128xf32>
    %max3A_34 = arith.constant 0.000000e+00 : f32
    %max3A_35 = vector.broadcast %max3A_34 : f32 to vector<10000x128xf32>
    %max3A_36 = arith.maximumf %div3A_33, %max3A_35 : vector<10000x128xf32>
    %reduce_sum3A_37 = arith.constant dense<0.000000e+00> : vector<128xf32>
    %reduce_sum3A_38 = vector.multi_reduction <add>, %max3A_36, %reduce_sum3A_37 [0] : vector<10000x128xf32> to vector<128xf32>
    %broadcast_in_dim3A_39 = vector.shape_cast %reduce_sum3A_38 : vector<128xf32> to vector<1x128xf32>
    %div3A_40 = arith.constant 1.000000e+04 : f32
    %div3A_41 = vector.broadcast %div3A_40 : f32 to vector<1x128xf32>
    %div3A_42 = arith.divf %broadcast_in_dim3A_39, %div3A_41 : vector<1x128xf32>
    %sub3A = vector.broadcast %div3A_42 : vector<1x128xf32> to vector<10000x128xf32>
    %sub3A_43 = arith.subf %max3A_36, %sub3A : vector<10000x128xf32>
    %square3A = arith.mulf %sub3A_43, %sub3A_43 : vector<10000x128xf32>
    %reduce_sum3A_44 = arith.constant dense<0.000000e+00> : vector<128xf32>
    %reduce_sum3A_45 = vector.multi_reduction <add>, %square3A, %reduce_sum3A_44 [0] : vector<10000x128xf32> to vector<128xf32>
    %broadcast_in_dim3A_46 = vector.shape_cast %reduce_sum3A_45 : vector<128xf32> to vector<1x128xf32>
    %div3A_47 = arith.constant 1.000000e+04 : f32
    %div3A_48 = vector.broadcast %div3A_47 : f32 to vector<1x128xf32>
    %div3A_49 = arith.divf %broadcast_in_dim3A_46, %div3A_48 : vector<1x128xf32>
    %get3A_50 = arith.constant 0 : index
    %get3A_51 = arith.constant 0 : index
    %get3A_52 = vector.load %arg5[%get3A_50, %get3A_51] : memref<1x128xf32, #tpu.memory_space<vmem>>, vector<1x128xf32>
    %sub3A_53 = vector.broadcast %div3A_42 : vector<1x128xf32> to vector<10000x128xf32>
    %sub3A_54 = arith.subf %max3A_36, %sub3A_53 : vector<10000x128xf32>
    %mul3A_55 = vector.broadcast %get3A_52 : vector<1x128xf32> to vector<10000x128xf32>
    %mul3A_56 = arith.mulf %mul3A_55, %sub3A_54 : vector<10000x128xf32>
    %add3A_57 = arith.constant 9.99999974E-6 : f32
    %add3A_58 = vector.broadcast %add3A_57 : f32 to vector<1x128xf32>
    %add3A_59 = arith.addf %div3A_49, %add3A_58 : vector<1x128xf32>
    %sqrt3A_60 = math.sqrt %add3A_59 : vector<1x128xf32>
    %div3A_61 = vector.broadcast %sqrt3A_60 : vector<1x128xf32> to vector<10000x128xf32>
    %div3A_62 = arith.divf %mul3A_56, %div3A_61 : vector<10000x128xf32>
    %get3A_63 = arith.constant 0 : index
    %get3A_64 = arith.constant 0 : index
    %get3A_65 = vector.load %arg6[%get3A_63, %get3A_64] : memref<1x128xf32, #tpu.memory_space<vmem>>, vector<1x128xf32>
    %add3A_66 = vector.broadcast %get3A_65 : vector<1x128xf32> to vector<10000x128xf32>
    %add3A_67 = arith.addf %div3A_62, %add3A_66 : vector<10000x128xf32>
    %add3A_68 = arith.addf %get3A_1, %add3A_67 : vector<10000x128xf32>
    %swap3A = arith.constant 0 : index
    %swap3A_69 = arith.constant 0 : index
    %swap3A_70 = vector.load %arg7[%swap3A, %swap3A_69] : memref<10000x128xf32, #tpu.memory_space<vmem>>, vector<10000x128xf32>
    tpu.vector_store %arg7[%swap3A, %swap3A_69], %add3A_68 {strides = array<i32>} : memref<10000x128xf32, #tpu.memory_space<vmem>>, vector<10000x128xf32>,
    return
  }
}

</mosaic_0001>

<sc_bundles>
// kernel: kernel.11.cloned.1.call-start
scs
__scs_entry_jumppad:
0x0: {  	(pc) =	sbr.rel $0x88, $3  }
0x1: {  	(tag) =	ssettag $0x0;
	lr =	simm.s32 $0x1  }
0x2: {  	[smem:$0x3F92] =	sst lr;
	_ =	strace $0xD0000000  }
0x3: {  	_ = 	snop  }
0x4: {  	_ = 	snop  }
0x5: {  	_ = 	snop  }
0x6: {  	_ = 	snop  }
0x7: {  	_ = 	snop  }
__scs_overlays_trampoline_lowered:
0x8: {  	[smem:$0x3FA1] =	sst s0  }
0x9: {  	[smem:$0x3FA2] =	sst s1  }
0xa: {  	[smem:$0x3FA3] =	sst s2  }
0xb: {  	[smem:$0x3FA4] =	sst s3  }
0xc: {  	[smem:$0x3FA5] =	sst s4  }
0xd: {  	[smem:$0x3FA6] =	sst s5  }
0xe: {  	[smem:$0x3FA7] =	sst s6  }
0xf: {  	[smem:$0x3FA8] =	sst s7  }
0x10: {  	[smem:$0x3FA9] =	sst s8  }
0x11: {  	[smem:$0x3FAA] =	sst s9;
	s0 =	simm.s32 @!p0 $0x0  }
0x12: {  	s1 =	sld [smem:$0x3F90];
	s0 =	simm.s32 @p0 $0x1  }
0x13: {  	[smem:$0x3FAB] =	sst s0;
	s0 =	simm.s32 @!p1 $0x0  }
0x14: {  	s2 =	sld [smem:$0x3F8F];
	s0 =	simm.s32 @p1 $0x1  }
0x15: {  	[smem:$0x3FAC] =	sst s0;
	s0 =	simm.s32 @!p2 $0x0  }
0x16: {  	s3 =	sld [smem:$0x3FDB];
	s0 =	simm.s32 @p2 $0x1  }
0x17: {  	s4 =	simm.s32 $0x1BF5;
	[smem:$0x3FAE] =	sst s0  }
0x18: {  	s0 =	sld [smem:$0x3F91];
	_ =	swait.ge [sflag:s4], $0x0  }
0x19: {  	s7 =	sld [smem:$0x3F92]  }
0x1a: {  	s8 =	sadd.s32 $0xFFFFE003, lr  }
0x1b: {  	s9 =	sadd.s32 $0xFFFFFEF7, lr;
	s5 =	simm.s32 $0xFFFFFFFF;
	p2 =	slt.u32 s8, $0xFFFFF086  }
0x1c: {  	p1 =	slt.u32 s9, $0xF7A;
	s5 =	simm.s32 @!p2 $0x0  }
0x1d: {  	s5 =	simm.s32 @p1 $0x1;
	p0 =	seq.s32 s7, s2  }
0x1e: {  	s7 =	smul.u32 @!p0 $0xF7A, s2;
	p2 =	seq.s32 @!p0 s5, $0x0  }
0x1f: {  	s9 =	smul.u32 $0xF7A, s1;
	s8 =	simm.s32 @!p0 $0x1BF5;
	p2 =	por !p2, p0  }
0x20: {  	[sflag:s8] =	ssyncset.s32 @!p0 $0xFFFFF086;
	s6 =	sadd.s32 @!p0 s3, s7;
	s7 =	simm.s32 @!p0 $0x108  }
0x21: {  	s3 =	sadd.s32 s3, s9;
	s6 =	sadd.s32 @!p0 $0x88, s6;
	s7 =	simm.s32 @p2 $0x1082  }
0x22: {  	[simem:s7], [sflag:s8] =	dma.local @!p0 [hbm:s6], $0xF7A  }
0x23: {  	s9 =	sor.u32 $0xD0000000, s2;
	s6 =	simm.s32 $0x108;
	_ =	swait.ge @!p0 [sflag:s8], $0x0  }
0x24: {  	s3 =	sadd.s32 $0x88, s3;
	s6 =	simm.s32 @!p1 $0x1082;
	[sflag:s4] =	ssyncset.s32 $0xFFFFF086  }
0x25: {  	[simem:s6], [sflag:s4] =	dma.local [hbm:s3], $0xF7A  }
0x26: {  	[smem:$0x3F92] =	sst s1;
	(tag) =	ssettag s2;
	_ =	strace s9  }
0x27: {  	s1 =	sld [smem:$0x3FA2]  }
0x28: {  	s2 =	sld [smem:$0x3FA3]  }
0x29: {  	s4 =	sld [smem:$0x3FA5]  }
0x2a: {  	p0 =	seq.s32 s5, $0x0;
	s5 =	sld [smem:$0x3FA6]  }
0x2b: {  	s6 =	sld [smem:$0x3FA7]  }
0x2c: {  	s7 =	sld [smem:$0x3FA8]  }
0x2d: {  	s3 =	simm.s32 $0x108;
	s8 =	sld [smem:$0x3FA9]  }
0x2e: {  	s3 =	simm.s32 @!p0 $0x1082;
	s9 =	sld [smem:$0x3FAA]  }
0x2f: {  	lr =	sadd.s32 s0, s3;
	s0 =	sld [smem:$0x3FA1]  }
0x30: {  	s3 =	sld [smem:$0x3FA4]  }
0x31: {  	[smem:$0x3FAD] =	sst s10  }
0x32: {  	s10 =	sld [smem:$0x3FAB];
	_ =	sdelay $0x3  }
0x33: {  	p0 =	seq.s32 s10, $0x1;
	s10 =	sld [smem:$0x3FAD];
	_ =	sdelay $0x3  }
0x34: {  	[smem:$0x3FAD] =	sst s10  }
0x35: {  	s10 =	sld [smem:$0x3FAC];
	_ =	sdelay $0x3  }
0x36: {  	p1 =	seq.s32 s10, $0x1;
	s10 =	sld [smem:$0x3FAD];
	_ =	sdelay $0x3  }
0x37: {  	[smem:$0x3FAD] =	sst s10  }
0x38: {  	s10 =	sld [smem:$0x3FAE]  }
0x39: {  	_ = 	snop;
	(pc) =	sbr.ind lr, $3  }
0x3a: {  	_ = 	snop  }
0x3b: {  	_ = 	snop  }
0x3c: {  	p2 =	seq.s32 s10, $0x1;
	s10 =	sld [smem:$0x3FAD]  }
0x3d: {  	_ =	shalt  }
0x3e: {  	_ =	shalt  }
0x3f: {  	_ =	shalt  }
0x40: {  	_ =	shalt  }
0x41: {  	_ =	shalt  }
0x42: {  	_ =	shalt  }
0x43: {  	_ =	shalt  }
0x44: {  	_ =	shalt  }
0x45: {  	_ =	shalt  }
0x46: {  	_ =	shalt  }
0x47: {  	_ =	shalt  }
0x48: {  	_ =	shalt  }
0x49: {  	_ =	shalt  }
0x4a: {  	_ =	shalt  }
0x4b: {  	_ =	shalt  }
0x4c: {  	_ =	shalt  }
0x4d: {  	_ =	shalt  }
0x4e: {  	_ =	shalt  }
0x4f: {  	_ =	shalt  }
0x50: {  	_ =	shalt  }
0x51: {  	_ =	shalt  }
0x52: {  	_ =	shalt  }
0x53: {  	_ =	shalt  }
0x54: {  	_ =	shalt  }
0x55: {  	_ =	shalt  }
0x56: {  	_ =	shalt  }
0x57: {  	_ =	shalt  }
0x58: {  	_ =	shalt  }
0x59: {  	_ =	shalt  }
0x5a: {  	_ =	shalt  }
0x5b: {  	_ =	shalt  }
0x5c: {  	_ =	shalt  }
0x5d: {  	_ =	shalt  }
0x5e: {  	_ =	shalt  }
0x5f: {  	_ =	shalt  }
0x60: {  	_ =	shalt  }
0x61: {  	_ =	shalt  }
0x62: {  	_ =	shalt  }
0x63: {  	_ =	shalt  }
0x64: {  	_ =	shalt  }
0x65: {  	_ =	shalt  }
0x66: {  	_ =	shalt  }
0x67: {  	_ =	shalt  }
0x68: {  	_ =	shalt  }
0x69: {  	_ =	shalt  }
0x6a: {  	_ =	shalt  }
0x6b: {  	_ =	shalt  }
0x6c: {  	_ =	shalt  }
0x6d: {  	_ =	shalt  }
0x6e: {  	_ =	shalt  }
0x6f: {  	_ =	shalt  }
0x70: {  	_ =	shalt  }
0x71: {  	_ =	shalt  }
0x72: {  	_ =	shalt  }
0x73: {  	_ =	shalt  }
0x74: {  	_ =	shalt  }
0x75: {  	_ =	shalt  }
0x76: {  	_ =	shalt  }
0x77: {  	_ =	shalt  }
0x78: {  	_ =	shalt  }
0x79: {  	_ =	shalt  }
0x7a: {  	_ =	shalt  }
0x7b: {  	_ =	shalt  }
0x7c: {  	_ =	shalt  }
0x7d: {  	_ =	shalt  }
0x7e: {  	_ =	shalt  }
0x7f: {  	_ =	shalt  }
0x80: {  	_ =	shalt  }
0x81: {  	_ =	shalt  }
0x82: {  	_ =	shalt  }
0x83: {  	_ =	shalt  }
0x84: {  	_ =	shalt  }
0x85: {  	_ =	shalt  }
0x86: {  	_ =	shalt  }
0x87: {  	_ =	shalt  }
.Lfunc_end0:
.L_simem_size_0:
called_computation.1_lowered:
.L_overlay_start_0:
0x88: {  	s2 =	sld [smem:$0x3FD9]  }
0x89: {  	s3 =	sld [smem:$0x3FFE];
	_ =	sdelay $0x1  }
0x8a: {  	s1 =	srdreg.scid  }
0x8b: {  	s0 =	sand.u32 $0x1, s1  }
0x8c: {  	s16 =	sshll.u32 s0, $0xA;
	s2 =	sadd.s32 s3, s2  }
0x8d: {  	s2 =	sadd.s32 s2, s16  }
0x8e: {  	[smem:$0x3FB9] =	sst s2  }
0x8f: {  	_ = 	snop  }
0x90: {  	(tm) =	ssettm $0x1  }
0x91: {  	s17 =	sld [smem:$0x3FFB];
	_ =	sdelay $0x3  }
0x92: {  	_ =	strace s17  }
0x93: {  	s2 =	sld [smem:$0x3FFC];
	_ =	sdelay $0x3  }
0x94: {  	_ =	strace s2  }
0x95: {  	s2 =	sld [smem:$0x3FFD];
	_ =	sdelay $0x3  }
0x96: {  	_ =	strace s2  }
0x97: {  	_ =	strace $0x8FFFFFFF  }
0x98: {  	s18 =	sld [smem:$0x3FDB];
	_ =	sdelay $0x1  }
0x99: {  	s19 =	simm.s32 $_scs_section_size  }
0x9a: {  	s4 =	simm.s32 $_size__tile_overlayer_lowered;
	s5 =	simm.s32 $_tile_overlayer_lowered  }
0x9b: {  	s22 =	simm.s32 $0x1BFF;
	s21 =	sshll.u32 s5, $0x1;
	s2 =	sadd.s32 s19, s18  }
0x9c: {  	s6 =	simm.s32 $0x0;
	s20 =	sshll.u32 s4, $0x1;
	s4 =	sadd.s32 s21, s2  }
0x9d: {  	[timem:s6], [sflag:s22] =	dma.local [hbm:s4], s20  }
0x9e: {  	_ =	swait.ge [sflag:s22], s20  }
0x9f: {  	s3 =	ssub.s32 $0x0, s20;
	[sflag:s22] =	ssyncset.done $0x0  }
0xa0: {  	[sflag:s22] =	ssyncadd.s32 s3;
	_ =	sdelay $0x1  }
0xa1: {  	s23 =	simm.s32 $0x1B8B  }
0xa2: {  	_ =	swait.ge [sflag:s23], $0x1  }
0xa3: {  	[sflag:s23] =	ssyncset.done $0x0  }
0xa4: {  	s25 =	simm.s32 $0x1B8E;
	s24 =	sld [smem:$0x3FFE];
	[sflag:s23] =	ssyncadd.s32 $0xFFFFFFFF  }
0xa5: {  	s26 =	simm.s32 $execute0_lowered;
	[smem:$0x3FD2] =	sst s25  }
0xa6: {  	s4 =	sshll.u32 s26, $0x1;
	_ =	strace $0x80000058;
	[dreg:$0x1] =	wrdreg $0xFFFFFFFF  }
0xa7: {  	s28 =	simm.s32 $_size_execute0_lowered;
	s2 =	sadd.s32 s2, s4;
	[dreg:$0x0] =	wrdreg $0x0  }
0xa8: {  	s4 =	sshll.u32 s28, $0x1;
	[dreg:$0x2] =	wrdreg s2  }
0xa9: {  	[dreg:$0x3] =	wrdreg s4  }
0xaa: {  	[dreg:$0x4] =	wrdreg $0xC0  }
0xab: {  	_ =	task [dreg:s6], $0x5FFFF  }
0xac: {  	[dreg:$0x1] =	wrdreg $0xFFFFFFFF  }
0xad: {  	[dreg:$0x0] =	wrdreg $0x60  }
0xae: {  	[dreg:$0x2] =	wrdreg s24  }
0xaf: {  	[dreg:$0x3] =	wrdreg $0x9  }
0xb0: {  	_ =	task.clear_ibuf [dreg:s6], $0x4FFFF;
	_ =	strace $0x90000058  }
0xb1: {  	s29 =	simm.s32 $0x9;
	_ =	strace $0x8000005A  }
0xb2: {  	_ =	swait.ge [sflag:s29], $0x1  }
0xb3: {  	[sflag:s29] =	ssyncadd.s32 $0xFFFFFFFF  }
0xb4: {  	_ =	strace $0x9000005A  }
0xb5: {  	_ =	sfence  }
0xb6: {  	s30 =	sld [smem:$0x0];
	_ =	sdelay $0x2  }
0xb7: {  	s31 =	sshll.u32 s1, $0xD;
	s1 =	sshrl.u32 s1, $0x2  }
0xb8: {  	s3 =	sand.u32 $0x4000, s31;
	s1 =	sadd.s32 s1, s30  }
0xb9: {  	s0 =	sor.u32 s3, s0;
	s1 =	sshll.u32 s1, $0x11  }
0xba: {  	s0 =	sor.u32 s1, s0  }
0xbb: {  	s0 =	sadd.s32 $0x8F2B, s0  }
0xbc: {  	[sflag:s0] =	ssyncadd.remote.s32 $0x1  }
0xbd: {  	_ =	sfence.sel $0xFFFF  }
0xbe: {  	[dreg:$0x0] =	wrdreg $0xFFFFFFFF;
	(pc) =	sbr.abs _section_cstart, $3  }
0xbf: {  	[dreg:$0x1] =	wrdreg $0xFFFFFFFF  }
0xc0: {  	_ =	task.clear_ibuf [dreg:s6], $0x2FFFF;
	_ =	strace $0x9FFFFFFF  }
0xc1: {  	(tm) =	ssettm $0x7FFFFFFF  }
tec
execute0_lowered:
.L_overlay_start_1:
0x0: {  	(tag) =	ssettag $0x1  }
0x1: {  	s1 =	srdreg.scid  }
0x2: {  	s0 =	stileid.u32;
	s6 =	rddreg [dreg:$0x0];
	s2 =	simm.s32 $0x0  }
0x3: {  	s14 =	simm.s32 $0x16280;
	s15 =	simm.s32 $0x17900;
	s16 =	simm.s32 $0x13880  }
0x4: {  	s17 =	simm.s32 $0x2;
	s18 =	simm.s32 $0x3;
	s5 =	sand.u32 $0x1, s1  }
0x5: {  	s19 =	simm.s32 $0x0;
	[smem:$0x7FF] =	sst s2;
	s1 =	sor.u32 s5, s0  }
0x6: {  	s9 =	sadd.s32 $0xF01A00, s6;
	p0 =	seq.s32 s5, $0x1;
	p1 =	seq.s32 s1, $0x0  }
0x7: {  	s3 =	sadd.s32 $0x3600, s6;
	s8 =	smul.u32 $0x138800, s5;
	p0 =	por !p1, !p0  }
0x8: {  	s28 =	ssub.s32 $0x2, s5;
	s1 =	simm.s32 $0x1;
	p0 =	por !p0, !p0  }
0x9: {  	s29 =	smul.u32 $0x4E20, s5;
	s12 =	sshrl.u32 s28, $0x1;
	s1 =	simm.s32 @!p0 $0x0  }
0xa: {  	s13 =	smul.u32 $0x27100, s5;
	s12 =	ssub.s32 s28, s12;
	s7 =	ssub.s32 s0, s1  }
0xb: {  	s5 =	sadd.s32 s3, s29;
	s1 =	rddreg [dreg:$0x1];
	s4 =	smul.u32 $0x13880, s7  }
0xc: {  	_ =	strace $0x80000059;
	s11 =	smul.u32 $0x271000, s7;
	s7 =	sadd.s32 $0x280, s13  }
.Ltmp0:
0xd: {  	s10 =	sadd.s32 s8, s4;
	s4 =	simm.s32 $0x1;
	(pc) =	sbr.rel .LBB2_1-.Ltmp0, $4  }
0xe: {  	s8 =	sadd.s32 s8, s11;
	s31 =	sshrl.u32 s11, $0x3;
	s11 =	smax.u32 s12, $0x1  }
0xf: {  	s12 =	simm.s32 $0x16000;
	s10 =	sshrl.u32 s10, $0x3;
	s30 =	sshrl.u32 s8, $0x3  }
0x10: {  	s8 =	sadd.s32 s9, s31;
	s10 =	sadd.s32 s10, s6;
	s6 =	sadd.s32 s9, s30  }
0x11: {  	v0 =	vimm.f32 $-Inf;
	v1 =	vlaneseq.u32;
	v2 =	vimm.f32 $1.000000000e+00;
	s9 =	sadd.s32 $0x500, s13;
	s13 =	simm.s32 $0x16500;
	s10 =	sadd.s32 $0xD400, s10  }
.LBB2_13:
0x12: {  	s19 =	sadd.s32 $0x1, s19  }
0x13: {  	p0 =	sne.s32 s19, s11  }
.Ltmp1:
0x14: {  	_ = 	snop;
	(pc) =	sbr.rel @!p0 .LBB2_14-.Ltmp1, $4  }
0x15: {  	[hbm4b:s10+s2] =	stream.linear.scatter [tilespmem:s2], [sflag:$0x3], $0x13880, $0x38;
	[tilespmem:$0x18D00] =	vst v63  }
0x16: {  	_ =	swait.ge [sflag:s18], $0x13880  }
0x17: {  	[sflag:s18] =	ssyncset.done $0x0  }
0x18: {  	[sflag:s18] =	ssyncadd.s32 $0xFFFEC780  }
.LBB2_1:
0x19: {  	s20 =	simm.s32 $0x40;
	s21 =	simm.s32 $0x0  }
.LBB2_2:
0x1a: {  	p0 =	sne.s32 s20, $0x4E1C0;
	[tilespmem:s21+$0x0] =	vst v0;
	s21 =	smov.u32 s20;
	s20 =	sadd.s32 $0x40, s20  }
.Ltmp2:
0x1b: {  	(pc) =	sbr.rel @p0 .LBB2_2-.Ltmp2, $2  }
0x1c: {  	_ =	sdelay $0x2  }
0x1d: {  	s21 =	sshra.s32 s21, $0x2  }
.Ltmp3:
0x1e: {  	(pc) =	sbr.rel .LBB2_4-.Ltmp3, $4  }
0x1f: {  	[tilespmem:s21+$0x0] =	vst v0;
	s20 =	simm.s32 $0x0  }
0x20: {  	[tilespmem:s12], [sflag:$0x1] =	stream.linear.gather [hbm4b:s5+s20], $0x280, $0x38;
	[tilespmem:$0x18D00] =	vst v63  }
0x21: {  	s21 =	simm.s32 $0x0  }
0x22: {  	[tilespmem:s13], [sflag:$0x1] =	stream.linear.gather [hbm4b:s6+s20], $0x1400, $0x38;
	[tilespmem:$0x18D00] =	vst v63  }
.LBB2_12:
0x23: {  	s21 =	sadd.s32 $0x1, s21  }
0x24: {  	p0 =	sne.s32 s21, $0x7D  }
.Ltmp4:
0x25: {  	_ = 	snop;
	(pc) =	sbr.rel @!p0 .LBB2_13-.Ltmp4, $1  }
0x26: {  	_ =	sdelay $0x3  }
.LBB2_4:
0x27: {  	s22 =	smul.u32 $0x500, s21;
	_ =	sdelay $0x1  }
0x28: {  	s23 =	sadd.s32 s22, s7  }
0x29: {  	s24 =	sshrl.u32 s23, $0x3  }
0x2a: {  	s24 =	sadd.s32 s3, s24  }
0x2b: {  	[tilespmem:s14], [sflag:$0x2] =	stream.linear.gather [hbm4b:s24+s20], $0x280, $0x38;
	[tilespmem:$0x18D00] =	vst v63  }
0x2c: {  	s23 =	sadd.s32 s23, s8  }
0x2d: {  	[tilespmem:s15], [sflag:$0x2] =	stream.linear.gather [hbm4b:s23+s20], $0x1400, $0x38;
	[tilespmem:$0x18D00] =	vst v63  }
0x2e: {  	_ =	swait.ge [sflag:s4], $0x280  }
.Ltmp5:
0x2f: {  	[sflag:s4] =	ssyncset.done $0x0;
	(pc) =	sbr.rel .LBB2_5-.Ltmp5, $4  }
0x30: {  	[sflag:s4] =	ssyncadd.s32 $0xFFFFFD80  }
0x31: {  	_ =	swait.ge [sflag:s4], $0x1400  }
0x32: {  	s25 =	simm.s32 $0x0;
	[sflag:s4] =	ssyncset.done $0x0  }
0x33: {  	s24 =	simm.s32 $0x0;
	s23 =	simm.s32 $0x16000;
	[sflag:s4] =	ssyncadd.s32 $0xFFFFEC00  }
.LBB2_7:
0x34: {  	s25 =	sadd.s32 $0x10, s25  }
0x35: {  	p0 =	sne.s32 s25, $0x280  }
.Ltmp6:
0x36: {  	_ = 	snop;
	(pc) =	sbr.rel @!p0 .LBB2_8-.Ltmp6, $2  }
0x37: {  	_ =	sdelay $0x2  }
0x38: {  	s24 =	sadd.s32 $0x80, s24;
	s23 =	sadd.s32 $0x10, s23  }
.LBB2_5:
0x39: {  	v17 =	vld [tilespmem:s23+$0x0];
	_ =	sdelay $0x7  }
0x3a: {  	[tilespmem:v17+s16+$0x0] =	vst.idx.msk $0xffff, v1  }
0x3b: {  	v3 =	vld.idx.msk [tilespmem:v17+s16+$0x0], $0xffff;
	_ =	sdelay $0x4  }
0x3c: {  	vm0 =	veq.s32 v3, v1  }
0x3d: {  	v3 =	vsel vm0, $0x0, v2  }
0x3e: {  	(xrf0) =	vmax.scan.msk.f32 $0xffff, v3;
	_ =	sdelay $0x3  }
0x3f: {  	s26 =	sand.u32 $0x70, s25;
	s28 =	sand.u32 $0x1C00, s24  }
0x40: {  	s26 =	sor.u32 s26, s28  }
0x41: {  	s28 =	sadd.s32 $0x16500, s26;
	v18 =	vld [tilespmem:s26+$0x16500];
	v3, _, _ =	vpop (xrf0)  }
0x42: {  	v15 =	vld [tilespmem:s28+$0x80];
	(v2sf) =	vpush v3, $0xF  }
0x43: {  	v13 =	vld [tilespmem:s28+$0x100]  }
0x44: {  	v16 =	vadd.s32 $0x2710, v17;
	v11 =	vld [tilespmem:s28+$0x180]  }
0x45: {  	v14 =	vadd.s32 $0x4E20, v17;
	v9 =	vld [tilespmem:s28+$0x200]  }
0x46: {  	v12 =	vadd.s32 $0x7530, v17;
	v7 =	vld [tilespmem:s28+$0x280]  }
0x47: {  	v10 =	vadd.s32 $0x9C40, v17;
	v5 =	vld [tilespmem:s28+$0x300]  }
0x48: {  	v8 =	vadd.s32 $0xC350, v17;
	v19 =	vld.idx.msk [tilespmem:v17+s2+$0x0], $0xffff  }
0x49: {  	v6 =	vadd.s32 $0xEA60, v17;
	v20 =	vld.idx.msk [tilespmem:v16+s2+$0x0], $0xffff  }
0x4a: {  	v4 =	vadd.s32 $0x11170, v17;
	v21 =	vld.idx.msk [tilespmem:v14+s2+$0x0], $0xffff  }
0x4b: {  	v22 =	vld.idx.msk [tilespmem:v12+s2+$0x0], $0xffff  }
0x4c: {  	v23 =	vld.idx.msk [tilespmem:v10+s2+$0x0], $0xffff  }
0x4d: {  	v24 =	vld.idx.msk [tilespmem:v8+s2+$0x0], $0xffff  }
0x4e: {  	s30 =	sor.u32 s24, s25;
	v25 =	vld.idx.msk [tilespmem:v6+s2+$0x0], $0xffff  }
0x4f: {  	s26 =	sor.u32 $0x380, s30;
	v26 =	vld.idx.msk [tilespmem:v4+s2+$0x0], $0xffff;
	v19 =	vmax.f32 v19, v18  }
0x50: {  	v20 =	vmax.f32 v20, v15;
	v3 =	vld [tilespmem:s26+$0x16500];
	[tilespmem:v17+s2+$0x0] =	vst.idx.msk $0xffff, v19  }
0x51: {  	v19 =	vmax.f32 v21, v13;
	[tilespmem:v16+s2+$0x0] =	vst.idx.msk $0xffff, v20;
	s31 =	spop (v2sf)  }
0x52: {  	v20 =	vmax.f32 v22, v11;
	[tilespmem:v14+s2+$0x0] =	vst.idx.msk $0xffff, v19;
	p0 =	sgt.f32 s31, $0.0e+00  }
.Ltmp7:
0x53: {  	v19 =	vmax.f32 v23, v9;
	[tilespmem:v12+s2+$0x0] =	vst.idx.msk $0xffff, v20;
	(pc) =	sbr.rel @!p0 .LBB2_7-.Ltmp7, $4  }
0x54: {  	v20 =	vmax.f32 v24, v7;
	[tilespmem:v10+s2+$0x0] =	vst.idx.msk $0xffff, v19  }
0x55: {  	v19 =	vmax.f32 v25, v5;
	[tilespmem:v8+s2+$0x0] =	vst.idx.msk $0xffff, v20  }
0x56: {  	v20 =	vmax.f32 v26, v3;
	[tilespmem:v6+s2+$0x0] =	vst.idx.msk $0xffff, v19  }
0x57: {  	[tilespmem:v4+s2+$0x0] =	vst.idx.msk $0xffff, v20  }
0x58: {  	_ =	sdelay $0x3  }
0x59: {  	v19 =	vld.idx.msk [tilespmem:v17+s2+$0x0], $0xffff;
	_ =	sdelay $0x4  }
0x5a: {  	vm0 =	vgt.f32 v18, v19;
	_ =	sdelay $0x5  }
0x5b: {  	[tilespmem:v17+s2+$0x0] =	vst.idx.msk vm0, v18  }
0x5c: {  	v40 =	vld.idx.msk [tilespmem:v17+s2+$0x0], $0xffff;
	_ =	sdelay $0x4  }
0x5d: {  	vm9 =	vgt.f32 v18, v40;
	_ =	sdelay $0x5  }
0x5e: {  	[tilespmem:v17+s2+$0x0] =	vst.idx.msk vm9, v18  }
0x5f: {  	v41 =	vld.idx.msk [tilespmem:v17+s2+$0x0], $0xffff;
	_ =	sdelay $0x4  }
0x60: {  	vm10 =	vgt.f32 v18, v41;
	_ =	sdelay $0x5  }
0x61: {  	[tilespmem:v17+s2+$0x0] =	vst.idx.msk vm10, v18  }
0x62: {  	v42 =	vld.idx.msk [tilespmem:v17+s2+$0x0], $0xffff;
	_ =	sdelay $0x4  }
0x63: {  	vm11 =	vgt.f32 v18, v42;
	_ =	sdelay $0x5  }
0x64: {  	[tilespmem:v17+s2+$0x0] =	vst.idx.msk vm11, v18  }
0x65: {  	v43 =	vld.idx.msk [tilespmem:v17+s2+$0x0], $0xffff;
	_ =	sdelay $0x4  }
0x66: {  	vm12 =	vgt.f32 v18, v43;
	_ =	sdelay $0x5  }
0x67: {  	[tilespmem:v17+s2+$0x0] =	vst.idx.msk vm12, v18  }
0x68: {  	v44 =	vld.idx.msk [tilespmem:v17+s2+$0x0], $0xffff;
	_ =	sdelay $0x4  }
0x69: {  	vm13 =	vgt.f32 v18, v44;
	_ =	sdelay $0x5  }
0x6a: {  	[tilespmem:v17+s2+$0x0] =	vst.idx.msk vm13, v18  }
0x6b: {  	v45 =	vld.idx.msk [tilespmem:v17+s2+$0x0], $0xffff;
	_ =	sdelay $0x4  }
0x6c: {  	vm14 =	vgt.f32 v18, v45;
	_ =	sdelay $0x5  }
0x6d: {  	[tilespmem:v17+s2+$0x0] =	vst.idx.msk vm14, v18  }
0x6e: {  	v46 =	vld.idx.msk [tilespmem:v17+s2+$0x0], $0xffff;
	_ =	sdelay $0x4  }
0x6f: {  	vm15 =	vgt.f32 v18, v46;
	_ =	sdelay $0x5  }
0x70: {  	[tilespmem:v17+s2+$0x0] =	vst.idx.msk vm15, v18  }
0x71: {  	v47 =	vld.idx.msk [tilespmem:v17+s2+$0x0], $0xffff;
	_ =	sdelay $0x4  }
0x72: {  	vm4 =	vgt.f32 v18, v47;
	_ =	sdelay $0x5  }
0x73: {  	[tilespmem:v17+s2+$0x0] =	vst.idx.msk vm4, v18  }
0x74: {  	v48 =	vld.idx.msk [tilespmem:v17+s2+$0x0], $0xffff;
	_ =	sdelay $0x4  }
0x75: {  	vm5 =	vgt.f32 v18, v48;
	_ =	sdelay $0x5  }
0x76: {  	[tilespmem:v17+s2+$0x0] =	vst.idx.msk vm5, v18  }
0x77: {  	v49 =	vld.idx.msk [tilespmem:v17+s2+$0x0], $0xffff;
	_ =	sdelay $0x4  }
0x78: {  	vm6 =	vgt.f32 v18, v49;
	_ =	sdelay $0x5  }
0x79: {  	[tilespmem:v17+s2+$0x0] =	vst.idx.msk vm6, v18  }
0x7a: {  	v50 =	vld.idx.msk [tilespmem:v17+s2+$0x0], $0xffff;
	_ =	sdelay $0x4  }
0x7b: {  	vm7 =	vgt.f32 v18, v50;
	_ =	sdelay $0x5  }
0x7c: {  	[tilespmem:v17+s2+$0x0] =	vst.idx.msk vm7, v18  }
0x7d: {  	v51 =	vld.idx.msk [tilespmem:v17+s2+$0x0], $0xffff;
	_ =	sdelay $0x4  }
0x7e: {  	vm8 =	vgt.f32 v18, v51;
	_ =	sdelay $0x5  }
0x7f: {  	[tilespmem:v17+s2+$0x0] =	vst.idx.msk vm8, v18  }
0x80: {  	v52 =	vld.idx.msk [tilespmem:v17+s2+$0x0], $0xffff;
	_ =	sdelay $0x4  }
0x81: {  	vm9 =	vgt.f32 v18, v52;
	_ =	sdelay $0x5  }
0x82: {  	[tilespmem:v17+s2+$0x0] =	vst.idx.msk vm9, v18  }
0x83: {  	v53 =	vld.idx.msk [tilespmem:v17+s2+$0x0], $0xffff;
	_ =	sdelay $0x4  }
0x84: {  	vm10 =	vgt.f32 v18, v53;
	_ =	sdelay $0x5  }
0x85: {  	[tilespmem:v17+s2+$0x0] =	vst.idx.msk vm10, v18  }
0x86: {  	v54 =	vld.idx.msk [tilespmem:v17+s2+$0x0], $0xffff;
	_ =	sdelay $0x4  }
0x87: {  	vm11 =	vgt.f32 v18, v54;
	_ =	sdelay $0x5  }
0x88: {  	[tilespmem:v17+s2+$0x0] =	vst.idx.msk vm11, v18  }
0x89: {  	v17 =	vld.idx.msk [tilespmem:v16+s2+$0x0], $0xffff;
	_ =	sdelay $0x4  }
0x8a: {  	vm12 =	vgt.f32 v15, v17;
	_ =	sdelay $0x5  }
0x8b: {  	[tilespmem:v16+s2+$0x0] =	vst.idx.msk vm12, v15  }
0x8c: {  	v55 =	vld.idx.msk [tilespmem:v16+s2+$0x0], $0xffff;
	_ =	sdelay $0x4  }
0x8d: {  	vm13 =	vgt.f32 v15, v55;
	_ =	sdelay $0x5  }
0x8e: {  	[tilespmem:v16+s2+$0x0] =	vst.idx.msk vm13, v15  }
0x8f: {  	v56 =	vld.idx.msk [tilespmem:v16+s2+$0x0], $0xffff;
	_ =	sdelay $0x4  }
0x90: {  	vm14 =	vgt.f32 v15, v56;
	_ =	sdelay $0x5  }
0x91: {  	[tilespmem:v16+s2+$0x0] =	vst.idx.msk vm14, v15  }
0x92: {  	v57 =	vld.idx.msk [tilespmem:v16+s2+$0x0], $0xffff;
	_ =	sdelay $0x4  }
0x93: {  	vm15 =	vgt.f32 v15, v57;
	_ =	sdelay $0x5  }
0x94: {  	[tilespmem:v16+s2+$0x0] =	vst.idx.msk vm15, v15  }
0x95: {  	v58 =	vld.idx.msk [tilespmem:v16+s2+$0x0], $0xffff;
	_ =	sdelay $0x4  }
0x96: {  	vm4 =	vgt.f32 v15, v58;
	_ =	sdelay $0x5  }
0x97: {  	[tilespmem:v16+s2+$0x0] =	vst.idx.msk vm4, v15  }
0x98: {  	v59 =	vld.idx.msk [tilespmem:v16+s2+$0x0], $0xffff;
	_ =	sdelay $0x4  }
0x99: {  	vm5 =	vgt.f32 v15, v59;
	_ =	sdelay $0x5  }
0x9a: {  	[tilespmem:v16+s2+$0x0] =	vst.idx.msk vm5, v15  }
0x9b: {  	v60 =	vld.idx.msk [tilespmem:v16+s2+$0x0], $0xffff;
	_ =	sdelay $0x4  }
0x9c: {  	vm6 =	vgt.f32 v15, v60;
	_ =	sdelay $0x5  }
0x9d: {  	[tilespmem:v16+s2+$0x0] =	vst.idx.msk vm6, v15  }
0x9e: {  	v61 =	vld.idx.msk [tilespmem:v16+s2+$0x0], $0xffff;
	_ =	sdelay $0x4  }
0x9f: {  	vm7 =	vgt.f32 v15, v61;
	_ =	sdelay $0x5  }
0xa0: {  	[tilespmem:v16+s2+$0x0] =	vst.idx.msk vm7, v15  }
0xa1: {  	v62 =	vld.idx.msk [tilespmem:v16+s2+$0x0], $0xffff;
	_ =	sdelay $0x4  }
0xa2: {  	vm8 =	vgt.f32 v15, v62;
	_ =	sdelay $0x5  }
0xa3: {  	[tilespmem:v16+s2+$0x0] =	vst.idx.msk vm8, v15  }
0xa4: {  	v63 =	vld.idx.msk [tilespmem:v16+s2+$0x0], $0xffff;
	_ =	sdelay $0x4  }
0xa5: {  	vm9 =	vgt.f32 v15, v63;
	_ =	sdelay $0x5  }
0xa6: {  	[tilespmem:v16+s2+$0x0] =	vst.idx.msk vm9, v15  }
0xa7: {  	v20 =	vld.idx.msk [tilespmem:v16+s2+$0x0], $0xffff;
	_ =	sdelay $0x4  }
0xa8: {  	vm10 =	vgt.f32 v15, v20;
	_ =	sdelay $0x5  }
0xa9: {  	[tilespmem:v16+s2+$0x0] =	vst.idx.msk vm10, v15  }
0xaa: {  	v21 =	vld.idx.msk [tilespmem:v16+s2+$0x0], $0xffff;
	_ =	sdelay $0x4  }
0xab: {  	vm11 =	vgt.f32 v15, v21;
	_ =	sdelay $0x5  }
0xac: {  	[tilespmem:v16+s2+$0x0] =	vst.idx.msk vm11, v15  }
0xad: {  	v22 =	vld.idx.msk [tilespmem:v16+s2+$0x0], $0xffff;
	_ =	sdelay $0x4  }
0xae: {  	vm12 =	vgt.f32 v15, v22;
	_ =	sdelay $0x5  }
0xaf: {  	[tilespmem:v16+s2+$0x0] =	vst.idx.msk vm12, v15  }
0xb0: {  	v23 =	vld.idx.msk [tilespmem:v16+s2+$0x0], $0xffff;
	_ =	sdelay $0x4  }
0xb1: {  	vm13 =	vgt.f32 v15, v23;
	_ =	sdelay $0x5  }
0xb2: {  	[tilespmem:v16+s2+$0x0] =	vst.idx.msk vm13, v15  }
0xb3: {  	v24 =	vld.idx.msk [tilespmem:v16+s2+$0x0], $0xffff;
	_ =	sdelay $0x4  }
0xb4: {  	vm14 =	vgt.f32 v15, v24;
	_ =	sdelay $0x5  }
0xb5: {  	[tilespmem:v16+s2+$0x0] =	vst.idx.msk vm14, v15  }
0xb6: {  	v25 =	vld.idx.msk [tilespmem:v16+s2+$0x0], $0xffff;
	_ =	sdelay $0x4  }
0xb7: {  	vm15 =	vgt.f32 v15, v25;
	_ =	sdelay $0x5  }
0xb8: {  	[tilespmem:v16+s2+$0x0] =	vst.idx.msk vm15, v15  }
0xb9: {  	v15 =	vld.idx.msk [tilespmem:v14+s2+$0x0], $0xffff;
	_ =	sdelay $0x4  }
0xba: {  	vm4 =	vgt.f32 v13, v15;
	_ =	sdelay $0x5  }
0xbb: {  	[tilespmem:v14+s2+$0x0] =	vst.idx.msk vm4, v13  }
0xbc: {  	v26 =	vld.idx.msk [tilespmem:v14+s2+$0x0], $0xffff;
	_ =	sdelay $0x4  }
0xbd: {  	vm5 =	vgt.f32 v13, v26;
	_ =	sdelay $0x5  }
0xbe: {  	[tilespmem:v14+s2+$0x0] =	vst.idx.msk vm5, v13  }
0xbf: {  	v27 =	vld.idx.msk [tilespmem:v14+s2+$0x0], $0xffff;
	_ =	sdelay $0x4  }
0xc0: {  	vm6 =	vgt.f32 v13, v27;
	_ =	sdelay $0x5  }
0xc1: {  	[tilespmem:v14+s2+$0x0] =	vst.idx.msk vm6, v13  }
0xc2: {  	v28 =	vld.idx.msk [tilespmem:v14+s2+$0x0], $0xffff;
	_ =	sdelay $0x4  }
0xc3: {  	vm7 =	vgt.f32 v13, v28;
	_ =	sdelay $0x5  }
0xc4: {  	[tilespmem:v14+s2+$0x0] =	vst.idx.msk vm7, v13  }
0xc5: {  	v29 =	vld.idx.msk [tilespmem:v14+s2+$0x0], $0xffff;
	_ =	sdelay $0x4  }
0xc6: {  	vm8 =	vgt.f32 v13, v29;
	_ =	sdelay $0x5  }
0xc7: {  	[tilespmem:v14+s2+$0x0] =	vst.idx.msk vm8, v13  }
0xc8: {  	v30 =	vld.idx.msk [tilespmem:v14+s2+$0x0], $0xffff;
	_ =	sdelay $0x4  }
0xc9: {  	vm9 =	vgt.f32 v13, v30;
	_ =	sdelay $0x5  }
0xca: {  	[tilespmem:v14+s2+$0x0] =	vst.idx.msk vm9, v13  }
0xcb: {  	v31 =	vld.idx.msk [tilespmem:v14+s2+$0x0], $0xffff;
	_ =	sdelay $0x4  }
0xcc: {  	vm10 =	vgt.f32 v13, v31;
	_ =	sdelay $0x5  }
0xcd: {  	[tilespmem:v14+s2+$0x0] =	vst.idx.msk vm10, v13  }
0xce: {  	v32 =	vld.idx.msk [tilespmem:v14+s2+$0x0], $0xffff;
	_ =	sdelay $0x4  }
0xcf: {  	vm11 =	vgt.f32 v13, v32;
	_ =	sdelay $0x5  }
0xd0: {  	[tilespmem:v14+s2+$0x0] =	vst.idx.msk vm11, v13  }
0xd1: {  	v33 =	vld.idx.msk [tilespmem:v14+s2+$0x0], $0xffff;
	_ =	sdelay $0x4  }
0xd2: {  	vm12 =	vgt.f32 v13, v33;
	_ =	sdelay $0x5  }
0xd3: {  	[tilespmem:v14+s2+$0x0] =	vst.idx.msk vm12, v13  }
0xd4: {  	v34 =	vld.idx.msk [tilespmem:v14+s2+$0x0], $0xffff;
	_ =	sdelay $0x4  }
0xd5: {  	vm13 =	vgt.f32 v13, v34;
	_ =	sdelay $0x5  }
0xd6: {  	[tilespmem:v14+s2+$0x0] =	vst.idx.msk vm13, v13  }
0xd7: {  	v35 =	vld.idx.msk [tilespmem:v14+s2+$0x0], $0xffff;
	_ =	sdelay $0x4  }
0xd8: {  	vm14 =	vgt.f32 v13, v35;
	_ =	sdelay $0x5  }
0xd9: {  	[tilespmem:v14+s2+$0x0] =	vst.idx.msk vm14, v13  }
0xda: {  	v36 =	vld.idx.msk [tilespmem:v14+s2+$0x0], $0xffff;
	_ =	sdelay $0x4  }
0xdb: {  	vm15 =	vgt.f32 v13, v36;
	_ =	sdelay $0x5  }
0xdc: {  	[tilespmem:v14+s2+$0x0] =	vst.idx.msk vm15, v13  }
0xdd: {  	v37 =	vld.idx.msk [tilespmem:v14+s2+$0x0], $0xffff;
	_ =	sdelay $0x4  }
0xde: {  	vm4 =	vgt.f32 v13, v37;
	_ =	sdelay $0x5  }
0xdf: {  	[tilespmem:v14+s2+$0x0] =	vst.idx.msk vm4, v13  }
0xe0: {  	v38 =	vld.idx.msk [tilespmem:v14+s2+$0x0], $0xffff;
	_ =	sdelay $0x4  }
0xe1: {  	vm5 =	vgt.f32 v13, v38;
	_ =	sdelay $0x5  }
0xe2: {  	[tilespmem:v14+s2+$0x0] =	vst.idx.msk vm5, v13  }
0xe3: {  	v39 =	vld.idx.msk [tilespmem:v14+s2+$0x0], $0xffff;
	_ =	sdelay $0x4  }
0xe4: {  	vm6 =	vgt.f32 v13, v39;
	_ =	sdelay $0x5  }
0xe5: {  	[tilespmem:v14+s2+$0x0] =	vst.idx.msk vm6, v13  }
0xe6: {  	v40 =	vld.idx.msk [tilespmem:v14+s2+$0x0], $0xffff;
	_ =	sdelay $0x4  }
0xe7: {  	vm7 =	vgt.f32 v13, v40;
	_ =	sdelay $0x5  }
0xe8: {  	[tilespmem:v14+s2+$0x0] =	vst.idx.msk vm7, v13  }
0xe9: {  	v13 =	vld.idx.msk [tilespmem:v12+s2+$0x0], $0xffff;
	_ =	sdelay $0x4  }
0xea: {  	vm8 =	vgt.f32 v11, v13;
	_ =	sdelay $0x5  }
0xeb: {  	[tilespmem:v12+s2+$0x0] =	vst.idx.msk vm8, v11  }
0xec: {  	v41 =	vld.idx.msk [tilespmem:v12+s2+$0x0], $0xffff;
	_ =	sdelay $0x4  }
0xed: {  	vm9 =	vgt.f32 v11, v41;
	_ =	sdelay $0x5  }
0xee: {  	[tilespmem:v12+s2+$0x0] =	vst.idx.msk vm9, v11  }
0xef: {  	v42 =	vld.idx.msk [tilespmem:v12+s2+$0x0], $0xffff;
	_ =	sdelay $0x4  }
0xf0: {  	vm10 =	vgt.f32 v11, v42;
	_ =	sdelay $0x5  }
0xf1: {  	[tilespmem:v12+s2+$0x0] =	vst.idx.msk vm10, v11  }
0xf2: {  	v43 =	vld.idx.msk [tilespmem:v12+s2+$0x0], $0xffff;
	_ =	sdelay $0x4  }
0xf3: {  	vm11 =	vgt.f32 v11, v43;
	_ =	sdelay $0x5  }
0xf4: {  	[tilespmem:v12+s2+$0x0] =	vst.idx.msk vm11, v11  }
0xf5: {  	v44 =	vld.idx.msk [tilespmem:v12+s2+$0x0], $0xffff;
	_ =	sdelay $0x4  }
0xf6: {  	vm12 =	vgt.f32 v11, v44;
	_ =	sdelay $0x5  }
0xf7: {  	[tilespmem:v12+s2+$0x0] =	vst.idx.msk vm12, v11  }
0xf8: {  	v45 =	vld.idx.msk [tilespmem:v12+s2+$0x0], $0xffff;
	_ =	sdelay $0x4  }
0xf9: {  	vm13 =	vgt.f32 v11, v45;
	_ =	sdelay $0x5  }
0xfa: {  	[tilespmem:v12+s2+$0x0] =	vst.idx.msk vm13, v11  }
0xfb: {  	v46 =	vld.idx.msk [tilespmem:v12+s2+$0x0], $0xffff;
	_ =	sdelay $0x4  }
0xfc: {  	vm14 =	vgt.f32 v11, v46;
	_ =	sdelay $0x5  }
0xfd: {  	[tilespmem:v12+s2+$0x0] =	vst.idx.msk vm14, v11  }
0xfe: {  	v47 =	vld.idx.msk [tilespmem:v12+s2+$0x0], $0xffff;
	_ =	sdelay $0x4  }
0xff: {  	vm15 =	vgt.f32 v11, v47;
	_ =	sdelay $0x5  }
0x100: {  	[tilespmem:v12+s2+$0x0] =	vst.idx.msk vm15, v11  }
0x101: {  	v48 =	vld.idx.msk [tilespmem:v12+s2+$0x0], $0xffff;
	_ =	sdelay $0x4  }
0x102: {  	vm4 =	vgt.f32 v11, v48;
	_ =	sdelay $0x5  }
0x103: {  	[tilespmem:v12+s2+$0x0] =	vst.idx.msk vm4, v11  }
0x104: {  	v49 =	vld.idx.msk [tilespmem:v12+s2+$0x0], $0xffff;
	_ =	sdelay $0x4  }
0x105: {  	vm5 =	vgt.f32 v11, v49;
	_ =	sdelay $0x5  }
0x106: {  	[tilespmem:v12+s2+$0x0] =	vst.idx.msk vm5, v11  }
0x107: {  	v50 =	vld.idx.msk [tilespmem:v12+s2+$0x0], $0xffff;
	_ =	sdelay $0x4  }
0x108: {  	vm6 =	vgt.f32 v11, v50;
	_ =	sdelay $0x5  }
0x109: {  	[tilespmem:v12+s2+$0x0] =	vst.idx.msk vm6, v11  }
0x10a: {  	v51 =	vld.idx.msk [tilespmem:v12+s2+$0x0], $0xffff;
	_ =	sdelay $0x4  }
0x10b: {  	vm7 =	vgt.f32 v11, v51;
	_ =	sdelay $0x5  }
0x10c: {  	[tilespmem:v12+s2+$0x0] =	vst.idx.msk vm7, v11  }
0x10d: {  	v52 =	vld.idx.msk [tilespmem:v12+s2+$0x0], $0xffff;
	_ =	sdelay $0x4  }
0x10e: {  	vm8 =	vgt.f32 v11, v52;
	_ =	sdelay $0x5  }
0x10f: {  	[tilespmem:v12+s2+$0x0] =	vst.idx.msk vm8, v11  }
0x110: {  	v53 =	vld.idx.msk [tilespmem:v12+s2+$0x0], $0xffff;
	_ =	sdelay $0x4  }
0x111: {  	vm9 =	vgt.f32 v11, v53;
	_ =	sdelay $0x5  }
0x112: {  	[tilespmem:v12+s2+$0x0] =	vst.idx.msk vm9, v11  }
0x113: {  	v54 =	vld.idx.msk [tilespmem:v12+s2+$0x0], $0xffff;
	_ =	sdelay $0x4  }
0x114: {  	vm10 =	vgt.f32 v11, v54;
	_ =	sdelay $0x5  }
0x115: {  	[tilespmem:v12+s2+$0x0] =	vst.idx.msk vm10, v11  }
0x116: {  	v55 =	vld.idx.msk [tilespmem:v12+s2+$0x0], $0xffff;
	_ =	sdelay $0x4  }
0x117: {  	vm11 =	vgt.f32 v11, v55;
	_ =	sdelay $0x5  }
0x118: {  	[tilespmem:v12+s2+$0x0] =	vst.idx.msk vm11, v11  }
0x119: {  	v11 =	vld.idx.msk [tilespmem:v10+s2+$0x0], $0xffff;
	_ =	sdelay $0x4  }
0x11a: {  	vm12 =	vgt.f32 v9, v11;
	_ =	sdelay $0x5  }
0x11b: {  	[tilespmem:v10+s2+$0x0] =	vst.idx.msk vm12, v9  }
0x11c: {  	v56 =	vld.idx.msk [tilespmem:v10+s2+$0x0], $0xffff;
	_ =	sdelay $0x4  }
0x11d: {  	vm13 =	vgt.f32 v9, v56;
	_ =	sdelay $0x5  }
0x11e: {  	[tilespmem:v10+s2+$0x0] =	vst.idx.msk vm13, v9  }
0x11f: {  	v57 =	vld.idx.msk [tilespmem:v10+s2+$0x0], $0xffff;
	_ =	sdelay $0x4  }
0x120: {  	vm14 =	vgt.f32 v9, v57;
	_ =	sdelay $0x5  }
0x121: {  	[tilespmem:v10+s2+$0x0] =	vst.idx.msk vm14, v9  }
0x122: {  	v58 =	vld.idx.msk [tilespmem:v10+s2+$0x0], $0xffff;
	_ =	sdelay $0x4  }
0x123: {  	vm15 =	vgt.f32 v9, v58;
	_ =	sdelay $0x5  }
0x124: {  	[tilespmem:v10+s2+$0x0] =	vst.idx.msk vm15, v9  }
0x125: {  	v59 =	vld.idx.msk [tilespmem:v10+s2+$0x0], $0xffff;
	_ =	sdelay $0x4  }
0x126: {  	vm4 =	vgt.f32 v9, v59;
	_ =	sdelay $0x5  }
0x127: {  	[tilespmem:v10+s2+$0x0] =	vst.idx.msk vm4, v9  }
0x128: {  	v60 =	vld.idx.msk [tilespmem:v10+s2+$0x0], $0xffff;
	_ =	sdelay $0x4  }
0x129: {  	vm5 =	vgt.f32 v9, v60;
	_ =	sdelay $0x5  }
0x12a: {  	[tilespmem:v10+s2+$0x0] =	vst.idx.msk vm5, v9  }
0x12b: {  	v61 =	vld.idx.msk [tilespmem:v10+s2+$0x0], $0xffff;
	_ =	sdelay $0x4  }
0x12c: {  	vm6 =	vgt.f32 v9, v61;
	_ =	sdelay $0x5  }
0x12d: {  	[tilespmem:v10+s2+$0x0] =	vst.idx.msk vm6, v9  }
0x12e: {  	v62 =	vld.idx.msk [tilespmem:v10+s2+$0x0], $0xffff;
	_ =	sdelay $0x4  }
0x12f: {  	vm7 =	vgt.f32 v9, v62;
	_ =	sdelay $0x5  }
0x130: {  	[tilespmem:v10+s2+$0x0] =	vst.idx.msk vm7, v9  }
0x131: {  	v63 =	vld.idx.msk [tilespmem:v10+s2+$0x0], $0xffff;
	_ =	sdelay $0x4  }
0x132: {  	vm8 =	vgt.f32 v9, v63;
	_ =	sdelay $0x5  }
0x133: {  	[tilespmem:v10+s2+$0x0] =	vst.idx.msk vm8, v9  }
0x134: {  	v12 =	vld.idx.msk [tilespmem:v10+s2+$0x0], $0xffff;
	_ =	sdelay $0x4  }
0x135: {  	vm9 =	vgt.f32 v9, v12;
	_ =	sdelay $0x5  }
0x136: {  	[tilespmem:v10+s2+$0x0] =	vst.idx.msk vm9, v9  }
0x137: {  	v13 =	vld.idx.msk [tilespmem:v10+s2+$0x0], $0xffff;
	_ =	sdelay $0x4  }
0x138: {  	vm10 =	vgt.f32 v9, v13;
	_ =	sdelay $0x5  }
0x139: {  	[tilespmem:v10+s2+$0x0] =	vst.idx.msk vm10, v9  }
0x13a: {  	v14 =	vld.idx.msk [tilespmem:v10+s2+$0x0], $0xffff;
	_ =	sdelay $0x4  }
0x13b: {  	vm11 =	vgt.f32 v9, v14;
	_ =	sdelay $0x5  }
0x13c: {  	[tilespmem:v10+s2+$0x0] =	vst.idx.msk vm11, v9  }
0x13d: {  	v15 =	vld.idx.msk [tilespmem:v10+s2+$0x0], $0xffff;
	_ =	sdelay $0x4  }
0x13e: {  	vm12 =	vgt.f32 v9, v15;
	_ =	sdelay $0x5  }
0x13f: {  	[tilespmem:v10+s2+$0x0] =	vst.idx.msk vm12, v9  }
0x140: {  	v16 =	vld.idx.msk [tilespmem:v10+s2+$0x0], $0xffff;
	_ =	sdelay $0x4  }
0x141: {  	vm13 =	vgt.f32 v9, v16;
	_ =	sdelay $0x5  }
0x142: {  	[tilespmem:v10+s2+$0x0] =	vst.idx.msk vm13, v9  }
0x143: {  	v17 =	vld.idx.msk [tilespmem:v10+s2+$0x0], $0xffff;
	_ =	sdelay $0x4  }
0x144: {  	vm14 =	vgt.f32 v9, v17;
	_ =	sdelay $0x5  }
0x145: {  	[tilespmem:v10+s2+$0x0] =	vst.idx.msk vm14, v9  }
0x146: {  	v18 =	vld.idx.msk [tilespmem:v10+s2+$0x0], $0xffff;
	_ =	sdelay $0x4  }
0x147: {  	vm15 =	vgt.f32 v9, v18;
	_ =	sdelay $0x5  }
0x148: {  	[tilespmem:v10+s2+$0x0] =	vst.idx.msk vm15, v9  }
0x149: {  	v9 =	vld.idx.msk [tilespmem:v8+s2+$0x0], $0xffff;
	_ =	sdelay $0x4  }
0x14a: {  	vm4 =	vgt.f32 v7, v9;
	_ =	sdelay $0x5  }
0x14b: {  	[tilespmem:v8+s2+$0x0] =	vst.idx.msk vm4, v7  }
0x14c: {  	v19 =	vld.idx.msk [tilespmem:v8+s2+$0x0], $0xffff;
	_ =	sdelay $0x4  }
0x14d: {  	vm5 =	vgt.f32 v7, v19;
	_ =	sdelay $0x5  }
0x14e: {  	[tilespmem:v8+s2+$0x0] =	vst.idx.msk vm5, v7  }
0x14f: {  	v20 =	vld.idx.msk [tilespmem:v8+s2+$0x0], $0xffff;
	_ =	sdelay $0x4  }
0x150: {  	vm6 =	vgt.f32 v7, v20;
	_ =	sdelay $0x5  }
0x151: {  	[tilespmem:v8+s2+$0x0] =	vst.idx.msk vm6, v7  }
0x152: {  	v21 =	vld.idx.msk [tilespmem:v8+s2+$0x0], $0xffff;
	_ =	sdelay $0x4  }
0x153: {  	vm7 =	vgt.f32 v7, v21;
	_ =	sdelay $0x5  }
0x154: {  	[tilespmem:v8+s2+$0x0] =	vst.idx.msk vm7, v7  }
0x155: {  	v22 =	vld.idx.msk [tilespmem:v8+s2+$0x0], $0xffff;
	_ =	sdelay $0x4  }
0x156: {  	vm8 =	vgt.f32 v7, v22;
	_ =	sdelay $0x5  }
0x157: {  	[tilespmem:v8+s2+$0x0] =	vst.idx.msk vm8, v7  }
0x158: {  	v23 =	vld.idx.msk [tilespmem:v8+s2+$0x0], $0xffff;
	_ =	sdelay $0x4  }
0x159: {  	vm9 =	vgt.f32 v7, v23;
	_ =	sdelay $0x5  }
0x15a: {  	[tilespmem:v8+s2+$0x0] =	vst.idx.msk vm9, v7  }
0x15b: {  	v24 =	vld.idx.msk [tilespmem:v8+s2+$0x0], $0xffff;
	_ =	sdelay $0x4  }
0x15c: {  	vm10 =	vgt.f32 v7, v24;
	_ =	sdelay $0x5  }
0x15d: {  	[tilespmem:v8+s2+$0x0] =	vst.idx.msk vm10, v7  }
0x15e: {  	v25 =	vld.idx.msk [tilespmem:v8+s2+$0x0], $0xffff;
	_ =	sdelay $0x4  }
0x15f: {  	vm11 =	vgt.f32 v7, v25;
	_ =	sdelay $0x5  }
0x160: {  	[tilespmem:v8+s2+$0x0] =	vst.idx.msk vm11, v7  }
0x161: {  	v26 =	vld.idx.msk [tilespmem:v8+s2+$0x0], $0xffff;
	_ =	sdelay $0x4  }
0x162: {  	vm12 =	vgt.f32 v7, v26;
	_ =	sdelay $0x5  }
0x163: {  	[tilespmem:v8+s2+$0x0] =	vst.idx.msk vm12, v7  }
0x164: {  	v27 =	vld.idx.msk [tilespmem:v8+s2+$0x0], $0xffff;
	_ =	sdelay $0x4  }
0x165: {  	vm13 =	vgt.f32 v7, v27;
	_ =	sdelay $0x5  }
0x166: {  	[tilespmem:v8+s2+$0x0] =	vst.idx.msk vm13, v7  }
0x167: {  	v28 =	vld.idx.msk [tilespmem:v8+s2+$0x0], $0xffff;
	_ =	sdelay $0x4  }
0x168: {  	vm14 =	vgt.f32 v7, v28;
	_ =	sdelay $0x5  }
0x169: {  	[tilespmem:v8+s2+$0x0] =	vst.idx.msk vm14, v7  }
0x16a: {  	v29 =	vld.idx.msk [tilespmem:v8+s2+$0x0], $0xffff;
	_ =	sdelay $0x4  }
0x16b: {  	vm15 =	vgt.f32 v7, v29;
	_ =	sdelay $0x5  }
0x16c: {  	[tilespmem:v8+s2+$0x0] =	vst.idx.msk vm15, v7  }
0x16d: {  	v30 =	vld.idx.msk [tilespmem:v8+s2+$0x0], $0xffff;
	_ =	sdelay $0x4  }
0x16e: {  	vm4 =	vgt.f32 v7, v30;
	_ =	sdelay $0x5  }
0x16f: {  	[tilespmem:v8+s2+$0x0] =	vst.idx.msk vm4, v7  }
0x170: {  	v31 =	vld.idx.msk [tilespmem:v8+s2+$0x0], $0xffff;
	_ =	sdelay $0x4  }
0x171: {  	vm5 =	vgt.f32 v7, v31;
	_ =	sdelay $0x5  }
0x172: {  	[tilespmem:v8+s2+$0x0] =	vst.idx.msk vm5, v7  }
0x173: {  	v32 =	vld.idx.msk [tilespmem:v8+s2+$0x0], $0xffff;
	_ =	sdelay $0x4  }
0x174: {  	vm6 =	vgt.f32 v7, v32;
	_ =	sdelay $0x5  }
0x175: {  	[tilespmem:v8+s2+$0x0] =	vst.idx.msk vm6, v7  }
0x176: {  	v33 =	vld.idx.msk [tilespmem:v8+s2+$0x0], $0xffff;
	_ =	sdelay $0x4  }
0x177: {  	vm7 =	vgt.f32 v7, v33;
	_ =	sdelay $0x5  }
0x178: {  	[tilespmem:v8+s2+$0x0] =	vst.idx.msk vm7, v7  }
0x179: {  	v7 =	vld.idx.msk [tilespmem:v6+s2+$0x0], $0xffff;
	_ =	sdelay $0x4  }
0x17a: {  	vm8 =	vgt.f32 v5, v7;
	_ =	sdelay $0x5  }
0x17b: {  	[tilespmem:v6+s2+$0x0] =	vst.idx.msk vm8, v5  }
0x17c: {  	v34 =	vld.idx.msk [tilespmem:v6+s2+$0x0], $0xffff;
	_ =	sdelay $0x4  }
0x17d: {  	vm9 =	vgt.f32 v5, v34;
	_ =	sdelay $0x5  }
0x17e: {  	[tilespmem:v6+s2+$0x0] =	vst.idx.msk vm9, v5  }
0x17f: {  	v35 =	vld.idx.msk [tilespmem:v6+s2+$0x0], $0xffff;
	_ =	sdelay $0x4  }
0x180: {  	vm10 =	vgt.f32 v5, v35;
	_ =	sdelay $0x5  }
0x181: {  	[tilespmem:v6+s2+$0x0] =	vst.idx.msk vm10, v5  }
0x182: {  	v36 =	vld.idx.msk [tilespmem:v6+s2+$0x0], $0xffff;
	_ =	sdelay $0x4  }
0x183: {  	vm11 =	vgt.f32 v5, v36;
	_ =	sdelay $0x5  }
0x184: {  	[tilespmem:v6+s2+$0x0] =	vst.idx.msk vm11, v5  }
0x185: {  	v37 =	vld.idx.msk [tilespmem:v6+s2+$0x0], $0xffff;
	_ =	sdelay $0x4  }
0x186: {  	vm12 =	vgt.f32 v5, v37;
	_ =	sdelay $0x5  }
0x187: {  	[tilespmem:v6+s2+$0x0] =	vst.idx.msk vm12, v5  }
0x188: {  	v38 =	vld.idx.msk [tilespmem:v6+s2+$0x0], $0xffff;
	_ =	sdelay $0x4  }
0x189: {  	vm13 =	vgt.f32 v5, v38;
	_ =	sdelay $0x5  }
0x18a: {  	[tilespmem:v6+s2+$0x0] =	vst.idx.msk vm13, v5  }
0x18b: {  	v39 =	vld.idx.msk [tilespmem:v6+s2+$0x0], $0xffff;
	_ =	sdelay $0x4  }
0x18c: {  	vm14 =	vgt.f32 v5, v39;
	_ =	sdelay $0x5  }
0x18d: {  	[tilespmem:v6+s2+$0x0] =	vst.idx.msk vm14, v5  }
0x18e: {  	v40 =	vld.idx.msk [tilespmem:v6+s2+$0x0], $0xffff;
	_ =	sdelay $0x4  }
0x18f: {  	vm15 =	vgt.f32 v5, v40;
	_ =	sdelay $0x5  }
0x190: {  	[tilespmem:v6+s2+$0x0] =	vst.idx.msk vm15, v5  }
0x191: {  	v41 =	vld.idx.msk [tilespmem:v6+s2+$0x0], $0xffff;
	_ =	sdelay $0x4  }
0x192: {  	vm4 =	vgt.f32 v5, v41;
	_ =	sdelay $0x5  }
0x193: {  	[tilespmem:v6+s2+$0x0] =	vst.idx.msk vm4, v5  }
0x194: {  	v42 =	vld.idx.msk [tilespmem:v6+s2+$0x0], $0xffff;
	_ =	sdelay $0x4  }
0x195: {  	vm5 =	vgt.f32 v5, v42;
	_ =	sdelay $0x5  }
0x196: {  	[tilespmem:v6+s2+$0x0] =	vst.idx.msk vm5, v5  }
0x197: {  	v43 =	vld.idx.msk [tilespmem:v6+s2+$0x0], $0xffff;
	_ =	sdelay $0x4  }
0x198: {  	vm6 =	vgt.f32 v5, v43;
	_ =	sdelay $0x5  }
0x199: {  	[tilespmem:v6+s2+$0x0] =	vst.idx.msk vm6, v5  }
0x19a: {  	v44 =	vld.idx.msk [tilespmem:v6+s2+$0x0], $0xffff;
	_ =	sdelay $0x4  }
0x19b: {  	vm7 =	vgt.f32 v5, v44;
	_ =	sdelay $0x5  }
0x19c: {  	[tilespmem:v6+s2+$0x0] =	vst.idx.msk vm7, v5  }
0x19d: {  	v45 =	vld.idx.msk [tilespmem:v6+s2+$0x0], $0xffff;
	_ =	sdelay $0x4  }
0x19e: {  	vm8 =	vgt.f32 v5, v45;
	_ =	sdelay $0x5  }
0x19f: {  	[tilespmem:v6+s2+$0x0] =	vst.idx.msk vm8, v5  }
0x1a0: {  	v46 =	vld.idx.msk [tilespmem:v6+s2+$0x0], $0xffff;
	_ =	sdelay $0x4  }
0x1a1: {  	vm9 =	vgt.f32 v5, v46;
	_ =	sdelay $0x5  }
0x1a2: {  	[tilespmem:v6+s2+$0x0] =	vst.idx.msk vm9, v5  }
0x1a3: {  	v47 =	vld.idx.msk [tilespmem:v6+s2+$0x0], $0xffff;
	_ =	sdelay $0x4  }
0x1a4: {  	vm10 =	vgt.f32 v5, v47;
	_ =	sdelay $0x5  }
0x1a5: {  	[tilespmem:v6+s2+$0x0] =	vst.idx.msk vm10, v5  }
0x1a6: {  	v48 =	vld.idx.msk [tilespmem:v6+s2+$0x0], $0xffff;
	_ =	sdelay $0x4  }
0x1a7: {  	vm11 =	vgt.f32 v5, v48;
	_ =	sdelay $0x5  }
0x1a8: {  	[tilespmem:v6+s2+$0x0] =	vst.idx.msk vm11, v5  }
0x1a9: {  	v5 =	vld.idx.msk [tilespmem:v4+s2+$0x0], $0xffff;
	_ =	sdelay $0x4  }
0x1aa: {  	vm12 =	vgt.f32 v3, v5;
	_ =	sdelay $0x5  }
0x1ab: {  	[tilespmem:v4+s2+$0x0] =	vst.idx.msk vm12, v3  }
0x1ac: {  	v49 =	vld.idx.msk [tilespmem:v4+s2+$0x0], $0xffff;
	_ =	sdelay $0x4  }
0x1ad: {  	vm13 =	vgt.f32 v3, v49;
	_ =	sdelay $0x5  }
0x1ae: {  	[tilespmem:v4+s2+$0x0] =	vst.idx.msk vm13, v3  }
0x1af: {  	v50 =	vld.idx.msk [tilespmem:v4+s2+$0x0], $0xffff;
	_ =	sdelay $0x4  }
0x1b0: {  	vm14 =	vgt.f32 v3, v50;
	_ =	sdelay $0x5  }
0x1b1: {  	[tilespmem:v4+s2+$0x0] =	vst.idx.msk vm14, v3  }
0x1b2: {  	v51 =	vld.idx.msk [tilespmem:v4+s2+$0x0], $0xffff;
	_ =	sdelay $0x4  }
0x1b3: {  	vm15 =	vgt.f32 v3, v51;
	_ =	sdelay $0x5  }
0x1b4: {  	[tilespmem:v4+s2+$0x0] =	vst.idx.msk vm15, v3  }
0x1b5: {  	v52 =	vld.idx.msk [tilespmem:v4+s2+$0x0], $0xffff;
	_ =	sdelay $0x4  }
0x1b6: {  	vm4 =	vgt.f32 v3, v52;
	_ =	sdelay $0x5  }
0x1b7: {  	[tilespmem:v4+s2+$0x0] =	vst.idx.msk vm4, v3  }
0x1b8: {  	v53 =	vld.idx.msk [tilespmem:v4+s2+$0x0], $0xffff;
	_ =	sdelay $0x4  }
0x1b9: {  	vm5 =	vgt.f32 v3, v53;
	_ =	sdelay $0x5  }
0x1ba: {  	[tilespmem:v4+s2+$0x0] =	vst.idx.msk vm5, v3  }
0x1bb: {  	v54 =	vld.idx.msk [tilespmem:v4+s2+$0x0], $0xffff;
	_ =	sdelay $0x4  }
0x1bc: {  	vm6 =	vgt.f32 v3, v54;
	_ =	sdelay $0x5  }
0x1bd: {  	[tilespmem:v4+s2+$0x0] =	vst.idx.msk vm6, v3  }
0x1be: {  	v55 =	vld.idx.msk [tilespmem:v4+s2+$0x0], $0xffff;
	_ =	sdelay $0x4  }
0x1bf: {  	vm7 =	vgt.f32 v3, v55;
	_ =	sdelay $0x5  }
0x1c0: {  	[tilespmem:v4+s2+$0x0] =	vst.idx.msk vm7, v3  }
0x1c1: {  	v56 =	vld.idx.msk [tilespmem:v4+s2+$0x0], $0xffff;
	_ =	sdelay $0x4  }
0x1c2: {  	vm8 =	vgt.f32 v3, v56;
	_ =	sdelay $0x5  }
0x1c3: {  	[tilespmem:v4+s2+$0x0] =	vst.idx.msk vm8, v3  }
0x1c4: {  	v57 =	vld.idx.msk [tilespmem:v4+s2+$0x0], $0xffff;
	_ =	sdelay $0x4  }
0x1c5: {  	vm9 =	vgt.f32 v3, v57;
	_ =	sdelay $0x5  }
0x1c6: {  	[tilespmem:v4+s2+$0x0] =	vst.idx.msk vm9, v3  }
0x1c7: {  	v58 =	vld.idx.msk [tilespmem:v4+s2+$0x0], $0xffff;
	_ =	sdelay $0x4  }
0x1c8: {  	vm10 =	vgt.f32 v3, v58;
	_ =	sdelay $0x5  }
0x1c9: {  	[tilespmem:v4+s2+$0x0] =	vst.idx.msk vm10, v3  }
0x1ca: {  	v59 =	vld.idx.msk [tilespmem:v4+s2+$0x0], $0xffff;
	_ =	sdelay $0x4  }
0x1cb: {  	vm11 =	vgt.f32 v3, v59;
	_ =	sdelay $0x5  }
0x1cc: {  	[tilespmem:v4+s2+$0x0] =	vst.idx.msk vm11, v3  }
0x1cd: {  	v60 =	vld.idx.msk [tilespmem:v4+s2+$0x0], $0xffff;
	_ =	sdelay $0x4  }
0x1ce: {  	vm12 =	vgt.f32 v3, v60;
	_ =	sdelay $0x5  }
0x1cf: {  	[tilespmem:v4+s2+$0x0] =	vst.idx.msk vm12, v3  }
0x1d0: {  	v61 =	vld.idx.msk [tilespmem:v4+s2+$0x0], $0xffff;
	_ =	sdelay $0x4  }
0x1d1: {  	vm13 =	vgt.f32 v3, v61;
	_ =	sdelay $0x5  }
0x1d2: {  	[tilespmem:v4+s2+$0x0] =	vst.idx.msk vm13, v3  }
0x1d3: {  	v62 =	vld.idx.msk [tilespmem:v4+s2+$0x0], $0xffff;
	_ =	sdelay $0x4  }
0x1d4: {  	vm14 =	vgt.f32 v3, v62;
	_ =	sdelay $0x5  }
0x1d5: {  	[tilespmem:v4+s2+$0x0] =	vst.idx.msk vm14, v3  }
0x1d6: {  	v63 =	vld.idx.msk [tilespmem:v4+s2+$0x0], $0xffff;
	_ =	sdelay $0x4  }
0x1d7: {  	vm15 =	vgt.f32 v3, v63;
	_ =	sdelay $0x1  }
.Ltmp8:
0x1d8: {  	_ = 	snop;
	(pc) =	sbr.rel .LBB2_7-.Ltmp8, $2  }
0x1d9: {  	_ =	sdelay $0x2  }
0x1da: {  	[tilespmem:v4+s2+$0x0] =	vst.idx.msk vm15, v3  }
.LBB2_8:
0x1db: {  	p0 =	seq.s32 s21, $0x7C  }
0x1dc: {  	s22 =	sadd.s32 @!p0 s22, s9  }
0x1dd: {  	s23 =	sshrl.u32 @!p0 s22, $0x3  }
0x1de: {  	s24 =	simm.s32 @!p0 $0x0;
	s25 =	simm.s32 @!p0 $0x16000;
	s23 =	sadd.s32 @!p0 s3, s23  }
0x1df: {  	[tilespmem:s25], [sflag:$0x1] =	stream.linear.gather @!p0 [hbm4b:s23+s24], $0x280, $0x38;
	[tilespmem:$0x18D00] =	vst v63  }
0x1e0: {  	s22 =	sadd.s32 @!p0 s22, s8;
	s23 =	simm.s32 @!p0 $0x16500  }
0x1e1: {  	[tilespmem:s23], [sflag:$0x1] =	stream.linear.gather @!p0 [hbm4b:s22+s24], $0x1400, $0x38;
	[tilespmem:$0x18D00] =	vst v63  }
0x1e2: {  	_ =	swait.ge [sflag:s17], $0x280  }
.Ltmp9:
0x1e3: {  	[sflag:s17] =	ssyncset.done $0x0;
	(pc) =	sbr.rel .LBB2_9-.Ltmp9, $4  }
0x1e4: {  	[sflag:s17] =	ssyncadd.s32 $0xFFFFFD80  }
0x1e5: {  	_ =	swait.ge [sflag:s17], $0x1400  }
0x1e6: {  	s22 =	simm.s32 $0x0;
	[sflag:s17] =	ssyncset.done $0x0  }
0x1e7: {  	s23 =	simm.s32 $0x16280;
	s24 =	simm.s32 $0x0;
	[sflag:s17] =	ssyncadd.s32 $0xFFFFEC00  }
.LBB2_11:
0x1e8: {  	s24 =	sadd.s32 $0x10, s24  }
0x1e9: {  	p0 =	sne.s32 s24, $0x280  }
.Ltmp10:
0x1ea: {  	_ = 	snop;
	(pc) =	sbr.rel @!p0 .LBB2_12-.Ltmp10, $2  }
0x1eb: {  	_ =	sdelay $0x2  }
0x1ec: {  	s22 =	sadd.s32 $0x80, s22;
	s23 =	sadd.s32 $0x10, s23  }
.LBB2_9:
0x1ed: {  	v17 =	vld [tilespmem:s23+$0x0];
	_ =	sdelay $0x7  }
0x1ee: {  	[tilespmem:v17+s16+$0x0] =	vst.idx.msk $0xffff, v1  }
0x1ef: {  	v3 =	vld.idx.msk [tilespmem:v17+s16+$0x0], $0xffff;
	_ =	sdelay $0x4  }
0x1f0: {  	vm0 =	veq.s32 v3, v1  }
0x1f1: {  	v3 =	vsel vm0, $0x0, v2  }
0x1f2: {  	(xrf0) =	vmax.scan.msk.f32 $0xffff, v3;
	_ =	sdelay $0x3  }
0x1f3: {  	s25 =	sand.u32 $0x70, s24;
	s26 =	sand.u32 $0x1C00, s22  }
0x1f4: {  	s25 =	sor.u32 s25, s26  }
0x1f5: {  	s26 =	sadd.s32 $0x17900, s25;
	v18 =	vld [tilespmem:s25+$0x17900];
	v3, _, _ =	vpop (xrf0)  }
0x1f6: {  	v15 =	vld [tilespmem:s26+$0x80];
	(v2sf) =	vpush v3, $0xF  }
0x1f7: {  	v13 =	vld [tilespmem:s26+$0x100]  }
0x1f8: {  	v16 =	vadd.s32 $0x2710, v17;
	v11 =	vld [tilespmem:s26+$0x180]  }
0x1f9: {  	v14 =	vadd.s32 $0x4E20, v17;
	v9 =	vld [tilespmem:s26+$0x200]  }
0x1fa: {  	v12 =	vadd.s32 $0x7530, v17;
	v7 =	vld [tilespmem:s26+$0x280]  }
0x1fb: {  	v10 =	vadd.s32 $0x9C40, v17;
	v5 =	vld [tilespmem:s26+$0x300]  }
0x1fc: {  	v8 =	vadd.s32 $0xC350, v17;
	v19 =	vld.idx.msk [tilespmem:v17+s2+$0x0], $0xffff  }
0x1fd: {  	v6 =	vadd.s32 $0xEA60, v17;
	v20 =	vld.idx.msk [tilespmem:v16+s2+$0x0], $0xffff  }
0x1fe: {  	v4 =	vadd.s32 $0x11170, v17;
	v21 =	vld.idx.msk [tilespmem:v14+s2+$0x0], $0xffff  }
0x1ff: {  	v22 =	vld.idx.msk [tilespmem:v12+s2+$0x0], $0xffff  }
0x200: {  	v23 =	vld.idx.msk [tilespmem:v10+s2+$0x0], $0xffff  }
0x201: {  	v24 =	vld.idx.msk [tilespmem:v8+s2+$0x0], $0xffff  }
0x202: {  	s30 =	sor.u32 s22, s24;
	v25 =	vld.idx.msk [tilespmem:v6+s2+$0x0], $0xffff  }
0x203: {  	s25 =	sor.u32 $0x380, s30;
	v26 =	vld.idx.msk [tilespmem:v4+s2+$0x0], $0xffff;
	v19 =	vmax.f32 v19, v18  }
0x204: {  	v20 =	vmax.f32 v20, v15;
	v3 =	vld [tilespmem:s25+$0x17900];
	[tilespmem:v17+s2+$0x0] =	vst.idx.msk $0xffff, v19  }
0x205: {  	v19 =	vmax.f32 v21, v13;
	[tilespmem:v16+s2+$0x0] =	vst.idx.msk $0xffff, v20;
	s31 =	spop (v2sf)  }
0x206: {  	v20 =	vmax.f32 v22, v11;
	[tilespmem:v14+s2+$0x0] =	vst.idx.msk $0xffff, v19;
	p0 =	sgt.f32 s31, $0.0e+00  }
.Ltmp11:
0x207: {  	v19 =	vmax.f32 v23, v9;
	[tilespmem:v12+s2+$0x0] =	vst.idx.msk $0xffff, v20;
	(pc) =	sbr.rel @!p0 .LBB2_11-.Ltmp11, $4  }
0x208: {  	v20 =	vmax.f32 v24, v7;
	[tilespmem:v10+s2+$0x0] =	vst.idx.msk $0xffff, v19  }
0x209: {  	v19 =	vmax.f32 v25, v5;
	[tilespmem:v8+s2+$0x0] =	vst.idx.msk $0xffff, v20  }
0x20a: {  	v20 =	vmax.f32 v26, v3;
	[tilespmem:v6+s2+$0x0] =	vst.idx.msk $0xffff, v19  }
0x20b: {  	[tilespmem:v4+s2+$0x0] =	vst.idx.msk $0xffff, v20  }
0x20c: {  	_ =	sdelay $0x3  }
0x20d: {  	v19 =	vld.idx.msk [tilespmem:v17+s2+$0x0], $0xffff;
	_ =	sdelay $0x4  }
0x20e: {  	vm0 =	vgt.f32 v18, v19;
	_ =	sdelay $0x5  }
0x20f: {  	[tilespmem:v17+s2+$0x0] =	vst.idx.msk vm0, v18  }
0x210: {  	v40 =	vld.idx.msk [tilespmem:v17+s2+$0x0], $0xffff;
	_ =	sdelay $0x4  }
0x211: {  	vm9 =	vgt.f32 v18, v40;
	_ =	sdelay $0x5  }
0x212: {  	[tilespmem:v17+s2+$0x0] =	vst.idx.msk vm9, v18  }
0x213: {  	v41 =	vld.idx.msk [tilespmem:v17+s2+$0x0], $0xffff;
	_ =	sdelay $0x4  }
0x214: {  	vm10 =	vgt.f32 v18, v41;
	_ =	sdelay $0x5  }
0x215: {  	[tilespmem:v17+s2+$0x0] =	vst.idx.msk vm10, v18  }
0x216: {  	v42 =	vld.idx.msk [tilespmem:v17+s2+$0x0], $0xffff;
	_ =	sdelay $0x4  }
0x217: {  	vm11 =	vgt.f32 v18, v42;
	_ =	sdelay $0x5  }
0x218: {  	[tilespmem:v17+s2+$0x0] =	vst.idx.msk vm11, v18  }
0x219: {  	v43 =	vld.idx.msk [tilespmem:v17+s2+$0x0], $0xffff;
	_ =	sdelay $0x4  }
0x21a: {  	vm12 =	vgt.f32 v18, v43;
	_ =	sdelay $0x5  }
0x21b: {  	[tilespmem:v17+s2+$0x0] =	vst.idx.msk vm12, v18  }
0x21c: {  	v44 =	vld.idx.msk [tilespmem:v17+s2+$0x0], $0xffff;
	_ =	sdelay $0x4  }
0x21d: {  	vm13 =	vgt.f32 v18, v44;
	_ =	sdelay $0x5  }
0x21e: {  	[tilespmem:v17+s2+$0x0] =	vst.idx.msk vm13, v18  }
0x21f: {  	v45 =	vld.idx.msk [tilespmem:v17+s2+$0x0], $0xffff;
	_ =	sdelay $0x4  }
0x220: {  	vm14 =	vgt.f32 v18, v45;
	_ =	sdelay $0x5  }
0x221: {  	[tilespmem:v17+s2+$0x0] =	vst.idx.msk vm14, v18  }
0x222: {  	v46 =	vld.idx.msk [tilespmem:v17+s2+$0x0], $0xffff;
	_ =	sdelay $0x4  }
0x223: {  	vm15 =	vgt.f32 v18, v46;
	_ =	sdelay $0x5  }
0x224: {  	[tilespmem:v17+s2+$0x0] =	vst.idx.msk vm15, v18  }
0x225: {  	v47 =	vld.idx.msk [tilespmem:v17+s2+$0x0], $0xffff;
	_ =	sdelay $0x4  }
0x226: {  	vm4 =	vgt.f32 v18, v47;
	_ =	sdelay $0x5  }
0x227: {  	[tilespmem:v17+s2+$0x0] =	vst.idx.msk vm4, v18  }
0x228: {  	v48 =	vld.idx.msk [tilespmem:v17+s2+$0x0], $0xffff;
	_ =	sdelay $0x4  }
0x229: {  	vm5 =	vgt.f32 v18, v48;
	_ =	sdelay $0x5  }
0x22a: {  	[tilespmem:v17+s2+$0x0] =	vst.idx.msk vm5, v18  }
0x22b: {  	v49 =	vld.idx.msk [tilespmem:v17+s2+$0x0], $0xffff;
	_ =	sdelay $0x4  }
0x22c: {  	vm6 =	vgt.f32 v18, v49;
	_ =	sdelay $0x5  }
0x22d: {  	[tilespmem:v17+s2+$0x0] =	vst.idx.msk vm6, v18  }
0x22e: {  	v50 =	vld.idx.msk [tilespmem:v17+s2+$0x0], $0xffff;
	_ =	sdelay $0x4  }
0x22f: {  	vm7 =	vgt.f32 v18, v50;
	_ =	sdelay $0x5  }
0x230: {  	[tilespmem:v17+s2+$0x0] =	vst.idx.msk vm7, v18  }
0x231: {  	v51 =	vld.idx.msk [tilespmem:v17+s2+$0x0], $0xffff;
	_ =	sdelay $0x4  }
0x232: {  	vm8 =	vgt.f32 v18, v51;
	_ =	sdelay $0x5  }
0x233: {  	[tilespmem:v17+s2+$0x0] =	vst.idx.msk vm8, v18  }
0x234: {  	v52 =	vld.idx.msk [tilespmem:v17+s2+$0x0], $0xffff;
	_ =	sdelay $0x4  }
0x235: {  	vm9 =	vgt.f32 v18, v52;
	_ =	sdelay $0x5  }
0x236: {  	[tilespmem:v17+s2+$0x0] =	vst.idx.msk vm9, v18  }
0x237: {  	v53 =	vld.idx.msk [tilespmem:v17+s2+$0x0], $0xffff;
	_ =	sdelay $0x4  }
0x238: {  	vm10 =	vgt.f32 v18, v53;
	_ =	sdelay $0x5  }
0x239: {  	[tilespmem:v17+s2+$0x0] =	vst.idx.msk vm10, v18  }
0x23a: {  	v54 =	vld.idx.msk [tilespmem:v17+s2+$0x0], $0xffff;
	_ =	sdelay $0x4  }
0x23b: {  	vm11 =	vgt.f32 v18, v54;
	_ =	sdelay $0x5  }
0x23c: {  	[tilespmem:v17+s2+$0x0] =	vst.idx.msk vm11, v18  }
0x23d: {  	v17 =	vld.idx.msk [tilespmem:v16+s2+$0x0], $0xffff;
	_ =	sdelay $0x4  }
0x23e: {  	vm12 =	vgt.f32 v15, v17;
	_ =	sdelay $0x5  }
0x23f: {  	[tilespmem:v16+s2+$0x0] =	vst.idx.msk vm12, v15  }
0x240: {  	v55 =	vld.idx.msk [tilespmem:v16+s2+$0x0], $0xffff;
	_ =	sdelay $0x4  }
0x241: {  	vm13 =	vgt.f32 v15, v55;
	_ =	sdelay $0x5  }
0x242: {  	[tilespmem:v16+s2+$0x0] =	vst.idx.msk vm13, v15  }
0x243: {  	v56 =	vld.idx.msk [tilespmem:v16+s2+$0x0], $0xffff;
	_ =	sdelay $0x4  }
0x244: {  	vm14 =	vgt.f32 v15, v56;
	_ =	sdelay $0x5  }
0x245: {  	[tilespmem:v16+s2+$0x0] =	vst.idx.msk vm14, v15  }
0x246: {  	v57 =	vld.idx.msk [tilespmem:v16+s2+$0x0], $0xffff;
	_ =	sdelay $0x4  }
0x247: {  	vm15 =	vgt.f32 v15, v57;
	_ =	sdelay $0x5  }
0x248: {  	[tilespmem:v16+s2+$0x0] =	vst.idx.msk vm15, v15  }
0x249: {  	v58 =	vld.idx.msk [tilespmem:v16+s2+$0x0], $0xffff;
	_ =	sdelay $0x4  }
0x24a: {  	vm4 =	vgt.f32 v15, v58;
	_ =	sdelay $0x5  }
0x24b: {  	[tilespmem:v16+s2+$0x0] =	vst.idx.msk vm4, v15  }
0x24c: {  	v59 =	vld.idx.msk [tilespmem:v16+s2+$0x0], $0xffff;
	_ =	sdelay $0x4  }
0x24d: {  	vm5 =	vgt.f32 v15, v59;
	_ =	sdelay $0x5  }
0x24e: {  	[tilespmem:v16+s2+$0x0] =	vst.idx.msk vm5, v15  }
0x24f: {  	v60 =	vld.idx.msk [tilespmem:v16+s2+$0x0], $0xffff;
	_ =	sdelay $0x4  }
0x250: {  	vm6 =	vgt.f32 v15, v60;
	_ =	sdelay $0x5  }
0x251: {  	[tilespmem:v16+s2+$0x0] =	vst.idx.msk vm6, v15  }
0x252: {  	v61 =	vld.idx.msk [tilespmem:v16+s2+$0x0], $0xffff;
	_ =	sdelay $0x4  }
0x253: {  	vm7 =	vgt.f32 v15, v61;
	_ =	sdelay $0x5  }
0x254: {  	[tilespmem:v16+s2+$0x0] =	vst.idx.msk vm7, v15  }
0x255: {  	v62 =	vld.idx.msk [tilespmem:v16+s2+$0x0], $0xffff;
	_ =	sdelay $0x4  }
0x256: {  	vm8 =	vgt.f32 v15, v62;
	_ =	sdelay $0x5  }
0x257: {  	[tilespmem:v16+s2+$0x0] =	vst.idx.msk vm8, v15  }
0x258: {  	v63 =	vld.idx.msk [tilespmem:v16+s2+$0x0], $0xffff;
	_ =	sdelay $0x4  }
0x259: {  	vm9 =	vgt.f32 v15, v63;
	_ =	sdelay $0x5  }
0x25a: {  	[tilespmem:v16+s2+$0x0] =	vst.idx.msk vm9, v15  }
0x25b: {  	v20 =	vld.idx.msk [tilespmem:v16+s2+$0x0], $0xffff;
	_ =	sdelay $0x4  }
0x25c: {  	vm10 =	vgt.f32 v15, v20;
	_ =	sdelay $0x5  }
0x25d: {  	[tilespmem:v16+s2+$0x0] =	vst.idx.msk vm10, v15  }
0x25e: {  	v21 =	vld.idx.msk [tilespmem:v16+s2+$0x0], $0xffff;
	_ =	sdelay $0x4  }
0x25f: {  	vm11 =	vgt.f32 v15, v21;
	_ =	sdelay $0x5  }
0x260: {  	[tilespmem:v16+s2+$0x0] =	vst.idx.msk vm11, v15  }
0x261: {  	v22 =	vld.idx.msk [tilespmem:v16+s2+$0x0], $0xffff;
	_ =	sdelay $0x4  }
0x262: {  	vm12 =	vgt.f32 v15, v22;
	_ =	sdelay $0x5  }
0x263: {  	[tilespmem:v16+s2+$0x0] =	vst.idx.msk vm12, v15  }
0x264: {  	v23 =	vld.idx.msk [tilespmem:v16+s2+$0x0], $0xffff;
	_ =	sdelay $0x4  }
0x265: {  	vm13 =	vgt.f32 v15, v23;
	_ =	sdelay $0x5  }
0x266: {  	[tilespmem:v16+s2+$0x0] =	vst.idx.msk vm13, v15  }
0x267: {  	v24 =	vld.idx.msk [tilespmem:v16+s2+$0x0], $0xffff;
	_ =	sdelay $0x4  }
0x268: {  	vm14 =	vgt.f32 v15, v24;
	_ =	sdelay $0x5  }
0x269: {  	[tilespmem:v16+s2+$0x0] =	vst.idx.msk vm14, v15  }
0x26a: {  	v25 =	vld.idx.msk [tilespmem:v16+s2+$0x0], $0xffff;
	_ =	sdelay $0x4  }
0x26b: {  	vm15 =	vgt.f32 v15, v25;
	_ =	sdelay $0x5  }
0x26c: {  	[tilespmem:v16+s2+$0x0] =	vst.idx.msk vm15, v15  }
0x26d: {  	v15 =	vld.idx.msk [tilespmem:v14+s2+$0x0], $0xffff;
	_ =	sdelay $0x4  }
0x26e: {  	vm4 =	vgt.f32 v13, v15;
	_ =	sdelay $0x5  }
0x26f: {  	[tilespmem:v14+s2+$0x0] =	vst.idx.msk vm4, v13  }
0x270: {  	v26 =	vld.idx.msk [tilespmem:v14+s2+$0x0], $0xffff;
	_ =	sdelay $0x4  }
0x271: {  	vm5 =	vgt.f32 v13, v26;
	_ =	sdelay $0x5  }
0x272: {  	[tilespmem:v14+s2+$0x0] =	vst.idx.msk vm5, v13  }
0x273: {  	v27 =	vld.idx.msk [tilespmem:v14+s2+$0x0], $0xffff;
	_ =	sdelay $0x4  }
0x274: {  	vm6 =	vgt.f32 v13, v27;
	_ =	sdelay $0x5  }
0x275: {  	[tilespmem:v14+s2+$0x0] =	vst.idx.msk vm6, v13  }
0x276: {  	v28 =	vld.idx.msk [tilespmem:v14+s2+$0x0], $0xffff;
	_ =	sdelay $0x4  }
0x277: {  	vm7 =	vgt.f32 v13, v28;
	_ =	sdelay $0x5  }
0x278: {  	[tilespmem:v14+s2+$0x0] =	vst.idx.msk vm7, v13  }
0x279: {  	v29 =	vld.idx.msk [tilespmem:v14+s2+$0x0], $0xffff;
	_ =	sdelay $0x4  }
0x27a: {  	vm8 =	vgt.f32 v13, v29;
	_ =	sdelay $0x5  }
0x27b: {  	[tilespmem:v14+s2+$0x0] =	vst.idx.msk vm8, v13  }
0x27c: {  	v30 =	vld.idx.msk [tilespmem:v14+s2+$0x0], $0xffff;
	_ =	sdelay $0x4  }
0x27d: {  	vm9 =	vgt.f32 v13, v30;
	_ =	sdelay $0x5  }
0x27e: {  	[tilespmem:v14+s2+$0x0] =	vst.idx.msk vm9, v13  }
0x27f: {  	v31 =	vld.idx.msk [tilespmem:v14+s2+$0x0], $0xffff;
	_ =	sdelay $0x4  }
0x280: {  	vm10 =	vgt.f32 v13, v31;
	_ =	sdelay $0x5  }
0x281: {  	[tilespmem:v14+s2+$0x0] =	vst.idx.msk vm10, v13  }
0x282: {  	v32 =	vld.idx.msk [tilespmem:v14+s2+$0x0], $0xffff;
	_ =	sdelay $0x4  }
0x283: {  	vm11 =	vgt.f32 v13, v32;
	_ =	sdelay $0x5  }
0x284: {  	[tilespmem:v14+s2+$0x0] =	vst.idx.msk vm11, v13  }
0x285: {  	v33 =	vld.idx.msk [tilespmem:v14+s2+$0x0], $0xffff;
	_ =	sdelay $0x4  }
0x286: {  	vm12 =	vgt.f32 v13, v33;
	_ =	sdelay $0x5  }
0x287: {  	[tilespmem:v14+s2+$0x0] =	vst.idx.msk vm12, v13  }
0x288: {  	v34 =	vld.idx.msk [tilespmem:v14+s2+$0x0], $0xffff;
	_ =	sdelay $0x4  }
0x289: {  	vm13 =	vgt.f32 v13, v34;
	_ =	sdelay $0x5  }
0x28a: {  	[tilespmem:v14+s2+$0x0] =	vst.idx.msk vm13, v13  }
0x28b: {  	v35 =	vld.idx.msk [tilespmem:v14+s2+$0x0], $0xffff;
	_ =	sdelay $0x4  }
0x28c: {  	vm14 =	vgt.f32 v13, v35;
	_ =	sdelay $0x5  }
0x28d: {  	[tilespmem:v14+s2+$0x0] =	vst.idx.msk vm14, v13  }
0x28e: {  	v36 =	vld.idx.msk [tilespmem:v14+s2+$0x0], $0xffff;
	_ =	sdelay $0x4  }
0x28f: {  	vm15 =	vgt.f32 v13, v36;
	_ =	sdelay $0x5  }
0x290: {  	[tilespmem:v14+s2+$0x0] =	vst.idx.msk vm15, v13  }
0x291: {  	v37 =	vld.idx.msk [tilespmem:v14+s2+$0x0], $0xffff;
	_ =	sdelay $0x4  }
0x292: {  	vm4 =	vgt.f32 v13, v37;
	_ =	sdelay $0x5  }
0x293: {  	[tilespmem:v14+s2+$0x0] =	vst.idx.msk vm4, v13  }
0x294: {  	v38 =	vld.idx.msk [tilespmem:v14+s2+$0x0], $0xffff;
	_ =	sdelay $0x4  }
0x295: {  	vm5 =	vgt.f32 v13, v38;
	_ =	sdelay $0x5  }
0x296: {  	[tilespmem:v14+s2+$0x0] =	vst.idx.msk vm5, v13  }
0x297: {  	v39 =	vld.idx.msk [tilespmem:v14+s2+$0x0], $0xffff;
	_ =	sdelay $0x4  }
0x298: {  	vm6 =	vgt.f32 v13, v39;
	_ =	sdelay $0x5  }
0x299: {  	[tilespmem:v14+s2+$0x0] =	vst.idx.msk vm6, v13  }
0x29a: {  	v40 =	vld.idx.msk [tilespmem:v14+s2+$0x0], $0xffff;
	_ =	sdelay $0x4  }
0x29b: {  	vm7 =	vgt.f32 v13, v40;
	_ =	sdelay $0x5  }
0x29c: {  	[tilespmem:v14+s2+$0x0] =	vst.idx.msk vm7, v13  }
0x29d: {  	v13 =	vld.idx.msk [tilespmem:v12+s2+$0x0], $0xffff;
	_ =	sdelay $0x4  }
0x29e: {  	vm8 =	vgt.f32 v11, v13;
	_ =	sdelay $0x5  }
0x29f: {  	[tilespmem:v12+s2+$0x0] =	vst.idx.msk vm8, v11  }
0x2a0: {  	v41 =	vld.idx.msk [tilespmem:v12+s2+$0x0], $0xffff;
	_ =	sdelay $0x4  }
0x2a1: {  	vm9 =	vgt.f32 v11, v41;
	_ =	sdelay $0x5  }
0x2a2: {  	[tilespmem:v12+s2+$0x0] =	vst.idx.msk vm9, v11  }
0x2a3: {  	v42 =	vld.idx.msk [tilespmem:v12+s2+$0x0], $0xffff;
	_ =	sdelay $0x4  }
0x2a4: {  	vm10 =	vgt.f32 v11, v42;
	_ =	sdelay $0x5  }
0x2a5: {  	[tilespmem:v12+s2+$0x0] =	vst.idx.msk vm10, v11  }
0x2a6: {  	v43 =	vld.idx.msk [tilespmem:v12+s2+$0x0], $0xffff;
	_ =	sdelay $0x4  }
0x2a7: {  	vm11 =	vgt.f32 v11, v43;
	_ =	sdelay $0x5  }
0x2a8: {  	[tilespmem:v12+s2+$0x0] =	vst.idx.msk vm11, v11  }
0x2a9: {  	v44 =	vld.idx.msk [tilespmem:v12+s2+$0x0], $0xffff;
	_ =	sdelay $0x4  }
0x2aa: {  	vm12 =	vgt.f32 v11, v44;
	_ =	sdelay $0x5  }
0x2ab: {  	[tilespmem:v12+s2+$0x0] =	vst.idx.msk vm12, v11  }
0x2ac: {  	v45 =	vld.idx.msk [tilespmem:v12+s2+$0x0], $0xffff;
	_ =	sdelay $0x4  }
0x2ad: {  	vm13 =	vgt.f32 v11, v45;
	_ =	sdelay $0x5  }
0x2ae: {  	[tilespmem:v12+s2+$0x0] =	vst.idx.msk vm13, v11  }
0x2af: {  	v46 =	vld.idx.msk [tilespmem:v12+s2+$0x0], $0xffff;
	_ =	sdelay $0x4  }
0x2b0: {  	vm14 =	vgt.f32 v11, v46;
	_ =	sdelay $0x5  }
0x2b1: {  	[tilespmem:v12+s2+$0x0] =	vst.idx.msk vm14, v11  }
0x2b2: {  	v47 =	vld.idx.msk [tilespmem:v12+s2+$0x0], $0xffff;
	_ =	sdelay $0x4  }
0x2b3: {  	vm15 =	vgt.f32 v11, v47;
	_ =	sdelay $0x5  }
0x2b4: {  	[tilespmem:v12+s2+$0x0] =	vst.idx.msk vm15, v11  }
0x2b5: {  	v48 =	vld.idx.msk [tilespmem:v12+s2+$0x0], $0xffff;
	_ =	sdelay $0x4  }
0x2b6: {  	vm4 =	vgt.f32 v11, v48;
	_ =	sdelay $0x5  }
0x2b7: {  	[tilespmem:v12+s2+$0x0] =	vst.idx.msk vm4, v11  }
0x2b8: {  	v49 =	vld.idx.msk [tilespmem:v12+s2+$0x0], $0xffff;
	_ =	sdelay $0x4  }
0x2b9: {  	vm5 =	vgt.f32 v11, v49;
	_ =	sdelay $0x5  }
0x2ba: {  	[tilespmem:v12+s2+$0x0] =	vst.idx.msk vm5, v11  }
0x2bb: {  	v50 =	vld.idx.msk [tilespmem:v12+s2+$0x0], $0xffff;
	_ =	sdelay $0x4  }
0x2bc: {  	vm6 =	vgt.f32 v11, v50;
	_ =	sdelay $0x5  }
0x2bd: {  	[tilespmem:v12+s2+$0x0] =	vst.idx.msk vm6, v11  }
0x2be: {  	v51 =	vld.idx.msk [tilespmem:v12+s2+$0x0], $0xffff;
	_ =	sdelay $0x4  }
0x2bf: {  	vm7 =	vgt.f32 v11, v51;
	_ =	sdelay $0x5  }
0x2c0: {  	[tilespmem:v12+s2+$0x0] =	vst.idx.msk vm7, v11  }
0x2c1: {  	v52 =	vld.idx.msk [tilespmem:v12+s2+$0x0], $0xffff;
	_ =	sdelay $0x4  }
0x2c2: {  	vm8 =	vgt.f32 v11, v52;
	_ =	sdelay $0x5  }
0x2c3: {  	[tilespmem:v12+s2+$0x0] =	vst.idx.msk vm8, v11  }
0x2c4: {  	v53 =	vld.idx.msk [tilespmem:v12+s2+$0x0], $0xffff;
	_ =	sdelay $0x4  }
0x2c5: {  	vm9 =	vgt.f32 v11, v53;
	_ =	sdelay $0x5  }
0x2c6: {  	[tilespmem:v12+s2+$0x0] =	vst.idx.msk vm9, v11  }
0x2c7: {  	v54 =	vld.idx.msk [tilespmem:v12+s2+$0x0], $0xffff;
	_ =	sdelay $0x4  }
0x2c8: {  	vm10 =	vgt.f32 v11, v54;
	_ =	sdelay $0x5  }
0x2c9: {  	[tilespmem:v12+s2+$0x0] =	vst.idx.msk vm10, v11  }
0x2ca: {  	v55 =	vld.idx.msk [tilespmem:v12+s2+$0x0], $0xffff;
	_ =	sdelay $0x4  }
0x2cb: {  	vm11 =	vgt.f32 v11, v55;
	_ =	sdelay $0x5  }
0x2cc: {  	[tilespmem:v12+s2+$0x0] =	vst.idx.msk vm11, v11  }
0x2cd: {  	v11 =	vld.idx.msk [tilespmem:v10+s2+$0x0], $0xffff;
	_ =	sdelay $0x4  }
0x2ce: {  	vm12 =	vgt.f32 v9, v11;
	_ =	sdelay $0x5  }
0x2cf: {  	[tilespmem:v10+s2+$0x0] =	vst.idx.msk vm12, v9  }
0x2d0: {  	v56 =	vld.idx.msk [tilespmem:v10+s2+$0x0], $0xffff;
	_ =	sdelay $0x4  }
0x2d1: {  	vm13 =	vgt.f32 v9, v56;
	_ =	sdelay $0x5  }
0x2d2: {  	[tilespmem:v10+s2+$0x0] =	vst.idx.msk vm13, v9  }
0x2d3: {  	v57 =	vld.idx.msk [tilespmem:v10+s2+$0x0], $0xffff;
	_ =	sdelay $0x4  }
0x2d4: {  	vm14 =	vgt.f32 v9, v57;
	_ =	sdelay $0x5  }
0x2d5: {  	[tilespmem:v10+s2+$0x0] =	vst.idx.msk vm14, v9  }
0x2d6: {  	v58 =	vld.idx.msk [tilespmem:v10+s2+$0x0], $0xffff;
	_ =	sdelay $0x4  }
0x2d7: {  	vm15 =	vgt.f32 v9, v58;
	_ =	sdelay $0x5  }
0x2d8: {  	[tilespmem:v10+s2+$0x0] =	vst.idx.msk vm15, v9  }
0x2d9: {  	v59 =	vld.idx.msk [tilespmem:v10+s2+$0x0], $0xffff;
	_ =	sdelay $0x4  }
0x2da: {  	vm4 =	vgt.f32 v9, v59;
	_ =	sdelay $0x5  }
0x2db: {  	[tilespmem:v10+s2+$0x0] =	vst.idx.msk vm4, v9  }
0x2dc: {  	v60 =	vld.idx.msk [tilespmem:v10+s2+$0x0], $0xffff;
	_ =	sdelay $0x4  }
0x2dd: {  	vm5 =	vgt.f32 v9, v60;
	_ =	sdelay $0x5  }
0x2de: {  	[tilespmem:v10+s2+$0x0] =	vst.idx.msk vm5, v9  }
0x2df: {  	v61 =	vld.idx.msk [tilespmem:v10+s2+$0x0], $0xffff;
	_ =	sdelay $0x4  }
0x2e0: {  	vm6 =	vgt.f32 v9, v61;
	_ =	sdelay $0x5  }
0x2e1: {  	[tilespmem:v10+s2+$0x0] =	vst.idx.msk vm6, v9  }
0x2e2: {  	v62 =	vld.idx.msk [tilespmem:v10+s2+$0x0], $0xffff;
	_ =	sdelay $0x4  }
0x2e3: {  	vm7 =	vgt.f32 v9, v62;
	_ =	sdelay $0x5  }
0x2e4: {  	[tilespmem:v10+s2+$0x0] =	vst.idx.msk vm7, v9  }
0x2e5: {  	v63 =	vld.idx.msk [tilespmem:v10+s2+$0x0], $0xffff;
	_ =	sdelay $0x4  }
0x2e6: {  	vm8 =	vgt.f32 v9, v63;
	_ =	sdelay $0x5  }
0x2e7: {  	[tilespmem:v10+s2+$0x0] =	vst.idx.msk vm8, v9  }
0x2e8: {  	v12 =	vld.idx.msk [tilespmem:v10+s2+$0x0], $0xffff;
	_ =	sdelay $0x4  }
0x2e9: {  	vm9 =	vgt.f32 v9, v12;
	_ =	sdelay $0x5  }
0x2ea: {  	[tilespmem:v10+s2+$0x0] =	vst.idx.msk vm9, v9  }
0x2eb: {  	v13 =	vld.idx.msk [tilespmem:v10+s2+$0x0], $0xffff;
	_ =	sdelay $0x4  }
0x2ec: {  	vm10 =	vgt.f32 v9, v13;
	_ =	sdelay $0x5  }
0x2ed: {  	[tilespmem:v10+s2+$0x0] =	vst.idx.msk vm10, v9  }
0x2ee: {  	v14 =	vld.idx.msk [tilespmem:v10+s2+$0x0], $0xffff;
	_ =	sdelay $0x4  }
0x2ef: {  	vm11 =	vgt.f32 v9, v14;
	_ =	sdelay $0x5  }
0x2f0: {  	[tilespmem:v10+s2+$0x0] =	vst.idx.msk vm11, v9  }
0x2f1: {  	v15 =	vld.idx.msk [tilespmem:v10+s2+$0x0], $0xffff;
	_ =	sdelay $0x4  }
0x2f2: {  	vm12 =	vgt.f32 v9, v15;
	_ =	sdelay $0x5  }
0x2f3: {  	[tilespmem:v10+s2+$0x0] =	vst.idx.msk vm12, v9  }
0x2f4: {  	v16 =	vld.idx.msk [tilespmem:v10+s2+$0x0], $0xffff;
	_ =	sdelay $0x4  }
0x2f5: {  	vm13 =	vgt.f32 v9, v16;
	_ =	sdelay $0x5  }
0x2f6: {  	[tilespmem:v10+s2+$0x0] =	vst.idx.msk vm13, v9  }
0x2f7: {  	v17 =	vld.idx.msk [tilespmem:v10+s2+$0x0], $0xffff;
	_ =	sdelay $0x4  }
0x2f8: {  	vm14 =	vgt.f32 v9, v17;
	_ =	sdelay $0x5  }
0x2f9: {  	[tilespmem:v10+s2+$0x0] =	vst.idx.msk vm14, v9  }
0x2fa: {  	v18 =	vld.idx.msk [tilespmem:v10+s2+$0x0], $0xffff;
	_ =	sdelay $0x4  }
0x2fb: {  	vm15 =	vgt.f32 v9, v18;
	_ =	sdelay $0x5  }
0x2fc: {  	[tilespmem:v10+s2+$0x0] =	vst.idx.msk vm15, v9  }
0x2fd: {  	v9 =	vld.idx.msk [tilespmem:v8+s2+$0x0], $0xffff;
	_ =	sdelay $0x4  }
0x2fe: {  	vm4 =	vgt.f32 v7, v9;
	_ =	sdelay $0x5  }
0x2ff: {  	[tilespmem:v8+s2+$0x0] =	vst.idx.msk vm4, v7  }
0x300: {  	v19 =	vld.idx.msk [tilespmem:v8+s2+$0x0], $0xffff;
	_ =	sdelay $0x4  }
0x301: {  	vm5 =	vgt.f32 v7, v19;
	_ =	sdelay $0x5  }
0x302: {  	[tilespmem:v8+s2+$0x0] =	vst.idx.msk vm5, v7  }
0x303: {  	v20 =	vld.idx.msk [tilespmem:v8+s2+$0x0], $0xffff;
	_ =	sdelay $0x4  }
0x304: {  	vm6 =	vgt.f32 v7, v20;
	_ =	sdelay $0x5  }
0x305: {  	[tilespmem:v8+s2+$0x0] =	vst.idx.msk vm6, v7  }
0x306: {  	v21 =	vld.idx.msk [tilespmem:v8+s2+$0x0], $0xffff;
	_ =	sdelay $0x4  }
0x307: {  	vm7 =	vgt.f32 v7, v21;
	_ =	sdelay $0x5  }
0x308: {  	[tilespmem:v8+s2+$0x0] =	vst.idx.msk vm7, v7  }
0x309: {  	v22 =	vld.idx.msk [tilespmem:v8+s2+$0x0], $0xffff;
	_ =	sdelay $0x4  }
0x30a: {  	vm8 =	vgt.f32 v7, v22;
	_ =	sdelay $0x5  }
0x30b: {  	[tilespmem:v8+s2+$0x0] =	vst.idx.msk vm8, v7  }
0x30c: {  	v23 =	vld.idx.msk [tilespmem:v8+s2+$0x0], $0xffff;
	_ =	sdelay $0x4  }
0x30d: {  	vm9 =	vgt.f32 v7, v23;
	_ =	sdelay $0x5  }
0x30e: {  	[tilespmem:v8+s2+$0x0] =	vst.idx.msk vm9, v7  }
0x30f: {  	v24 =	vld.idx.msk [tilespmem:v8+s2+$0x0], $0xffff;
	_ =	sdelay $0x4  }
0x310: {  	vm10 =	vgt.f32 v7, v24;
	_ =	sdelay $0x5  }
0x311: {  	[tilespmem:v8+s2+$0x0] =	vst.idx.msk vm10, v7  }
0x312: {  	v25 =	vld.idx.msk [tilespmem:v8+s2+$0x0], $0xffff;
	_ =	sdelay $0x4  }
0x313: {  	vm11 =	vgt.f32 v7, v25;
	_ =	sdelay $0x5  }
0x314: {  	[tilespmem:v8+s2+$0x0] =	vst.idx.msk vm11, v7  }
0x315: {  	v26 =	vld.idx.msk [tilespmem:v8+s2+$0x0], $0xffff;
	_ =	sdelay $0x4  }
0x316: {  	vm12 =	vgt.f32 v7, v26;
	_ =	sdelay $0x5  }
0x317: {  	[tilespmem:v8+s2+$0x0] =	vst.idx.msk vm12, v7  }
0x318: {  	v27 =	vld.idx.msk [tilespmem:v8+s2+$0x0], $0xffff;
	_ =	sdelay $0x4  }
0x319: {  	vm13 =	vgt.f32 v7, v27;
	_ =	sdelay $0x5  }
0x31a: {  	[tilespmem:v8+s2+$0x0] =	vst.idx.msk vm13, v7  }
0x31b: {  	v28 =	vld.idx.msk [tilespmem:v8+s2+$0x0], $0xffff;
	_ =	sdelay $0x4  }
0x31c: {  	vm14 =	vgt.f32 v7, v28;
	_ =	sdelay $0x5  }
0x31d: {  	[tilespmem:v8+s2+$0x0] =	vst.idx.msk vm14, v7  }
0x31e: {  	v29 =	vld.idx.msk [tilespmem:v8+s2+$0x0], $0xffff;
	_ =	sdelay $0x4  }
0x31f: {  	vm15 =	vgt.f32 v7, v29;
	_ =	sdelay $0x5  }
0x320: {  	[tilespmem:v8+s2+$0x0] =	vst.idx.msk vm15, v7  }
0x321: {  	v30 =	vld.idx.msk [tilespmem:v8+s2+$0x0], $0xffff;
	_ =	sdelay $0x4  }
0x322: {  	vm4 =	vgt.f32 v7, v30;
	_ =	sdelay $0x5  }
0x323: {  	[tilespmem:v8+s2+$0x0] =	vst.idx.msk vm4, v7  }
0x324: {  	v31 =	vld.idx.msk [tilespmem:v8+s2+$0x0], $0xffff;
	_ =	sdelay $0x4  }
0x325: {  	vm5 =	vgt.f32 v7, v31;
	_ =	sdelay $0x5  }
0x326: {  	[tilespmem:v8+s2+$0x0] =	vst.idx.msk vm5, v7  }
0x327: {  	v32 =	vld.idx.msk [tilespmem:v8+s2+$0x0], $0xffff;
	_ =	sdelay $0x4  }
0x328: {  	vm6 =	vgt.f32 v7, v32;
	_ =	sdelay $0x5  }
0x329: {  	[tilespmem:v8+s2+$0x0] =	vst.idx.msk vm6, v7  }
0x32a: {  	v33 =	vld.idx.msk [tilespmem:v8+s2+$0x0], $0xffff;
	_ =	sdelay $0x4  }
0x32b: {  	vm7 =	vgt.f32 v7, v33;
	_ =	sdelay $0x5  }
0x32c: {  	[tilespmem:v8+s2+$0x0] =	vst.idx.msk vm7, v7  }
0x32d: {  	v7 =	vld.idx.msk [tilespmem:v6+s2+$0x0], $0xffff;
	_ =	sdelay $0x4  }
0x32e: {  	vm8 =	vgt.f32 v5, v7;
	_ =	sdelay $0x5  }
0x32f: {  	[tilespmem:v6+s2+$0x0] =	vst.idx.msk vm8, v5  }
0x330: {  	v34 =	vld.idx.msk [tilespmem:v6+s2+$0x0], $0xffff;
	_ =	sdelay $0x4  }
0x331: {  	vm9 =	vgt.f32 v5, v34;
	_ =	sdelay $0x5  }
0x332: {  	[tilespmem:v6+s2+$0x0] =	vst.idx.msk vm9, v5  }
0x333: {  	v35 =	vld.idx.msk [tilespmem:v6+s2+$0x0], $0xffff;
	_ =	sdelay $0x4  }
0x334: {  	vm10 =	vgt.f32 v5, v35;
	_ =	sdelay $0x5  }
0x335: {  	[tilespmem:v6+s2+$0x0] =	vst.idx.msk vm10, v5  }
0x336: {  	v36 =	vld.idx.msk [tilespmem:v6+s2+$0x0], $0xffff;
	_ =	sdelay $0x4  }
0x337: {  	vm11 =	vgt.f32 v5, v36;
	_ =	sdelay $0x5  }
0x338: {  	[tilespmem:v6+s2+$0x0] =	vst.idx.msk vm11, v5  }
0x339: {  	v37 =	vld.idx.msk [tilespmem:v6+s2+$0x0], $0xffff;
	_ =	sdelay $0x4  }
0x33a: {  	vm12 =	vgt.f32 v5, v37;
	_ =	sdelay $0x5  }
0x33b: {  	[tilespmem:v6+s2+$0x0] =	vst.idx.msk vm12, v5  }
0x33c: {  	v38 =	vld.idx.msk [tilespmem:v6+s2+$0x0], $0xffff;
	_ =	sdelay $0x4  }
0x33d: {  	vm13 =	vgt.f32 v5, v38;
	_ =	sdelay $0x5  }
0x33e: {  	[tilespmem:v6+s2+$0x0] =	vst.idx.msk vm13, v5  }
0x33f: {  	v39 =	vld.idx.msk [tilespmem:v6+s2+$0x0], $0xffff;
	_ =	sdelay $0x4  }
0x340: {  	vm14 =	vgt.f32 v5, v39;
	_ =	sdelay $0x5  }
0x341: {  	[tilespmem:v6+s2+$0x0] =	vst.idx.msk vm14, v5  }
0x342: {  	v40 =	vld.idx.msk [tilespmem:v6+s2+$0x0], $0xffff;
	_ =	sdelay $0x4  }
0x343: {  	vm15 =	vgt.f32 v5, v40;
	_ =	sdelay $0x5  }
0x344: {  	[tilespmem:v6+s2+$0x0] =	vst.idx.msk vm15, v5  }
0x345: {  	v41 =	vld.idx.msk [tilespmem:v6+s2+$0x0], $0xffff;
	_ =	sdelay $0x4  }
0x346: {  	vm4 =	vgt.f32 v5, v41;
	_ =	sdelay $0x5  }
0x347: {  	[tilespmem:v6+s2+$0x0] =	vst.idx.msk vm4, v5  }
0x348: {  	v42 =	vld.idx.msk [tilespmem:v6+s2+$0x0], $0xffff;
	_ =	sdelay $0x4  }
0x349: {  	vm5 =	vgt.f32 v5, v42;
	_ =	sdelay $0x5  }
0x34a: {  	[tilespmem:v6+s2+$0x0] =	vst.idx.msk vm5, v5  }
0x34b: {  	v43 =	vld.idx.msk [tilespmem:v6+s2+$0x0], $0xffff;
	_ =	sdelay $0x4  }
0x34c: {  	vm6 =	vgt.f32 v5, v43;
	_ =	sdelay $0x5  }
0x34d: {  	[tilespmem:v6+s2+$0x0] =	vst.idx.msk vm6, v5  }
0x34e: {  	v44 =	vld.idx.msk [tilespmem:v6+s2+$0x0], $0xffff;
	_ =	sdelay $0x4  }
0x34f: {  	vm7 =	vgt.f32 v5, v44;
	_ =	sdelay $0x5  }
0x350: {  	[tilespmem:v6+s2+$0x0] =	vst.idx.msk vm7, v5  }
0x351: {  	v45 =	vld.idx.msk [tilespmem:v6+s2+$0x0], $0xffff;
	_ =	sdelay $0x4  }
0x352: {  	vm8 =	vgt.f32 v5, v45;
	_ =	sdelay $0x5  }
0x353: {  	[tilespmem:v6+s2+$0x0] =	vst.idx.msk vm8, v5  }
0x354: {  	v46 =	vld.idx.msk [tilespmem:v6+s2+$0x0], $0xffff;
	_ =	sdelay $0x4  }
0x355: {  	vm9 =	vgt.f32 v5, v46;
	_ =	sdelay $0x5  }
0x356: {  	[tilespmem:v6+s2+$0x0] =	vst.idx.msk vm9, v5  }
0x357: {  	v47 =	vld.idx.msk [tilespmem:v6+s2+$0x0], $0xffff;
	_ =	sdelay $0x4  }
0x358: {  	vm10 =	vgt.f32 v5, v47;
	_ =	sdelay $0x5  }
0x359: {  	[tilespmem:v6+s2+$0x0] =	vst.idx.msk vm10, v5  }
0x35a: {  	v48 =	vld.idx.msk [tilespmem:v6+s2+$0x0], $0xffff;
	_ =	sdelay $0x4  }
0x35b: {  	vm11 =	vgt.f32 v5, v48;
	_ =	sdelay $0x5  }
0x35c: {  	[tilespmem:v6+s2+$0x0] =	vst.idx.msk vm11, v5  }
0x35d: {  	v5 =	vld.idx.msk [tilespmem:v4+s2+$0x0], $0xffff;
	_ =	sdelay $0x4  }
0x35e: {  	vm12 =	vgt.f32 v3, v5;
	_ =	sdelay $0x5  }
0x35f: {  	[tilespmem:v4+s2+$0x0] =	vst.idx.msk vm12, v3  }
0x360: {  	v49 =	vld.idx.msk [tilespmem:v4+s2+$0x0], $0xffff;
	_ =	sdelay $0x4  }
0x361: {  	vm13 =	vgt.f32 v3, v49;
	_ =	sdelay $0x5  }
0x362: {  	[tilespmem:v4+s2+$0x0] =	vst.idx.msk vm13, v3  }
0x363: {  	v50 =	vld.idx.msk [tilespmem:v4+s2+$0x0], $0xffff;
	_ =	sdelay $0x4  }
0x364: {  	vm14 =	vgt.f32 v3, v50;
	_ =	sdelay $0x5  }
0x365: {  	[tilespmem:v4+s2+$0x0] =	vst.idx.msk vm14, v3  }
0x366: {  	v51 =	vld.idx.msk [tilespmem:v4+s2+$0x0], $0xffff;
	_ =	sdelay $0x4  }
0x367: {  	vm15 =	vgt.f32 v3, v51;
	_ =	sdelay $0x5  }
0x368: {  	[tilespmem:v4+s2+$0x0] =	vst.idx.msk vm15, v3  }
0x369: {  	v52 =	vld.idx.msk [tilespmem:v4+s2+$0x0], $0xffff;
	_ =	sdelay $0x4  }
0x36a: {  	vm4 =	vgt.f32 v3, v52;
	_ =	sdelay $0x5  }
0x36b: {  	[tilespmem:v4+s2+$0x0] =	vst.idx.msk vm4, v3  }
0x36c: {  	v53 =	vld.idx.msk [tilespmem:v4+s2+$0x0], $0xffff;
	_ =	sdelay $0x4  }
0x36d: {  	vm5 =	vgt.f32 v3, v53;
	_ =	sdelay $0x5  }
0x36e: {  	[tilespmem:v4+s2+$0x0] =	vst.idx.msk vm5, v3  }
0x36f: {  	v54 =	vld.idx.msk [tilespmem:v4+s2+$0x0], $0xffff;
	_ =	sdelay $0x4  }
0x370: {  	vm6 =	vgt.f32 v3, v54;
	_ =	sdelay $0x5  }
0x371: {  	[tilespmem:v4+s2+$0x0] =	vst.idx.msk vm6, v3  }
0x372: {  	v55 =	vld.idx.msk [tilespmem:v4+s2+$0x0], $0xffff;
	_ =	sdelay $0x4  }
0x373: {  	vm7 =	vgt.f32 v3, v55;
	_ =	sdelay $0x5  }
0x374: {  	[tilespmem:v4+s2+$0x0] =	vst.idx.msk vm7, v3  }
0x375: {  	v56 =	vld.idx.msk [tilespmem:v4+s2+$0x0], $0xffff;
	_ =	sdelay $0x4  }
0x376: {  	vm8 =	vgt.f32 v3, v56;
	_ =	sdelay $0x5  }
0x377: {  	[tilespmem:v4+s2+$0x0] =	vst.idx.msk vm8, v3  }
0x378: {  	v57 =	vld.idx.msk [tilespmem:v4+s2+$0x0], $0xffff;
	_ =	sdelay $0x4  }
0x379: {  	vm9 =	vgt.f32 v3, v57;
	_ =	sdelay $0x5  }
0x37a: {  	[tilespmem:v4+s2+$0x0] =	vst.idx.msk vm9, v3  }
0x37b: {  	v58 =	vld.idx.msk [tilespmem:v4+s2+$0x0], $0xffff;
	_ =	sdelay $0x4  }
0x37c: {  	vm10 =	vgt.f32 v3, v58;
	_ =	sdelay $0x5  }
0x37d: {  	[tilespmem:v4+s2+$0x0] =	vst.idx.msk vm10, v3  }
0x37e: {  	v59 =	vld.idx.msk [tilespmem:v4+s2+$0x0], $0xffff;
	_ =	sdelay $0x4  }
0x37f: {  	vm11 =	vgt.f32 v3, v59;
	_ =	sdelay $0x5  }
0x380: {  	[tilespmem:v4+s2+$0x0] =	vst.idx.msk vm11, v3  }
0x381: {  	v60 =	vld.idx.msk [tilespmem:v4+s2+$0x0], $0xffff;
	_ =	sdelay $0x4  }
0x382: {  	vm12 =	vgt.f32 v3, v60;
	_ =	sdelay $0x5  }
0x383: {  	[tilespmem:v4+s2+$0x0] =	vst.idx.msk vm12, v3  }
0x384: {  	v61 =	vld.idx.msk [tilespmem:v4+s2+$0x0], $0xffff;
	_ =	sdelay $0x4  }
0x385: {  	vm13 =	vgt.f32 v3, v61;
	_ =	sdelay $0x5  }
0x386: {  	[tilespmem:v4+s2+$0x0] =	vst.idx.msk vm13, v3  }
0x387: {  	v62 =	vld.idx.msk [tilespmem:v4+s2+$0x0], $0xffff;
	_ =	sdelay $0x4  }
0x388: {  	vm14 =	vgt.f32 v3, v62;
	_ =	sdelay $0x5  }
0x389: {  	[tilespmem:v4+s2+$0x0] =	vst.idx.msk vm14, v3  }
0x38a: {  	v63 =	vld.idx.msk [tilespmem:v4+s2+$0x0], $0xffff;
	_ =	sdelay $0x4  }
0x38b: {  	vm15 =	vgt.f32 v3, v63;
	_ =	sdelay $0x1  }
.Ltmp12:
0x38c: {  	_ = 	snop;
	(pc) =	sbr.rel .LBB2_11-.Ltmp12, $2  }
0x38d: {  	_ =	sdelay $0x2  }
0x38e: {  	[tilespmem:v4+s2+$0x0] =	vst.idx.msk vm15, v3  }
.LBB2_14:
0x38f: {  	_ =	sfence.sel $0x180000  }
0x390: {  	[bflag:$0x0] =	sbarrier.arrive $0xFFFF  }
0x391: {  	p0 =	sne.s32 s0, $0x0;
	_ =	strace $0x90000059  }
0x392: {  	s0 =	sadd.s32 @!p0 $0x100000, s1;
	[bflag:$0x2] =	sbarrier.arrive $0xFFFF  }
0x393: {  	[sflag:s0] =	ssyncadd.tile.s32 @!p0 $0x1;
	_ =	shalt  }
.Lfunc_end2:
_tile_overlayer_lowered:
.L_overlay_start_2:
0x394: {  	(tag) =	ssettag $0x2  }
0x395: {  	s0 =	rddreg [dreg:$0x0];
	s2 =	stileid.u32  }
0x396: {  	s1 =	rddreg [dreg:$0x1];
	p0 =	sne.s32 s2, $0x0  }
0x397: {  	s3 =	rddreg [dreg:$0x2];
	[bflag:$0x3] =	sbarrier.arrive $0xFFFF;
	s2 =	simm.s32 @!p0 $0x1C03  }
0x398: {  	[timem:s3], [sflag:s2] =	dma.local @!p0 [hbm:s0], s1  }
0x399: {  	s0 =	simm.s32 @!p0 $0x3  }
0x39a: {  	_ =	swait.ge @!p0 [sflag:s0], s1  }
0x39b: {  	s1 =	ssub.s32 @!p0 $0x0, s1;
	[sflag:s0] =	ssyncset.done @!p0 $0x0  }
0x39c: {  	[sflag:s0] =	ssyncadd.s32 @!p0 s1  }
0x39d: {  	[bflag:$0x3] =	sbarrier.arrive $0xFFFF  }
0x39e: {  	_ =	shalt  }

// kernel: kernel.8.cloned.1.call-start
scs
__scs_entry_jumppad:
0x0: {  	(pc) =	sbr.rel $0x88, $3  }
0x1: {  	(tag) =	ssettag $0x0;
	lr =	simm.s32 $0x1  }
0x2: {  	[smem:$0x3F92] =	sst lr;
	_ =	strace $0xD0000000  }
0x3: {  	_ = 	snop  }
0x4: {  	_ = 	snop  }
0x5: {  	_ = 	snop  }
0x6: {  	_ = 	snop  }
0x7: {  	_ = 	snop  }
__scs_overlays_trampoline_lowered:
0x8: {  	[smem:$0x3FA1] =	sst s0  }
0x9: {  	[smem:$0x3FA2] =	sst s1  }
0xa: {  	[smem:$0x3FA3] =	sst s2  }
0xb: {  	[smem:$0x3FA4] =	sst s3  }
0xc: {  	[smem:$0x3FA5] =	sst s4  }
0xd: {  	[smem:$0x3FA6] =	sst s5  }
0xe: {  	[smem:$0x3FA7] =	sst s6  }
0xf: {  	[smem:$0x3FA8] =	sst s7  }
0x10: {  	[smem:$0x3FA9] =	sst s8  }
0x11: {  	[smem:$0x3FAA] =	sst s9;
	s0 =	simm.s32 @!p0 $0x0  }
0x12: {  	s1 =	sld [smem:$0x3F90];
	s0 =	simm.s32 @p0 $0x1  }
0x13: {  	[smem:$0x3FAB] =	sst s0;
	s0 =	simm.s32 @!p1 $0x0  }
0x14: {  	s2 =	sld [smem:$0x3F8F];
	s0 =	simm.s32 @p1 $0x1  }
0x15: {  	[smem:$0x3FAC] =	sst s0;
	s0 =	simm.s32 @!p2 $0x0  }
0x16: {  	s3 =	sld [smem:$0x3FDB];
	s0 =	simm.s32 @p2 $0x1  }
0x17: {  	s4 =	simm.s32 $0x1BF5;
	[smem:$0x3FAE] =	sst s0  }
0x18: {  	s0 =	sld [smem:$0x3F91];
	_ =	swait.ge [sflag:s4], $0x0  }
0x19: {  	s7 =	sld [smem:$0x3F92]  }
0x1a: {  	s8 =	sadd.s32 $0xFFFFE003, lr  }
0x1b: {  	s9 =	sadd.s32 $0xFFFFFEF7, lr;
	s5 =	simm.s32 $0xFFFFFFFF;
	p2 =	slt.u32 s8, $0xFFFFF086  }
0x1c: {  	p1 =	slt.u32 s9, $0xF7A;
	s5 =	simm.s32 @!p2 $0x0  }
0x1d: {  	s5 =	simm.s32 @p1 $0x1;
	p0 =	seq.s32 s7, s2  }
0x1e: {  	s7 =	smul.u32 @!p0 $0xF7A, s2;
	p2 =	seq.s32 @!p0 s5, $0x0  }
0x1f: {  	s9 =	smul.u32 $0xF7A, s1;
	s8 =	simm.s32 @!p0 $0x1BF5;
	p2 =	por !p2, p0  }
0x20: {  	[sflag:s8] =	ssyncset.s32 @!p0 $0xFFFFF086;
	s6 =	sadd.s32 @!p0 s3, s7;
	s7 =	simm.s32 @!p0 $0x108  }
0x21: {  	s3 =	sadd.s32 s3, s9;
	s6 =	sadd.s32 @!p0 $0x88, s6;
	s7 =	simm.s32 @p2 $0x1082  }
0x22: {  	[simem:s7], [sflag:s8] =	dma.local @!p0 [hbm:s6], $0xF7A  }
0x23: {  	s9 =	sor.u32 $0xD0000000, s2;
	s6 =	simm.s32 $0x108;
	_ =	swait.ge @!p0 [sflag:s8], $0x0  }
0x24: {  	s3 =	sadd.s32 $0x88, s3;
	s6 =	simm.s32 @!p1 $0x1082;
	[sflag:s4] =	ssyncset.s32 $0xFFFFF086  }
0x25: {  	[simem:s6], [sflag:s4] =	dma.local [hbm:s3], $0xF7A  }
0x26: {  	[smem:$0x3F92] =	sst s1;
	(tag) =	ssettag s2;
	_ =	strace s9  }
0x27: {  	s1 =	sld [smem:$0x3FA2]  }
0x28: {  	s2 =	sld [smem:$0x3FA3]  }
0x29: {  	s4 =	sld [smem:$0x3FA5]  }
0x2a: {  	p0 =	seq.s32 s5, $0x0;
	s5 =	sld [smem:$0x3FA6]  }
0x2b: {  	s6 =	sld [smem:$0x3FA7]  }
0x2c: {  	s7 =	sld [smem:$0x3FA8]  }
0x2d: {  	s3 =	simm.s32 $0x108;
	s8 =	sld [smem:$0x3FA9]  }
0x2e: {  	s3 =	simm.s32 @!p0 $0x1082;
	s9 =	sld [smem:$0x3FAA]  }
0x2f: {  	lr =	sadd.s32 s0, s3;
	s0 =	sld [smem:$0x3FA1]  }
0x30: {  	s3 =	sld [smem:$0x3FA4]  }
0x31: {  	[smem:$0x3FAD] =	sst s10  }
0x32: {  	s10 =	sld [smem:$0x3FAB];
	_ =	sdelay $0x3  }
0x33: {  	p0 =	seq.s32 s10, $0x1;
	s10 =	sld [smem:$0x3FAD];
	_ =	sdelay $0x3  }
0x34: {  	[smem:$0x3FAD] =	sst s10  }
0x35: {  	s10 =	sld [smem:$0x3FAC];
	_ =	sdelay $0x3  }
0x36: {  	p1 =	seq.s32 s10, $0x1;
	s10 =	sld [smem:$0x3FAD];
	_ =	sdelay $0x3  }
0x37: {  	[smem:$0x3FAD] =	sst s10  }
0x38: {  	s10 =	sld [smem:$0x3FAE]  }
0x39: {  	_ = 	snop;
	(pc) =	sbr.ind lr, $3  }
0x3a: {  	_ = 	snop  }
0x3b: {  	_ = 	snop  }
0x3c: {  	p2 =	seq.s32 s10, $0x1;
	s10 =	sld [smem:$0x3FAD]  }
0x3d: {  	_ =	shalt  }
0x3e: {  	_ =	shalt  }
0x3f: {  	_ =	shalt  }
0x40: {  	_ =	shalt  }
0x41: {  	_ =	shalt  }
0x42: {  	_ =	shalt  }
0x43: {  	_ =	shalt  }
0x44: {  	_ =	shalt  }
0x45: {  	_ =	shalt  }
0x46: {  	_ =	shalt  }
0x47: {  	_ =	shalt  }
0x48: {  	_ =	shalt  }
0x49: {  	_ =	shalt  }
0x4a: {  	_ =	shalt  }
0x4b: {  	_ =	shalt  }
0x4c: {  	_ =	shalt  }
0x4d: {  	_ =	shalt  }
0x4e: {  	_ =	shalt  }
0x4f: {  	_ =	shalt  }
0x50: {  	_ =	shalt  }
0x51: {  	_ =	shalt  }
0x52: {  	_ =	shalt  }
0x53: {  	_ =	shalt  }
0x54: {  	_ =	shalt  }
0x55: {  	_ =	shalt  }
0x56: {  	_ =	shalt  }
0x57: {  	_ =	shalt  }
0x58: {  	_ =	shalt  }
0x59: {  	_ =	shalt  }
0x5a: {  	_ =	shalt  }
0x5b: {  	_ =	shalt  }
0x5c: {  	_ =	shalt  }
0x5d: {  	_ =	shalt  }
0x5e: {  	_ =	shalt  }
0x5f: {  	_ =	shalt  }
0x60: {  	_ =	shalt  }
0x61: {  	_ =	shalt  }
0x62: {  	_ =	shalt  }
0x63: {  	_ =	shalt  }
0x64: {  	_ =	shalt  }
0x65: {  	_ =	shalt  }
0x66: {  	_ =	shalt  }
0x67: {  	_ =	shalt  }
0x68: {  	_ =	shalt  }
0x69: {  	_ =	shalt  }
0x6a: {  	_ =	shalt  }
0x6b: {  	_ =	shalt  }
0x6c: {  	_ =	shalt  }
0x6d: {  	_ =	shalt  }
0x6e: {  	_ =	shalt  }
0x6f: {  	_ =	shalt  }
0x70: {  	_ =	shalt  }
0x71: {  	_ =	shalt  }
0x72: {  	_ =	shalt  }
0x73: {  	_ =	shalt  }
0x74: {  	_ =	shalt  }
0x75: {  	_ =	shalt  }
0x76: {  	_ =	shalt  }
0x77: {  	_ =	shalt  }
0x78: {  	_ =	shalt  }
0x79: {  	_ =	shalt  }
0x7a: {  	_ =	shalt  }
0x7b: {  	_ =	shalt  }
0x7c: {  	_ =	shalt  }
0x7d: {  	_ =	shalt  }
0x7e: {  	_ =	shalt  }
0x7f: {  	_ =	shalt  }
0x80: {  	_ =	shalt  }
0x81: {  	_ =	shalt  }
0x82: {  	_ =	shalt  }
0x83: {  	_ =	shalt  }
0x84: {  	_ =	shalt  }
0x85: {  	_ =	shalt  }
0x86: {  	_ =	shalt  }
0x87: {  	_ =	shalt  }
.Lfunc_end0:
.L_simem_size_0:
called_computation_lowered:
.L_overlay_start_0:
0x88: {  	s2 =	sld [smem:$0x3FD9]  }
0x89: {  	s3 =	sld [smem:$0x3FFE];
	_ =	sdelay $0x1  }
0x8a: {  	s1 =	srdreg.scid  }
0x8b: {  	s0 =	sand.u32 $0x1, s1  }
0x8c: {  	s14 =	sshll.u32 s0, $0xA;
	s2 =	sadd.s32 s3, s2  }
0x8d: {  	s2 =	sadd.s32 s2, s14  }
0x8e: {  	[smem:$0x3FB9] =	sst s2  }
0x8f: {  	_ = 	snop  }
0x90: {  	s2 =	sld [smem:$0x3FD0];
	_ =	sdelay $0x2  }
0x91: {  	s15 =	simm.s32 $0xA;
	s4 =	simm.s32 $0x10  }
0x92: {  	[smem:s4], [sflag:s15] =	dma.local [hbm:s2], $0x1  }
0x93: {  	_ =	swait.eq [sflag:s15], $0x1  }
0x94: {  	[sflag:s15] =	ssyncset.done $0x0  }
0x95: {  	s16 =	sld [smem:$0x10];
	[sflag:s15] =	ssyncadd.s32 $0xFFFFFFFF  }
0x96: {  	s17 =	sld [smem:$0x11];
	(tm) =	ssettm $0x1  }
0x97: {  	s18 =	sld [smem:$0x3FFB];
	_ =	sdelay $0x3  }
0x98: {  	_ =	strace s18  }
0x99: {  	s4 =	sld [smem:$0x3FFC];
	_ =	sdelay $0x3  }
0x9a: {  	_ =	strace s4  }
0x9b: {  	s4 =	sld [smem:$0x3FFD];
	_ =	sdelay $0x3  }
0x9c: {  	_ =	strace s4  }
0x9d: {  	_ =	strace $0x8FFFFFFF  }
0x9e: {  	s19 =	sld [smem:$0x3FDB];
	_ =	sdelay $0x1  }
0x9f: {  	s5 =	simm.s32 $_scs_section_size  }
0xa0: {  	s6 =	simm.s32 $_size__tile_overlayer_lowered;
	s7 =	simm.s32 $_tile_overlayer_lowered  }
0xa1: {  	s22 =	simm.s32 $0x1BFF;
	s21 =	sshll.u32 s7, $0x1;
	s4 =	sadd.s32 s5, s19  }
0xa2: {  	s8 =	simm.s32 $0x0;
	s20 =	sshll.u32 s6, $0x1;
	s6 =	sadd.s32 s21, s4  }
0xa3: {  	[timem:s8], [sflag:s22] =	dma.local [hbm:s6], s20  }
0xa4: {  	_ =	swait.ge [sflag:s22], s20  }
0xa5: {  	s5 =	ssub.s32 $0x0, s20;
	[sflag:s22] =	ssyncset.done $0x0  }
0xa6: {  	[sflag:s22] =	ssyncadd.s32 s5;
	_ =	sdelay $0x1  }
0xa7: {  	s23 =	simm.s32 $0x1B8B  }
0xa8: {  	_ =	swait.ge [sflag:s23], $0x1  }
0xa9: {  	[sflag:s23] =	ssyncset.done $0x0  }
0xaa: {  	s25 =	simm.s32 $0x1B8E;
	s24 =	sld [smem:$0x3FFE];
	[sflag:s23] =	ssyncadd.s32 $0xFFFFFFFF  }
0xab: {  	s26 =	simm.s32 $execute0_lowered;
	[smem:$0x3FD2] =	sst s25  }
0xac: {  	s6 =	sshll.u32 s26, $0x1;
	_ =	strace $0x80000046;
	[dreg:$0x1] =	wrdreg $0xFFFFFFFF  }
0xad: {  	s28 =	simm.s32 $_size_execute0_lowered;
	s4 =	sadd.s32 s4, s6;
	[dreg:$0x0] =	wrdreg $0x0  }
0xae: {  	s6 =	sshll.u32 s28, $0x1;
	[dreg:$0x2] =	wrdreg s4  }
0xaf: {  	[dreg:$0x3] =	wrdreg s6  }
0xb0: {  	[dreg:$0x4] =	wrdreg $0xC0  }
0xb1: {  	_ =	task [dreg:s8], $0x5FFFF  }
0xb2: {  	[dreg:$0x1] =	wrdreg $0xFFFFFFFF  }
0xb3: {  	[dreg:$0x0] =	wrdreg $0x60  }
0xb4: {  	[dreg:$0x2] =	wrdreg s16  }
0xb5: {  	[dreg:$0x3] =	wrdreg s24  }
0xb6: {  	[dreg:$0x4] =	wrdreg s17  }
0xb7: {  	[dreg:$0x5] =	wrdreg $0x0  }
0xb8: {  	[dreg:$0x6] =	wrdreg $0x9  }
0xb9: {  	_ =	task.clear_ibuf [dreg:s8], $0x7FFFF;
	_ =	strace $0x90000046  }
0xba: {  	s29 =	simm.s32 $0x9;
	_ =	strace $0x80000057  }
0xbb: {  	_ =	swait.ge [sflag:s29], $0x1  }
0xbc: {  	[sflag:s29] =	ssyncadd.s32 $0xFFFFFFFF  }
0xbd: {  	_ =	strace $0x90000057  }
0xbe: {  	_ =	sfence  }
0xbf: {  	s30 =	sld [smem:$0x0];
	_ =	sdelay $0x2  }
0xc0: {  	s31 =	sshll.u32 s1, $0xD;
	s1 =	sshrl.u32 s1, $0x2  }
0xc1: {  	s3 =	sand.u32 $0x4000, s31;
	s1 =	sadd.s32 s1, s30  }
0xc2: {  	s0 =	sor.u32 s3, s0;
	s1 =	sshll.u32 s1, $0x11  }
0xc3: {  	s0 =	sor.u32 s1, s0  }
0xc4: {  	s0 =	sadd.s32 $0x8F2B, s0  }
0xc5: {  	[sflag:s0] =	ssyncadd.remote.s32 $0x1  }
0xc6: {  	_ =	sfence.sel $0xFFFF  }
0xc7: {  	[dreg:$0x0] =	wrdreg $0xFFFFFFFF;
	(pc) =	sbr.abs _section_cstart, $3  }
0xc8: {  	[dreg:$0x1] =	wrdreg $0xFFFFFFFF  }
0xc9: {  	_ =	task.clear_ibuf [dreg:s8], $0x2FFFF;
	_ =	strace $0x9FFFFFFF  }
0xca: {  	(tm) =	ssettm $0x7FFFFFFF  }
0xcb: {  	_ =	shalt  }
tec
execute0_lowered:
.L_overlay_start_1:
0x0: {  	(tag) =	ssettag $0x1  }
0x1: {  	s1 =	rddreg [dreg:$0x0]  }
0x2: {  	s0 =	rddreg [dreg:$0x1]  }
0x3: {  	s3 =	rddreg [dreg:$0x3]  }
0x4: {  	s2 =	stileid.u32;
	s4 =	simm.s32 $0x0;
	s6 =	srdreg.scid  }
0x5: {  	s5 =	smul.u32 $0x2700, s2;
	[smem:$0x7FF] =	sst s4;
	s8 =	sand.u32 $0x1, s6  }
0x6: {  	s6 =	sadd.s32 $0xD400, s0;
	s11 =	smul.u32 $0x4E000, s2;
	s22 =	sadd.s32 $0x5BA00, s0  }
0x7: {  	s23 =	sadd.s32 $0x53DA00, s0;
	s24 =	sshll.u32 s2, $0x6;
	_ =	strace $0x80000047  }
0x8: {  	s9 =	sshll.u32 s8, $0x4;
	s10 =	ssub.s32 $0x2, s8;
	[dreg:$0x5] =	wrdreg s22  }
0x9: {  	[dreg:$0x6] =	wrdreg s23;
	s25 =	sor.u32 $0x1C01, s24;
	s7 =	sadd.s32 s5, s0  }
0xa: {  	s5 =	sadd.s32 $0x20E00, s0;
	s9 =	sor.u32 s2, s9;
	s12 =	sshrl.u32 s10, $0x1  }
0xb: {  	s11 =	sshrl.u32 s11, $0x2;
	[dreg:$0x8] =	wrdreg s25;
	s13 =	smul.u32 $0x9C, s9  }
0xc: {  	s0 =	sadd.s32 $0x5B800, s0;
	s10 =	ssub.s32 s10, s12;
	s12 =	smul.u32 $0x9D, s9  }
0xd: {  	p0 =	slt.u32 s9, $0x8;
	s7 =	sadd.s32 $0x34800, s7;
	[dreg:$0x9] =	wrdreg s0  }
0xe: {  	s11 =	sadd.s32 s11, s3;
	[dreg:$0x7] =	wrdreg s7;
	s30 =	smax.u32 s10, $0x1  }
0xf: {  	s31 =	sshrl.u32 s11, $0x3;
	s9 =	sadd.s32 $0x8, s13;
	s13 =	sadd.s32 $0x138000, s3  }
0x10: {  	[dreg:$0xc] =	wrdreg s30;
	s9 =	smov.u32 @p0 s12;
	s12 =	simm.s32 $0x9D  }
0x11: {  	s26 =	sshll.u32 s9, $0x4;
	s12 =	simm.s32 @!p0 $0x9C;
	p0 =	sne.s32 s2, $0x0  }
0x12: {  	[dreg:$0xd] =	wrdreg s31;
	s7 =	sand.u32 $0x1FFFFFF0, s26;
	s0 =	sshrl.u32 @!p0 s13, $0x3  }
0x13: {  	s23 =	simm.s32 $0x40;
	s28 =	sadd.s32 s5, s7;
	[dreg:$0xe] =	wrdreg s0  }
0x14: {  	s24 =	simm.s32 $0xB;
	s29 =	sadd.s32 s6, s7;
	[dreg:$0xa] =	wrdreg s28  }
0x15: {  	s2 =	simm.s32 $0x0;
	s16 =	sadd.s32 $0xFFFFFFFF, s12;
	[dreg:$0xb] =	wrdreg s29  }
.LBB2_1:
0x16: {  	[dreg:$0xf] =	wrdreg s2  }
0x17: {  	s0 =	rddreg [dreg:$0x7]  }
0x18: {  	s2 =	rddreg [dreg:$0x8]  }
0x19: {  	s7 =	rddreg [dreg:$0xd];
	s20 =	simm.s32 $0x1  }
0x1a: {  	[spmem:s7], [sflag:s2] =	dma.local [hbm:s0], $0x2700  }
0x1b: {  	_ =	swait.ge [sflag:s20], $0x2700  }
0x1c: {  	[sflag:s20] =	ssyncset.done $0x0;
	s0 =	rddreg [dreg:$0x9]  }
0x1d: {  	s7 =	rddreg [dreg:$0xe];
	[sflag:s20] =	ssyncadd.s32 $0xFFFFD900  }
0x1e: {  	[spmem:s7], [sflag:s2] =	dma.local @!p0 [hbm:s0], $0x100  }
0x1f: {  	s0 =	simm.s32 @!p0 $0x1  }
0x20: {  	_ =	swait.ge @!p0 [sflag:s0], $0x100  }
0x21: {  	s22 =	simm.s32 $0x13880;
	s26 =	simm.s32 $0x13980;
	[sflag:s0] =	ssyncset.done @!p0 $0x0  }
0x22: {  	s14 =	simm.s32 $0x0;
	s28 =	simm.s32 $0x0;
	[sflag:s0] =	ssyncadd.s32 @!p0 $0xFFFFFF00  }
0x23: {  	s10 =	simm.s32 $0x0;
	s29 =	simm.s32 $0x0;
	[bflag:$0x0] =	sbarrier.arrive $0xFFFF  }
0x24: {  	s13 =	simm.s32 $0x0;
	s30 =	simm.s32 $0x0;
	_ =	strace $0x80000048  }
0x25: {  	s31 =	simm.s32 $0x0;
	s15 =	simm.s32 $0x1;
	s21 =	rddreg [dreg:$0xa]  }
0x26: {  	[tilespmem:s22], [sflag:$0x1] =	stream.linear.gather [hbm4b:s21+s4], $0x80, $0x200038;
	[tilespmem:$0x1FA80] =	vst v63  }
0x27: {  	s0 =	simm.s32 $0x1;
	s25 =	rddreg [dreg:$0xb];
	s21 =	simm.s32 $0x0  }
0x28: {  	[tilespmem:s26], [sflag:$0x3] =	stream.linear.gather [hbm4b:s25+s4], $0x80, $0x200038;
	[tilespmem:$0x1FA80] =	vst v63  }
0x29: {  	s22 =	simm.s32 $0x0;
	s26 =	simm.s32 $0x0;
	_ =	strace $0x90000048  }
.LBB2_2:
0x2a: {  	s17 =	sadd.s32 $0x1, s14  }
0x2b: {  	p1 =	seq.s32 s17, s12  }
0x2c: {  	s17 =	simm.s32 @p1 $0x0;
	p1 =	sge.u32 s22, s16  }
0x2d: {  	p2 =	seq.s32 @!p1 s14, s17  }
0x2e: {  	p3 =	por p2, p1  }
0x2f: {  	s2 =	sadd.s32 @!p3 s9, s17  }
0x30: {  	s7 =	sand.u32 @!p3 $0x1, s15;
	_ =	strace @!p3 $0x80000049;
	s2 =	sshll.u32 @!p3 s2, $0x4  }
0x31: {  	s19 =	simm.s32 @!p3 $0x0;
	s11 =	sshll.u32 @!p3 s7, $0x7;
	s2 =	sand.u32 @!p3 $0x1FFFFFF0, s2  }
0x32: {  	s7 =	sadd.s32 @!p3 $0x1, s7;
	s11 =	sadd.s32 @!p3 $0x13880, s11;
	s18 =	sadd.s32 @!p3 s5, s2  }
0x33: {  	[tilespmem:s11], [sflag:s7] =	stream.linear.gather @!p3 [hbm4b:s18+s19], $0x80, $0x200038;
	[tilespmem:$0x1FA80] =	vst v63  }
0x34: {  	s7 =	sand.u32 @!p3 $0x1, s0  }
0x35: {  	s2 =	sadd.s32 @!p3 s6, s2;
	_ =	strace @!p3 $0x90000049;
	s11 =	sshll.u32 @!p3 s7, $0x7  }
0x36: {  	s7 =	sadd.s32 @!p3 $0x3, s7;
	_ =	strace @!p3 $0x8000004A;
	s11 =	sadd.s32 @!p3 $0x13980, s11  }
0x37: {  	[tilespmem:s11], [sflag:s7] =	stream.linear.gather @!p3 [hbm4b:s2+s19], $0x80, $0x200038;
	[tilespmem:$0x1FA80] =	vst v63  }
0x38: {  	s8 =	sand.u32 $0x1, s21;
	_ =	strace @!p3 $0x9000004A  }
0x39: {  	s2 =	sadd.s32 $0x1, s8;
	_ =	strace $0x8000004B  }
0x3a: {  	_ =	swait.ge [sflag:s2], $0x80  }
0x3b: {  	[sflag:s2] =	ssyncset.done $0x0  }
0x3c: {  	[sflag:s2] =	ssyncadd.s32 $0xFFFFFF80  }
0x3d: {  	s11 =	sand.u32 $0x1, s31;
	_ =	strace $0x9000004B  }
0x3e: {  	s2 =	sadd.s32 $0x3, s11;
	_ =	strace $0x8000004C  }
0x3f: {  	_ =	swait.ge [sflag:s2], $0x80  }
0x40: {  	[sflag:s2] =	ssyncset.done $0x0  }
0x41: {  	s20 =	sand.u32 $0x1, s30;
	s18 =	sshll.u32 s21, $0x7;
	[sflag:s2] =	ssyncadd.s32 $0xFFFFFF80  }
0x42: {  	s19 =	sshll.u32 s20, $0xD;
	s2 =	sand.u32 $0x80, s18;
	_ =	strace $0x9000004C  }
0x43: {  	s11 =	sadd.s32 $0x13A80, s19;
	s2 =	sadd.s32 $0x13880, s2;
	_ =	strace $0x8000004D  }
0x44: {  	[tilespmem:s11], [sflag:$0xB] =	stream.indirect.gather [hbm4b:s1+s23], $0x80, s2, s23, $0x2000b8;
	[tilespmem:$0x1FA80] =	vst v63  }
0x45: {  	s19 =	sand.u32 $0x1, s29;
	_ =	swait.ge [sflag:s24], $0x2000  }
0x46: {  	s25 =	sshll.u32 s19, $0xD;
	[sflag:s24] =	ssyncset.done $0x0  }
0x47: {  	s25 =	sadd.s32 $0x17A80, s25;
	[sflag:s24] =	ssyncadd.s32 $0xFFFFE000  }
0x48: {  	[tilespmem:s25], [sflag:$0xB] =	stream.indirect.gather [spmem:s3], $0x80, s2, s23, $0x2000b8;
	[tilespmem:$0x1FA80] =	vst v63  }
0x49: {  	s8 =	sshll.u32 s31, $0x7;
	s2 =	sand.u32 $0x1, s28;
	_ =	swait.ge [sflag:s24], $0x2000  }
0x4a: {  	s8 =	sand.u32 $0x80, s8;
	s18 =	sshll.u32 s2, $0xD;
	[sflag:s24] =	ssyncset.done $0x0  }
0x4b: {  	s8 =	sadd.s32 $0x13980, s8;
	s7 =	sadd.s32 $0x1BA80, s18;
	[sflag:s24] =	ssyncadd.s32 $0xFFFFE000  }
0x4c: {  	[tilespmem:s7], [sflag:$0xB] =	stream.indirect.gather [spmem:s3], $0x80, s8, s23, $0x2000b8;
	[tilespmem:$0x1FA80] =	vst v63  }
0x4d: {  	p4 =	seq.s32 s16, s22;
	_ =	swait.ge [sflag:s24], $0x2000  }
0x4e: {  	p5 =	seq.s32 @!p4 s14, s17;
	[sflag:s24] =	ssyncset.done $0x0  }
0x4f: {  	p4 =	por p4, !p5;
	[sflag:s24] =	ssyncadd.s32 $0xFFFFE000  }
0x50: {  	s8 =	sadd.s32 @p4 s9, s14;
	_ =	strace $0x9000004D  }
0x51: {  	s18 =	simm.s32 $0x0;
	s8 =	sshll.u32 @p4 s8, $0xA;
	_ =	strace @p4 $0x8000004E  }
0x52: {  	s8 =	sand.u32 @p4 $0x1FFFFC00, s8;
	s18 =	rddreg @p4 [dreg:$0x2]  }
0x53: {  	s14 =	sadd.s32 @p4 $0x5, s20;
	s18 =	sadd.s32 @p4 s18, s8  }
0x54: {  	[hbm4b:s18+s4] =	stream.linear.scatter @p4 [tilespmem:s11], [sflag:s14], $0x2000, $0x200038;
	[tilespmem:$0x1FA80] =	vst v63  }
0x55: {  	_ =	strace @p4 $0x9000004E  }
0x56: {  	_ =	strace @p4 $0x8000004F  }
0x57: {  	s14 =	rddreg @p4 [dreg:$0x5]  }
0x58: {  	s11 =	sadd.s32 @p4 $0x7, s19;
	s14 =	sadd.s32 @p4 s14, s8  }
0x59: {  	[hbm4b:s14+s4] =	stream.linear.scatter @p4 [tilespmem:s25], [sflag:s11], $0x2000, $0x200038;
	[tilespmem:$0x1FA80] =	vst v63  }
0x5a: {  	_ =	strace @p4 $0x9000004F  }
0x5b: {  	_ =	strace @p4 $0x80000050  }
0x5c: {  	s30 =	sadd.s32 @p4 $0x1, s30;
	s11 =	rddreg @p4 [dreg:$0x6]  }
0x5d: {  	s29 =	sadd.s32 @p4 $0x1, s29;
	s2 =	sadd.s32 @p4 $0x9, s2;
	s8 =	sadd.s32 @p4 s11, s8  }
0x5e: {  	[hbm4b:s8+s4] =	stream.linear.scatter @p4 [tilespmem:s7], [sflag:s2], $0x2000, $0x200038;
	[tilespmem:$0x1FA80] =	vst v63  }
0x5f: {  	s18 =	simm.s32 @p4 $0x1;
	_ =	strace @p4 $0x90000050;
	p4 =	seq.s32 s22, $0x0  }
0x60: {  	s2 =	sand.u32 @!p4 $0x1, s13  }
0x61: {  	_ =	strace @!p4 $0x80000051;
	s2 =	sadd.s32 @!p4 $0x5, s2  }
0x62: {  	p2 =	por !p2, p1;
	_ =	swait.ge @!p4 [sflag:s2], $0x2000  }
0x63: {  	s28 =	sadd.s32 s28, s18;
	s21 =	sadd.s32 s21, s18;
	[sflag:s2] =	ssyncset.done @!p4 $0x0  }
0x64: {  	s31 =	sadd.s32 s31, s18;
	s14 =	smov.u32 s17;
	[sflag:s2] =	ssyncadd.s32 @!p4 $0xFFFFE000  }
0x65: {  	s11 =	simm.s32 $0x0;
	s2 =	sand.u32 @!p4 $0x1, s10;
	_ =	strace @!p4 $0x90000051  }
0x66: {  	s7 =	sadd.s32 @!p3 $0x1, s15;
	s2 =	sadd.s32 @!p4 $0x7, s2;
	_ =	strace @!p4 $0x80000052  }
0x67: {  	s8 =	smov.u32 s15;
	s11 =	simm.s32 @p2 $0x1;
	_ =	swait.ge @!p4 [sflag:s2], $0x2000  }
0x68: {  	s8 =	smov.u32 @p2 s7;
	s11 =	simm.s32 @p1 $0x0;
	[sflag:s2] =	ssyncset.done @!p4 $0x0  }
0x69: {  	s22 =	sadd.s32 $0x1, s22;
	s8 =	smov.u32 @p1 s15;
	[sflag:s2] =	ssyncadd.s32 @!p4 $0xFFFFE000  }
0x6a: {  	s0 =	sadd.s32 s0, s11;
	s2 =	sand.u32 @!p4 $0x1, s26;
	_ =	strace @!p4 $0x90000052  }
0x6b: {  	p1 =	sne.s32 s12, s22;
	s2 =	sadd.s32 @!p4 $0x9, s2;
	_ =	strace @!p4 $0x80000053  }
.Ltmp0:
0x6c: {  	s11 =	simm.s32 @!p4 $0x1;
	_ =	swait.ge @!p4 [sflag:s2], $0x2000;
	(pc) =	sbr.rel @p1 .LBB2_2-.Ltmp0, $4  }
0x6d: {  	s7 =	sadd.s32 @!p4 $0x1, s13;
	s11 =	simm.s32 @p4 $0x0;
	[sflag:s2] =	ssyncset.done @!p4 $0x0  }
0x6e: {  	s7 =	smov.u32 @p4 s13;
	[sflag:s2] =	ssyncadd.s32 @!p4 $0xFFFFE000;
	s2 =	sadd.s32 @!p4 $0x1, s10  }
0x6f: {  	s15 =	smov.u32 s8;
	s13 =	smov.u32 s7;
	s2 =	smov.u32 @p4 s10  }
0x70: {  	s26 =	sadd.s32 s26, s11;
	_ =	strace @!p4 $0x90000053;
	s10 =	smov.u32 s2  }
0x71: {  	s0 =	sand.u32 $0x1, s7  }
0x72: {  	_ =	strace $0x80000054;
	s0 =	sadd.s32 $0x5, s0  }
0x73: {  	_ =	swait.ge [sflag:s0], $0x2000  }
0x74: {  	[sflag:s0] =	ssyncset.done $0x0  }
0x75: {  	[sflag:s0] =	ssyncadd.s32 $0xFFFFE000  }
0x76: {  	s28 =	sand.u32 $0x1, s2;
	_ =	strace $0x90000054  }
0x77: {  	s0 =	sadd.s32 $0x7, s28;
	_ =	strace $0x80000055  }
0x78: {  	_ =	swait.ge [sflag:s0], $0x2000  }
0x79: {  	[sflag:s0] =	ssyncset.done $0x0  }
0x7a: {  	[sflag:s0] =	ssyncadd.s32 $0xFFFFE000  }
0x7b: {  	s29 =	sand.u32 $0x1, s26;
	_ =	strace $0x90000055  }
0x7c: {  	s0 =	sadd.s32 $0x9, s29;
	_ =	strace $0x80000056  }
0x7d: {  	_ =	swait.ge [sflag:s0], $0x2000  }
0x7e: {  	s30 =	rddreg [dreg:$0xf]  }
0x7f: {  	s31 =	rddreg [dreg:$0xc];
	s2 =	sadd.s32 $0x1, s30  }
0x80: {  	p1 =	sne.s32 s2, s31  }
.Ltmp1:
0x81: {  	_ = 	snop;
	(pc) =	sbr.rel @p1 .LBB2_1-.Ltmp1, $4  }
0x82: {  	_ = 	snop  }
0x83: {  	[sflag:s0] =	ssyncset.done $0x0  }
0x84: {  	[sflag:s0] =	ssyncadd.s32 $0xFFFFE000  }
0x85: {  	_ =	strace $0x90000056  }
0x86: {  	_ =	sfence.sel $0x180000  }
0x87: {  	[bflag:$0x0] =	sbarrier.arrive $0xFFFF  }
0x88: {  	_ =	strace $0x90000047  }
0x89: {  	[bflag:$0x2] =	sbarrier.arrive $0xFFFF  }
0x8a: {  	s0 =	rddreg [dreg:$0x4]  }
0x8b: {  	s0 =	sadd.s32 @!p0 $0x100000, s0  }
0x8c: {  	[sflag:s0] =	ssyncadd.tile.s32 @!p0 $0x1;
	_ =	shalt  }
.Lfunc_end2:
_tile_overlayer_lowered:
.L_overlay_start_2:
0x8d: {  	(tag) =	ssettag $0x2  }
0x8e: {  	s0 =	rddreg [dreg:$0x0];
	s2 =	stileid.u32  }
0x8f: {  	s1 =	rddreg [dreg:$0x1];
	p0 =	sne.s32 s2, $0x0  }
0x90: {  	s3 =	rddreg [dreg:$0x2];
	[bflag:$0x3] =	sbarrier.arrive $0xFFFF;
	s2 =	simm.s32 @!p0 $0x1C01  }
0x91: {  	[timem:s3], [sflag:s2] =	dma.local @!p0 [hbm:s0], s1  }
0x92: {  	s0 =	simm.s32 @!p0 $0x1  }
0x93: {  	_ =	swait.ge @!p0 [sflag:s0], s1  }
0x94: {  	s1 =	ssub.s32 @!p0 $0x0, s1;
	[sflag:s0] =	ssyncset.done @!p0 $0x0  }
0x95: {  	[sflag:s0] =	ssyncadd.s32 @!p0 s1  }
0x96: {  	[bflag:$0x3] =	sbarrier.arrive $0xFFFF  }
0x97: {  	_ =	shalt  }

</sc_bundles>
